<compile_context>
chip_gen: v7x
topology: tpu7x:2x2x1
jax: 0.10.2.dev20260603
libtpu: 0.0.44.dev20260713+nightly
codegen_flags: <defaults>
</compile_context>

<pallas_src>
import functools

import jax
import jax.numpy as jnp
from jax import lax
from jax.experimental import pallas as pl
from jax.experimental.pallas import tpu as pltpu
from jax.experimental.pallas import tpu_sc as plsc

N = 10000
E = 160000
D = 256
R = 16
B = 8

NC = 2
NS = 16

CHUNK = 128


def _make_w(coeff, basis2d):

    def body(c_ref, b_ref, w_ref):
        w_ref[...] = jnp.dot(c_ref[...], b_ref[...],
                             preferred_element_type=jnp.float32)

    return pl.pallas_call(
        body,
        out_shape=jax.ShapeDtypeStruct((R, D * D), jnp.float32),
    )(coeff, basis2d)


def _transform(h, w2):
    bn = 400
    nb = N // bn

    def body(h_ref, w_ref, o_ref):
        r = pl.program_id(1)
        w0 = pl.multiple_of(r * D, D)
        o_ref[0] = jnp.dot(h_ref[...], w_ref[pl.ds(w0, D), :],
                           preferred_element_type=jnp.float32)

    return pl.pallas_call(
        body,
        grid=(nb, R),
        in_specs=[
            pl.BlockSpec((bn, D), lambda n, r: (n, 0)),
            pl.BlockSpec((R * D, D), lambda n, r: (0, 0)),
        ],
        out_specs=pl.BlockSpec((1, bn, D), lambda n, r: (r, n, 0)),
        out_shape=jax.ShapeDtypeStruct((R, N, D), jnp.float32),
    )(h, w2)


def _finalize(agg, deg):
    bn = 2000

    def body(a_ref, d_ref, o_ref):
        norm = 1.0 / jnp.maximum(d_ref[...], 1.0)
        o_ref[...] = jnp.maximum(a_ref[...] * norm, 0.0)

    return pl.pallas_call(
        body,
        grid=(N // bn,),
        in_specs=[
            pl.BlockSpec((bn, D), lambda i: (i, 0)),
            pl.BlockSpec((bn, 1), lambda i: (i, 0)),
        ],
        out_specs=pl.BlockSpec((bn, D), lambda i: (i, 0)),
        out_shape=jax.ShapeDtypeStruct((N, D), jnp.float32),
    )(agg, deg)


def _sc_gather(t_flat, src, et):
    EW = E // (NC * NS)
    NF = EW // CHUNK
    TAIL = EW - NF * CHUNK
    mesh = plsc.VectorSubcoreMesh(core_axis_name="c", subcore_axis_name="s")

    @functools.partial(
        pl.kernel,
        out_type=jax.ShapeDtypeStruct((E, D), jnp.float32),
        mesh=mesh,
        scratch_types=[
            pltpu.VMEM((EW + 16,), jnp.int32),
            pltpu.VMEM((EW + 16,), jnp.int32),
            pltpu.VMEM((CHUNK,), jnp.int32),
            pltpu.VMEM((CHUNK, D), jnp.float32),
            pltpu.SemaphoreType.DMA,
        ],
        compiler_params=pltpu.CompilerParams(needs_layout_passes=False),
    )
    def k(t_hbm, src_hbm, et_hbm, msg_hbm, src_v, et_v, gidx_v, rows_v, sem):
        c = lax.axis_index("c")
        s = lax.axis_index("s")
        w = s * NC + c
        e0 = pl.multiple_of(w * EW, 8)

        pltpu.sync_copy(src_hbm.at[pl.ds(e0, EW)], src_v.at[pl.ds(0, EW)])
        pltpu.sync_copy(et_hbm.at[pl.ds(e0, EW)], et_v.at[pl.ds(0, EW)])

        def body(j, carry):
            jc = pl.multiple_of(j * CHUNK, CHUNK)
            for u in range(CHUNK // 16):
                uo = pl.multiple_of(jc + u * 16, 16)
                gidx_v[pl.ds(u * 16, 16)] = (et_v[pl.ds(uo, 16)] * N
                                             + src_v[pl.ds(uo, 16)])
            pltpu.async_copy(t_hbm.at[gidx_v], rows_v, sem).wait()
            o0 = pl.multiple_of(e0 + jc, 8)
            pltpu.sync_copy(rows_v, msg_hbm.at[pl.ds(o0, CHUNK)])
            return carry

        lax.fori_loop(0, NF, body, jnp.int32(0))

        lane = lax.iota(jnp.int32, 16)
        gi = et_v[pl.ds(NF * CHUNK, 16)] * N + src_v[pl.ds(NF * CHUNK, 16)]
        gidx_v[pl.ds(0, 16)] = jnp.where(lane < TAIL, gi, 0)
        pltpu.async_copy(t_hbm.at[gidx_v.at[pl.ds(0, TAIL)]],
                         rows_v.at[pl.ds(0, TAIL)], sem).wait()
        pltpu.sync_copy(rows_v.at[pl.ds(0, TAIL)],
                        msg_hbm.at[pl.ds(pl.multiple_of(e0 + NF * CHUNK, 8),
                                         TAIL)])

    return k(t_flat, src, et)


def kernel(p_feats, edge_index1, etype1, edge_index2, etype2,
           coeff1, basis1, coeff2, basis2):
    def layer(h, ei, et, coeff, basis):
        w = _make_w(coeff, basis.reshape(B, D * D))
        t = _transform(h, w.reshape(R * D, D))
        msg = _sc_gather(t.reshape(R * N, D), ei[0], et)
        agg = jnp.zeros((N, D), jnp.float32).at[ei[1]].add(msg)
        deg = jnp.zeros((N,), jnp.float32).at[ei[1]].add(1.0)
        return _finalize(agg, deg[:, None])

    h = layer(p_feats, edge_index1, etype1, coeff1, basis1)
    return layer(h, edge_index2, etype2, coeff2, basis2)

# --- scband reference (transcript-rebuilt; emitter-appended) ---
"""Pipeline reference for scband-link-predict-25228637896760 (READ-ONLY COPY).

The authoritative reference and input builder live on the scoring server;
editing this copy changes nothing except your own understanding.
"""

import jax, jax.numpy as jnp
import numpy as np

N = 10000
E = 160000
D = 256
R = 16
B = 8


def setup_inputs(seed: int = 0) -> dict:
    key = jax.random.key(seed)
    ks = jax.random.split(key, 10)
    p_feats = jax.random.normal(ks[0], (N, D), dtype=jnp.float32)
    edge_index1 = jax.random.randint(ks[1], (2, E), 0, N, dtype=jnp.int32)
    etype1 = jax.random.randint(ks[2], (E,), 0, R, dtype=jnp.int32)
    edge_index2 = jax.random.randint(ks[3], (2, E), 0, N, dtype=jnp.int32)
    etype2 = jax.random.randint(ks[4], (E,), 0, R, dtype=jnp.int32)
    # Basis-decomposition RGCN parameters for the two RelGraphConvLayers
    coeff1 = jax.random.normal(ks[5], (R, B), dtype=jnp.float32) * 0.1
    basis1 = jax.random.normal(ks[6], (B, D, D), dtype=jnp.float32) * (1.0 / np.sqrt(D))
    coeff2 = jax.random.normal(ks[7], (R, B), dtype=jnp.float32) * 0.1
    basis2 = jax.random.normal(ks[8], (B, D, D), dtype=jnp.float32) * (1.0 / np.sqrt(D))
    return {
        "p_feats": p_feats,
        "edge_index1": edge_index1,
        "etype1": etype1,
        "edge_index2": edge_index2,
        "etype2": etype2,
        "coeff1": coeff1,
        "basis1": basis1,
        "coeff2": coeff2,
        "basis2": basis2,
    }


def _rel_graph_conv_layer(h, src, dst, etype, coeff, basis):
    # basis decomposition: W_r = sum_b coeff[r, b] * basis[b]
    W = jnp.einsum("rb,bio->rio", coeff, basis)  # [R, D, D]
    # high-mem (non-low_mem) path: transform all nodes under every relation
    transformed = jnp.einsum("nd,rdo->rno", h, W)  # [R, N, D]
    msg = transformed[etype, src, :]  # [E, D] per-edge message h[src] @ W[etype]
    # 'right' normalization: 1 / in-degree of dst
    deg = jnp.zeros((h.shape[0],), jnp.float32).at[dst].add(1.0)
    norm = 1.0 / jnp.clip(deg, 1.0, None)
    agg = jnp.zeros((h.shape[0], W.shape[2]), jnp.float32).at[dst].add(
        msg * norm[dst][:, None]
    )
    # activation=F.relu, self_loop=False, dropout=0
    return jax.nn.relu(agg)


def reference(p_feats, edge_index1, etype1, edge_index2, etype2, coeff1, basis1, coeff2, basis2):
    # LinkPredict.forward with n_blocks=None: run p_feats through the stacked
    # RelGraphConvLayers over p_blocks and return node embeddings p_h.
    h = _rel_graph_conv_layer(
        p_feats, edge_index1[0], edge_index1[1], etype1, coeff1, basis1
    )
    h = _rel_graph_conv_layer(
        h, edge_index2[0], edge_index2[1], etype2, coeff2, basis2
    )
    return h

if __name__ == "__main__":
    import jax
    _d = setup_inputs()
    print(jax.jit(kernel)(*tuple(_d.values())))

</pallas_src>

<mosaic_0001>
#map = affine_map<(d0, d1) -> (0, 0)>
#map1 = affine_map<(d0, d1) -> (0)>
module attributes {stable_mosaic.version = 14 : i64} {
  func.func @k(%arg0: i32, %arg1: i32, %arg2: memref<160000x256xf32, #tpu.memory_space<hbm>>, %arg3: memref<160000xi32, #tpu.memory_space<hbm>>, %arg4: memref<160000xi32, #tpu.memory_space<hbm>>, %arg5: memref<160000x256xf32, #tpu.memory_space<hbm>>, %arg6: memref<5016xi32, #tpu.memory_space<vmem>>, %arg7: memref<5016xi32, #tpu.memory_space<vmem>>, %arg8: memref<128xi32, #tpu.memory_space<vmem>>, %arg9: memref<128x256xf32, #tpu.memory_space<vmem>>, %arg10: memref<!tpu.dma_semaphore, #tpu.memory_space<semaphore_mem>>) attributes {dimension_semantics = [#tpu.dimension_semantics<core_parallel>, #tpu.dimension_semantics<subcore_parallel>], iteration_bounds = array<i64: 2, 16>, scalar_prefetch = 0 : i64, scratch_operands = 5 : i64, tpu.core_type = #tpu.core_type<sc_vector_subcore>, window_params = [{transform_indices = #map}, {transform_indices = #map1}, {transform_indices = #map1}, {transform_indices = #map}]} {
    %mul3A = arith.constant 2 : i32
    %mul3A_0 = arith.muli %arg1, %mul3A : i32
    %add3A = arith.addi %mul3A_0, %arg0 : i32
    %mul3A_1 = arith.constant 5000 : i32
    %mul3A_2 = arith.muli %add3A, %mul3A_1 : i32
    %multiple_of3A = tpu.assume_multiple %mul3A_2, 8 : i32
    "tpu.region"() ({
      %run_scoped3A = tpu.sem_alloc : memref<!tpu.dma_semaphore, #tpu.memory_space<semaphore_mem>>
      %dma_start3A_35 = arith.constant 0 : i32
      %dma_start3A_36 = tpu.memref_slice %arg6[%dma_start3A_35] : memref<5016xi32, #tpu.memory_space<vmem>> -> memref<5000xi32, #tpu.memory_space<vmem>>
      %dma_start3A_37 = tpu.memref_slice %arg3[%multiple_of3A] : memref<160000xi32, #tpu.memory_space<hbm>> -> memref<5000xi32, #tpu.memory_space<hbm>>
      %dma_start3A_38 = arith.constant 0 : i32
      %dma_start3A_39 = tpu.memref_slice %arg6[%dma_start3A_38] : memref<5016xi32, #tpu.memory_space<vmem>> -> memref<5000xi32, #tpu.memory_space<vmem>>
      %dma_start3A_40 = tpu.memref_slice %arg3[%multiple_of3A] : memref<160000xi32, #tpu.memory_space<hbm>> -> memref<5000xi32, #tpu.memory_space<hbm>>
      tpu.enqueue_dma source(%dma_start3A_40 : memref<5000xi32, #tpu.memory_space<hbm>>) target(%dma_start3A_39 : memref<5000xi32, #tpu.memory_space<vmem>>) target_semaphore(%run_scoped3A : memref<!tpu.dma_semaphore, #tpu.memory_space<semaphore_mem>>)
      %dma_wait3A_41 = arith.constant 0 : i32
      %dma_wait3A_42 = tpu.memref_slice %arg6[%dma_wait3A_41] : memref<5016xi32, #tpu.memory_space<vmem>> -> memref<5000xi32, #tpu.memory_space<vmem>>
      %dma_wait3A_43 = tpu.memref_slice %arg3[%multiple_of3A] : memref<160000xi32, #tpu.memory_space<hbm>> -> memref<5000xi32, #tpu.memory_space<hbm>>
      %dma_wait3A_44 = arith.constant 0 : i32
      %dma_wait3A_45 = tpu.memref_slice %arg6[%dma_wait3A_44] : memref<5016xi32, #tpu.memory_space<vmem>> -> memref<5000xi32, #tpu.memory_space<vmem>>
      %dma_wait3A_46 = tpu.memref_slice %arg3[%multiple_of3A] : memref<160000xi32, #tpu.memory_space<hbm>> -> memref<5000xi32, #tpu.memory_space<hbm>>
      tpu.wait_dma2 semaphore(%run_scoped3A : memref<!tpu.dma_semaphore, #tpu.memory_space<semaphore_mem>>) src(%dma_wait3A_46 : memref<5000xi32, #tpu.memory_space<hbm>>) dst(%dma_wait3A_45 : memref<5000xi32, #tpu.memory_space<vmem>>)
      tpu.yield
    }) : () -> ()
    "tpu.region"() ({
      %run_scoped3A = tpu.sem_alloc : memref<!tpu.dma_semaphore, #tpu.memory_space<semaphore_mem>>
      %dma_start3A_35 = arith.constant 0 : i32
      %dma_start3A_36 = tpu.memref_slice %arg7[%dma_start3A_35] : memref<5016xi32, #tpu.memory_space<vmem>> -> memref<5000xi32, #tpu.memory_space<vmem>>
      %dma_start3A_37 = tpu.memref_slice %arg4[%multiple_of3A] : memref<160000xi32, #tpu.memory_space<hbm>> -> memref<5000xi32, #tpu.memory_space<hbm>>
      %dma_start3A_38 = arith.constant 0 : i32
      %dma_start3A_39 = tpu.memref_slice %arg7[%dma_start3A_38] : memref<5016xi32, #tpu.memory_space<vmem>> -> memref<5000xi32, #tpu.memory_space<vmem>>
      %dma_start3A_40 = tpu.memref_slice %arg4[%multiple_of3A] : memref<160000xi32, #tpu.memory_space<hbm>> -> memref<5000xi32, #tpu.memory_space<hbm>>
      tpu.enqueue_dma source(%dma_start3A_40 : memref<5000xi32, #tpu.memory_space<hbm>>) target(%dma_start3A_39 : memref<5000xi32, #tpu.memory_space<vmem>>) target_semaphore(%run_scoped3A : memref<!tpu.dma_semaphore, #tpu.memory_space<semaphore_mem>>)
      %dma_wait3A_41 = arith.constant 0 : i32
      %dma_wait3A_42 = tpu.memref_slice %arg7[%dma_wait3A_41] : memref<5016xi32, #tpu.memory_space<vmem>> -> memref<5000xi32, #tpu.memory_space<vmem>>
      %dma_wait3A_43 = tpu.memref_slice %arg4[%multiple_of3A] : memref<160000xi32, #tpu.memory_space<hbm>> -> memref<5000xi32, #tpu.memory_space<hbm>>
      %dma_wait3A_44 = arith.constant 0 : i32
      %dma_wait3A_45 = tpu.memref_slice %arg7[%dma_wait3A_44] : memref<5016xi32, #tpu.memory_space<vmem>> -> memref<5000xi32, #tpu.memory_space<vmem>>
      %dma_wait3A_46 = tpu.memref_slice %arg4[%multiple_of3A] : memref<160000xi32, #tpu.memory_space<hbm>> -> memref<5000xi32, #tpu.memory_space<hbm>>
      tpu.wait_dma2 semaphore(%run_scoped3A : memref<!tpu.dma_semaphore, #tpu.memory_space<semaphore_mem>>) src(%dma_wait3A_46 : memref<5000xi32, #tpu.memory_space<hbm>>) dst(%dma_wait3A_45 : memref<5000xi32, #tpu.memory_space<vmem>>)
      tpu.yield
    }) : () -> ()
    %scan3A = arith.constant 0 : i32
    %scan3A_3 = arith.constant 0 : i32
    %scan3A_4 = arith.constant 39 : i32
    %scan3A_5 = arith.addi %scan3A_3, %scan3A_4 : i32
    %scan3A_6 = arith.constant 1 : i32
    scf.for %scan3A_35 = %scan3A_3 to %scan3A_5 step %scan3A_6  : i32 {
      %mul3A_36 = arith.constant 128 : i32
      %mul3A_37 = arith.muli %scan3A_35, %mul3A_36 : i32
      %multiple_of3A_38 = tpu.assume_multiple %mul3A_37, 128 : i32
      %add3A_39 = arith.constant 0 : i32
      %add3A_40 = arith.addi %multiple_of3A_38, %add3A_39 : i32
      %multiple_of3A_41 = tpu.assume_multiple %add3A_40, 16 : i32
      %get3A_42 = arith.index_cast %multiple_of3A_41 : i32 to index
      %get3A_43 = tpu.vector_load %arg7[%get3A_42] {strides = array<i32>} : memref<5016xi32, #tpu.memory_space<vmem>>, vector<16xi32>,
      %mul3A_44 = arith.constant 10000 : i32
      %mul3A_45 = vector.broadcast %mul3A_44 : i32 to vector<16xi32>
      %mul3A_46 = arith.muli %get3A_43, %mul3A_45 : vector<16xi32>
      %get3A_47 = arith.index_cast %multiple_of3A_41 : i32 to index
      %get3A_48 = tpu.vector_load %arg6[%get3A_47] {strides = array<i32>} : memref<5016xi32, #tpu.memory_space<vmem>>, vector<16xi32>,
      %add3A_49 = arith.addi %mul3A_46, %get3A_48 : vector<16xi32>
      %swap3A_50 = arith.constant 0 : index
      %swap3A_51 = tpu.vector_load %arg8[%swap3A_50] {strides = array<i32>} : memref<128xi32, #tpu.memory_space<vmem>>, vector<16xi32>,
      tpu.vector_store %arg8[%swap3A_50], %add3A_49 {strides = array<i32>} : memref<128xi32, #tpu.memory_space<vmem>>, vector<16xi32>,
      %add3A_52 = arith.constant 16 : i32
      %add3A_53 = arith.addi %multiple_of3A_38, %add3A_52 : i32
      %multiple_of3A_54 = tpu.assume_multiple %add3A_53, 16 : i32
      %get3A_55 = arith.index_cast %multiple_of3A_54 : i32 to index
      %get3A_56 = tpu.vector_load %arg7[%get3A_55] {strides = array<i32>} : memref<5016xi32, #tpu.memory_space<vmem>>, vector<16xi32>,
      %mul3A_57 = arith.constant 10000 : i32
      %mul3A_58 = vector.broadcast %mul3A_57 : i32 to vector<16xi32>
      %mul3A_59 = arith.muli %get3A_56, %mul3A_58 : vector<16xi32>
      %get3A_60 = arith.index_cast %multiple_of3A_54 : i32 to index
      %get3A_61 = tpu.vector_load %arg6[%get3A_60] {strides = array<i32>} : memref<5016xi32, #tpu.memory_space<vmem>>, vector<16xi32>,
      %add3A_62 = arith.addi %mul3A_59, %get3A_61 : vector<16xi32>
      %swap3A_63 = arith.constant 16 : index
      %swap3A_64 = tpu.vector_load %arg8[%swap3A_63] {strides = array<i32>} : memref<128xi32, #tpu.memory_space<vmem>>, vector<16xi32>,
      tpu.vector_store %arg8[%swap3A_63], %add3A_62 {strides = array<i32>} : memref<128xi32, #tpu.memory_space<vmem>>, vector<16xi32>,
      %add3A_65 = arith.constant 32 : i32
      %add3A_66 = arith.addi %multiple_of3A_38, %add3A_65 : i32
      %multiple_of3A_67 = tpu.assume_multiple %add3A_66, 16 : i32
      %get3A_68 = arith.index_cast %multiple_of3A_67 : i32 to index
      %get3A_69 = tpu.vector_load %arg7[%get3A_68] {strides = array<i32>} : memref<5016xi32, #tpu.memory_space<vmem>>, vector<16xi32>,
      %mul3A_70 = arith.constant 10000 : i32
      %mul3A_71 = vector.broadcast %mul3A_70 : i32 to vector<16xi32>
      %mul3A_72 = arith.muli %get3A_69, %mul3A_71 : vector<16xi32>
      %get3A_73 = arith.index_cast %multiple_of3A_67 : i32 to index
      %get3A_74 = tpu.vector_load %arg6[%get3A_73] {strides = array<i32>} : memref<5016xi32, #tpu.memory_space<vmem>>, vector<16xi32>,
      %add3A_75 = arith.addi %mul3A_72, %get3A_74 : vector<16xi32>
      %swap3A_76 = arith.constant 32 : index
      %swap3A_77 = tpu.vector_load %arg8[%swap3A_76] {strides = array<i32>} : memref<128xi32, #tpu.memory_space<vmem>>, vector<16xi32>,
      tpu.vector_store %arg8[%swap3A_76], %add3A_75 {strides = array<i32>} : memref<128xi32, #tpu.memory_space<vmem>>, vector<16xi32>,
      %add3A_78 = arith.constant 48 : i32
      %add3A_79 = arith.addi %multiple_of3A_38, %add3A_78 : i32
      %multiple_of3A_80 = tpu.assume_multiple %add3A_79, 16 : i32
      %get3A_81 = arith.index_cast %multiple_of3A_80 : i32 to index
      %get3A_82 = tpu.vector_load %arg7[%get3A_81] {strides = array<i32>} : memref<5016xi32, #tpu.memory_space<vmem>>, vector<16xi32>,
      %mul3A_83 = arith.constant 10000 : i32
      %mul3A_84 = vector.broadcast %mul3A_83 : i32 to vector<16xi32>
      %mul3A_85 = arith.muli %get3A_82, %mul3A_84 : vector<16xi32>
      %get3A_86 = arith.index_cast %multiple_of3A_80 : i32 to index
      %get3A_87 = tpu.vector_load %arg6[%get3A_86] {strides = array<i32>} : memref<5016xi32, #tpu.memory_space<vmem>>, vector<16xi32>,
      %add3A_88 = arith.addi %mul3A_85, %get3A_87 : vector<16xi32>
      %swap3A_89 = arith.constant 48 : index
      %swap3A_90 = tpu.vector_load %arg8[%swap3A_89] {strides = array<i32>} : memref<128xi32, #tpu.memory_space<vmem>>, vector<16xi32>,
      tpu.vector_store %arg8[%swap3A_89], %add3A_88 {strides = array<i32>} : memref<128xi32, #tpu.memory_space<vmem>>, vector<16xi32>,
      %add3A_91 = arith.constant 64 : i32
      %add3A_92 = arith.addi %multiple_of3A_38, %add3A_91 : i32
      %multiple_of3A_93 = tpu.assume_multiple %add3A_92, 16 : i32
      %get3A_94 = arith.index_cast %multiple_of3A_93 : i32 to index
      %get3A_95 = tpu.vector_load %arg7[%get3A_94] {strides = array<i32>} : memref<5016xi32, #tpu.memory_space<vmem>>, vector<16xi32>,
      %mul3A_96 = arith.constant 10000 : i32
      %mul3A_97 = vector.broadcast %mul3A_96 : i32 to vector<16xi32>
      %mul3A_98 = arith.muli %get3A_95, %mul3A_97 : vector<16xi32>
      %get3A_99 = arith.index_cast %multiple_of3A_93 : i32 to index
      %get3A_100 = tpu.vector_load %arg6[%get3A_99] {strides = array<i32>} : memref<5016xi32, #tpu.memory_space<vmem>>, vector<16xi32>,
      %add3A_101 = arith.addi %mul3A_98, %get3A_100 : vector<16xi32>
      %swap3A_102 = arith.constant 64 : index
      %swap3A_103 = tpu.vector_load %arg8[%swap3A_102] {strides = array<i32>} : memref<128xi32, #tpu.memory_space<vmem>>, vector<16xi32>,
      tpu.vector_store %arg8[%swap3A_102], %add3A_101 {strides = array<i32>} : memref<128xi32, #tpu.memory_space<vmem>>, vector<16xi32>,
      %add3A_104 = arith.constant 80 : i32
      %add3A_105 = arith.addi %multiple_of3A_38, %add3A_104 : i32
      %multiple_of3A_106 = tpu.assume_multiple %add3A_105, 16 : i32
      %get3A_107 = arith.index_cast %multiple_of3A_106 : i32 to index
      %get3A_108 = tpu.vector_load %arg7[%get3A_107] {strides = array<i32>} : memref<5016xi32, #tpu.memory_space<vmem>>, vector<16xi32>,
      %mul3A_109 = arith.constant 10000 : i32
      %mul3A_110 = vector.broadcast %mul3A_109 : i32 to vector<16xi32>
      %mul3A_111 = arith.muli %get3A_108, %mul3A_110 : vector<16xi32>
      %get3A_112 = arith.index_cast %multiple_of3A_106 : i32 to index
      %get3A_113 = tpu.vector_load %arg6[%get3A_112] {strides = array<i32>} : memref<5016xi32, #tpu.memory_space<vmem>>, vector<16xi32>,
      %add3A_114 = arith.addi %mul3A_111, %get3A_113 : vector<16xi32>
      %swap3A_115 = arith.constant 80 : index
      %swap3A_116 = tpu.vector_load %arg8[%swap3A_115] {strides = array<i32>} : memref<128xi32, #tpu.memory_space<vmem>>, vector<16xi32>,
      tpu.vector_store %arg8[%swap3A_115], %add3A_114 {strides = array<i32>} : memref<128xi32, #tpu.memory_space<vmem>>, vector<16xi32>,
      %add3A_117 = arith.constant 96 : i32
      %add3A_118 = arith.addi %multiple_of3A_38, %add3A_117 : i32
      %multiple_of3A_119 = tpu.assume_multiple %add3A_118, 16 : i32
      %get3A_120 = arith.index_cast %multiple_of3A_119 : i32 to index
      %get3A_121 = tpu.vector_load %arg7[%get3A_120] {strides = array<i32>} : memref<5016xi32, #tpu.memory_space<vmem>>, vector<16xi32>,
      %mul3A_122 = arith.constant 10000 : i32
      %mul3A_123 = vector.broadcast %mul3A_122 : i32 to vector<16xi32>
      %mul3A_124 = arith.muli %get3A_121, %mul3A_123 : vector<16xi32>
      %get3A_125 = arith.index_cast %multiple_of3A_119 : i32 to index
      %get3A_126 = tpu.vector_load %arg6[%get3A_125] {strides = array<i32>} : memref<5016xi32, #tpu.memory_space<vmem>>, vector<16xi32>,
      %add3A_127 = arith.addi %mul3A_124, %get3A_126 : vector<16xi32>
      %swap3A_128 = arith.constant 96 : index
      %swap3A_129 = tpu.vector_load %arg8[%swap3A_128] {strides = array<i32>} : memref<128xi32, #tpu.memory_space<vmem>>, vector<16xi32>,
      tpu.vector_store %arg8[%swap3A_128], %add3A_127 {strides = array<i32>} : memref<128xi32, #tpu.memory_space<vmem>>, vector<16xi32>,
      %add3A_130 = arith.constant 112 : i32
      %add3A_131 = arith.addi %multiple_of3A_38, %add3A_130 : i32
      %multiple_of3A_132 = tpu.assume_multiple %add3A_131, 16 : i32
      %get3A_133 = arith.index_cast %multiple_of3A_132 : i32 to index
      %get3A_134 = tpu.vector_load %arg7[%get3A_133] {strides = array<i32>} : memref<5016xi32, #tpu.memory_space<vmem>>, vector<16xi32>,
      %mul3A_135 = arith.constant 10000 : i32
      %mul3A_136 = vector.broadcast %mul3A_135 : i32 to vector<16xi32>
      %mul3A_137 = arith.muli %get3A_134, %mul3A_136 : vector<16xi32>
      %get3A_138 = arith.index_cast %multiple_of3A_132 : i32 to index
      %get3A_139 = tpu.vector_load %arg6[%get3A_138] {strides = array<i32>} : memref<5016xi32, #tpu.memory_space<vmem>>, vector<16xi32>,
      %add3A_140 = arith.addi %mul3A_137, %get3A_139 : vector<16xi32>
      %swap3A_141 = arith.constant 112 : index
      %swap3A_142 = tpu.vector_load %arg8[%swap3A_141] {strides = array<i32>} : memref<128xi32, #tpu.memory_space<vmem>>, vector<16xi32>,
      tpu.vector_store %arg8[%swap3A_141], %add3A_140 {strides = array<i32>} : memref<128xi32, #tpu.memory_space<vmem>>, vector<16xi32>,
      %dma_start3A_143 = arith.constant 0 : i32
      %dma_start3A_144 = arith.constant 0 : i32
      %dma_start3A_145 = tpu.memref_slice %arg2[%dma_start3A_143, %dma_start3A_144] : memref<160000x256xf32, #tpu.memory_space<hbm>> -> memref<160000x256xf32, #tpu.memory_space<hbm>>
      tpu.enqueue_indirect_dma source(%dma_start3A_145 : memref<160000x256xf32, #tpu.memory_space<hbm>>) target(%arg9 : memref<128x256xf32, #tpu.memory_space<vmem>>) offsets(%arg8 : memref<128xi32, #tpu.memory_space<vmem>>) semaphore(%arg10 : memref<!tpu.dma_semaphore, #tpu.memory_space<semaphore_mem>>)
      %dma_wait3A_146 = arith.constant 0 : i32
      %dma_wait3A_147 = arith.constant 0 : i32
      %dma_wait3A_148 = tpu.memref_slice %arg2[%dma_wait3A_146, %dma_wait3A_147] : memref<160000x256xf32, #tpu.memory_space<hbm>> -> memref<160000x256xf32, #tpu.memory_space<hbm>>
      tpu.wait_indirect_dma semaphore(%arg10 : memref<!tpu.dma_semaphore, #tpu.memory_space<semaphore_mem>>) src(%dma_wait3A_148 : memref<160000x256xf32, #tpu.memory_space<hbm>>) dst(%arg9 : memref<128x256xf32, #tpu.memory_space<vmem>>)
      %add3A_149 = arith.addi %multiple_of3A, %multiple_of3A_38 : i32
      %multiple_of3A_150 = tpu.assume_multiple %add3A_149, 8 : i32
      "tpu.region"() ({
        %run_scoped3A = tpu.sem_alloc : memref<!tpu.dma_semaphore, #tpu.memory_space<semaphore_mem>>
        %dma_start3A_151 = arith.constant 0 : i32
        %dma_start3A_152 = tpu.memref_slice %arg5[%multiple_of3A_150, %dma_start3A_151] : memref<160000x256xf32, #tpu.memory_space<hbm>> -> memref<128x256xf32, #tpu.memory_space<hbm>>
        %dma_start3A_153 = arith.constant 0 : i32
        %dma_start3A_154 = tpu.memref_slice %arg5[%multiple_of3A_150, %dma_start3A_153] : memref<160000x256xf32, #tpu.memory_space<hbm>> -> memref<128x256xf32, #tpu.memory_space<hbm>>
        tpu.enqueue_dma source(%arg9 : memref<128x256xf32, #tpu.memory_space<vmem>>) target(%dma_start3A_154 : memref<128x256xf32, #tpu.memory_space<hbm>>) target_semaphore(%run_scoped3A : memref<!tpu.dma_semaphore, #tpu.memory_space<semaphore_mem>>)
        %dma_wait3A_155 = arith.constant 0 : i32
        %dma_wait3A_156 = tpu.memref_slice %arg5[%multiple_of3A_150, %dma_wait3A_155] : memref<160000x256xf32, #tpu.memory_space<hbm>> -> memref<128x256xf32, #tpu.memory_space<hbm>>
        %dma_wait3A_157 = arith.constant 0 : i32
        %dma_wait3A_158 = tpu.memref_slice %arg5[%multiple_of3A_150, %dma_wait3A_157] : memref<160000x256xf32, #tpu.memory_space<hbm>> -> memref<128x256xf32, #tpu.memory_space<hbm>>
        tpu.wait_dma2 semaphore(%run_scoped3A : memref<!tpu.dma_semaphore, #tpu.memory_space<semaphore_mem>>) src(%arg9 : memref<128x256xf32, #tpu.memory_space<vmem>>) dst(%dma_wait3A_158 : memref<128x256xf32, #tpu.memory_space<hbm>>)
        tpu.yield
      }) : () -> ()
    }
    %scan3A_7 = arith.constant 39 : i32
    %iota3A = tpu.iota {dimensions = array<i32: 0>} : vector<16xi32>
    %get3A = arith.constant 4992 : index
    %get3A_8 = tpu.vector_load %arg7[%get3A] {strides = array<i32>} : memref<5016xi32, #tpu.memory_space<vmem>>, vector<16xi32>,
    %mul3A_9 = arith.constant 10000 : i32
    %mul3A_10 = vector.broadcast %mul3A_9 : i32 to vector<16xi32>
    %mul3A_11 = arith.muli %get3A_8, %mul3A_10 : vector<16xi32>
    %get3A_12 = arith.constant 4992 : index
    %get3A_13 = tpu.vector_load %arg6[%get3A_12] {strides = array<i32>} : memref<5016xi32, #tpu.memory_space<vmem>>, vector<16xi32>,
    %add3A_14 = arith.addi %mul3A_11, %get3A_13 : vector<16xi32>
    %lt3A = arith.constant 8 : i32
    %lt3A_15 = vector.broadcast %lt3A : i32 to vector<16xi32>
    %lt3A_16 = arith.cmpi slt, %iota3A, %lt3A_15 : vector<16xi32>
    %jit3A = arith.constant 0 : i32
    %broadcast_in_dim3A = vector.broadcast %jit3A : i32 to vector<16xi32>
    %select_n3A = arith.select %lt3A_16, %add3A_14, %broadcast_in_dim3A : vector<16xi1>, vector<16xi32>
    %swap3A = arith.constant 0 : index
    %swap3A_17 = tpu.vector_load %arg8[%swap3A] {strides = array<i32>} : memref<128xi32, #tpu.memory_space<vmem>>, vector<16xi32>,
    tpu.vector_store %arg8[%swap3A], %select_n3A {strides = array<i32>} : memref<128xi32, #tpu.memory_space<vmem>>, vector<16xi32>,
    %dma_start3A = arith.constant 0 : i32
    %dma_start3A_18 = arith.constant 0 : i32
    %dma_start3A_19 = tpu.memref_slice %arg9[%dma_start3A, %dma_start3A_18] : memref<128x256xf32, #tpu.memory_space<vmem>> -> memref<8x256xf32, #tpu.memory_space<vmem>>
    %dma_start3A_20 = arith.constant 0 : i32
    %dma_start3A_21 = tpu.memref_slice %arg8[%dma_start3A_20] : memref<128xi32, #tpu.memory_space<vmem>> -> memref<8xi32, #tpu.memory_space<vmem>>
    %dma_start3A_22 = arith.constant 0 : i32
    %dma_start3A_23 = arith.constant 0 : i32
    %dma_start3A_24 = tpu.memref_slice %arg2[%dma_start3A_22, %dma_start3A_23] : memref<160000x256xf32, #tpu.memory_space<hbm>> -> memref<160000x256xf32, #tpu.memory_space<hbm>>
    tpu.enqueue_indirect_dma source(%dma_start3A_24 : memref<160000x256xf32, #tpu.memory_space<hbm>>) target(%dma_start3A_19 : memref<8x256xf32, #tpu.memory_space<vmem>>) offsets(%dma_start3A_21 : memref<8xi32, #tpu.memory_space<vmem>>) semaphore(%arg10 : memref<!tpu.dma_semaphore, #tpu.memory_space<semaphore_mem>>)
    %dma_wait3A = arith.constant 0 : i32
    %dma_wait3A_25 = arith.constant 0 : i32
    %dma_wait3A_26 = tpu.memref_slice %arg9[%dma_wait3A, %dma_wait3A_25] : memref<128x256xf32, #tpu.memory_space<vmem>> -> memref<8x256xf32, #tpu.memory_space<vmem>>
    %dma_wait3A_27 = arith.constant 0 : i32
    %dma_wait3A_28 = tpu.memref_slice %arg8[%dma_wait3A_27] : memref<128xi32, #tpu.memory_space<vmem>> -> memref<8xi32, #tpu.memory_space<vmem>>
    %dma_wait3A_29 = arith.constant 0 : i32
    %dma_wait3A_30 = arith.constant 0 : i32
    %dma_wait3A_31 = tpu.memref_slice %arg2[%dma_wait3A_29, %dma_wait3A_30] : memref<160000x256xf32, #tpu.memory_space<hbm>> -> memref<160000x256xf32, #tpu.memory_space<hbm>>
    tpu.wait_indirect_dma semaphore(%arg10 : memref<!tpu.dma_semaphore, #tpu.memory_space<semaphore_mem>>) src(%dma_wait3A_31 : memref<160000x256xf32, #tpu.memory_space<hbm>>) dst(%dma_wait3A_26 : memref<8x256xf32, #tpu.memory_space<vmem>>)
    %add3A_32 = arith.constant 4992 : i32
    %add3A_33 = arith.addi %multiple_of3A, %add3A_32 : i32
    %multiple_of3A_34 = tpu.assume_multiple %add3A_33, 8 : i32
    "tpu.region"() ({
      %run_scoped3A = tpu.sem_alloc : memref<!tpu.dma_semaphore, #tpu.memory_space<semaphore_mem>>
      %dma_start3A_35 = arith.constant 0 : i32
      %dma_start3A_36 = arith.constant 0 : i32
      %dma_start3A_37 = tpu.memref_slice %arg9[%dma_start3A_35, %dma_start3A_36] : memref<128x256xf32, #tpu.memory_space<vmem>> -> memref<8x256xf32, #tpu.memory_space<vmem>>
      %dma_start3A_38 = arith.constant 0 : i32
      %dma_start3A_39 = tpu.memref_slice %arg5[%multiple_of3A_34, %dma_start3A_38] : memref<160000x256xf32, #tpu.memory_space<hbm>> -> memref<8x256xf32, #tpu.memory_space<hbm>>
      %dma_start3A_40 = arith.constant 0 : i32
      %dma_start3A_41 = tpu.memref_slice %arg5[%multiple_of3A_34, %dma_start3A_40] : memref<160000x256xf32, #tpu.memory_space<hbm>> -> memref<8x256xf32, #tpu.memory_space<hbm>>
      %dma_start3A_42 = arith.constant 0 : i32
      %dma_start3A_43 = arith.constant 0 : i32
      %dma_start3A_44 = tpu.memref_slice %arg9[%dma_start3A_42, %dma_start3A_43] : memref<128x256xf32, #tpu.memory_space<vmem>> -> memref<8x256xf32, #tpu.memory_space<vmem>>
      tpu.enqueue_dma source(%dma_start3A_44 : memref<8x256xf32, #tpu.memory_space<vmem>>) target(%dma_start3A_41 : memref<8x256xf32, #tpu.memory_space<hbm>>) target_semaphore(%run_scoped3A : memref<!tpu.dma_semaphore, #tpu.memory_space<semaphore_mem>>)
      %dma_wait3A_45 = arith.constant 0 : i32
      %dma_wait3A_46 = arith.constant 0 : i32
      %dma_wait3A_47 = tpu.memref_slice %arg9[%dma_wait3A_45, %dma_wait3A_46] : memref<128x256xf32, #tpu.memory_space<vmem>> -> memref<8x256xf32, #tpu.memory_space<vmem>>
      %dma_wait3A_48 = arith.constant 0 : i32
      %dma_wait3A_49 = tpu.memref_slice %arg5[%multiple_of3A_34, %dma_wait3A_48] : memref<160000x256xf32, #tpu.memory_space<hbm>> -> memref<8x256xf32, #tpu.memory_space<hbm>>
      %dma_wait3A_50 = arith.constant 0 : i32
      %dma_wait3A_51 = tpu.memref_slice %arg5[%multiple_of3A_34, %dma_wait3A_50] : memref<160000x256xf32, #tpu.memory_space<hbm>> -> memref<8x256xf32, #tpu.memory_space<hbm>>
      %dma_wait3A_52 = arith.constant 0 : i32
      %dma_wait3A_53 = arith.constant 0 : i32
      %dma_wait3A_54 = tpu.memref_slice %arg9[%dma_wait3A_52, %dma_wait3A_53] : memref<128x256xf32, #tpu.memory_space<vmem>> -> memref<8x256xf32, #tpu.memory_space<vmem>>
      tpu.wait_dma2 semaphore(%run_scoped3A : memref<!tpu.dma_semaphore, #tpu.memory_space<semaphore_mem>>) src(%dma_wait3A_54 : memref<8x256xf32, #tpu.memory_space<vmem>>) dst(%dma_wait3A_51 : memref<8x256xf32, #tpu.memory_space<hbm>>)
      tpu.yield
    }) : () -> ()
    return
  }
}

#map = affine_map<(d0, d1) -> (0, 0)>
#map1 = affine_map<(d0, d1) -> (0)>
module attributes {stable_mosaic.version = 14 : i64} {
  func.func @k(%arg0: i32, %arg1: i32, %arg2: memref<160000x256xf32, #tpu.memory_space<hbm>>, %arg3: memref<160000xi32, #tpu.memory_space<hbm>>, %arg4: memref<160000xi32, #tpu.memory_space<hbm>>, %arg5: memref<160000x256xf32, #tpu.memory_space<hbm>>, %arg6: memref<5016xi32, #tpu.memory_space<vmem>>, %arg7: memref<5016xi32, #tpu.memory_space<vmem>>, %arg8: memref<128xi32, #tpu.memory_space<vmem>>, %arg9: memref<128x256xf32, #tpu.memory_space<vmem>>, %arg10: memref<!tpu.dma_semaphore, #tpu.memory_space<semaphore_mem>>) attributes {dimension_semantics = [#tpu.dimension_semantics<core_parallel>, #tpu.dimension_semantics<subcore_parallel>], iteration_bounds = array<i64: 2, 16>, scalar_prefetch = 0 : i64, scratch_operands = 5 : i64, tpu.core_type = #tpu.core_type<sc_vector_subcore>, window_params = [{transform_indices = #map}, {transform_indices = #map1}, {transform_indices = #map1}, {transform_indices = #map}]} {
    %mul3A = arith.constant 2 : i32
    %mul3A_0 = arith.muli %arg1, %mul3A : i32
    %add3A = arith.addi %mul3A_0, %arg0 : i32
    %mul3A_1 = arith.constant 5000 : i32
    %mul3A_2 = arith.muli %add3A, %mul3A_1 : i32
    %multiple_of3A = tpu.assume_multiple %mul3A_2, 8 : i32
    "tpu.region"() ({
      %run_scoped3A = tpu.sem_alloc : memref<!tpu.dma_semaphore, #tpu.memory_space<semaphore_mem>>
      %dma_start3A_35 = arith.constant 0 : i32
      %dma_start3A_36 = tpu.memref_slice %arg6[%dma_start3A_35] : memref<5016xi32, #tpu.memory_space<vmem>> -> memref<5000xi32, #tpu.memory_space<vmem>>
      %dma_start3A_37 = tpu.memref_slice %arg3[%multiple_of3A] : memref<160000xi32, #tpu.memory_space<hbm>> -> memref<5000xi32, #tpu.memory_space<hbm>>
      %dma_start3A_38 = arith.constant 0 : i32
      %dma_start3A_39 = tpu.memref_slice %arg6[%dma_start3A_38] : memref<5016xi32, #tpu.memory_space<vmem>> -> memref<5000xi32, #tpu.memory_space<vmem>>
      %dma_start3A_40 = tpu.memref_slice %arg3[%multiple_of3A] : memref<160000xi32, #tpu.memory_space<hbm>> -> memref<5000xi32, #tpu.memory_space<hbm>>
      tpu.enqueue_dma source(%dma_start3A_40 : memref<5000xi32, #tpu.memory_space<hbm>>) target(%dma_start3A_39 : memref<5000xi32, #tpu.memory_space<vmem>>) target_semaphore(%run_scoped3A : memref<!tpu.dma_semaphore, #tpu.memory_space<semaphore_mem>>)
      %dma_wait3A_41 = arith.constant 0 : i32
      %dma_wait3A_42 = tpu.memref_slice %arg6[%dma_wait3A_41] : memref<5016xi32, #tpu.memory_space<vmem>> -> memref<5000xi32, #tpu.memory_space<vmem>>
      %dma_wait3A_43 = tpu.memref_slice %arg3[%multiple_of3A] : memref<160000xi32, #tpu.memory_space<hbm>> -> memref<5000xi32, #tpu.memory_space<hbm>>
      %dma_wait3A_44 = arith.constant 0 : i32
      %dma_wait3A_45 = tpu.memref_slice %arg6[%dma_wait3A_44] : memref<5016xi32, #tpu.memory_space<vmem>> -> memref<5000xi32, #tpu.memory_space<vmem>>
      %dma_wait3A_46 = tpu.memref_slice %arg3[%multiple_of3A] : memref<160000xi32, #tpu.memory_space<hbm>> -> memref<5000xi32, #tpu.memory_space<hbm>>
      tpu.wait_dma2 semaphore(%run_scoped3A : memref<!tpu.dma_semaphore, #tpu.memory_space<semaphore_mem>>) src(%dma_wait3A_46 : memref<5000xi32, #tpu.memory_space<hbm>>) dst(%dma_wait3A_45 : memref<5000xi32, #tpu.memory_space<vmem>>)
      tpu.yield
    }) : () -> ()
    "tpu.region"() ({
      %run_scoped3A = tpu.sem_alloc : memref<!tpu.dma_semaphore, #tpu.memory_space<semaphore_mem>>
      %dma_start3A_35 = arith.constant 0 : i32
      %dma_start3A_36 = tpu.memref_slice %arg7[%dma_start3A_35] : memref<5016xi32, #tpu.memory_space<vmem>> -> memref<5000xi32, #tpu.memory_space<vmem>>
      %dma_start3A_37 = tpu.memref_slice %arg4[%multiple_of3A] : memref<160000xi32, #tpu.memory_space<hbm>> -> memref<5000xi32, #tpu.memory_space<hbm>>
      %dma_start3A_38 = arith.constant 0 : i32
      %dma_start3A_39 = tpu.memref_slice %arg7[%dma_start3A_38] : memref<5016xi32, #tpu.memory_space<vmem>> -> memref<5000xi32, #tpu.memory_space<vmem>>
      %dma_start3A_40 = tpu.memref_slice %arg4[%multiple_of3A] : memref<160000xi32, #tpu.memory_space<hbm>> -> memref<5000xi32, #tpu.memory_space<hbm>>
      tpu.enqueue_dma source(%dma_start3A_40 : memref<5000xi32, #tpu.memory_space<hbm>>) target(%dma_start3A_39 : memref<5000xi32, #tpu.memory_space<vmem>>) target_semaphore(%run_scoped3A : memref<!tpu.dma_semaphore, #tpu.memory_space<semaphore_mem>>)
      %dma_wait3A_41 = arith.constant 0 : i32
      %dma_wait3A_42 = tpu.memref_slice %arg7[%dma_wait3A_41] : memref<5016xi32, #tpu.memory_space<vmem>> -> memref<5000xi32, #tpu.memory_space<vmem>>
      %dma_wait3A_43 = tpu.memref_slice %arg4[%multiple_of3A] : memref<160000xi32, #tpu.memory_space<hbm>> -> memref<5000xi32, #tpu.memory_space<hbm>>
      %dma_wait3A_44 = arith.constant 0 : i32
      %dma_wait3A_45 = tpu.memref_slice %arg7[%dma_wait3A_44] : memref<5016xi32, #tpu.memory_space<vmem>> -> memref<5000xi32, #tpu.memory_space<vmem>>
      %dma_wait3A_46 = tpu.memref_slice %arg4[%multiple_of3A] : memref<160000xi32, #tpu.memory_space<hbm>> -> memref<5000xi32, #tpu.memory_space<hbm>>
      tpu.wait_dma2 semaphore(%run_scoped3A : memref<!tpu.dma_semaphore, #tpu.memory_space<semaphore_mem>>) src(%dma_wait3A_46 : memref<5000xi32, #tpu.memory_space<hbm>>) dst(%dma_wait3A_45 : memref<5000xi32, #tpu.memory_space<vmem>>)
      tpu.yield
    }) : () -> ()
    %scan3A = arith.constant 0 : i32
    %scan3A_3 = arith.constant 0 : i32
    %scan3A_4 = arith.constant 39 : i32
    %scan3A_5 = arith.addi %scan3A_3, %scan3A_4 : i32
    %scan3A_6 = arith.constant 1 : i32
    scf.for %scan3A_35 = %scan3A_3 to %scan3A_5 step %scan3A_6  : i32 {
      %mul3A_36 = arith.constant 128 : i32
      %mul3A_37 = arith.muli %scan3A_35, %mul3A_36 : i32
      %multiple_of3A_38 = tpu.assume_multiple %mul3A_37, 128 : i32
      %add3A_39 = arith.constant 0 : i32
      %add3A_40 = arith.addi %multiple_of3A_38, %add3A_39 : i32
      %multiple_of3A_41 = tpu.assume_multiple %add3A_40, 16 : i32
      %get3A_42 = arith.index_cast %multiple_of3A_41 : i32 to index
      %get3A_43 = tpu.vector_load %arg7[%get3A_42] {strides = array<i32>} : memref<5016xi32, #tpu.memory_space<vmem>>, vector<16xi32>,
      %mul3A_44 = arith.constant 10000 : i32
      %mul3A_45 = vector.broadcast %mul3A_44 : i32 to vector<16xi32>
      %mul3A_46 = arith.muli %get3A_43, %mul3A_45 : vector<16xi32>
      %get3A_47 = arith.index_cast %multiple_of3A_41 : i32 to index
      %get3A_48 = tpu.vector_load %arg6[%get3A_47] {strides = array<i32>} : memref<5016xi32, #tpu.memory_space<vmem>>, vector<16xi32>,
      %add3A_49 = arith.addi %mul3A_46, %get3A_48 : vector<16xi32>
      %swap3A_50 = arith.constant 0 : index
      %swap3A_51 = tpu.vector_load %arg8[%swap3A_50] {strides = array<i32>} : memref<128xi32, #tpu.memory_space<vmem>>, vector<16xi32>,
      tpu.vector_store %arg8[%swap3A_50], %add3A_49 {strides = array<i32>} : memref<128xi32, #tpu.memory_space<vmem>>, vector<16xi32>,
      %add3A_52 = arith.constant 16 : i32
      %add3A_53 = arith.addi %multiple_of3A_38, %add3A_52 : i32
      %multiple_of3A_54 = tpu.assume_multiple %add3A_53, 16 : i32
      %get3A_55 = arith.index_cast %multiple_of3A_54 : i32 to index
      %get3A_56 = tpu.vector_load %arg7[%get3A_55] {strides = array<i32>} : memref<5016xi32, #tpu.memory_space<vmem>>, vector<16xi32>,
      %mul3A_57 = arith.constant 10000 : i32
      %mul3A_58 = vector.broadcast %mul3A_57 : i32 to vector<16xi32>
      %mul3A_59 = arith.muli %get3A_56, %mul3A_58 : vector<16xi32>
      %get3A_60 = arith.index_cast %multiple_of3A_54 : i32 to index
      %get3A_61 = tpu.vector_load %arg6[%get3A_60] {strides = array<i32>} : memref<5016xi32, #tpu.memory_space<vmem>>, vector<16xi32>,
      %add3A_62 = arith.addi %mul3A_59, %get3A_61 : vector<16xi32>
      %swap3A_63 = arith.constant 16 : index
      %swap3A_64 = tpu.vector_load %arg8[%swap3A_63] {strides = array<i32>} : memref<128xi32, #tpu.memory_space<vmem>>, vector<16xi32>,
      tpu.vector_store %arg8[%swap3A_63], %add3A_62 {strides = array<i32>} : memref<128xi32, #tpu.memory_space<vmem>>, vector<16xi32>,
      %add3A_65 = arith.constant 32 : i32
      %add3A_66 = arith.addi %multiple_of3A_38, %add3A_65 : i32
      %multiple_of3A_67 = tpu.assume_multiple %add3A_66, 16 : i32
      %get3A_68 = arith.index_cast %multiple_of3A_67 : i32 to index
      %get3A_69 = tpu.vector_load %arg7[%get3A_68] {strides = array<i32>} : memref<5016xi32, #tpu.memory_space<vmem>>, vector<16xi32>,
      %mul3A_70 = arith.constant 10000 : i32
      %mul3A_71 = vector.broadcast %mul3A_70 : i32 to vector<16xi32>
      %mul3A_72 = arith.muli %get3A_69, %mul3A_71 : vector<16xi32>
      %get3A_73 = arith.index_cast %multiple_of3A_67 : i32 to index
      %get3A_74 = tpu.vector_load %arg6[%get3A_73] {strides = array<i32>} : memref<5016xi32, #tpu.memory_space<vmem>>, vector<16xi32>,
      %add3A_75 = arith.addi %mul3A_72, %get3A_74 : vector<16xi32>
      %swap3A_76 = arith.constant 32 : index
      %swap3A_77 = tpu.vector_load %arg8[%swap3A_76] {strides = array<i32>} : memref<128xi32, #tpu.memory_space<vmem>>, vector<16xi32>,
      tpu.vector_store %arg8[%swap3A_76], %add3A_75 {strides = array<i32>} : memref<128xi32, #tpu.memory_space<vmem>>, vector<16xi32>,
      %add3A_78 = arith.constant 48 : i32
      %add3A_79 = arith.addi %multiple_of3A_38, %add3A_78 : i32
      %multiple_of3A_80 = tpu.assume_multiple %add3A_79, 16 : i32
      %get3A_81 = arith.index_cast %multiple_of3A_80 : i32 to index
      %get3A_82 = tpu.vector_load %arg7[%get3A_81] {strides = array<i32>} : memref<5016xi32, #tpu.memory_space<vmem>>, vector<16xi32>,
      %mul3A_83 = arith.constant 10000 : i32
      %mul3A_84 = vector.broadcast %mul3A_83 : i32 to vector<16xi32>
      %mul3A_85 = arith.muli %get3A_82, %mul3A_84 : vector<16xi32>
      %get3A_86 = arith.index_cast %multiple_of3A_80 : i32 to index
      %get3A_87 = tpu.vector_load %arg6[%get3A_86] {strides = array<i32>} : memref<5016xi32, #tpu.memory_space<vmem>>, vector<16xi32>,
      %add3A_88 = arith.addi %mul3A_85, %get3A_87 : vector<16xi32>
      %swap3A_89 = arith.constant 48 : index
      %swap3A_90 = tpu.vector_load %arg8[%swap3A_89] {strides = array<i32>} : memref<128xi32, #tpu.memory_space<vmem>>, vector<16xi32>,
      tpu.vector_store %arg8[%swap3A_89], %add3A_88 {strides = array<i32>} : memref<128xi32, #tpu.memory_space<vmem>>, vector<16xi32>,
      %add3A_91 = arith.constant 64 : i32
      %add3A_92 = arith.addi %multiple_of3A_38, %add3A_91 : i32
      %multiple_of3A_93 = tpu.assume_multiple %add3A_92, 16 : i32
      %get3A_94 = arith.index_cast %multiple_of3A_93 : i32 to index
      %get3A_95 = tpu.vector_load %arg7[%get3A_94] {strides = array<i32>} : memref<5016xi32, #tpu.memory_space<vmem>>, vector<16xi32>,
      %mul3A_96 = arith.constant 10000 : i32
      %mul3A_97 = vector.broadcast %mul3A_96 : i32 to vector<16xi32>
      %mul3A_98 = arith.muli %get3A_95, %mul3A_97 : vector<16xi32>
      %get3A_99 = arith.index_cast %multiple_of3A_93 : i32 to index
      %get3A_100 = tpu.vector_load %arg6[%get3A_99] {strides = array<i32>} : memref<5016xi32, #tpu.memory_space<vmem>>, vector<16xi32>,
      %add3A_101 = arith.addi %mul3A_98, %get3A_100 : vector<16xi32>
      %swap3A_102 = arith.constant 64 : index
      %swap3A_103 = tpu.vector_load %arg8[%swap3A_102] {strides = array<i32>} : memref<128xi32, #tpu.memory_space<vmem>>, vector<16xi32>,
      tpu.vector_store %arg8[%swap3A_102], %add3A_101 {strides = array<i32>} : memref<128xi32, #tpu.memory_space<vmem>>, vector<16xi32>,
      %add3A_104 = arith.constant 80 : i32
      %add3A_105 = arith.addi %multiple_of3A_38, %add3A_104 : i32
      %multiple_of3A_106 = tpu.assume_multiple %add3A_105, 16 : i32
      %get3A_107 = arith.index_cast %multiple_of3A_106 : i32 to index
      %get3A_108 = tpu.vector_load %arg7[%get3A_107] {strides = array<i32>} : memref<5016xi32, #tpu.memory_space<vmem>>, vector<16xi32>,
      %mul3A_109 = arith.constant 10000 : i32
      %mul3A_110 = vector.broadcast %mul3A_109 : i32 to vector<16xi32>
      %mul3A_111 = arith.muli %get3A_108, %mul3A_110 : vector<16xi32>
      %get3A_112 = arith.index_cast %multiple_of3A_106 : i32 to index
      %get3A_113 = tpu.vector_load %arg6[%get3A_112] {strides = array<i32>} : memref<5016xi32, #tpu.memory_space<vmem>>, vector<16xi32>,
      %add3A_114 = arith.addi %mul3A_111, %get3A_113 : vector<16xi32>
      %swap3A_115 = arith.constant 80 : index
      %swap3A_116 = tpu.vector_load %arg8[%swap3A_115] {strides = array<i32>} : memref<128xi32, #tpu.memory_space<vmem>>, vector<16xi32>,
      tpu.vector_store %arg8[%swap3A_115], %add3A_114 {strides = array<i32>} : memref<128xi32, #tpu.memory_space<vmem>>, vector<16xi32>,
      %add3A_117 = arith.constant 96 : i32
      %add3A_118 = arith.addi %multiple_of3A_38, %add3A_117 : i32
      %multiple_of3A_119 = tpu.assume_multiple %add3A_118, 16 : i32
      %get3A_120 = arith.index_cast %multiple_of3A_119 : i32 to index
      %get3A_121 = tpu.vector_load %arg7[%get3A_120] {strides = array<i32>} : memref<5016xi32, #tpu.memory_space<vmem>>, vector<16xi32>,
      %mul3A_122 = arith.constant 10000 : i32
      %mul3A_123 = vector.broadcast %mul3A_122 : i32 to vector<16xi32>
      %mul3A_124 = arith.muli %get3A_121, %mul3A_123 : vector<16xi32>
      %get3A_125 = arith.index_cast %multiple_of3A_119 : i32 to index
      %get3A_126 = tpu.vector_load %arg6[%get3A_125] {strides = array<i32>} : memref<5016xi32, #tpu.memory_space<vmem>>, vector<16xi32>,
      %add3A_127 = arith.addi %mul3A_124, %get3A_126 : vector<16xi32>
      %swap3A_128 = arith.constant 96 : index
      %swap3A_129 = tpu.vector_load %arg8[%swap3A_128] {strides = array<i32>} : memref<128xi32, #tpu.memory_space<vmem>>, vector<16xi32>,
      tpu.vector_store %arg8[%swap3A_128], %add3A_127 {strides = array<i32>} : memref<128xi32, #tpu.memory_space<vmem>>, vector<16xi32>,
      %add3A_130 = arith.constant 112 : i32
      %add3A_131 = arith.addi %multiple_of3A_38, %add3A_130 : i32
      %multiple_of3A_132 = tpu.assume_multiple %add3A_131, 16 : i32
      %get3A_133 = arith.index_cast %multiple_of3A_132 : i32 to index
      %get3A_134 = tpu.vector_load %arg7[%get3A_133] {strides = array<i32>} : memref<5016xi32, #tpu.memory_space<vmem>>, vector<16xi32>,
      %mul3A_135 = arith.constant 10000 : i32
      %mul3A_136 = vector.broadcast %mul3A_135 : i32 to vector<16xi32>
      %mul3A_137 = arith.muli %get3A_134, %mul3A_136 : vector<16xi32>
      %get3A_138 = arith.index_cast %multiple_of3A_132 : i32 to index
      %get3A_139 = tpu.vector_load %arg6[%get3A_138] {strides = array<i32>} : memref<5016xi32, #tpu.memory_space<vmem>>, vector<16xi32>,
      %add3A_140 = arith.addi %mul3A_137, %get3A_139 : vector<16xi32>
      %swap3A_141 = arith.constant 112 : index
      %swap3A_142 = tpu.vector_load %arg8[%swap3A_141] {strides = array<i32>} : memref<128xi32, #tpu.memory_space<vmem>>, vector<16xi32>,
      tpu.vector_store %arg8[%swap3A_141], %add3A_140 {strides = array<i32>} : memref<128xi32, #tpu.memory_space<vmem>>, vector<16xi32>,
      %dma_start3A_143 = arith.constant 0 : i32
      %dma_start3A_144 = arith.constant 0 : i32
      %dma_start3A_145 = tpu.memref_slice %arg2[%dma_start3A_143, %dma_start3A_144] : memref<160000x256xf32, #tpu.memory_space<hbm>> -> memref<160000x256xf32, #tpu.memory_space<hbm>>
      tpu.enqueue_indirect_dma source(%dma_start3A_145 : memref<160000x256xf32, #tpu.memory_space<hbm>>) target(%arg9 : memref<128x256xf32, #tpu.memory_space<vmem>>) offsets(%arg8 : memref<128xi32, #tpu.memory_space<vmem>>) semaphore(%arg10 : memref<!tpu.dma_semaphore, #tpu.memory_space<semaphore_mem>>)
      %dma_wait3A_146 = arith.constant 0 : i32
      %dma_wait3A_147 = arith.constant 0 : i32
      %dma_wait3A_148 = tpu.memref_slice %arg2[%dma_wait3A_146, %dma_wait3A_147] : memref<160000x256xf32, #tpu.memory_space<hbm>> -> memref<160000x256xf32, #tpu.memory_space<hbm>>
      tpu.wait_indirect_dma semaphore(%arg10 : memref<!tpu.dma_semaphore, #tpu.memory_space<semaphore_mem>>) src(%dma_wait3A_148 : memref<160000x256xf32, #tpu.memory_space<hbm>>) dst(%arg9 : memref<128x256xf32, #tpu.memory_space<vmem>>)
      %add3A_149 = arith.addi %multiple_of3A, %multiple_of3A_38 : i32
      %multiple_of3A_150 = tpu.assume_multiple %add3A_149, 8 : i32
      "tpu.region"() ({
        %run_scoped3A = tpu.sem_alloc : memref<!tpu.dma_semaphore, #tpu.memory_space<semaphore_mem>>
        %dma_start3A_151 = arith.constant 0 : i32
        %dma_start3A_152 = tpu.memref_slice %arg5[%multiple_of3A_150, %dma_start3A_151] : memref<160000x256xf32, #tpu.memory_space<hbm>> -> memref<128x256xf32, #tpu.memory_space<hbm>>
        %dma_start3A_153 = arith.constant 0 : i32
        %dma_start3A_154 = tpu.memref_slice %arg5[%multiple_of3A_150, %dma_start3A_153] : memref<160000x256xf32, #tpu.memory_space<hbm>> -> memref<128x256xf32, #tpu.memory_space<hbm>>
        tpu.enqueue_dma source(%arg9 : memref<128x256xf32, #tpu.memory_space<vmem>>) target(%dma_start3A_154 : memref<128x256xf32, #tpu.memory_space<hbm>>) target_semaphore(%run_scoped3A : memref<!tpu.dma_semaphore, #tpu.memory_space<semaphore_mem>>)
        %dma_wait3A_155 = arith.constant 0 : i32
        %dma_wait3A_156 = tpu.memref_slice %arg5[%multiple_of3A_150, %dma_wait3A_155] : memref<160000x256xf32, #tpu.memory_space<hbm>> -> memref<128x256xf32, #tpu.memory_space<hbm>>
        %dma_wait3A_157 = arith.constant 0 : i32
        %dma_wait3A_158 = tpu.memref_slice %arg5[%multiple_of3A_150, %dma_wait3A_157] : memref<160000x256xf32, #tpu.memory_space<hbm>> -> memref<128x256xf32, #tpu.memory_space<hbm>>
        tpu.wait_dma2 semaphore(%run_scoped3A : memref<!tpu.dma_semaphore, #tpu.memory_space<semaphore_mem>>) src(%arg9 : memref<128x256xf32, #tpu.memory_space<vmem>>) dst(%dma_wait3A_158 : memref<128x256xf32, #tpu.memory_space<hbm>>)
        tpu.yield
      }) : () -> ()
    }
    %scan3A_7 = arith.constant 39 : i32
    %iota3A = tpu.iota {dimensions = array<i32: 0>} : vector<16xi32>
    %get3A = arith.constant 4992 : index
    %get3A_8 = tpu.vector_load %arg7[%get3A] {strides = array<i32>} : memref<5016xi32, #tpu.memory_space<vmem>>, vector<16xi32>,
    %mul3A_9 = arith.constant 10000 : i32
    %mul3A_10 = vector.broadcast %mul3A_9 : i32 to vector<16xi32>
    %mul3A_11 = arith.muli %get3A_8, %mul3A_10 : vector<16xi32>
    %get3A_12 = arith.constant 4992 : index
    %get3A_13 = tpu.vector_load %arg6[%get3A_12] {strides = array<i32>} : memref<5016xi32, #tpu.memory_space<vmem>>, vector<16xi32>,
    %add3A_14 = arith.addi %mul3A_11, %get3A_13 : vector<16xi32>
    %lt3A = arith.constant 8 : i32
    %lt3A_15 = vector.broadcast %lt3A : i32 to vector<16xi32>
    %lt3A_16 = arith.cmpi slt, %iota3A, %lt3A_15 : vector<16xi32>
    %jit3A = arith.constant 0 : i32
    %broadcast_in_dim3A = vector.broadcast %jit3A : i32 to vector<16xi32>
    %select_n3A = arith.select %lt3A_16, %add3A_14, %broadcast_in_dim3A : vector<16xi1>, vector<16xi32>
    %swap3A = arith.constant 0 : index
    %swap3A_17 = tpu.vector_load %arg8[%swap3A] {strides = array<i32>} : memref<128xi32, #tpu.memory_space<vmem>>, vector<16xi32>,
    tpu.vector_store %arg8[%swap3A], %select_n3A {strides = array<i32>} : memref<128xi32, #tpu.memory_space<vmem>>, vector<16xi32>,
    %dma_start3A = arith.constant 0 : i32
    %dma_start3A_18 = arith.constant 0 : i32
    %dma_start3A_19 = tpu.memref_slice %arg9[%dma_start3A, %dma_start3A_18] : memref<128x256xf32, #tpu.memory_space<vmem>> -> memref<8x256xf32, #tpu.memory_space<vmem>>
    %dma_start3A_20 = arith.constant 0 : i32
    %dma_start3A_21 = tpu.memref_slice %arg8[%dma_start3A_20] : memref<128xi32, #tpu.memory_space<vmem>> -> memref<8xi32, #tpu.memory_space<vmem>>
    %dma_start3A_22 = arith.constant 0 : i32
    %dma_start3A_23 = arith.constant 0 : i32
    %dma_start3A_24 = tpu.memref_slice %arg2[%dma_start3A_22, %dma_start3A_23] : memref<160000x256xf32, #tpu.memory_space<hbm>> -> memref<160000x256xf32, #tpu.memory_space<hbm>>
    tpu.enqueue_indirect_dma source(%dma_start3A_24 : memref<160000x256xf32, #tpu.memory_space<hbm>>) target(%dma_start3A_19 : memref<8x256xf32, #tpu.memory_space<vmem>>) offsets(%dma_start3A_21 : memref<8xi32, #tpu.memory_space<vmem>>) semaphore(%arg10 : memref<!tpu.dma_semaphore, #tpu.memory_space<semaphore_mem>>)
    %dma_wait3A = arith.constant 0 : i32
    %dma_wait3A_25 = arith.constant 0 : i32
    %dma_wait3A_26 = tpu.memref_slice %arg9[%dma_wait3A, %dma_wait3A_25] : memref<128x256xf32, #tpu.memory_space<vmem>> -> memref<8x256xf32, #tpu.memory_space<vmem>>
    %dma_wait3A_27 = arith.constant 0 : i32
    %dma_wait3A_28 = tpu.memref_slice %arg8[%dma_wait3A_27] : memref<128xi32, #tpu.memory_space<vmem>> -> memref<8xi32, #tpu.memory_space<vmem>>
    %dma_wait3A_29 = arith.constant 0 : i32
    %dma_wait3A_30 = arith.constant 0 : i32
    %dma_wait3A_31 = tpu.memref_slice %arg2[%dma_wait3A_29, %dma_wait3A_30] : memref<160000x256xf32, #tpu.memory_space<hbm>> -> memref<160000x256xf32, #tpu.memory_space<hbm>>
    tpu.wait_indirect_dma semaphore(%arg10 : memref<!tpu.dma_semaphore, #tpu.memory_space<semaphore_mem>>) src(%dma_wait3A_31 : memref<160000x256xf32, #tpu.memory_space<hbm>>) dst(%dma_wait3A_26 : memref<8x256xf32, #tpu.memory_space<vmem>>)
    %add3A_32 = arith.constant 4992 : i32
    %add3A_33 = arith.addi %multiple_of3A, %add3A_32 : i32
    %multiple_of3A_34 = tpu.assume_multiple %add3A_33, 8 : i32
    "tpu.region"() ({
      %run_scoped3A = tpu.sem_alloc : memref<!tpu.dma_semaphore, #tpu.memory_space<semaphore_mem>>
      %dma_start3A_35 = arith.constant 0 : i32
      %dma_start3A_36 = arith.constant 0 : i32
      %dma_start3A_37 = tpu.memref_slice %arg9[%dma_start3A_35, %dma_start3A_36] : memref<128x256xf32, #tpu.memory_space<vmem>> -> memref<8x256xf32, #tpu.memory_space<vmem>>
      %dma_start3A_38 = arith.constant 0 : i32
      %dma_start3A_39 = tpu.memref_slice %arg5[%multiple_of3A_34, %dma_start3A_38] : memref<160000x256xf32, #tpu.memory_space<hbm>> -> memref<8x256xf32, #tpu.memory_space<hbm>>
      %dma_start3A_40 = arith.constant 0 : i32
      %dma_start3A_41 = tpu.memref_slice %arg5[%multiple_of3A_34, %dma_start3A_40] : memref<160000x256xf32, #tpu.memory_space<hbm>> -> memref<8x256xf32, #tpu.memory_space<hbm>>
      %dma_start3A_42 = arith.constant 0 : i32
      %dma_start3A_43 = arith.constant 0 : i32
      %dma_start3A_44 = tpu.memref_slice %arg9[%dma_start3A_42, %dma_start3A_43] : memref<128x256xf32, #tpu.memory_space<vmem>> -> memref<8x256xf32, #tpu.memory_space<vmem>>
      tpu.enqueue_dma source(%dma_start3A_44 : memref<8x256xf32, #tpu.memory_space<vmem>>) target(%dma_start3A_41 : memref<8x256xf32, #tpu.memory_space<hbm>>) target_semaphore(%run_scoped3A : memref<!tpu.dma_semaphore, #tpu.memory_space<semaphore_mem>>)
      %dma_wait3A_45 = arith.constant 0 : i32
      %dma_wait3A_46 = arith.constant 0 : i32
      %dma_wait3A_47 = tpu.memref_slice %arg9[%dma_wait3A_45, %dma_wait3A_46] : memref<128x256xf32, #tpu.memory_space<vmem>> -> memref<8x256xf32, #tpu.memory_space<vmem>>
      %dma_wait3A_48 = arith.constant 0 : i32
      %dma_wait3A_49 = tpu.memref_slice %arg5[%multiple_of3A_34, %dma_wait3A_48] : memref<160000x256xf32, #tpu.memory_space<hbm>> -> memref<8x256xf32, #tpu.memory_space<hbm>>
      %dma_wait3A_50 = arith.constant 0 : i32
      %dma_wait3A_51 = tpu.memref_slice %arg5[%multiple_of3A_34, %dma_wait3A_50] : memref<160000x256xf32, #tpu.memory_space<hbm>> -> memref<8x256xf32, #tpu.memory_space<hbm>>
      %dma_wait3A_52 = arith.constant 0 : i32
      %dma_wait3A_53 = arith.constant 0 : i32
      %dma_wait3A_54 = tpu.memref_slice %arg9[%dma_wait3A_52, %dma_wait3A_53] : memref<128x256xf32, #tpu.memory_space<vmem>> -> memref<8x256xf32, #tpu.memory_space<vmem>>
      tpu.wait_dma2 semaphore(%run_scoped3A : memref<!tpu.dma_semaphore, #tpu.memory_space<semaphore_mem>>) src(%dma_wait3A_54 : memref<8x256xf32, #tpu.memory_space<vmem>>) dst(%dma_wait3A_51 : memref<8x256xf32, #tpu.memory_space<hbm>>)
      tpu.yield
    }) : () -> ()
    return
  }
}

module attributes {stable_mosaic.version = 14 : i64} {
  func.func @body(%arg0: memref<16x8xf32, #tpu.memory_space<vmem>>, %arg1: memref<8x65536xf32, #tpu.memory_space<vmem>>, %arg2: memref<16x65536xf32, #tpu.memory_space<vmem>>) attributes {dimension_semantics = [], scalar_prefetch = 0 : i64, scratch_operands = 0 : i64, tpu.core_type = #tpu.core_type<tc>} {
    %get3A = arith.constant 0 : index
    %get3A_0 = arith.constant 0 : index
    %get3A_1 = vector.load %arg0[%get3A, %get3A_0] : memref<16x8xf32, #tpu.memory_space<vmem>>, vector<16x8xf32>
    %get3A_2 = arith.constant 0 : index
    %get3A_3 = arith.constant 0 : index
    %get3A_4 = vector.load %arg1[%get3A_2, %get3A_3] : memref<8x65536xf32, #tpu.memory_space<vmem>>, vector<8x65536xf32>
    %dot_general3A = arith.constant dense<0.000000e+00> : vector<16x65536xf32>
    %dot_general3A_5 = tpu.matmul %get3A_1, %get3A_4, %dot_general3A {dimension_numbers = #tpu.dot_dimension_numbers<[1], [0], [0], [1], [0, 0, 1, 1], [], []>, transpose_lhs_hint = false} : vector<16x8xf32>, vector<8x65536xf32>, vector<16x65536xf32> -> vector<16x65536xf32>
    %swap3A = arith.constant 0 : index
    %swap3A_6 = arith.constant 0 : index
    %swap3A_7 = vector.load %arg2[%swap3A, %swap3A_6] : memref<16x65536xf32, #tpu.memory_space<vmem>>, vector<16x65536xf32>
    tpu.vector_store %arg2[%swap3A, %swap3A_6], %dot_general3A_5 {strides = array<i32>} : memref<16x65536xf32, #tpu.memory_space<vmem>>, vector<16x65536xf32>,
    return
  }
}

module attributes {stable_mosaic.version = 14 : i64} {
  func.func @body(%arg0: i32, %arg1: i32, %arg2: memref<400x256xf32, #tpu.memory_space<vmem>>, %arg3: memref<4096x256xf32, #tpu.memory_space<vmem>>, %arg4: memref<1x400x256xf32, #tpu.memory_space<vmem>>) attributes {dimension_semantics = [#tpu.dimension_semantics<arbitrary>, #tpu.dimension_semantics<arbitrary>], iteration_bounds = array<i64: 25, 16>, scalar_prefetch = 0 : i64, scratch_operands = 0 : i64, tpu.core_type = #tpu.core_type<tc>, window_params = [{transform_indices = @transform_0, window_bounds = array<i64: 400, 256>}, {pipeline_mode = #tpu.pipeline_mode<synchronous>, transform_indices = @transform_1, window_bounds = array<i64: 4096, 256>}, {transform_indices = @transform_2, window_bounds = array<i64: 1, 400, 256>}]} {
    %mul3A = arith.constant 256 : i32
    %mul3A_0 = arith.muli %arg1, %mul3A : i32
    %multiple_of3A = tpu.assume_multiple %mul3A_0, 256 : i32
    %get3A = arith.constant 0 : index
    %get3A_1 = arith.constant 0 : index
    %get3A_2 = vector.load %arg2[%get3A, %get3A_1] : memref<400x256xf32, #tpu.memory_space<vmem>>, vector<400x256xf32>
    %get3A_3 = arith.index_cast %multiple_of3A : i32 to index
    %get3A_4 = arith.constant 0 : index
    %get3A_5 = vector.load %arg3[%get3A_3, %get3A_4] : memref<4096x256xf32, #tpu.memory_space<vmem>>, vector<256x256xf32>
    %dot_general3A = arith.constant dense<0.000000e+00> : vector<400x256xf32>
    %dot_general3A_6 = tpu.matmul %get3A_2, %get3A_5, %dot_general3A {dimension_numbers = #tpu.dot_dimension_numbers<[1], [0], [0], [1], [0, 0, 1, 1], [], []>, transpose_lhs_hint = false} : vector<400x256xf32>, vector<256x256xf32>, vector<400x256xf32> -> vector<400x256xf32>
    %swap3A = arith.constant 0 : index
    %swap3A_7 = arith.constant 0 : index
    %swap3A_8 = arith.constant 0 : index
    %swap3A_9 = vector.load %arg4[%swap3A, %swap3A_7, %swap3A_8] : memref<1x400x256xf32, #tpu.memory_space<vmem>>, vector<1x400x256xf32>
    %swap3A_10 = vector.shape_cast %swap3A_9 : vector<1x400x256xf32> to vector<400x256xf32>
    %swap3A_11 = vector.shape_cast %dot_general3A_6 : vector<400x256xf32> to vector<1x400x256xf32>
    tpu.vector_store %arg4[%swap3A, %swap3A_7, %swap3A_8], %swap3A_11 {strides = array<i32>} : memref<1x400x256xf32, #tpu.memory_space<vmem>>, vector<1x400x256xf32>,
    return
  }
  func.func @transform_0(%arg0: i32, %arg1: i32) -> (i32, i32) {
    %c0_i32 = arith.constant 0 : i32
    %c0_i32_0 = arith.constant 0 : i32
    return %arg0, %c0_i32 : i32, i32
  }
  func.func @transform_1(%arg0: i32, %arg1: i32) -> (i32, i32) {
    %c0_i32 = arith.constant 0 : i32
    %c0_i32_0 = arith.constant 0 : i32
    %c0_i32_1 = arith.constant 0 : i32
    return %c0_i32, %c0_i32_0 : i32, i32
  }
  func.func @transform_2(%arg0: i32, %arg1: i32) -> (i32, i32, i32) {
    %c0_i32 = arith.constant 0 : i32
    %c0_i32_0 = arith.constant 0 : i32
    return %arg1, %arg0, %c0_i32 : i32, i32, i32
  }
}

module attributes {stable_mosaic.version = 14 : i64} {
  func.func @body(%arg0: i32, %arg1: memref<2000x256xf32, #tpu.memory_space<vmem>>, %arg2: memref<2000x1xf32, #tpu.memory_space<vmem>>, %arg3: memref<2000x256xf32, #tpu.memory_space<vmem>>) attributes {dimension_semantics = [#tpu.dimension_semantics<arbitrary>], iteration_bounds = array<i64: 5>, scalar_prefetch = 0 : i64, scratch_operands = 0 : i64, tpu.core_type = #tpu.core_type<tc>, window_params = [{transform_indices = @transform_0, window_bounds = array<i64: 2000, 256>}, {transform_indices = @transform_1, window_bounds = array<i64: 2000, 1>}, {transform_indices = @transform_2, window_bounds = array<i64: 2000, 256>}]} {
    %get3A = arith.constant 0 : index
    %get3A_0 = arith.constant 0 : index
    %get3A_1 = vector.load %arg2[%get3A, %get3A_0] : memref<2000x1xf32, #tpu.memory_space<vmem>>, vector<2000x1xf32>
    %max3A = arith.constant 1.000000e+00 : f32
    %max3A_2 = vector.broadcast %max3A : f32 to vector<2000x1xf32>
    %max3A_3 = arith.maximumf %get3A_1, %max3A_2 : vector<2000x1xf32>
    %div3A = arith.constant 1.000000e+00 : f32
    %div3A_4 = vector.broadcast %div3A : f32 to vector<2000x1xf32>
    %div3A_5 = arith.divf %div3A_4, %max3A_3 : vector<2000x1xf32>
    %get3A_6 = arith.constant 0 : index
    %get3A_7 = arith.constant 0 : index
    %get3A_8 = vector.load %arg1[%get3A_6, %get3A_7] : memref<2000x256xf32, #tpu.memory_space<vmem>>, vector<2000x256xf32>
    %mul3A = vector.broadcast %div3A_5 : vector<2000x1xf32> to vector<2000x256xf32>
    %mul3A_9 = arith.mulf %get3A_8, %mul3A : vector<2000x256xf32>
    %max3A_10 = arith.constant 0.000000e+00 : f32
    %max3A_11 = vector.broadcast %max3A_10 : f32 to vector<2000x256xf32>
    %max3A_12 = arith.maximumf %mul3A_9, %max3A_11 : vector<2000x256xf32>
    %swap3A = arith.constant 0 : index
    %swap3A_13 = arith.constant 0 : index
    %swap3A_14 = vector.load %arg3[%swap3A, %swap3A_13] : memref<2000x256xf32, #tpu.memory_space<vmem>>, vector<2000x256xf32>
    tpu.vector_store %arg3[%swap3A, %swap3A_13], %max3A_12 {strides = array<i32>} : memref<2000x256xf32, #tpu.memory_space<vmem>>, vector<2000x256xf32>,
    return
  }
  func.func @transform_0(%arg0: i32) -> (i32, i32) {
    %c0_i32 = arith.constant 0 : i32
    %c0_i32_0 = arith.constant 0 : i32
    return %arg0, %c0_i32 : i32, i32
  }
  func.func @transform_1(%arg0: i32) -> (i32, i32) {
    %c0_i32 = arith.constant 0 : i32
    %c0_i32_0 = arith.constant 0 : i32
    return %arg0, %c0_i32 : i32, i32
  }
  func.func @transform_2(%arg0: i32) -> (i32, i32) {
    %c0_i32 = arith.constant 0 : i32
    %c0_i32_0 = arith.constant 0 : i32
    return %arg0, %c0_i32 : i32, i32
  }
}

module attributes {stable_mosaic.version = 14 : i64} {
  func.func @body(%arg0: i32, %arg1: memref<2000x256xf32, #tpu.memory_space<vmem>>, %arg2: memref<2000x1xf32, #tpu.memory_space<vmem>>, %arg3: memref<2000x256xf32, #tpu.memory_space<vmem>>) attributes {dimension_semantics = [#tpu.dimension_semantics<arbitrary>], iteration_bounds = array<i64: 5>, scalar_prefetch = 0 : i64, scratch_operands = 0 : i64, tpu.core_type = #tpu.core_type<tc>, window_params = [{transform_indices = @transform_0, window_bounds = array<i64: 2000, 256>}, {transform_indices = @transform_1, window_bounds = array<i64: 2000, 1>}, {transform_indices = @transform_2, window_bounds = array<i64: 2000, 256>}]} {
    %get3A = arith.constant 0 : index
    %get3A_0 = arith.constant 0 : index
    %get3A_1 = vector.load %arg2[%get3A, %get3A_0] : memref<2000x1xf32, #tpu.memory_space<vmem>>, vector<2000x1xf32>
    %max3A = arith.constant 1.000000e+00 : f32
    %max3A_2 = vector.broadcast %max3A : f32 to vector<2000x1xf32>
    %max3A_3 = arith.maximumf %get3A_1, %max3A_2 : vector<2000x1xf32>
    %div3A = arith.constant 1.000000e+00 : f32
    %div3A_4 = vector.broadcast %div3A : f32 to vector<2000x1xf32>
    %div3A_5 = arith.divf %div3A_4, %max3A_3 : vector<2000x1xf32>
    %get3A_6 = arith.constant 0 : index
    %get3A_7 = arith.constant 0 : index
    %get3A_8 = vector.load %arg1[%get3A_6, %get3A_7] : memref<2000x256xf32, #tpu.memory_space<vmem>>, vector<2000x256xf32>
    %mul3A = vector.broadcast %div3A_5 : vector<2000x1xf32> to vector<2000x256xf32>
    %mul3A_9 = arith.mulf %get3A_8, %mul3A : vector<2000x256xf32>
    %max3A_10 = arith.constant 0.000000e+00 : f32
    %max3A_11 = vector.broadcast %max3A_10 : f32 to vector<2000x256xf32>
    %max3A_12 = arith.maximumf %mul3A_9, %max3A_11 : vector<2000x256xf32>
    %swap3A = arith.constant 0 : index
    %swap3A_13 = arith.constant 0 : index
    %swap3A_14 = vector.load %arg3[%swap3A, %swap3A_13] : memref<2000x256xf32, #tpu.memory_space<vmem>>, vector<2000x256xf32>
    tpu.vector_store %arg3[%swap3A, %swap3A_13], %max3A_12 {strides = array<i32>} : memref<2000x256xf32, #tpu.memory_space<vmem>>, vector<2000x256xf32>,
    return
  }
  func.func @transform_0(%arg0: i32) -> (i32, i32) {
    %c0_i32 = arith.constant 0 : i32
    %c0_i32_0 = arith.constant 0 : i32
    return %arg0, %c0_i32 : i32, i32
  }
  func.func @transform_1(%arg0: i32) -> (i32, i32) {
    %c0_i32 = arith.constant 0 : i32
    %c0_i32_0 = arith.constant 0 : i32
    return %arg0, %c0_i32 : i32, i32
  }
  func.func @transform_2(%arg0: i32) -> (i32, i32) {
    %c0_i32 = arith.constant 0 : i32
    %c0_i32_0 = arith.constant 0 : i32
    return %arg0, %c0_i32 : i32, i32
  }
}

</mosaic_0001>

<sc_bundles>
// kernel: kernel.10.cloned.1.call-start
scs
__scs_entry_jumppad:
0x0: {  	(pc) =	sbr.rel $0x88, $3  }
0x1: {  	(tag) =	ssettag $0x0;
	lr =	simm.s32 $0x1  }
0x2: {  	[smem:$0x3F98] =	sst lr;
	_ =	strace $0xD0000000  }
0x3: {  	_ = 	snop  }
0x4: {  	_ = 	snop  }
0x5: {  	_ = 	snop  }
0x6: {  	_ = 	snop  }
0x7: {  	_ = 	snop  }
__scs_overlays_trampoline_lowered:
0x8: {  	[smem:$0x3FA7] =	sst s0  }
0x9: {  	[smem:$0x3FA8] =	sst s1  }
0xa: {  	[smem:$0x3FA9] =	sst s2  }
0xb: {  	[smem:$0x3FAA] =	sst s3  }
0xc: {  	[smem:$0x3FAB] =	sst s4  }
0xd: {  	[smem:$0x3FAC] =	sst s5  }
0xe: {  	[smem:$0x3FAD] =	sst s6  }
0xf: {  	[smem:$0x3FAE] =	sst s7  }
0x10: {  	[smem:$0x3FAF] =	sst s8  }
0x11: {  	[smem:$0x3FB0] =	sst s9;
	s0 =	simm.s32 @!p0 $0x0  }
0x12: {  	s1 =	sld [smem:$0x3F96];
	s0 =	simm.s32 @p0 $0x1  }
0x13: {  	[smem:$0x3FB1] =	sst s0;
	s0 =	simm.s32 @!p1 $0x0  }
0x14: {  	s2 =	sld [smem:$0x3F95];
	s0 =	simm.s32 @p1 $0x1  }
0x15: {  	[smem:$0x3FB2] =	sst s0;
	s0 =	simm.s32 @!p2 $0x0  }
0x16: {  	s3 =	sld [smem:$0x3FDB];
	s0 =	simm.s32 @p2 $0x1  }
0x17: {  	s4 =	simm.s32 $0x1BF5;
	[smem:$0x3FB4] =	sst s0  }
0x18: {  	s0 =	sld [smem:$0x3F97];
	_ =	swait.ge [sflag:s4], $0x0  }
0x19: {  	s7 =	sld [smem:$0x3F98]  }
0x1a: {  	s8 =	sadd.s32 $0xFFFFE003, lr  }
0x1b: {  	s9 =	sadd.s32 $0xFFFFFEF7, lr;
	s5 =	simm.s32 $0xFFFFFFFF;
	p2 =	slt.u32 s8, $0xFFFFF086  }
0x1c: {  	p1 =	slt.u32 s9, $0xF7A;
	s5 =	simm.s32 @!p2 $0x0  }
0x1d: {  	s5 =	simm.s32 @p1 $0x1;
	p0 =	seq.s32 s7, s2  }
0x1e: {  	s7 =	smul.u32 @!p0 $0xF7A, s2;
	p2 =	seq.s32 @!p0 s5, $0x0  }
0x1f: {  	s9 =	smul.u32 $0xF7A, s1;
	s8 =	simm.s32 @!p0 $0x1BF5;
	p2 =	por !p2, p0  }
0x20: {  	[sflag:s8] =	ssyncset.s32 @!p0 $0xFFFFF086;
	s6 =	sadd.s32 @!p0 s3, s7;
	s7 =	simm.s32 @!p0 $0x108  }
0x21: {  	s3 =	sadd.s32 s3, s9;
	s6 =	sadd.s32 @!p0 $0x88, s6;
	s7 =	simm.s32 @p2 $0x1082  }
0x22: {  	[simem:s7], [sflag:s8] =	dma.local @!p0 [hbm:s6], $0xF7A  }
0x23: {  	s9 =	sor.u32 $0xD0000000, s2;
	s6 =	simm.s32 $0x108;
	_ =	swait.ge @!p0 [sflag:s8], $0x0  }
0x24: {  	s3 =	sadd.s32 $0x88, s3;
	s6 =	simm.s32 @!p1 $0x1082;
	[sflag:s4] =	ssyncset.s32 $0xFFFFF086  }
0x25: {  	[simem:s6], [sflag:s4] =	dma.local [hbm:s3], $0xF7A  }
0x26: {  	[smem:$0x3F98] =	sst s1;
	(tag) =	ssettag s2;
	_ =	strace s9  }
0x27: {  	s1 =	sld [smem:$0x3FA8]  }
0x28: {  	s2 =	sld [smem:$0x3FA9]  }
0x29: {  	s4 =	sld [smem:$0x3FAB]  }
0x2a: {  	p0 =	seq.s32 s5, $0x0;
	s5 =	sld [smem:$0x3FAC]  }
0x2b: {  	s6 =	sld [smem:$0x3FAD]  }
0x2c: {  	s7 =	sld [smem:$0x3FAE]  }
0x2d: {  	s3 =	simm.s32 $0x108;
	s8 =	sld [smem:$0x3FAF]  }
0x2e: {  	s3 =	simm.s32 @!p0 $0x1082;
	s9 =	sld [smem:$0x3FB0]  }
0x2f: {  	lr =	sadd.s32 s0, s3;
	s0 =	sld [smem:$0x3FA7]  }
0x30: {  	s3 =	sld [smem:$0x3FAA]  }
0x31: {  	[smem:$0x3FB3] =	sst s10  }
0x32: {  	s10 =	sld [smem:$0x3FB1];
	_ =	sdelay $0x3  }
0x33: {  	p0 =	seq.s32 s10, $0x1;
	s10 =	sld [smem:$0x3FB3];
	_ =	sdelay $0x3  }
0x34: {  	[smem:$0x3FB3] =	sst s10  }
0x35: {  	s10 =	sld [smem:$0x3FB2];
	_ =	sdelay $0x3  }
0x36: {  	p1 =	seq.s32 s10, $0x1;
	s10 =	sld [smem:$0x3FB3];
	_ =	sdelay $0x3  }
0x37: {  	[smem:$0x3FB3] =	sst s10  }
0x38: {  	s10 =	sld [smem:$0x3FB4]  }
0x39: {  	_ = 	snop;
	(pc) =	sbr.ind lr, $3  }
0x3a: {  	_ = 	snop  }
0x3b: {  	_ = 	snop  }
0x3c: {  	p2 =	seq.s32 s10, $0x1;
	s10 =	sld [smem:$0x3FB3]  }
0x3d: {  	_ =	shalt  }
0x3e: {  	_ =	shalt  }
0x3f: {  	_ =	shalt  }
0x40: {  	_ =	shalt  }
0x41: {  	_ =	shalt  }
0x42: {  	_ =	shalt  }
0x43: {  	_ =	shalt  }
0x44: {  	_ =	shalt  }
0x45: {  	_ =	shalt  }
0x46: {  	_ =	shalt  }
0x47: {  	_ =	shalt  }
0x48: {  	_ =	shalt  }
0x49: {  	_ =	shalt  }
0x4a: {  	_ =	shalt  }
0x4b: {  	_ =	shalt  }
0x4c: {  	_ =	shalt  }
0x4d: {  	_ =	shalt  }
0x4e: {  	_ =	shalt  }
0x4f: {  	_ =	shalt  }
0x50: {  	_ =	shalt  }
0x51: {  	_ =	shalt  }
0x52: {  	_ =	shalt  }
0x53: {  	_ =	shalt  }
0x54: {  	_ =	shalt  }
0x55: {  	_ =	shalt  }
0x56: {  	_ =	shalt  }
0x57: {  	_ =	shalt  }
0x58: {  	_ =	shalt  }
0x59: {  	_ =	shalt  }
0x5a: {  	_ =	shalt  }
0x5b: {  	_ =	shalt  }
0x5c: {  	_ =	shalt  }
0x5d: {  	_ =	shalt  }
0x5e: {  	_ =	shalt  }
0x5f: {  	_ =	shalt  }
0x60: {  	_ =	shalt  }
0x61: {  	_ =	shalt  }
0x62: {  	_ =	shalt  }
0x63: {  	_ =	shalt  }
0x64: {  	_ =	shalt  }
0x65: {  	_ =	shalt  }
0x66: {  	_ =	shalt  }
0x67: {  	_ =	shalt  }
0x68: {  	_ =	shalt  }
0x69: {  	_ =	shalt  }
0x6a: {  	_ =	shalt  }
0x6b: {  	_ =	shalt  }
0x6c: {  	_ =	shalt  }
0x6d: {  	_ =	shalt  }
0x6e: {  	_ =	shalt  }
0x6f: {  	_ =	shalt  }
0x70: {  	_ =	shalt  }
0x71: {  	_ =	shalt  }
0x72: {  	_ =	shalt  }
0x73: {  	_ =	shalt  }
0x74: {  	_ =	shalt  }
0x75: {  	_ =	shalt  }
0x76: {  	_ =	shalt  }
0x77: {  	_ =	shalt  }
0x78: {  	_ =	shalt  }
0x79: {  	_ =	shalt  }
0x7a: {  	_ =	shalt  }
0x7b: {  	_ =	shalt  }
0x7c: {  	_ =	shalt  }
0x7d: {  	_ =	shalt  }
0x7e: {  	_ =	shalt  }
0x7f: {  	_ =	shalt  }
0x80: {  	_ =	shalt  }
0x81: {  	_ =	shalt  }
0x82: {  	_ =	shalt  }
0x83: {  	_ =	shalt  }
0x84: {  	_ =	shalt  }
0x85: {  	_ =	shalt  }
0x86: {  	_ =	shalt  }
0x87: {  	_ =	shalt  }
.Lfunc_end0:
.L_simem_size_0:
called_computation.4_lowered:
.L_overlay_start_0:
0x88: {  	s2 =	sld [smem:$0x3FD9]  }
0x89: {  	s3 =	sld [smem:$0x3FFE];
	_ =	sdelay $0x1  }
0x8a: {  	s1 =	srdreg.scid  }
0x8b: {  	s0 =	sand.u32 $0x1, s1  }
0x8c: {  	s17 =	sshll.u32 s0, $0xA;
	s2 =	sadd.s32 s3, s2  }
0x8d: {  	s2 =	sadd.s32 s2, s17  }
0x8e: {  	[smem:$0x3FBF] =	sst s2  }
0x8f: {  	_ = 	snop  }
0x90: {  	s2 =	sld [smem:$0x3FC7];
	(tm) =	ssettm $0x1  }
0x91: {  	s18 =	sld [smem:$0x3FFB];
	_ =	sdelay $0x3  }
0x92: {  	_ =	strace s18  }
0x93: {  	s3 =	sld [smem:$0x3FFC];
	_ =	sdelay $0x3  }
0x94: {  	_ =	strace s3  }
0x95: {  	s3 =	sld [smem:$0x3FFD];
	_ =	sdelay $0x3  }
0x96: {  	_ =	strace s3  }
0x97: {  	_ =	strace $0x8FFFFFFF  }
0x98: {  	s19 =	sld [smem:$0x3FDB];
	_ =	sdelay $0x1  }
0x99: {  	s4 =	simm.s32 $_scs_section_size  }
0x9a: {  	s5 =	simm.s32 $_size__tile_overlayer_lowered;
	s6 =	simm.s32 $_tile_overlayer_lowered  }
0x9b: {  	s22 =	simm.s32 $0x1BFF;
	s21 =	sshll.u32 s6, $0x1;
	s3 =	sadd.s32 s4, s19  }
0x9c: {  	s7 =	simm.s32 $0x0;
	s20 =	sshll.u32 s5, $0x1;
	s5 =	sadd.s32 s21, s3  }
0x9d: {  	[timem:s7], [sflag:s22] =	dma.local [hbm:s5], s20  }
0x9e: {  	_ =	swait.ge [sflag:s22], s20  }
0x9f: {  	s4 =	ssub.s32 $0x0, s20;
	[sflag:s22] =	ssyncset.done $0x0  }
0xa0: {  	[sflag:s22] =	ssyncadd.s32 s4;
	_ =	sdelay $0x1  }
0xa1: {  	s23 =	simm.s32 $0x1B8B  }
0xa2: {  	_ =	swait.ge [sflag:s23], $0x1  }
0xa3: {  	[sflag:s23] =	ssyncset.done $0x0  }
0xa4: {  	s25 =	simm.s32 $0x1B8E;
	s24 =	sld [smem:$0x3FFE];
	[sflag:s23] =	ssyncadd.s32 $0xFFFFFFFF  }
0xa5: {  	s26 =	simm.s32 $execute0_lowered;
	[smem:$0x3FD2] =	sst s25  }
0xa6: {  	s5 =	sshll.u32 s26, $0x1;
	_ =	strace $0x80000046;
	[dreg:$0x1] =	wrdreg $0xFFFFFFFF  }
0xa7: {  	s28 =	simm.s32 $_size_execute0_lowered;
	s3 =	sadd.s32 s3, s5;
	[dreg:$0x0] =	wrdreg $0x0  }
0xa8: {  	s5 =	sshll.u32 s28, $0x1;
	[dreg:$0x2] =	wrdreg s3  }
0xa9: {  	[dreg:$0x3] =	wrdreg s5  }
0xaa: {  	[dreg:$0x4] =	wrdreg $0xC0  }
0xab: {  	_ =	task [dreg:s7], $0x5FFFF  }
0xac: {  	[dreg:$0x1] =	wrdreg $0xFFFFFFFF  }
0xad: {  	[dreg:$0x0] =	wrdreg $0x60  }
0xae: {  	[dreg:$0x2] =	wrdreg s24  }
0xaf: {  	[dreg:$0x3] =	wrdreg s2  }
0xb0: {  	[dreg:$0x4] =	wrdreg $0xB  }
0xb1: {  	_ =	task.clear_ibuf [dreg:s7], $0x5FFFF;
	_ =	strace $0x90000046  }
0xb2: {  	s29 =	simm.s32 $0xB;
	_ =	strace $0x80000048  }
0xb3: {  	_ =	swait.ge [sflag:s29], $0x1  }
0xb4: {  	[sflag:s29] =	ssyncadd.s32 $0xFFFFFFFF  }
0xb5: {  	_ =	strace $0x90000048  }
0xb6: {  	_ =	sfence  }
0xb7: {  	s30 =	sld [smem:$0x0];
	_ =	sdelay $0x2  }
0xb8: {  	s31 =	sshll.u32 s1, $0xD;
	s1 =	sshrl.u32 s1, $0x2  }
0xb9: {  	s3 =	sand.u32 $0x4000, s31;
	s1 =	sadd.s32 s1, s30  }
0xba: {  	s0 =	sor.u32 s3, s0;
	s1 =	sshll.u32 s1, $0x11  }
0xbb: {  	s0 =	sor.u32 s1, s0  }
0xbc: {  	s0 =	sadd.s32 $0x8F2B, s0  }
0xbd: {  	[sflag:s0] =	ssyncadd.remote.s32 $0x1  }
0xbe: {  	_ =	sfence.sel $0xFFFF  }
0xbf: {  	[dreg:$0x0] =	wrdreg $0xFFFFFFFF;
	(pc) =	sbr.abs _section_cstart, $3  }
0xc0: {  	[dreg:$0x1] =	wrdreg $0xFFFFFFFF  }
0xc1: {  	_ =	task.clear_ibuf [dreg:s7], $0x2FFFF;
	_ =	strace $0x9FFFFFFF  }
0xc2: {  	(tm) =	ssettm $0x7FFFFFFF  }
0xc3: {  	_ =	shalt  }
tec
execute0_lowered:
.L_overlay_start_1:
0x0: {  	(tag) =	ssettag $0x1  }
0x1: {  	s4 =	rddreg [dreg:$0x0]  }
0x2: {  	s1 =	srdreg.scid;
	s0 =	stileid.u32  }
0x3: {  	s5 =	rddreg [dreg:$0x1];
	s2 =	simm.s32 $0x0;
	s13 =	simm.s32 $0x3880  }
0x4: {  	s14 =	simm.s32 $0x4080;
	s15 =	simm.s32 $0x4880;
	s16 =	simm.s32 $0x5080  }
0x5: {  	s17 =	simm.s32 $0x5880;
	s18 =	simm.s32 $0x6080;
	s19 =	simm.s32 $0x6880  }
0x6: {  	s20 =	simm.s32 $0x7080;
	s21 =	simm.s32 $0x7880;
	s22 =	simm.s32 $0x8080  }
0x7: {  	s23 =	simm.s32 $0x8880;
	s24 =	simm.s32 $0x9080;
	s25 =	simm.s32 $0x9880  }
0x8: {  	s26 =	simm.s32 $0xA080;
	s28 =	simm.s32 $0x1;
	s29 =	simm.s32 $0x0  }
0x9: {  	s6 =	sand.u32 $0x1, s1;
	s3 =	sshll.u32 s0, $0x1;
	s10 =	smul.u32 $0x271000, s0  }
0xa: {  	s3 =	sor.u32 s6, s3;
	s9 =	ssub.s32 $0x2, s6;
	s6 =	smul.u32 $0x138800, s6  }
0xb: {  	[smem:$0x7FF] =	sst s2;
	s11 =	sadd.s32 $0x4E7000, s4;
	s7 =	smul.u32 $0x271, s3  }
0xc: {  	_ =	strace $0x80000047;
	s8 =	smul.u32 $0x138800, s3;
	s12 =	sshrl.u32 s9, $0x1  }
0xd: {  	s3 =	sadd.s32 $0x5000, s4;
	s9 =	ssub.s32 s9, s12;
	s31 =	sadd.s32 s6, s10  }
0xe: {  	s10 =	simm.s32 $0x1400;
	s12 =	simm.s32 $0x3080;
	s4 =	sadd.s32 s4, s7  }
0xf: {  	v2 =	vlaneseq.u32;
	s8 =	sshrl.u32 s8, $0x3;
	s5 =	sadd.s32 s5, s7;
	s7 =	smax.u32 s9, $0x1  }
0x10: {  	vm0 =	vmmov $0xffff;
	vm1 =	vmmov $0xff;
	v1 =	vshrl.u32 v2, $0x3;
	s9 =	simm.s32 $0x2;
	s30 =	sadd.s32 s11, s8;
	s8 =	sshrl.u32 s31, $0x3  }
0x11: {  	v0 =	vand.u32 $0x7, v2;
	v2 =	vor.u32 $0x8, v2;
	v1 =	vmul.u32 $0x8, v1;
	s6 =	sadd.s32 $0x27000, s30;
	s8 =	sadd.s32 s8, s11;
	s11 =	simm.s32 $0x2880  }
.LBB2_1:
0x12: {  	[tilespmem:s2], [sflag:$0x2] =	stream.linear.gather [hbm4b:s4+s2], $0x1388, $0x38;
	[tilespmem:$0xA880] =	vst v63  }
0x13: {  	_ =	swait.ge [sflag:s9], $0x1388  }
0x14: {  	[sflag:s9] =	ssyncset.done $0x0  }
0x15: {  	[sflag:s9] =	ssyncadd.s32 $0xFFFFEC78  }
0x16: {  	[tilespmem:s10], [sflag:$0x2] =	stream.linear.gather [hbm4b:s5+s2], $0x1388, $0x38;
	[tilespmem:$0xA880] =	vst v63  }
0x17: {  	_ =	swait.ge [sflag:s9], $0x1388  }
0x18: {  	[sflag:s9] =	ssyncset.done $0x0  }
0x19: {  	s30 =	simm.s32 $0x0;
	s31 =	smov.u32 s8;
	[sflag:s9] =	ssyncadd.s32 $0xFFFFEC78  }
.LBB2_2:
0x1a: {  	s1 =	sshra.s32 s30, $0x2  }
0x1b: {  	v3 =	vld [tilespmem:s1+$0x1400];
	_ =	sdelay $0x1  }
0x1c: {  	v4 =	vld [tilespmem:s1+$0x0];
	_ =	sdelay $0x2  }
0x1d: {  	v3 =	vmul.u32 $0x2710, v3;
	_ =	sdelay $0x1  }
0x1e: {  	v3 =	vadd.s32 v4, v3  }
0x1f: {  	[tilespmem:$0x2800] =	vst v3  }
0x20: {  	v5 =	vld [tilespmem:s1+$0x1410];
	_ =	sdelay $0x1  }
0x21: {  	v6 =	vld [tilespmem:s1+$0x10];
	_ =	sdelay $0x2  }
0x22: {  	v5 =	vmul.u32 $0x2710, v5;
	_ =	sdelay $0x1  }
0x23: {  	v5 =	vadd.s32 v6, v5  }
0x24: {  	[tilespmem:$0x2810] =	vst v5  }
0x25: {  	v5 =	vld [tilespmem:s1+$0x1420];
	_ =	sdelay $0x1  }
0x26: {  	v50 =	vld [tilespmem:s1+$0x20];
	_ =	sdelay $0x2  }
0x27: {  	v5 =	vmul.u32 $0x2710, v5;
	_ =	sdelay $0x1  }
0x28: {  	v5 =	vadd.s32 v50, v5  }
0x29: {  	[tilespmem:$0x2820] =	vst v5  }
0x2a: {  	v5 =	vld [tilespmem:s1+$0x1430];
	_ =	sdelay $0x1  }
0x2b: {  	v51 =	vld [tilespmem:s1+$0x30];
	_ =	sdelay $0x2  }
0x2c: {  	v5 =	vmul.u32 $0x2710, v5;
	_ =	sdelay $0x1  }
0x2d: {  	v5 =	vadd.s32 v51, v5  }
0x2e: {  	[tilespmem:$0x2830] =	vst v5  }
0x2f: {  	v5 =	vld [tilespmem:s1+$0x1440];
	_ =	sdelay $0x1  }
0x30: {  	v52 =	vld [tilespmem:s1+$0x40];
	_ =	sdelay $0x2  }
0x31: {  	v5 =	vmul.u32 $0x2710, v5;
	_ =	sdelay $0x1  }
0x32: {  	v5 =	vadd.s32 v52, v5  }
0x33: {  	[tilespmem:$0x2840] =	vst v5  }
0x34: {  	v5 =	vld [tilespmem:s1+$0x1450];
	_ =	sdelay $0x1  }
0x35: {  	v53 =	vld [tilespmem:s1+$0x50];
	_ =	sdelay $0x2  }
0x36: {  	v5 =	vmul.u32 $0x2710, v5;
	_ =	sdelay $0x1  }
0x37: {  	v5 =	vadd.s32 v53, v5  }
0x38: {  	[tilespmem:$0x2850] =	vst v5  }
0x39: {  	v5 =	vld [tilespmem:s1+$0x1460];
	_ =	sdelay $0x1  }
0x3a: {  	v54 =	vld [tilespmem:s1+$0x60];
	_ =	sdelay $0x2  }
0x3b: {  	v5 =	vmul.u32 $0x2710, v5;
	_ =	sdelay $0x1  }
0x3c: {  	v5 =	vadd.s32 v54, v5  }
0x3d: {  	v3 =	vshll.u32 v3, $0x1;
	[tilespmem:$0x2860] =	vst v5  }
0x3e: {  	v4 =	vand.u32 $0x7, v4;
	v3 =	vand.u32 $0xFFFFFFF0, v3;
	v5 =	vld [tilespmem:s1+$0x1470]  }
0x3f: {  	v3 =	vor.u32 v4, v3  }
0x40: {  	v56 =	vperm.xlane v3, v0;
	v55 =	vld [tilespmem:s1+$0x70];
	_ =	sdelay $0x1  }
0x41: {  	v3 =	vperm.xlane v3, v2;
	v6 =	vadd.s32 v1, v56  }
0x42: {  	v5 =	vmul.u32 $0x2710, v5  }
0x43: {  	v3 =	vadd.s32 v1, v3  }
0x44: {  	v4 =	vadd.s32 v55, v5  }
0x45: {  	[tilespmem:$0x2870] =	vst v4  }
0x46: {  	[tilespmem:s11], [sflag:$0x1] =	stream.indirect_vreg.gather [hbm4b:s3+s2], $0x80, v6, vm0, $0xb8;
	[tilespmem:$0xA880] =	vst v63  }
0x47: {  	_ = 	snop  }
0x48: {  	[tilespmem:s12], [sflag:$0x1] =	stream.indirect_vreg.gather [hbm4b:s3+s2], $0x80, v3, vm0, $0xb8;
	[tilespmem:$0xA880] =	vst v63  }
0x49: {  	v3 =	vld [tilespmem:$0x2810];
	_ =	sdelay $0x4  }
0x4a: {  	v57 =	vshll.u32 v3, $0x1  }
0x4b: {  	v3 =	vand.u32 $0x7, v3;
	v4 =	vand.u32 $0xFFFFFFF0, v57  }
0x4c: {  	v3 =	vor.u32 v3, v4  }
0x4d: {  	v4 =	vperm.xlane v3, v0;
	_ =	sdelay $0x1  }
0x4e: {  	v3 =	vperm.xlane v3, v2;
	v4 =	vadd.s32 v1, v4;
	_ =	sdelay $0x1  }
0x4f: {  	v3 =	vadd.s32 v1, v3;
	_ =	sdelay $0x2  }
0x50: {  	[tilespmem:s13], [sflag:$0x1] =	stream.indirect_vreg.gather [hbm4b:s3+s2], $0x80, v4, vm0, $0xb8;
	[tilespmem:$0xA880] =	vst v63  }
0x51: {  	_ = 	snop  }
0x52: {  	[tilespmem:s14], [sflag:$0x1] =	stream.indirect_vreg.gather [hbm4b:s3+s2], $0x80, v3, vm0, $0xb8;
	[tilespmem:$0xA880] =	vst v63  }
0x53: {  	v3 =	vld [tilespmem:$0x2820];
	_ =	sdelay $0x4  }
0x54: {  	v58 =	vshll.u32 v3, $0x1  }
0x55: {  	v3 =	vand.u32 $0x7, v3;
	v4 =	vand.u32 $0xFFFFFFF0, v58  }
0x56: {  	v3 =	vor.u32 v3, v4  }
0x57: {  	v4 =	vperm.xlane v3, v0;
	_ =	sdelay $0x1  }
0x58: {  	v3 =	vperm.xlane v3, v2;
	v4 =	vadd.s32 v1, v4;
	_ =	sdelay $0x1  }
0x59: {  	v3 =	vadd.s32 v1, v3;
	_ =	sdelay $0x2  }
0x5a: {  	[tilespmem:s15], [sflag:$0x1] =	stream.indirect_vreg.gather [hbm4b:s3+s2], $0x80, v4, vm0, $0xb8;
	[tilespmem:$0xA880] =	vst v63  }
0x5b: {  	_ = 	snop  }
0x5c: {  	[tilespmem:s16], [sflag:$0x1] =	stream.indirect_vreg.gather [hbm4b:s3+s2], $0x80, v3, vm0, $0xb8;
	[tilespmem:$0xA880] =	vst v63  }
0x5d: {  	v3 =	vld [tilespmem:$0x2830];
	_ =	sdelay $0x4  }
0x5e: {  	v59 =	vshll.u32 v3, $0x1  }
0x5f: {  	v3 =	vand.u32 $0x7, v3;
	v4 =	vand.u32 $0xFFFFFFF0, v59  }
0x60: {  	v3 =	vor.u32 v3, v4  }
0x61: {  	v4 =	vperm.xlane v3, v0;
	_ =	sdelay $0x1  }
0x62: {  	v3 =	vperm.xlane v3, v2;
	v4 =	vadd.s32 v1, v4;
	_ =	sdelay $0x1  }
0x63: {  	v3 =	vadd.s32 v1, v3;
	_ =	sdelay $0x2  }
0x64: {  	[tilespmem:s17], [sflag:$0x1] =	stream.indirect_vreg.gather [hbm4b:s3+s2], $0x80, v4, vm0, $0xb8;
	[tilespmem:$0xA880] =	vst v63  }
0x65: {  	_ = 	snop  }
0x66: {  	[tilespmem:s18], [sflag:$0x1] =	stream.indirect_vreg.gather [hbm4b:s3+s2], $0x80, v3, vm0, $0xb8;
	[tilespmem:$0xA880] =	vst v63  }
0x67: {  	v3 =	vld [tilespmem:$0x2840];
	_ =	sdelay $0x4  }
0x68: {  	v60 =	vshll.u32 v3, $0x1  }
0x69: {  	v3 =	vand.u32 $0x7, v3;
	v4 =	vand.u32 $0xFFFFFFF0, v60  }
0x6a: {  	v3 =	vor.u32 v3, v4  }
0x6b: {  	v4 =	vperm.xlane v3, v0;
	_ =	sdelay $0x1  }
0x6c: {  	v3 =	vperm.xlane v3, v2;
	v4 =	vadd.s32 v1, v4;
	_ =	sdelay $0x1  }
0x6d: {  	v3 =	vadd.s32 v1, v3;
	_ =	sdelay $0x2  }
0x6e: {  	[tilespmem:s19], [sflag:$0x1] =	stream.indirect_vreg.gather [hbm4b:s3+s2], $0x80, v4, vm0, $0xb8;
	[tilespmem:$0xA880] =	vst v63  }
0x6f: {  	_ = 	snop  }
0x70: {  	[tilespmem:s20], [sflag:$0x1] =	stream.indirect_vreg.gather [hbm4b:s3+s2], $0x80, v3, vm0, $0xb8;
	[tilespmem:$0xA880] =	vst v63  }
0x71: {  	v3 =	vld [tilespmem:$0x2850];
	_ =	sdelay $0x4  }
0x72: {  	v61 =	vshll.u32 v3, $0x1  }
0x73: {  	v3 =	vand.u32 $0x7, v3;
	v4 =	vand.u32 $0xFFFFFFF0, v61  }
0x74: {  	v3 =	vor.u32 v3, v4  }
0x75: {  	v4 =	vperm.xlane v3, v0;
	_ =	sdelay $0x1  }
0x76: {  	v3 =	vperm.xlane v3, v2;
	v4 =	vadd.s32 v1, v4;
	_ =	sdelay $0x1  }
0x77: {  	v3 =	vadd.s32 v1, v3;
	_ =	sdelay $0x2  }
0x78: {  	[tilespmem:s21], [sflag:$0x1] =	stream.indirect_vreg.gather [hbm4b:s3+s2], $0x80, v4, vm0, $0xb8;
	[tilespmem:$0xA880] =	vst v63  }
0x79: {  	_ = 	snop  }
0x7a: {  	[tilespmem:s22], [sflag:$0x1] =	stream.indirect_vreg.gather [hbm4b:s3+s2], $0x80, v3, vm0, $0xb8;
	[tilespmem:$0xA880] =	vst v63  }
0x7b: {  	v3 =	vld [tilespmem:$0x2860];
	_ =	sdelay $0x4  }
0x7c: {  	v62 =	vshll.u32 v3, $0x1  }
0x7d: {  	v3 =	vand.u32 $0x7, v3;
	v4 =	vand.u32 $0xFFFFFFF0, v62  }
0x7e: {  	v3 =	vor.u32 v3, v4  }
0x7f: {  	v4 =	vperm.xlane v3, v0;
	_ =	sdelay $0x1  }
0x80: {  	v3 =	vperm.xlane v3, v2;
	v4 =	vadd.s32 v1, v4;
	_ =	sdelay $0x1  }
0x81: {  	v3 =	vadd.s32 v1, v3;
	_ =	sdelay $0x2  }
0x82: {  	[tilespmem:s23], [sflag:$0x1] =	stream.indirect_vreg.gather [hbm4b:s3+s2], $0x80, v4, vm0, $0xb8;
	[tilespmem:$0xA880] =	vst v63  }
0x83: {  	_ = 	snop  }
0x84: {  	[tilespmem:s24], [sflag:$0x1] =	stream.indirect_vreg.gather [hbm4b:s3+s2], $0x80, v3, vm0, $0xb8;
	[tilespmem:$0xA880] =	vst v63  }
0x85: {  	v3 =	vld [tilespmem:$0x2870];
	_ =	sdelay $0x4  }
0x86: {  	v63 =	vshll.u32 v3, $0x1  }
0x87: {  	v3 =	vand.u32 $0x7, v3;
	v4 =	vand.u32 $0xFFFFFFF0, v63  }
0x88: {  	v3 =	vor.u32 v3, v4  }
0x89: {  	v4 =	vperm.xlane v3, v0;
	_ =	sdelay $0x1  }
0x8a: {  	v3 =	vperm.xlane v3, v2;
	v4 =	vadd.s32 v1, v4;
	_ =	sdelay $0x1  }
0x8b: {  	v3 =	vadd.s32 v1, v3;
	_ =	sdelay $0x2  }
0x8c: {  	[tilespmem:s25], [sflag:$0x1] =	stream.indirect_vreg.gather [hbm4b:s3+s2], $0x80, v4, vm0, $0xb8;
	[tilespmem:$0xA880] =	vst v63  }
0x8d: {  	_ = 	snop  }
0x8e: {  	[tilespmem:s26], [sflag:$0x1] =	stream.indirect_vreg.gather [hbm4b:s3+s2], $0x80, v3, vm0, $0xb8;
	[tilespmem:$0xA880] =	vst v63  }
0x8f: {  	_ =	swait.ge [sflag:s28], $0x8000  }
0x90: {  	p0 =	sne.s32 s30, $0x4C00;
	[sflag:s28] =	ssyncset.done $0x0  }
.Ltmp0:
0x91: {  	[sflag:s28] =	ssyncadd.s32 $0xFFFF8000;
	(pc) =	sbr.rel @p0 .LBB2_2-.Ltmp0, $4  }
0x92: {  	[hbm4b:s31+s2] =	stream.linear.scatter [tilespmem:s11], [sflag:$0x2], $0x8000, $0x38;
	[tilespmem:$0xA880] =	vst v63  }
0x93: {  	_ =	swait.ge [sflag:s9], $0x8000  }
0x94: {  	[sflag:s9] =	ssyncset.done $0x0  }
0x95: {  	s30 =	sadd.s32 $0x200, s30;
	s31 =	sadd.s32 $0x1000, s31;
	[sflag:s9] =	ssyncadd.s32 $0xFFFF8000  }
0x96: {  	v3 =	vld [tilespmem:$0x2780];
	_ =	sdelay $0x1  }
0x97: {  	v4 =	vld [tilespmem:$0x1380];
	_ =	sdelay $0x2  }
0x98: {  	v3 =	vmul.u32 $0x2710, v3;
	_ =	sdelay $0x1  }
0x99: {  	v3 =	vadd.s32 v4, v3  }
0x9a: {  	v3 =	vnsel vm1, $0x0, v3  }
0x9b: {  	[tilespmem:$0x2800] =	vst v3  }
0x9c: {  	v3 =	vld.msk [tilespmem:$0x2800], $0xff;
	_ =	sdelay $0x4  }
0x9d: {  	v63 =	vshll.u32 v3, $0x1  }
0x9e: {  	v3 =	vand.u32 $0x7, v3;
	v4 =	vand.u32 $0xFFFFFFF0, v63  }
0x9f: {  	v3 =	vor.u32 v3, v4  }
0xa0: {  	v3 =	vperm.xlane v3, v0;
	_ =	sdelay $0x1  }
0xa1: {  	v3 =	vadd.s32 v1, v3;
	_ =	sdelay $0x4  }
0xa2: {  	[tilespmem:s11], [sflag:$0x1] =	stream.indirect_vreg.gather [hbm4b:s3+s2], $0x80, v3, vm0, $0xb8;
	[tilespmem:$0xA880] =	vst v63  }
0xa3: {  	s29 =	sadd.s32 $0x1, s29;
	_ =	swait.ge [sflag:s28], $0x800  }
0xa4: {  	p0 =	sne.s32 s29, s7;
	[sflag:s28] =	ssyncset.done $0x0  }
.Ltmp1:
0xa5: {  	[sflag:s28] =	ssyncadd.s32 $0xFFFFF800;
	(pc) =	sbr.rel @p0 .LBB2_1-.Ltmp1, $4  }
0xa6: {  	[hbm4b:s6+s2] =	stream.linear.scatter [tilespmem:s11], [sflag:$0x2], $0x800, $0x38;
	[tilespmem:$0xA880] =	vst v63  }
0xa7: {  	_ =	swait.ge [sflag:s9], $0x800  }
0xa8: {  	[sflag:s9] =	ssyncset.done $0x0  }
0xa9: {  	[sflag:s9] =	ssyncadd.s32 $0xFFFFF800  }
0xaa: {  	_ =	sfence.sel $0x180000  }
0xab: {  	[bflag:$0x0] =	sbarrier.arrive $0xFFFF  }
0xac: {  	_ =	strace $0x90000047  }
0xad: {  	[bflag:$0x2] =	sbarrier.arrive $0xFFFF  }
0xae: {  	p0 =	sne.s32 s0, $0x0;
	s0 =	rddreg [dreg:$0x2]  }
0xaf: {  	s0 =	sadd.s32 @!p0 $0x100000, s0  }
0xb0: {  	[sflag:s0] =	ssyncadd.tile.s32 @!p0 $0x1;
	_ =	shalt  }
.Lfunc_end2:
_tile_overlayer_lowered:
.L_overlay_start_2:
0xb1: {  	(tag) =	ssettag $0x2  }
0xb2: {  	s0 =	rddreg [dreg:$0x0];
	s2 =	stileid.u32  }
0xb3: {  	s1 =	rddreg [dreg:$0x1];
	p0 =	sne.s32 s2, $0x0  }
0xb4: {  	s3 =	rddreg [dreg:$0x2];
	[bflag:$0x3] =	sbarrier.arrive $0xFFFF;
	s2 =	simm.s32 @!p0 $0x1C02  }
0xb5: {  	[timem:s3], [sflag:s2] =	dma.local @!p0 [hbm:s0], s1  }
0xb6: {  	s0 =	simm.s32 @!p0 $0x2  }
0xb7: {  	_ =	swait.ge @!p0 [sflag:s0], s1  }
0xb8: {  	s1 =	ssub.s32 @!p0 $0x0, s1;
	[sflag:s0] =	ssyncset.done @!p0 $0x0  }
0xb9: {  	[sflag:s0] =	ssyncadd.s32 @!p0 s1  }
0xba: {  	[bflag:$0x3] =	sbarrier.arrive $0xFFFF  }
0xbb: {  	_ =	shalt  }

// kernel: kernel.13.cloned.1.call-start
scs
__scs_entry_jumppad:
0x0: {  	(pc) =	sbr.rel $0x88, $3  }
0x1: {  	(tag) =	ssettag $0x0;
	lr =	simm.s32 $0x1  }
0x2: {  	[smem:$0x3F98] =	sst lr;
	_ =	strace $0xD0000000  }
0x3: {  	_ = 	snop  }
0x4: {  	_ = 	snop  }
0x5: {  	_ = 	snop  }
0x6: {  	_ = 	snop  }
0x7: {  	_ = 	snop  }
__scs_overlays_trampoline_lowered:
0x8: {  	[smem:$0x3FA7] =	sst s0  }
0x9: {  	[smem:$0x3FA8] =	sst s1  }
0xa: {  	[smem:$0x3FA9] =	sst s2  }
0xb: {  	[smem:$0x3FAA] =	sst s3  }
0xc: {  	[smem:$0x3FAB] =	sst s4  }
0xd: {  	[smem:$0x3FAC] =	sst s5  }
0xe: {  	[smem:$0x3FAD] =	sst s6  }
0xf: {  	[smem:$0x3FAE] =	sst s7  }
0x10: {  	[smem:$0x3FAF] =	sst s8  }
0x11: {  	[smem:$0x3FB0] =	sst s9;
	s0 =	simm.s32 @!p0 $0x0  }
0x12: {  	s1 =	sld [smem:$0x3F96];
	s0 =	simm.s32 @p0 $0x1  }
0x13: {  	[smem:$0x3FB1] =	sst s0;
	s0 =	simm.s32 @!p1 $0x0  }
0x14: {  	s2 =	sld [smem:$0x3F95];
	s0 =	simm.s32 @p1 $0x1  }
0x15: {  	[smem:$0x3FB2] =	sst s0;
	s0 =	simm.s32 @!p2 $0x0  }
0x16: {  	s3 =	sld [smem:$0x3FDB];
	s0 =	simm.s32 @p2 $0x1  }
0x17: {  	s4 =	simm.s32 $0x1BF5;
	[smem:$0x3FB4] =	sst s0  }
0x18: {  	s0 =	sld [smem:$0x3F97];
	_ =	swait.ge [sflag:s4], $0x0  }
0x19: {  	s7 =	sld [smem:$0x3F98]  }
0x1a: {  	s8 =	sadd.s32 $0xFFFFE003, lr  }
0x1b: {  	s9 =	sadd.s32 $0xFFFFFEF7, lr;
	s5 =	simm.s32 $0xFFFFFFFF;
	p2 =	slt.u32 s8, $0xFFFFF086  }
0x1c: {  	p1 =	slt.u32 s9, $0xF7A;
	s5 =	simm.s32 @!p2 $0x0  }
0x1d: {  	s5 =	simm.s32 @p1 $0x1;
	p0 =	seq.s32 s7, s2  }
0x1e: {  	s7 =	smul.u32 @!p0 $0xF7A, s2;
	p2 =	seq.s32 @!p0 s5, $0x0  }
0x1f: {  	s9 =	smul.u32 $0xF7A, s1;
	s8 =	simm.s32 @!p0 $0x1BF5;
	p2 =	por !p2, p0  }
0x20: {  	[sflag:s8] =	ssyncset.s32 @!p0 $0xFFFFF086;
	s6 =	sadd.s32 @!p0 s3, s7;
	s7 =	simm.s32 @!p0 $0x108  }
0x21: {  	s3 =	sadd.s32 s3, s9;
	s6 =	sadd.s32 @!p0 $0x88, s6;
	s7 =	simm.s32 @p2 $0x1082  }
0x22: {  	[simem:s7], [sflag:s8] =	dma.local @!p0 [hbm:s6], $0xF7A  }
0x23: {  	s9 =	sor.u32 $0xD0000000, s2;
	s6 =	simm.s32 $0x108;
	_ =	swait.ge @!p0 [sflag:s8], $0x0  }
0x24: {  	s3 =	sadd.s32 $0x88, s3;
	s6 =	simm.s32 @!p1 $0x1082;
	[sflag:s4] =	ssyncset.s32 $0xFFFFF086  }
0x25: {  	[simem:s6], [sflag:s4] =	dma.local [hbm:s3], $0xF7A  }
0x26: {  	[smem:$0x3F98] =	sst s1;
	(tag) =	ssettag s2;
	_ =	strace s9  }
0x27: {  	s1 =	sld [smem:$0x3FA8]  }
0x28: {  	s2 =	sld [smem:$0x3FA9]  }
0x29: {  	s4 =	sld [smem:$0x3FAB]  }
0x2a: {  	p0 =	seq.s32 s5, $0x0;
	s5 =	sld [smem:$0x3FAC]  }
0x2b: {  	s6 =	sld [smem:$0x3FAD]  }
0x2c: {  	s7 =	sld [smem:$0x3FAE]  }
0x2d: {  	s3 =	simm.s32 $0x108;
	s8 =	sld [smem:$0x3FAF]  }
0x2e: {  	s3 =	simm.s32 @!p0 $0x1082;
	s9 =	sld [smem:$0x3FB0]  }
0x2f: {  	lr =	sadd.s32 s0, s3;
	s0 =	sld [smem:$0x3FA7]  }
0x30: {  	s3 =	sld [smem:$0x3FAA]  }
0x31: {  	[smem:$0x3FB3] =	sst s10  }
0x32: {  	s10 =	sld [smem:$0x3FB1];
	_ =	sdelay $0x3  }
0x33: {  	p0 =	seq.s32 s10, $0x1;
	s10 =	sld [smem:$0x3FB3];
	_ =	sdelay $0x3  }
0x34: {  	[smem:$0x3FB3] =	sst s10  }
0x35: {  	s10 =	sld [smem:$0x3FB2];
	_ =	sdelay $0x3  }
0x36: {  	p1 =	seq.s32 s10, $0x1;
	s10 =	sld [smem:$0x3FB3];
	_ =	sdelay $0x3  }
0x37: {  	[smem:$0x3FB3] =	sst s10  }
0x38: {  	s10 =	sld [smem:$0x3FB4]  }
0x39: {  	_ = 	snop;
	(pc) =	sbr.ind lr, $3  }
0x3a: {  	_ = 	snop  }
0x3b: {  	_ = 	snop  }
0x3c: {  	p2 =	seq.s32 s10, $0x1;
	s10 =	sld [smem:$0x3FB3]  }
0x3d: {  	_ =	shalt  }
0x3e: {  	_ =	shalt  }
0x3f: {  	_ =	shalt  }
0x40: {  	_ =	shalt  }
0x41: {  	_ =	shalt  }
0x42: {  	_ =	shalt  }
0x43: {  	_ =	shalt  }
0x44: {  	_ =	shalt  }
0x45: {  	_ =	shalt  }
0x46: {  	_ =	shalt  }
0x47: {  	_ =	shalt  }
0x48: {  	_ =	shalt  }
0x49: {  	_ =	shalt  }
0x4a: {  	_ =	shalt  }
0x4b: {  	_ =	shalt  }
0x4c: {  	_ =	shalt  }
0x4d: {  	_ =	shalt  }
0x4e: {  	_ =	shalt  }
0x4f: {  	_ =	shalt  }
0x50: {  	_ =	shalt  }
0x51: {  	_ =	shalt  }
0x52: {  	_ =	shalt  }
0x53: {  	_ =	shalt  }
0x54: {  	_ =	shalt  }
0x55: {  	_ =	shalt  }
0x56: {  	_ =	shalt  }
0x57: {  	_ =	shalt  }
0x58: {  	_ =	shalt  }
0x59: {  	_ =	shalt  }
0x5a: {  	_ =	shalt  }
0x5b: {  	_ =	shalt  }
0x5c: {  	_ =	shalt  }
0x5d: {  	_ =	shalt  }
0x5e: {  	_ =	shalt  }
0x5f: {  	_ =	shalt  }
0x60: {  	_ =	shalt  }
0x61: {  	_ =	shalt  }
0x62: {  	_ =	shalt  }
0x63: {  	_ =	shalt  }
0x64: {  	_ =	shalt  }
0x65: {  	_ =	shalt  }
0x66: {  	_ =	shalt  }
0x67: {  	_ =	shalt  }
0x68: {  	_ =	shalt  }
0x69: {  	_ =	shalt  }
0x6a: {  	_ =	shalt  }
0x6b: {  	_ =	shalt  }
0x6c: {  	_ =	shalt  }
0x6d: {  	_ =	shalt  }
0x6e: {  	_ =	shalt  }
0x6f: {  	_ =	shalt  }
0x70: {  	_ =	shalt  }
0x71: {  	_ =	shalt  }
0x72: {  	_ =	shalt  }
0x73: {  	_ =	shalt  }
0x74: {  	_ =	shalt  }
0x75: {  	_ =	shalt  }
0x76: {  	_ =	shalt  }
0x77: {  	_ =	shalt  }
0x78: {  	_ =	shalt  }
0x79: {  	_ =	shalt  }
0x7a: {  	_ =	shalt  }
0x7b: {  	_ =	shalt  }
0x7c: {  	_ =	shalt  }
0x7d: {  	_ =	shalt  }
0x7e: {  	_ =	shalt  }
0x7f: {  	_ =	shalt  }
0x80: {  	_ =	shalt  }
0x81: {  	_ =	shalt  }
0x82: {  	_ =	shalt  }
0x83: {  	_ =	shalt  }
0x84: {  	_ =	shalt  }
0x85: {  	_ =	shalt  }
0x86: {  	_ =	shalt  }
0x87: {  	_ =	shalt  }
.Lfunc_end0:
.L_simem_size_0:
called_computation.5_lowered:
.L_overlay_start_0:
0x88: {  	s2 =	sld [smem:$0x3FD9]  }
0x89: {  	s3 =	sld [smem:$0x3FFE];
	_ =	sdelay $0x1  }
0x8a: {  	s1 =	srdreg.scid  }
0x8b: {  	s0 =	sand.u32 $0x1, s1  }
0x8c: {  	s17 =	sshll.u32 s0, $0xA;
	s2 =	sadd.s32 s3, s2  }
0x8d: {  	s2 =	sadd.s32 s2, s17  }
0x8e: {  	[smem:$0x3FBF] =	sst s2  }
0x8f: {  	_ = 	snop  }
0x90: {  	s2 =	sld [smem:$0x3FC5];
	(tm) =	ssettm $0x1  }
0x91: {  	s18 =	sld [smem:$0x3FFB];
	_ =	sdelay $0x3  }
0x92: {  	_ =	strace s18  }
0x93: {  	s3 =	sld [smem:$0x3FFC];
	_ =	sdelay $0x3  }
0x94: {  	_ =	strace s3  }
0x95: {  	s3 =	sld [smem:$0x3FFD];
	_ =	sdelay $0x3  }
0x96: {  	_ =	strace s3  }
0x97: {  	_ =	strace $0x8FFFFFFF  }
0x98: {  	s19 =	sld [smem:$0x3FDB];
	_ =	sdelay $0x1  }
0x99: {  	s4 =	simm.s32 $_scs_section_size  }
0x9a: {  	s5 =	simm.s32 $_size__tile_overlayer_lowered;
	s6 =	simm.s32 $_tile_overlayer_lowered  }
0x9b: {  	s22 =	simm.s32 $0x1BFF;
	s21 =	sshll.u32 s6, $0x1;
	s3 =	sadd.s32 s4, s19  }
0x9c: {  	s7 =	simm.s32 $0x0;
	s20 =	sshll.u32 s5, $0x1;
	s5 =	sadd.s32 s21, s3  }
0x9d: {  	[timem:s7], [sflag:s22] =	dma.local [hbm:s5], s20  }
0x9e: {  	_ =	swait.ge [sflag:s22], s20  }
0x9f: {  	s4 =	ssub.s32 $0x0, s20;
	[sflag:s22] =	ssyncset.done $0x0  }
0xa0: {  	[sflag:s22] =	ssyncadd.s32 s4;
	_ =	sdelay $0x1  }
0xa1: {  	s23 =	simm.s32 $0x1B8B  }
0xa2: {  	_ =	swait.ge [sflag:s23], $0x1  }
0xa3: {  	[sflag:s23] =	ssyncset.done $0x0  }
0xa4: {  	s25 =	simm.s32 $0x1B8E;
	s24 =	sld [smem:$0x3FFE];
	[sflag:s23] =	ssyncadd.s32 $0xFFFFFFFF  }
0xa5: {  	s26 =	simm.s32 $execute0_lowered;
	[smem:$0x3FD2] =	sst s25  }
0xa6: {  	s5 =	sshll.u32 s26, $0x1;
	_ =	strace $0x80000055;
	[dreg:$0x1] =	wrdreg $0xFFFFFFFF  }
0xa7: {  	s28 =	simm.s32 $_size_execute0_lowered;
	s3 =	sadd.s32 s3, s5;
	[dreg:$0x0] =	wrdreg $0x0  }
0xa8: {  	s5 =	sshll.u32 s28, $0x1;
	[dreg:$0x2] =	wrdreg s3  }
0xa9: {  	[dreg:$0x3] =	wrdreg s5  }
0xaa: {  	[dreg:$0x4] =	wrdreg $0xC0  }
0xab: {  	_ =	task [dreg:s7], $0x5FFFF  }
0xac: {  	[dreg:$0x1] =	wrdreg $0xFFFFFFFF  }
0xad: {  	[dreg:$0x0] =	wrdreg $0x60  }
0xae: {  	[dreg:$0x2] =	wrdreg s24  }
0xaf: {  	[dreg:$0x3] =	wrdreg s2  }
0xb0: {  	[dreg:$0x4] =	wrdreg $0xA  }
0xb1: {  	_ =	task.clear_ibuf [dreg:s7], $0x5FFFF;
	_ =	strace $0x90000055  }
0xb2: {  	s29 =	simm.s32 $0xA;
	_ =	strace $0x80000057  }
0xb3: {  	_ =	swait.ge [sflag:s29], $0x1  }
0xb4: {  	[sflag:s29] =	ssyncadd.s32 $0xFFFFFFFF  }
0xb5: {  	_ =	strace $0x90000057  }
0xb6: {  	_ =	sfence  }
0xb7: {  	s30 =	sld [smem:$0x0];
	_ =	sdelay $0x2  }
0xb8: {  	s31 =	sshll.u32 s1, $0xD;
	s1 =	sshrl.u32 s1, $0x2  }
0xb9: {  	s3 =	sand.u32 $0x4000, s31;
	s1 =	sadd.s32 s1, s30  }
0xba: {  	s0 =	sor.u32 s3, s0;
	s1 =	sshll.u32 s1, $0x11  }
0xbb: {  	s0 =	sor.u32 s1, s0  }
0xbc: {  	s0 =	sadd.s32 $0x8F2B, s0  }
0xbd: {  	[sflag:s0] =	ssyncadd.remote.s32 $0x1  }
0xbe: {  	_ =	sfence.sel $0xFFFF  }
0xbf: {  	[dreg:$0x0] =	wrdreg $0xFFFFFFFF;
	(pc) =	sbr.abs _section_cstart, $3  }
0xc0: {  	[dreg:$0x1] =	wrdreg $0xFFFFFFFF  }
0xc1: {  	_ =	task.clear_ibuf [dreg:s7], $0x2FFFF;
	_ =	strace $0x9FFFFFFF  }
0xc2: {  	(tm) =	ssettm $0x7FFFFFFF  }
0xc3: {  	_ =	shalt  }
tec
execute0_lowered:
.L_overlay_start_1:
0x0: {  	(tag) =	ssettag $0x1  }
0x1: {  	s4 =	rddreg [dreg:$0x0]  }
0x2: {  	s5 =	rddreg [dreg:$0x1]  }
0x3: {  	s3 =	srdreg.scid;
	s1 =	stileid.u32  }
0x4: {  	s2 =	simm.s32 $0x0;
	s13 =	simm.s32 $0x3880;
	s14 =	simm.s32 $0x4080  }
0x5: {  	s15 =	simm.s32 $0x4880;
	s16 =	simm.s32 $0x5080;
	s17 =	simm.s32 $0x5880  }
0x6: {  	s18 =	simm.s32 $0x6080;
	s19 =	simm.s32 $0x6880;
	s20 =	simm.s32 $0x7080  }
0x7: {  	s21 =	simm.s32 $0x7880;
	s22 =	simm.s32 $0x8080;
	s23 =	simm.s32 $0x8880  }
0x8: {  	s24 =	simm.s32 $0x9080;
	s25 =	simm.s32 $0x9880;
	s28 =	simm.s32 $0x1  }
0x9: {  	s29 =	simm.s32 $0x0;
	s6 =	sand.u32 $0x1, s3;
	s26 =	sshll.u32 s1, $0x1  }
0xa: {  	[smem:$0x7FF] =	sst s2;
	s11 =	smul.u32 $0x271000, s1;
	s12 =	sadd.s32 $0x9D8600, s4  }
0xb: {  	s7 =	sor.u32 s6, s26;
	s10 =	ssub.s32 $0x2, s6;
	s6 =	smul.u32 $0x138800, s6  }
0xc: {  	s3 =	sadd.s32 $0x53200, s4;
	_ =	strace $0x80000056;
	s8 =	smul.u32 $0x271, s7  }
0xd: {  	s26 =	simm.s32 $0xA080;
	s7 =	smul.u32 $0x138800, s7;
	s30 =	sshrl.u32 s10, $0x1  }
0xe: {  	s10 =	ssub.s32 s10, s30;
	s31 =	sadd.s32 s6, s11;
	s11 =	simm.s32 $0x2880  }
0xf: {  	s9 =	sadd.s32 s8, s4;
	s7 =	sshrl.u32 s7, $0x3;
	s5 =	sadd.s32 s5, s8  }
0x10: {  	v2 =	vlaneseq.u32;
	s8 =	sshrl.u32 s31, $0x3;
	s4 =	sadd.s32 $0x4E200, s9;
	s7 =	sadd.s32 s12, s7  }
0x11: {  	vm0 =	vmmov $0xffff;
	vm1 =	vmmov $0xff;
	v1 =	vshrl.u32 v2, $0x3;
	s8 =	sadd.s32 s8, s12;
	s9 =	simm.s32 $0x2;
	s12 =	simm.s32 $0x3080  }
0x12: {  	v0 =	vand.u32 $0x7, v2;
	v2 =	vor.u32 $0x8, v2;
	v1 =	vmul.u32 $0x8, v1;
	s6 =	sadd.s32 $0x27000, s7;
	s7 =	smax.u32 s10, $0x1;
	s10 =	simm.s32 $0x1400  }
.LBB2_1:
0x13: {  	[tilespmem:s2], [sflag:$0x2] =	stream.linear.gather [hbm4b:s4+s2], $0x1388, $0x38;
	[tilespmem:$0xA880] =	vst v63  }
0x14: {  	_ =	swait.ge [sflag:s9], $0x1388  }
0x15: {  	[sflag:s9] =	ssyncset.done $0x0  }
0x16: {  	[sflag:s9] =	ssyncadd.s32 $0xFFFFEC78  }
0x17: {  	[tilespmem:s10], [sflag:$0x2] =	stream.linear.gather [hbm4b:s5+s2], $0x1388, $0x38;
	[tilespmem:$0xA880] =	vst v63  }
0x18: {  	_ =	swait.ge [sflag:s9], $0x1388  }
0x19: {  	[sflag:s9] =	ssyncset.done $0x0  }
0x1a: {  	s30 =	simm.s32 $0x0;
	s31 =	smov.u32 s8;
	[sflag:s9] =	ssyncadd.s32 $0xFFFFEC78  }
.LBB2_2:
0x1b: {  	s0 =	sshra.s32 s30, $0x2  }
0x1c: {  	v3 =	vld [tilespmem:s0+$0x1400];
	_ =	sdelay $0x1  }
0x1d: {  	v4 =	vld [tilespmem:s0+$0x0];
	_ =	sdelay $0x2  }
0x1e: {  	v3 =	vmul.u32 $0x2710, v3;
	_ =	sdelay $0x1  }
0x1f: {  	v3 =	vadd.s32 v4, v3  }
0x20: {  	[tilespmem:$0x2800] =	vst v3  }
0x21: {  	v5 =	vld [tilespmem:s0+$0x1410];
	_ =	sdelay $0x1  }
0x22: {  	v6 =	vld [tilespmem:s0+$0x10];
	_ =	sdelay $0x2  }
0x23: {  	v5 =	vmul.u32 $0x2710, v5;
	_ =	sdelay $0x1  }
0x24: {  	v5 =	vadd.s32 v6, v5  }
0x25: {  	[tilespmem:$0x2810] =	vst v5  }
0x26: {  	v5 =	vld [tilespmem:s0+$0x1420];
	_ =	sdelay $0x1  }
0x27: {  	v50 =	vld [tilespmem:s0+$0x20];
	_ =	sdelay $0x2  }
0x28: {  	v5 =	vmul.u32 $0x2710, v5;
	_ =	sdelay $0x1  }
0x29: {  	v5 =	vadd.s32 v50, v5  }
0x2a: {  	[tilespmem:$0x2820] =	vst v5  }
0x2b: {  	v5 =	vld [tilespmem:s0+$0x1430];
	_ =	sdelay $0x1  }
0x2c: {  	v51 =	vld [tilespmem:s0+$0x30];
	_ =	sdelay $0x2  }
0x2d: {  	v5 =	vmul.u32 $0x2710, v5;
	_ =	sdelay $0x1  }
0x2e: {  	v5 =	vadd.s32 v51, v5  }
0x2f: {  	[tilespmem:$0x2830] =	vst v5  }
0x30: {  	v5 =	vld [tilespmem:s0+$0x1440];
	_ =	sdelay $0x1  }
0x31: {  	v52 =	vld [tilespmem:s0+$0x40];
	_ =	sdelay $0x2  }
0x32: {  	v5 =	vmul.u32 $0x2710, v5;
	_ =	sdelay $0x1  }
0x33: {  	v5 =	vadd.s32 v52, v5  }
0x34: {  	[tilespmem:$0x2840] =	vst v5  }
0x35: {  	v5 =	vld [tilespmem:s0+$0x1450];
	_ =	sdelay $0x1  }
0x36: {  	v53 =	vld [tilespmem:s0+$0x50];
	_ =	sdelay $0x2  }
0x37: {  	v5 =	vmul.u32 $0x2710, v5;
	_ =	sdelay $0x1  }
0x38: {  	v5 =	vadd.s32 v53, v5  }
0x39: {  	[tilespmem:$0x2850] =	vst v5  }
0x3a: {  	v5 =	vld [tilespmem:s0+$0x1460];
	_ =	sdelay $0x1  }
0x3b: {  	v54 =	vld [tilespmem:s0+$0x60];
	_ =	sdelay $0x2  }
0x3c: {  	v5 =	vmul.u32 $0x2710, v5;
	_ =	sdelay $0x1  }
0x3d: {  	v5 =	vadd.s32 v54, v5  }
0x3e: {  	v3 =	vshll.u32 v3, $0x1;
	[tilespmem:$0x2860] =	vst v5  }
0x3f: {  	v4 =	vand.u32 $0x7, v4;
	v3 =	vand.u32 $0xFFFFFFF0, v3;
	v5 =	vld [tilespmem:s0+$0x1470]  }
0x40: {  	v3 =	vor.u32 v4, v3  }
0x41: {  	v56 =	vperm.xlane v3, v0;
	v55 =	vld [tilespmem:s0+$0x70];
	_ =	sdelay $0x1  }
0x42: {  	v3 =	vperm.xlane v3, v2;
	v6 =	vadd.s32 v1, v56  }
0x43: {  	v5 =	vmul.u32 $0x2710, v5  }
0x44: {  	v3 =	vadd.s32 v1, v3  }
0x45: {  	v4 =	vadd.s32 v55, v5  }
0x46: {  	[tilespmem:$0x2870] =	vst v4  }
0x47: {  	[tilespmem:s11], [sflag:$0x1] =	stream.indirect_vreg.gather [hbm4b:s3+s2], $0x80, v6, vm0, $0xb8;
	[tilespmem:$0xA880] =	vst v63  }
0x48: {  	_ = 	snop  }
0x49: {  	[tilespmem:s12], [sflag:$0x1] =	stream.indirect_vreg.gather [hbm4b:s3+s2], $0x80, v3, vm0, $0xb8;
	[tilespmem:$0xA880] =	vst v63  }
0x4a: {  	v3 =	vld [tilespmem:$0x2810];
	_ =	sdelay $0x4  }
0x4b: {  	v57 =	vshll.u32 v3, $0x1  }
0x4c: {  	v3 =	vand.u32 $0x7, v3;
	v4 =	vand.u32 $0xFFFFFFF0, v57  }
0x4d: {  	v3 =	vor.u32 v3, v4  }
0x4e: {  	v4 =	vperm.xlane v3, v0;
	_ =	sdelay $0x1  }
0x4f: {  	v3 =	vperm.xlane v3, v2;
	v4 =	vadd.s32 v1, v4;
	_ =	sdelay $0x1  }
0x50: {  	v3 =	vadd.s32 v1, v3;
	_ =	sdelay $0x2  }
0x51: {  	[tilespmem:s13], [sflag:$0x1] =	stream.indirect_vreg.gather [hbm4b:s3+s2], $0x80, v4, vm0, $0xb8;
	[tilespmem:$0xA880] =	vst v63  }
0x52: {  	_ = 	snop  }
0x53: {  	[tilespmem:s14], [sflag:$0x1] =	stream.indirect_vreg.gather [hbm4b:s3+s2], $0x80, v3, vm0, $0xb8;
	[tilespmem:$0xA880] =	vst v63  }
0x54: {  	v3 =	vld [tilespmem:$0x2820];
	_ =	sdelay $0x4  }
0x55: {  	v58 =	vshll.u32 v3, $0x1  }
0x56: {  	v3 =	vand.u32 $0x7, v3;
	v4 =	vand.u32 $0xFFFFFFF0, v58  }
0x57: {  	v3 =	vor.u32 v3, v4  }
0x58: {  	v4 =	vperm.xlane v3, v0;
	_ =	sdelay $0x1  }
0x59: {  	v3 =	vperm.xlane v3, v2;
	v4 =	vadd.s32 v1, v4;
	_ =	sdelay $0x1  }
0x5a: {  	v3 =	vadd.s32 v1, v3;
	_ =	sdelay $0x2  }
0x5b: {  	[tilespmem:s15], [sflag:$0x1] =	stream.indirect_vreg.gather [hbm4b:s3+s2], $0x80, v4, vm0, $0xb8;
	[tilespmem:$0xA880] =	vst v63  }
0x5c: {  	_ = 	snop  }
0x5d: {  	[tilespmem:s16], [sflag:$0x1] =	stream.indirect_vreg.gather [hbm4b:s3+s2], $0x80, v3, vm0, $0xb8;
	[tilespmem:$0xA880] =	vst v63  }
0x5e: {  	v3 =	vld [tilespmem:$0x2830];
	_ =	sdelay $0x4  }
0x5f: {  	v59 =	vshll.u32 v3, $0x1  }
0x60: {  	v3 =	vand.u32 $0x7, v3;
	v4 =	vand.u32 $0xFFFFFFF0, v59  }
0x61: {  	v3 =	vor.u32 v3, v4  }
0x62: {  	v4 =	vperm.xlane v3, v0;
	_ =	sdelay $0x1  }
0x63: {  	v3 =	vperm.xlane v3, v2;
	v4 =	vadd.s32 v1, v4;
	_ =	sdelay $0x1  }
0x64: {  	v3 =	vadd.s32 v1, v3;
	_ =	sdelay $0x2  }
0x65: {  	[tilespmem:s17], [sflag:$0x1] =	stream.indirect_vreg.gather [hbm4b:s3+s2], $0x80, v4, vm0, $0xb8;
	[tilespmem:$0xA880] =	vst v63  }
0x66: {  	_ = 	snop  }
0x67: {  	[tilespmem:s18], [sflag:$0x1] =	stream.indirect_vreg.gather [hbm4b:s3+s2], $0x80, v3, vm0, $0xb8;
	[tilespmem:$0xA880] =	vst v63  }
0x68: {  	v3 =	vld [tilespmem:$0x2840];
	_ =	sdelay $0x4  }
0x69: {  	v60 =	vshll.u32 v3, $0x1  }
0x6a: {  	v3 =	vand.u32 $0x7, v3;
	v4 =	vand.u32 $0xFFFFFFF0, v60  }
0x6b: {  	v3 =	vor.u32 v3, v4  }
0x6c: {  	v4 =	vperm.xlane v3, v0;
	_ =	sdelay $0x1  }
0x6d: {  	v3 =	vperm.xlane v3, v2;
	v4 =	vadd.s32 v1, v4;
	_ =	sdelay $0x1  }
0x6e: {  	v3 =	vadd.s32 v1, v3;
	_ =	sdelay $0x2  }
0x6f: {  	[tilespmem:s19], [sflag:$0x1] =	stream.indirect_vreg.gather [hbm4b:s3+s2], $0x80, v4, vm0, $0xb8;
	[tilespmem:$0xA880] =	vst v63  }
0x70: {  	_ = 	snop  }
0x71: {  	[tilespmem:s20], [sflag:$0x1] =	stream.indirect_vreg.gather [hbm4b:s3+s2], $0x80, v3, vm0, $0xb8;
	[tilespmem:$0xA880] =	vst v63  }
0x72: {  	v3 =	vld [tilespmem:$0x2850];
	_ =	sdelay $0x4  }
0x73: {  	v61 =	vshll.u32 v3, $0x1  }
0x74: {  	v3 =	vand.u32 $0x7, v3;
	v4 =	vand.u32 $0xFFFFFFF0, v61  }
0x75: {  	v3 =	vor.u32 v3, v4  }
0x76: {  	v4 =	vperm.xlane v3, v0;
	_ =	sdelay $0x1  }
0x77: {  	v3 =	vperm.xlane v3, v2;
	v4 =	vadd.s32 v1, v4;
	_ =	sdelay $0x1  }
0x78: {  	v3 =	vadd.s32 v1, v3;
	_ =	sdelay $0x2  }
0x79: {  	[tilespmem:s21], [sflag:$0x1] =	stream.indirect_vreg.gather [hbm4b:s3+s2], $0x80, v4, vm0, $0xb8;
	[tilespmem:$0xA880] =	vst v63  }
0x7a: {  	_ = 	snop  }
0x7b: {  	[tilespmem:s22], [sflag:$0x1] =	stream.indirect_vreg.gather [hbm4b:s3+s2], $0x80, v3, vm0, $0xb8;
	[tilespmem:$0xA880] =	vst v63  }
0x7c: {  	v3 =	vld [tilespmem:$0x2860];
	_ =	sdelay $0x4  }
0x7d: {  	v62 =	vshll.u32 v3, $0x1  }
0x7e: {  	v3 =	vand.u32 $0x7, v3;
	v4 =	vand.u32 $0xFFFFFFF0, v62  }
0x7f: {  	v3 =	vor.u32 v3, v4  }
0x80: {  	v4 =	vperm.xlane v3, v0;
	_ =	sdelay $0x1  }
0x81: {  	v3 =	vperm.xlane v3, v2;
	v4 =	vadd.s32 v1, v4;
	_ =	sdelay $0x1  }
0x82: {  	v3 =	vadd.s32 v1, v3;
	_ =	sdelay $0x2  }
0x83: {  	[tilespmem:s23], [sflag:$0x1] =	stream.indirect_vreg.gather [hbm4b:s3+s2], $0x80, v4, vm0, $0xb8;
	[tilespmem:$0xA880] =	vst v63  }
0x84: {  	_ = 	snop  }
0x85: {  	[tilespmem:s24], [sflag:$0x1] =	stream.indirect_vreg.gather [hbm4b:s3+s2], $0x80, v3, vm0, $0xb8;
	[tilespmem:$0xA880] =	vst v63  }
0x86: {  	v3 =	vld [tilespmem:$0x2870];
	_ =	sdelay $0x4  }
0x87: {  	v63 =	vshll.u32 v3, $0x1  }
0x88: {  	v3 =	vand.u32 $0x7, v3;
	v4 =	vand.u32 $0xFFFFFFF0, v63  }
0x89: {  	v3 =	vor.u32 v3, v4  }
0x8a: {  	v4 =	vperm.xlane v3, v0;
	_ =	sdelay $0x1  }
0x8b: {  	v3 =	vperm.xlane v3, v2;
	v4 =	vadd.s32 v1, v4;
	_ =	sdelay $0x1  }
0x8c: {  	v3 =	vadd.s32 v1, v3;
	_ =	sdelay $0x2  }
0x8d: {  	[tilespmem:s25], [sflag:$0x1] =	stream.indirect_vreg.gather [hbm4b:s3+s2], $0x80, v4, vm0, $0xb8;
	[tilespmem:$0xA880] =	vst v63  }
0x8e: {  	_ = 	snop  }
0x8f: {  	[tilespmem:s26], [sflag:$0x1] =	stream.indirect_vreg.gather [hbm4b:s3+s2], $0x80, v3, vm0, $0xb8;
	[tilespmem:$0xA880] =	vst v63  }
0x90: {  	_ =	swait.ge [sflag:s28], $0x8000  }
0x91: {  	p0 =	sne.s32 s30, $0x4C00;
	[sflag:s28] =	ssyncset.done $0x0  }
.Ltmp0:
0x92: {  	[sflag:s28] =	ssyncadd.s32 $0xFFFF8000;
	(pc) =	sbr.rel @p0 .LBB2_2-.Ltmp0, $4  }
0x93: {  	[hbm4b:s31+s2] =	stream.linear.scatter [tilespmem:s11], [sflag:$0x2], $0x8000, $0x38;
	[tilespmem:$0xA880] =	vst v63  }
0x94: {  	_ =	swait.ge [sflag:s9], $0x8000  }
0x95: {  	[sflag:s9] =	ssyncset.done $0x0  }
0x96: {  	s30 =	sadd.s32 $0x200, s30;
	s31 =	sadd.s32 $0x1000, s31;
	[sflag:s9] =	ssyncadd.s32 $0xFFFF8000  }
0x97: {  	v3 =	vld [tilespmem:$0x2780];
	_ =	sdelay $0x1  }
0x98: {  	v4 =	vld [tilespmem:$0x1380];
	_ =	sdelay $0x2  }
0x99: {  	v3 =	vmul.u32 $0x2710, v3;
	_ =	sdelay $0x1  }
0x9a: {  	v3 =	vadd.s32 v4, v3  }
0x9b: {  	v3 =	vnsel vm1, $0x0, v3  }
0x9c: {  	[tilespmem:$0x2800] =	vst v3  }
0x9d: {  	v3 =	vld.msk [tilespmem:$0x2800], $0xff;
	_ =	sdelay $0x4  }
0x9e: {  	v63 =	vshll.u32 v3, $0x1  }
0x9f: {  	v3 =	vand.u32 $0x7, v3;
	v4 =	vand.u32 $0xFFFFFFF0, v63  }
0xa0: {  	v3 =	vor.u32 v3, v4  }
0xa1: {  	v3 =	vperm.xlane v3, v0;
	_ =	sdelay $0x1  }
0xa2: {  	v3 =	vadd.s32 v1, v3;
	_ =	sdelay $0x4  }
0xa3: {  	[tilespmem:s11], [sflag:$0x1] =	stream.indirect_vreg.gather [hbm4b:s3+s2], $0x80, v3, vm0, $0xb8;
	[tilespmem:$0xA880] =	vst v63  }
0xa4: {  	s29 =	sadd.s32 $0x1, s29;
	_ =	swait.ge [sflag:s28], $0x800  }
0xa5: {  	p0 =	sne.s32 s29, s7;
	[sflag:s28] =	ssyncset.done $0x0  }
.Ltmp1:
0xa6: {  	[sflag:s28] =	ssyncadd.s32 $0xFFFFF800;
	(pc) =	sbr.rel @p0 .LBB2_1-.Ltmp1, $4  }
0xa7: {  	[hbm4b:s6+s2] =	stream.linear.scatter [tilespmem:s11], [sflag:$0x2], $0x800, $0x38;
	[tilespmem:$0xA880] =	vst v63  }
0xa8: {  	_ =	swait.ge [sflag:s9], $0x800  }
0xa9: {  	[sflag:s9] =	ssyncset.done $0x0  }
0xaa: {  	[sflag:s9] =	ssyncadd.s32 $0xFFFFF800  }
0xab: {  	_ =	sfence.sel $0x180000  }
0xac: {  	[bflag:$0x0] =	sbarrier.arrive $0xFFFF  }
0xad: {  	_ =	strace $0x90000056  }
0xae: {  	[bflag:$0x2] =	sbarrier.arrive $0xFFFF  }
0xaf: {  	p0 =	sne.s32 s1, $0x0;
	s0 =	rddreg [dreg:$0x2]  }
0xb0: {  	s0 =	sadd.s32 @!p0 $0x100000, s0  }
0xb1: {  	[sflag:s0] =	ssyncadd.tile.s32 @!p0 $0x1;
	_ =	shalt  }
.Lfunc_end2:
_tile_overlayer_lowered:
.L_overlay_start_2:
0xb2: {  	(tag) =	ssettag $0x2  }
0xb3: {  	s0 =	rddreg [dreg:$0x0];
	s2 =	stileid.u32  }
0xb4: {  	s1 =	rddreg [dreg:$0x1];
	p0 =	sne.s32 s2, $0x0  }
0xb5: {  	s3 =	rddreg [dreg:$0x2];
	[bflag:$0x3] =	sbarrier.arrive $0xFFFF;
	s2 =	simm.s32 @!p0 $0x1C02  }
0xb6: {  	[timem:s3], [sflag:s2] =	dma.local @!p0 [hbm:s0], s1  }
0xb7: {  	s0 =	simm.s32 @!p0 $0x2  }
0xb8: {  	_ =	swait.ge @!p0 [sflag:s0], s1  }
0xb9: {  	s1 =	ssub.s32 @!p0 $0x0, s1;
	[sflag:s0] =	ssyncset.done @!p0 $0x0  }
0xba: {  	[sflag:s0] =	ssyncadd.s32 @!p0 s1  }
0xbb: {  	[bflag:$0x3] =	sbarrier.arrive $0xFFFF  }
0xbc: {  	_ =	shalt  }

// kernel: scatter_offload_async_start.1
scs
__scs_entry_jumppad:
0x0: {  	(pc) =	sbr.rel $0x88, $3  }
0x1: {  	(tag) =	ssettag $0x0;
	lr =	simm.s32 $0x1  }
0x2: {  	[smem:$0x3F98] =	sst lr;
	_ =	strace $0xD0000000  }
0x3: {  	_ = 	snop  }
0x4: {  	_ = 	snop  }
0x5: {  	_ = 	snop  }
0x6: {  	_ = 	snop  }
0x7: {  	_ = 	snop  }
__scs_overlays_trampoline_lowered:
0x8: {  	[smem:$0x3FA7] =	sst s0  }
0x9: {  	[smem:$0x3FA8] =	sst s1  }
0xa: {  	[smem:$0x3FA9] =	sst s2  }
0xb: {  	[smem:$0x3FAA] =	sst s3  }
0xc: {  	[smem:$0x3FAB] =	sst s4  }
0xd: {  	[smem:$0x3FAC] =	sst s5  }
0xe: {  	[smem:$0x3FAD] =	sst s6  }
0xf: {  	[smem:$0x3FAE] =	sst s7  }
0x10: {  	[smem:$0x3FAF] =	sst s8  }
0x11: {  	[smem:$0x3FB0] =	sst s9;
	s0 =	simm.s32 @!p0 $0x0  }
0x12: {  	s1 =	sld [smem:$0x3F96];
	s0 =	simm.s32 @p0 $0x1  }
0x13: {  	[smem:$0x3FB1] =	sst s0;
	s0 =	simm.s32 @!p1 $0x0  }
0x14: {  	s2 =	sld [smem:$0x3F95];
	s0 =	simm.s32 @p1 $0x1  }
0x15: {  	[smem:$0x3FB2] =	sst s0;
	s0 =	simm.s32 @!p2 $0x0  }
0x16: {  	s3 =	sld [smem:$0x3FDB];
	s0 =	simm.s32 @p2 $0x1  }
0x17: {  	s4 =	simm.s32 $0x1BF5;
	[smem:$0x3FB4] =	sst s0  }
0x18: {  	s0 =	sld [smem:$0x3F97];
	_ =	swait.ge [sflag:s4], $0x0  }
0x19: {  	s7 =	sld [smem:$0x3F98]  }
0x1a: {  	s8 =	sadd.s32 $0xFFFFE003, lr  }
0x1b: {  	s9 =	sadd.s32 $0xFFFFFEF7, lr;
	s5 =	simm.s32 $0xFFFFFFFF;
	p2 =	slt.u32 s8, $0xFFFFF086  }
0x1c: {  	p1 =	slt.u32 s9, $0xF7A;
	s5 =	simm.s32 @!p2 $0x0  }
0x1d: {  	s5 =	simm.s32 @p1 $0x1;
	p0 =	seq.s32 s7, s2  }
0x1e: {  	s7 =	smul.u32 @!p0 $0xF7A, s2;
	p2 =	seq.s32 @!p0 s5, $0x0  }
0x1f: {  	s9 =	smul.u32 $0xF7A, s1;
	s8 =	simm.s32 @!p0 $0x1BF5;
	p2 =	por !p2, p0  }
0x20: {  	[sflag:s8] =	ssyncset.s32 @!p0 $0xFFFFF086;
	s6 =	sadd.s32 @!p0 s3, s7;
	s7 =	simm.s32 @!p0 $0x108  }
0x21: {  	s3 =	sadd.s32 s3, s9;
	s6 =	sadd.s32 @!p0 $0x88, s6;
	s7 =	simm.s32 @p2 $0x1082  }
0x22: {  	[simem:s7], [sflag:s8] =	dma.local @!p0 [hbm:s6], $0xF7A  }
0x23: {  	s9 =	sor.u32 $0xD0000000, s2;
	s6 =	simm.s32 $0x108;
	_ =	swait.ge @!p0 [sflag:s8], $0x0  }
0x24: {  	s3 =	sadd.s32 $0x88, s3;
	s6 =	simm.s32 @!p1 $0x1082;
	[sflag:s4] =	ssyncset.s32 $0xFFFFF086  }
0x25: {  	[simem:s6], [sflag:s4] =	dma.local [hbm:s3], $0xF7A  }
0x26: {  	[smem:$0x3F98] =	sst s1;
	(tag) =	ssettag s2;
	_ =	strace s9  }
0x27: {  	s1 =	sld [smem:$0x3FA8]  }
0x28: {  	s2 =	sld [smem:$0x3FA9]  }
0x29: {  	s4 =	sld [smem:$0x3FAB]  }
0x2a: {  	p0 =	seq.s32 s5, $0x0;
	s5 =	sld [smem:$0x3FAC]  }
0x2b: {  	s6 =	sld [smem:$0x3FAD]  }
0x2c: {  	s7 =	sld [smem:$0x3FAE]  }
0x2d: {  	s3 =	simm.s32 $0x108;
	s8 =	sld [smem:$0x3FAF]  }
0x2e: {  	s3 =	simm.s32 @!p0 $0x1082;
	s9 =	sld [smem:$0x3FB0]  }
0x2f: {  	lr =	sadd.s32 s0, s3;
	s0 =	sld [smem:$0x3FA7]  }
0x30: {  	s3 =	sld [smem:$0x3FAA]  }
0x31: {  	[smem:$0x3FB3] =	sst s10  }
0x32: {  	s10 =	sld [smem:$0x3FB1];
	_ =	sdelay $0x3  }
0x33: {  	p0 =	seq.s32 s10, $0x1;
	s10 =	sld [smem:$0x3FB3];
	_ =	sdelay $0x3  }
0x34: {  	[smem:$0x3FB3] =	sst s10  }
0x35: {  	s10 =	sld [smem:$0x3FB2];
	_ =	sdelay $0x3  }
0x36: {  	p1 =	seq.s32 s10, $0x1;
	s10 =	sld [smem:$0x3FB3];
	_ =	sdelay $0x3  }
0x37: {  	[smem:$0x3FB3] =	sst s10  }
0x38: {  	s10 =	sld [smem:$0x3FB4]  }
0x39: {  	_ = 	snop;
	(pc) =	sbr.ind lr, $3  }
0x3a: {  	_ = 	snop  }
0x3b: {  	_ = 	snop  }
0x3c: {  	p2 =	seq.s32 s10, $0x1;
	s10 =	sld [smem:$0x3FB3]  }
0x3d: {  	_ =	shalt  }
0x3e: {  	_ =	shalt  }
0x3f: {  	_ =	shalt  }
0x40: {  	_ =	shalt  }
0x41: {  	_ =	shalt  }
0x42: {  	_ =	shalt  }
0x43: {  	_ =	shalt  }
0x44: {  	_ =	shalt  }
0x45: {  	_ =	shalt  }
0x46: {  	_ =	shalt  }
0x47: {  	_ =	shalt  }
0x48: {  	_ =	shalt  }
0x49: {  	_ =	shalt  }
0x4a: {  	_ =	shalt  }
0x4b: {  	_ =	shalt  }
0x4c: {  	_ =	shalt  }
0x4d: {  	_ =	shalt  }
0x4e: {  	_ =	shalt  }
0x4f: {  	_ =	shalt  }
0x50: {  	_ =	shalt  }
0x51: {  	_ =	shalt  }
0x52: {  	_ =	shalt  }
0x53: {  	_ =	shalt  }
0x54: {  	_ =	shalt  }
0x55: {  	_ =	shalt  }
0x56: {  	_ =	shalt  }
0x57: {  	_ =	shalt  }
0x58: {  	_ =	shalt  }
0x59: {  	_ =	shalt  }
0x5a: {  	_ =	shalt  }
0x5b: {  	_ =	shalt  }
0x5c: {  	_ =	shalt  }
0x5d: {  	_ =	shalt  }
0x5e: {  	_ =	shalt  }
0x5f: {  	_ =	shalt  }
0x60: {  	_ =	shalt  }
0x61: {  	_ =	shalt  }
0x62: {  	_ =	shalt  }
0x63: {  	_ =	shalt  }
0x64: {  	_ =	shalt  }
0x65: {  	_ =	shalt  }
0x66: {  	_ =	shalt  }
0x67: {  	_ =	shalt  }
0x68: {  	_ =	shalt  }
0x69: {  	_ =	shalt  }
0x6a: {  	_ =	shalt  }
0x6b: {  	_ =	shalt  }
0x6c: {  	_ =	shalt  }
0x6d: {  	_ =	shalt  }
0x6e: {  	_ =	shalt  }
0x6f: {  	_ =	shalt  }
0x70: {  	_ =	shalt  }
0x71: {  	_ =	shalt  }
0x72: {  	_ =	shalt  }
0x73: {  	_ =	shalt  }
0x74: {  	_ =	shalt  }
0x75: {  	_ =	shalt  }
0x76: {  	_ =	shalt  }
0x77: {  	_ =	shalt  }
0x78: {  	_ =	shalt  }
0x79: {  	_ =	shalt  }
0x7a: {  	_ =	shalt  }
0x7b: {  	_ =	shalt  }
0x7c: {  	_ =	shalt  }
0x7d: {  	_ =	shalt  }
0x7e: {  	_ =	shalt  }
0x7f: {  	_ =	shalt  }
0x80: {  	_ =	shalt  }
0x81: {  	_ =	shalt  }
0x82: {  	_ =	shalt  }
0x83: {  	_ =	shalt  }
0x84: {  	_ =	shalt  }
0x85: {  	_ =	shalt  }
0x86: {  	_ =	shalt  }
0x87: {  	_ =	shalt  }
.Lfunc_end0:
.L_simem_size_0:
called_computation.1_lowered:
.L_overlay_start_0:
0x88: {  	s0 =	sld [smem:$0x3FD9]  }
0x89: {  	s1 =	sld [smem:$0x3FFE];
	_ =	sdelay $0x3  }
0x8a: {  	s0 =	sadd.s32 s1, s0  }
0x8b: {  	[smem:$0x3FBF] =	sst s0  }
0x8c: {  	_ = 	snop  }
0x8d: {  	(tm) =	ssettm $0x1  }
0x8e: {  	s14 =	sld [smem:$0x3FFB];
	_ =	sdelay $0x3  }
0x8f: {  	_ =	strace s14  }
0x90: {  	s0 =	sld [smem:$0x3FFC];
	_ =	sdelay $0x3  }
0x91: {  	_ =	strace s0  }
0x92: {  	s0 =	sld [smem:$0x3FFD];
	_ =	sdelay $0x3  }
0x93: {  	_ =	strace s0  }
0x94: {  	_ =	strace $0x8FFFFFFF  }
0x95: {  	s15 =	sld [smem:$0x3FDB];
	_ =	sdelay $0x1  }
0x96: {  	s16 =	simm.s32 $_scs_section_size  }
0x97: {  	s2 =	simm.s32 $_size__tile_overlayer_lowered;
	s3 =	simm.s32 $_tile_overlayer_lowered  }
0x98: {  	s4 =	simm.s32 $0x1BFF;
	s17 =	sshll.u32 s3, $0x1;
	s1 =	sadd.s32 s16, s15  }
0x99: {  	s18 =	simm.s32 $0x0;
	s2 =	sshll.u32 s2, $0x1;
	s3 =	sadd.s32 s17, s1  }
0x9a: {  	[timem:s18], [sflag:s4] =	dma.local [hbm:s3], s2  }
0x9b: {  	_ =	swait.ge [sflag:s4], s2  }
0x9c: {  	s2 =	ssub.s32 $0x0, s2;
	[sflag:s4] =	ssyncset.done $0x0  }
0x9d: {  	[sflag:s4] =	ssyncadd.s32 s2;
	_ =	sdelay $0x1  }
0x9e: {  	s19 =	simm.s32 $0x1B8B  }
0x9f: {  	_ =	swait.ge [sflag:s19], $0x1  }
0xa0: {  	[sflag:s19] =	ssyncset.done $0x0  }
0xa1: {  	s21 =	simm.s32 $0x1B8E;
	s20 =	sld [smem:$0x3FFE];
	[sflag:s19] =	ssyncadd.s32 $0xFFFFFFFF  }
0xa2: {  	s22 =	simm.s32 $execute0_lowered;
	[smem:$0x3FD2] =	sst s21  }
0xa3: {  	s3 =	sshll.u32 s22, $0x1;
	_ =	strace $0x80000049;
	[dreg:$0x1] =	wrdreg $0xFFFFFFFF  }
0xa4: {  	s23 =	simm.s32 $_size_execute0_lowered;
	s3 =	sadd.s32 s1, s3;
	[dreg:$0x0] =	wrdreg $0x0  }
0xa5: {  	s4 =	sshll.u32 s23, $0x1;
	[dreg:$0x2] =	wrdreg s3  }
0xa6: {  	[dreg:$0x3] =	wrdreg s4  }
0xa7: {  	[dreg:$0x4] =	wrdreg $0xC0  }
0xa8: {  	s24 =	simm.s32 $execute1_lowered;
	_ =	task [dreg:s18], $0x5FFFF  }
0xa9: {  	s3 =	sshll.u32 s24, $0x1;
	[dreg:$0x1] =	wrdreg $0xFFFFFFFF  }
0xaa: {  	s1 =	sadd.s32 s1, s3;
	[dreg:$0x0] =	wrdreg $0x60  }
0xab: {  	[dreg:$0x2] =	wrdreg s1  }
0xac: {  	[dreg:$0x3] =	wrdreg s20  }
0xad: {  	[dreg:$0x4] =	wrdreg $0x9  }
0xae: {  	_ =	task.clear_ibuf [dreg:s18], $0x5FFFF;
	_ =	strace $0x90000049  }
0xaf: {  	s25 =	simm.s32 $0x9;
	_ =	strace $0x8000004B  }
0xb0: {  	_ =	swait.ge [sflag:s25], $0x1  }
0xb1: {  	[sflag:s25] =	ssyncadd.s32 $0xFFFFFFFF  }
0xb2: {  	_ =	strace $0x9000004B  }
0xb3: {  	_ =	strace $0x8000004C;
	[dreg:$0x1] =	wrdreg $0xFFFFFFFF  }
0xb4: {  	[dreg:$0x0] =	wrdreg $0x2030  }
0xb5: {  	[dreg:$0x2] =	wrdreg s20  }
0xb6: {  	[dreg:$0x3] =	wrdreg $0xA  }
0xb7: {  	_ =	task.clear_ibuf [dreg:s18], $0x4FFFF;
	_ =	strace $0x9000004C  }
0xb8: {  	s26 =	simm.s32 $0xA;
	_ =	strace $0x8000004E  }
0xb9: {  	_ =	swait.ge [sflag:s26], $0x1  }
0xba: {  	[sflag:s26] =	ssyncadd.s32 $0xFFFFFFFF  }
0xbb: {  	_ =	strace $0x9000004E  }
0xbc: {  	_ =	sfence  }
0xbd: {  	s28 =	sld [smem:$0x0];
	_ =	sdelay $0x1  }
0xbe: {  	s29 =	srdreg.scid  }
0xbf: {  	s30 =	sshll.u32 s29, $0xD;
	s31 =	sshrl.u32 s29, $0x2  }
0xc0: {  	s2 =	sand.u32 $0x1, s29;
	s3 =	sand.u32 $0x4000, s30;
	s1 =	sadd.s32 s31, s28  }
0xc1: {  	s2 =	sor.u32 s3, s2;
	s1 =	sshll.u32 s1, $0x11  }
0xc2: {  	s1 =	sor.u32 s1, s2  }
0xc3: {  	s1 =	sadd.s32 $0x8F2B, s1  }
0xc4: {  	[sflag:s1] =	ssyncadd.remote.s32 $0x1  }
0xc5: {  	_ =	sfence.sel $0xFFFF  }
0xc6: {  	[dreg:$0x0] =	wrdreg $0xFFFFFFFF;
	(pc) =	sbr.abs _section_cstart, $3  }
0xc7: {  	[dreg:$0x1] =	wrdreg $0xFFFFFFFF  }
0xc8: {  	_ =	task.clear_ibuf [dreg:s18], $0x2FFFF;
	_ =	strace $0x9FFFFFFF  }
0xc9: {  	(tm) =	ssettm $0x7FFFFFFF  }
tec
execute0_lowered:
.L_overlay_start_1:
0x0: {  	(tag) =	ssettag $0x1  }
0x1: {  	s2 =	rddreg [dreg:$0x0]  }
0x2: {  	s4 =	rddreg [dreg:$0x1]  }
0x3: {  	s0 =	rddreg [dreg:$0x2];
	s3 =	stileid.u32  }
0x4: {  	[bflag:$0x3] =	sbarrier.arrive $0xFFFF;
	s1 =	simm.s32 $_size_execute1_lowered;
	p0 =	sne.s32 s3, $0x0  }
0x5: {  	s1 =	sshll.u32 s1, $0x1;
	s5 =	simm.s32 @!p0 $0x1C3F;
	s6 =	simm.s32 @!p0 $0x4060  }
0x6: {  	[timem:s6], [sflag:s5] =	dma.local @!p0 [hbm:s2], s1  }
0x7: {  	s2 =	smul.u32 $0x280, s3  }
.Ltmp0:
0x8: {  	s31 =	simm.s32 $0x2;
	s7 =	simm.s32 $0x280;
	(pc) =	sbr.rel .LBB2_1-.Ltmp0, $4  }
0x9: {  	s8 =	simm.s32 $0x780;
	s10 =	simm.s32 $0x0;
	s9 =	simm.s32 $0x0  }
0xa: {  	s3 =	simm.s32 $0x1;
	_ =	strace $0x8000004A;
	s30 =	sshrl.u32 s2, $0x3  }
0xb: {  	s6 =	simm.s32 $0x0;
	[sflag:s3] =	ssyncpa.u1 $0x0;
	s5 =	sadd.s32 s30, s4  }
0xc: {  	s4 =	sadd.s32 $0x9D8600, s4;
	[sflag:s31] =	ssyncpa.u1 $0x0;
	s5 =	sadd.s32 $0x9D8000, s5  }
.LBB2_8:
0xd: {  	p1 =	seq.s32 s9, $0x2  }
.Ltmp1:
0xe: {  	_ = 	snop;
	(pc) =	sbr.rel @p1 .LBB2_10-.Ltmp1, $1  }
0xf: {  	_ =	sdelay $0x3  }
.LBB2_9:
0x10: {  	s9 =	sadd.s32 $0x1, s9;
	s10 =	smov.u32 s2  }
.LBB2_1:
0x11: {  	p1 =	sne.s32 s9, $0x0  }
.Ltmp2:
0x12: {  	_ = 	snop;
	(pc) =	sbr.rel @!p1 .LBB2_2-.Ltmp2, $1  }
0x13: {  	_ =	sdelay $0x3  }
0x14: {  	s11 =	sand.u32 $0x1, s9  }
0x15: {  	p1 =	seq.s32 s11, $0x0  }
.Ltmp3:
0x16: {  	_ = 	snop;
	(pc) =	sbr.rel @p1 .LBB2_8-.Ltmp3, $1  }
0x17: {  	_ =	sdelay $0x3  }
0x18: {  	_ =	swait.ge [sflag:s3], $0x280  }
0x19: {  	[sflag:s3] =	ssyncset.done $0x0  }
0x1a: {  	s11 =	simm.s32 $0x0;
	p1 =	por $0x1, $0x1;
	[sflag:s3] =	ssyncadd.s32 $0xFFFFFD80  }
.LBB2_5:
0x1b: {  	v0 =	vld [tilespmem:s11+$0x280]  }
0x1c: {  	v1 =	vld [tilespmem:s11+$0x290]  }
0x1d: {  	v2 =	vld [tilespmem:s11+$0x2A0]  }
0x1e: {  	v3 =	vld [tilespmem:s11+$0x2B0]  }
0x1f: {  	v4 =	vld [tilespmem:s11+$0x2C0]  }
0x20: {  	v53 =	vld [tilespmem:s11+$0x2D0];
	[tilespmem:s11+$0x780] =	vst v0  }
0x21: {  	v54 =	vld [tilespmem:s11+$0x2E0];
	[tilespmem:s11+$0x790] =	vst v1  }
0x22: {  	v55 =	vld [tilespmem:s11+$0x2F0];
	[tilespmem:s11+$0x7A0] =	vst v2  }
0x23: {  	v56 =	vld [tilespmem:s11+$0x300];
	[tilespmem:s11+$0x7B0] =	vst v3  }
0x24: {  	v57 =	vld [tilespmem:s11+$0x310];
	[tilespmem:s11+$0x7C0] =	vst v4  }
0x25: {  	v58 =	vld [tilespmem:s11+$0x320];
	[tilespmem:s11+$0x7D0] =	vst v53  }
0x26: {  	v59 =	vld [tilespmem:s11+$0x330];
	[tilespmem:s11+$0x7E0] =	vst v54  }
0x27: {  	v60 =	vld [tilespmem:s11+$0x340];
	[tilespmem:s11+$0x7F0] =	vst v55  }
0x28: {  	v61 =	vld [tilespmem:s11+$0x350];
	[tilespmem:s11+$0x800] =	vst v56  }
0x29: {  	v62 =	vld [tilespmem:s11+$0x360];
	[tilespmem:s11+$0x810] =	vst v57  }
0x2a: {  	v63 =	vld [tilespmem:s11+$0x370];
	p2 =	por p1, p1;
	[tilespmem:s11+$0x820] =	vst v58  }
.Ltmp4:
0x2b: {  	[tilespmem:s11+$0x830] =	vst v59;
	(pc) =	sbr.rel @p2 .LBB2_5-.Ltmp4, $4  }
0x2c: {  	[tilespmem:s11+$0x840] =	vst v60  }
0x2d: {  	[tilespmem:s11+$0x850] =	vst v61  }
0x2e: {  	s12 =	simm.s32 $0x1F0;
	s13 =	simm.s32 $0x980;
	[tilespmem:s11+$0x860] =	vst v62  }
0x2f: {  	s14 =	simm.s32 $0x480;
	p1 =	por $0x0, $0x0;
	[tilespmem:s11+$0x870] =	vst v63;
	s11 =	simm.s32 $0x100  }
.LBB2_6:
0x30: {  	s12 =	sadd.s32 $0x10, s12  }
0x31: {  	v0 =	vld [tilespmem:s14+$0x0];
	p1 =	slt.u32 s12, $0x270  }
.Ltmp5:
0x32: {  	_ = 	snop;
	(pc) =	sbr.rel @p1 .LBB2_6-.Ltmp5, $2  }
0x33: {  	_ =	sdelay $0x2  }
0x34: {  	s14 =	sadd.s32 $0x10, s14;
	[tilespmem:s13+$0x0] =	vst v0;
	s13 =	sadd.s32 $0x10, s13  }
.Ltmp6:
0x35: {  	(pc) =	sbr.rel .LBB2_8-.Ltmp6, $4  }
0x36: {  	_ = 	snop  }
0x37: {  	s10 =	sshrl.u32 s10, $0x3  }
0x38: {  	s10 =	sadd.s32 s4, s10  }
0x39: {  	[hbm4b:s10+s6] =	stream.linear.scatter [tilespmem:s8], [sflag:$0x2], $0x280, $0x38;
	[tilespmem:$0xA00] =	vst v63  }
.LBB2_2:
.Ltmp7:
0x3a: {  	(pc) =	sbr.rel .LBB2_9-.Ltmp7, $2  }
0x3b: {  	_ =	sdelay $0x2  }
0x3c: {  	[tilespmem:s7], [sflag:$0x1] =	stream.linear.gather [hbm4b:s5+s6], $0x280, $0x38;
	[tilespmem:$0xA00] =	vst v63  }
.LBB2_10:
0x3d: {  	s2 =	simm.s32 $0x2  }
0x3e: {  	_ =	swait.ge [sflag:s2], $0x280  }
0x3f: {  	[sflag:s2] =	ssyncset.done $0x0  }
0x40: {  	[sflag:s2] =	ssyncadd.s32 $0xFFFFFD80  }
0x41: {  	_ =	sfence.sel $0x180000  }
0x42: {  	s3 =	simm.s32 $0x1;
	[bflag:$0x0] =	sbarrier.arrive $0xFFFF  }
0x43: {  	[sflag:s3] =	ssyncpa.u1 $0x1  }
0x44: {  	[sflag:s2] =	ssyncpa.u1 $0x1  }
0x45: {  	_ =	strace $0x9000004A  }
0x46: {  	s0 =	sadd.s32 @!p0 $0x100000, s0;
	[bflag:$0x2] =	sbarrier.arrive $0xFFFF  }
0x47: {  	[sflag:s0] =	ssyncadd.tile.s32 @!p0 $0x1;
	s0 =	simm.s32 @!p0 $0x3F  }
0x48: {  	_ =	swait.ge @!p0 [sflag:s0], s1  }
0x49: {  	s1 =	ssub.s32 @!p0 $0x0, s1;
	[sflag:s0] =	ssyncset.done @!p0 $0x0  }
0x4a: {  	[sflag:s0] =	ssyncadd.s32 @!p0 s1  }
0x4b: {  	[bflag:$0x3] =	sbarrier.arrive $0xFFFF  }
0x4c: {  	_ =	shalt  }
.Lfunc_end2:
execute1_lowered:
.L_overlay_start_2:
0x4d: {  	(tag) =	ssettag $0x2  }
0x4e: {  	s0 =	rddreg [dreg:$0x0]  }
0x4f: {  	s14 =	stileid.u32;
	_ =	strace $0x8000004D;
	s2 =	simm.s32 $0x1  }
0x50: {  	v1 =	vimm.s32 $0xFFFFFFFF;
	s1 =	smin.u32 s14, $0x4;
	[sflag:s2] =	ssyncpa.u1 $0x0  }
0x51: {  	s1 =	sadd.s32 s14, s1;
	[tilespmem:$0x10] =	vst v1  }
0x52: {  	v0 =	vimm.f32 $0.0e+00;
	p0 =	slt.u32 s14, $0x4;
	[tilespmem:$0x20] =	vst v1;
	s3 =	smul.u32 $0x1F40, s1;
	s1 =	simm.s32 $0x3E80  }
0x53: {  	[tilespmem:$0x30] =	vst v0;
	s1 =	simm.s32 @!p0 $0x1F40  }
0x54: {  	[tilespmem:$0x40] =	vst v0;
	s1 =	sadd.s32 s1, s3  }
0x55: {  	[tilespmem:$0x50] =	vst v0;
	s4 =	smin.u32 s1, $0x27100  }
0x56: {  	[tilespmem:$0x60] =	vst v1;
	s9 =	ssub.s32 s4, s3  }
0x57: {  	s7 =	simm.s32 $0x2;
	s8 =	simm.s32 $0x8;
	[tilespmem:$0x70] =	vst v1;
	p0 =	sgt.s32 s9, $0x0  }
0x58: {  	s31 =	simm.s32 $0x9;
	s16 =	simm.s32 $0x0;
	[tilespmem:$0x80] =	vst v1;
	s9 =	simm.s32 @!p0 $0x0  }
0x59: {  	s17 =	simm.s32 $0xF0;
	s18 =	simm.s32 $0xFFFFFFFF;
	v1 =	vimm.s32 $0x0;
	[tilespmem:$0xB0] =	vst v0;
	s5 =	smulhi.u32 $0x10624DD3, s9  }
0x5a: {  	s19 =	simm.s32 $0xFFFFC280;
	s20 =	simm.s32 $0xFFFFFFFE;
	s21 =	simm.s32 $0xF;
	[tilespmem:$0x90] =	vst v1  }
0x5b: {  	[tilespmem:$0xA0] =	vst v1;
	[sflag:s7] =	ssyncpa.u1 $0x0;
	s7 =	simm.s32 $0x7;
	s10 =	sshrl.u32 s5, $0x9  }
0x5c: {  	s25 =	simm.s32 $0x0;
	[sflag:s7] =	ssyncpa.u1 $0x0;
	s11 =	smul.u32 $0x1F40, s10  }
0x5d: {  	s24 =	simm.s32 $0x0;
	s6 =	sadd.s32 $0x9D3000, s0;
	[sflag:s8] =	ssyncpa.u1 $0x0  }
.Ltmp8:
0x5e: {  	s23 =	smov.u32 s3;
	p0 =	sne.s32 s9, s11;
	(pc) =	sbr.rel .LBB3_1-.Ltmp8, $4  }
0x5f: {  	s1 =	sadd.s32 $0x9D8600, s0;
	[sflag:s31] =	ssyncpa.u1 $0x0;
	s2 =	simm.s32 @!p0 $0x0  }
0x60: {  	s5 =	sadd.s32 $0x9CE000, s0;
	p0 =	por $0x0, $0x0;
	s9 =	sadd.s32 s2, s10  }
0x61: {  	vm0 =	vmmov $0xffff;
	v2 =	vlaneseq.u32;
	s10 =	sshll.u32 s14, $0x1;
	s14 =	sshllo.u32 s14, $0x1;
	s11 =	sadd.s32 $0x1, s9  }
0x62: {  	vm1 =	vmxor vm1, vm1;
	vm2 =	vmmov $0x1;
	vm3 =	vcmask $0x3F3C;
	s12 =	sadd.s32 $0x2, s9;
	s13 =	sor.u32 $0x81, s10;
	s15 =	sor.u32 $0x80, s10  }
.LBB3_9:
0x63: {  	p1 =	slt.u32 s24, $0x3  }
0x64: {  	s0 =	simm.s32 @!p1 $0x2  }
0x65: {  	_ =	swait.ge @!p1 [sflag:s0], $0x1F40  }
0x66: {  	[sflag:s0] =	ssyncset.done @!p1 $0x0  }
0x67: {  	[sflag:s0] =	ssyncadd.s32 @!p1 $0xFFFFE0C0;
	s0 =	simm.s32 @!p1 $0x9  }
0x68: {  	_ =	swait.ge @!p1 [sflag:s0], $0x10  }
0x69: {  	[sflag:s0] =	ssyncset.done @!p1 $0x0  }
0x6a: {  	[sflag:s0] =	ssyncadd.s32 @!p1 $0xFFFFFFF0;
	p1 =	sne.s32 s24, s12  }
.Ltmp9:
0x6b: {  	s2 =	sadd.s32 $0x1F40, s23;
	(pc) =	sbr.rel @!p1 .LBB3_10-.Ltmp9, $4  }
0x6c: {  	s22 =	smov.u32 s3;
	s31 =	sadd.s32 $0x1, s24;
	s17 =	sadd.s32 $0x1F40, s17  }
0x6d: {  	s18 =	sadd.s32 $0x1, s18;
	s25 =	smov.u32 s23;
	p2 =	slt.s32 s2, s4  }
0x6e: {  	p0 =	por !p0, !p0;
	s19 =	sadd.s32 $0x1F40, s19;
	s22 =	smov.u32 @p2 s2  }
0x6f: {  	s20 =	sadd.s32 $0x1, s20;
	s23 =	smov.u32 s22;
	s24 =	smov.u32 s31  }
.LBB3_1:
0x70: {  	p1 =	sge.u32 s24, s9  }
0x71: {  	s0 =	smulhi.u32 @!p1 $0xAAAAAAAB, s24;
	_ =	sdelay $0x1  }
0x72: {  	s0 =	sshrl.u32 @!p1 s0, $0x1  }
0x73: {  	s0 =	smul.u32 @!p1 $0x3, s0;
	_ =	sdelay $0x1  }
0x74: {  	s0 =	ssub.s32 @!p1 s24, s0  }
0x75: {  	s0 =	smul.u32 @!p1 $0x7D00, s0;
	_ =	sdelay $0x1  }
0x76: {  	s2 =	sshrl.u32 @!p1 s23, $0x3;
	s0 =	sshrl.u32 @!p1 s0, $0x2  }
0x77: {  	s22 =	sand.u32 @!p1 $0x7, s23;
	s2 =	sadd.s32 @!p1 s5, s2;
	s0 =	sadd.s32 @!p1 $0x100, s0  }
0x78: {  	[tilespmem:s0], [sflag:$0x7] =	stream.linear.gather @!p1 [hbm4b:s2+s22], $0x1F40, $0x38;
	[tilespmem:$0x11A60] =	vst v63  }
0x79: {  	s0 =	sadd.s32 $0xFFFFFFFF, s24  }
0x7a: {  	p1 =	sge.u32 s0, s9  }
.Ltmp10:
0x7b: {  	_ = 	snop;
	(pc) =	sbr.rel @p1 .LBB3_5-.Ltmp10, $1  }
0x7c: {  	_ =	sdelay $0x3  }
0x7d: {  	s2 =	smulhi.u32 $0xAAAAAAAB, s0;
	_ =	sdelay $0x1  }
0x7e: {  	s2 =	sshrl.u32 s2, $0x1  }
0x7f: {  	s2 =	smul.u32 $0x3, s2;
	_ =	sdelay $0x1  }
0x80: {  	s2 =	ssub.s32 s0, s2  }
0x81: {  	s2 =	smul.u32 $0x7D00, s2  }
0x82: {  	_ =	swait.ge [sflag:s7], $0x1F40  }
0x83: {  	[sflag:s7] =	ssyncset.done $0x0;
	s2 =	sshrl.u32 s2, $0x2  }
0x84: {  	[sflag:s7] =	ssyncadd.s32 $0xFFFFE0C0;
	(ifvalue) =	ssetifvalue $0xFFFFFFFF;
	v3 =	vld.msk [tilespmem:s2+$0x100 ss:$0x1], $0xffff;
	_ =	sdelay $0x2  }
0x85: {  	s30 =	smulhi.u32 $0xAAAAAAAB, s18;
	p1 =	sne.s32 s24, $0x1  }
0x86: {  	v4 =	vimm.s32 @!p1 $0x0  }
0x87: {  	s2 =	sshrl.u32 s30, $0x1;
	v4 =	vperm.xlane @!p1 v3, v4  }
0x88: {  	s22 =	sshll.u32 s24, $0x4;
	s2 =	smul.u32 $0xFFFE8900, s2;
	vm4 =	vlt.u32 v3, $0x2800  }
0x89: {  	s22 =	sand.u32 $0x10, s22;
	v3 =	vnsel vm4, $0xFFFFFFFE, v3;
	vm4 =	vlt.u32 @!p1 v4, $0x2800  }
0x8a: {  	s2 =	sshra.s32 s2, $0x2;
	[tilespmem:s22+$0x60] =	vst v3;
	v3 =	vnsel @!p1 vm4, $0xFFFFFFFE, v4  }
0x8b: {  	s28 =	sadd.s32 s2, s17;
	[tilespmem:$0x80] =	vst @!p1 v3  }
0x8c: {  	v3 =	vld.msk [tilespmem:s28+$0x0 ss:$0x1], $0xffff;
	_ =	sdelay $0x4  }
0x8d: {  	(xrf1) =	vunique.msk.u32 $0xffff, v3;
	_ =	sdelay $0xd  }
0x8e: {  	v4 =	vimm.s32 $0xFFFFFFFF;
	v5, _, _ =	vpop (xrf1)  }
0x8f: {  	vm5 =	vne.s32 v3, v4;
	vm4 =	veq.s32 v5, v2  }
0x90: {  	vm6 =	vlt.u32 v3, $0x2800;
	vm4 =	vmand vm5, vm4  }
0x91: {  	vm4 =	vmand vm6, vm4  }
0x92: {  	v4 =	vnsel vm4, $0xFFFFFFFF, v3  }
0x93: {  	s31 =	sand.u32 $0x1, s0  }
0x94: {  	s0 =	simm.s32 $0x1F40;
	p1 =	seq.s32 s31, $0x1  }
0x95: {  	s0 =	simm.s32 @!p1 $0x0  }
0x96: {  	s26 =	sadd.s32 $0x7DF0, s0;
	(ifvalue) =	ssetifvalue $0xFFFFFFFF  }
0x97: {  	v3 =	vperm.xlane v3, v1;
	[tilespmem:s26], [sflag:$0x8] =	stream.indirect_vreg.gather [hbm4b:s1+s16], $0x1, v4, vm0, $0x4038;
	v4 =	vnsel vm6, $0xFFFFFFFE, v4;
	[tilespmem:$0x11A60] =	vst v63  }
0x98: {  	s2 =	simm.s32 $0x0;
	s22 =	sadd.s32 $0xFFFFFFF0, s28;
	[tilespmem:s28+$0x0] =	vst v4  }
.LBB3_3:
0x99: {  	v4 =	vld.msk [tilespmem:s22+$0x0 ss:$0x1], $0xffff;
	s2 =	sadd.s32 $0x10, s2;
	v5 =	vmov v3;
	s28 =	smov.u32 s22  }
0x9a: {  	p1 =	slt.u32 s2, $0x1F30;
	_ =	sdelay $0x4  }
0x9b: {  	v3 =	vperm.xlane v4, v1;
	(xrf1) =	vunique.msk.u32 $0xffff, v4;
	_ =	sdelay $0xd  }
0x9c: {  	v6, _, _ =	vpop (xrf1)  }
0x9d: {  	vm5 =	vne.s32 v4, v5;
	vm4 =	veq.s32 v6, v2  }
0x9e: {  	vm6 =	vlt.u32 v4, $0x2800;
	vm4 =	vmand vm5, vm4  }
0x9f: {  	vm4 =	vmand vm6, vm4  }
0xa0: {  	v4 =	vnsel vm4, $0xFFFFFFFF, v4  }
.Ltmp11:
0xa1: {  	v5 =	vnsel vm6, $0xFFFFFFFE, v4;
	(pc) =	sbr.rel @p1 .LBB3_3-.Ltmp11, $3  }
0xa2: {  	_ =	sdelay $0x1  }
0xa3: {  	s22 =	sadd.s32 $0xFFFFFFF0, s22;
	s26 =	sadd.s32 $0xFFFFFFF0, s26;
	(ifvalue) =	ssetifvalue $0xFFFFFFFF  }
0xa4: {  	[tilespmem:s26], [sflag:$0x8] =	stream.indirect_vreg.gather [hbm4b:s1+s16], $0x1, v4, vm0, $0x4038;
	[tilespmem:s28+$0x0] =	vst v5  }
0xa5: {  	s2 =	sshrl.u32 s25, $0x3  }
0xa6: {  	s0 =	sadd.s32 $0x9D40, s0;
	s2 =	sadd.s32 s6, s2  }
0xa7: {  	[tilespmem:s0], [sflag:$0x8] =	stream.linear.gather [hbm:s2], $0x1F40, $0x38;
	[tilespmem:$0x11A60] =	vst v63  }
.LBB3_5:
0xa8: {  	p1 =	slt.u32 s24, $0x2  }
0xa9: {  	p2 =	sge.u32 @!p1 s24, s12  }
0xaa: {  	p1 =	por p1, p2  }
.Ltmp12:
0xab: {  	_ = 	snop;
	(pc) =	sbr.rel @p1 .LBB3_9-.Ltmp12, $1  }
0xac: {  	_ =	sdelay $0x3  }
0xad: {  	s0 =	sadd.s32 $0xFFFFFFFE, s24  }
0xae: {  	s2 =	smulhi.u32 $0xAAAAAAAB, s0;
	_ =	sdelay $0x1  }
0xaf: {  	s2 =	sshrl.u32 s2, $0x1  }
0xb0: {  	s2 =	smul.u32 $0x3, s2;
	_ =	sdelay $0x1  }
0xb1: {  	s0 =	ssub.s32 s0, s2  }
0xb2: {  	_ =	swait.ge [sflag:s8], $0x3E80;
	s0 =	smul.u32 $0x1F40, s0  }
0xb3: {  	p1 =	sne.s32 s24, s11;
	[sflag:s8] =	ssyncset.done $0x0  }
0xb4: {  	[sflag:s8] =	ssyncadd.s32 $0xFFFFC180;
	s2 =	sadd.s32 @!p1 $0x203F, s0  }
0xb5: {  	[spmem:s13] =	stream.linear.scatter @!p1 [tilespmem:s2], [sflag:$0x1], $0x1, $0x38;
	[tilespmem:$0x11A60] =	vst v63  }
0xb6: {  	s2 =	simm.s32 @!p1 $0x1  }
0xb7: {  	_ =	swait.ge @!p1 [sflag:s2], $0x1  }
0xb8: {  	s22 =	sshll.u32 s24, $0x4;
	[sflag:s2] =	ssyncset.done @!p1 $0x0  }
0xb9: {  	s25 =	sand.u32 $0x10, s22;
	[sflag:s2] =	ssyncadd.s32 @!p1 $0xFFFFFFFF  }
0xba: {  	s2 =	sxor.u32 $0x10, s25;
	v4 =	vld [tilespmem:s25+$0x10]  }
0xbb: {  	v5 =	vld [tilespmem:s2+$0x60]  }
0xbc: {  	v3 =	vld [tilespmem:$0x80];
	_ =	sdelay $0x2  }
0xbd: {  	(v2sf) =	vpush v4, $0x0  }
0xbe: {  	(v2sf) =	vpush v5, $0x0  }
0xbf: {  	(v2sf) =	vpush v3, $0x0;
	_ =	sdelay $0xc  }
0xc0: {  	s22 =	spop (v2sf)  }
0xc1: {  	s26 =	spop (v2sf)  }
0xc2: {  	s28 =	spop (v2sf)  }
0xc3: {  	p2 =	seq.s32 s22, s26;
	p3 =	seq.s32 s28, s22  }
0xc4: {  	p3 =	por p2, p3  }
0xc5: {  	s26 =	sand.u32 $0x1, s24;
	v4 =	vpsel p3, $0xFFFFFFFF, v4  }
0xc6: {  	s29 =	smul.u32 $0x1F40, s26;
	[tilespmem:s25+$0x10] =	vst.msk $0x1, v4  }
0xc7: {  	v4 =	vld [tilespmem:$0x30]  }
0xc8: {  	v5 =	vld [tilespmem:s29+$0x9D40]  }
0xc9: {  	v6 =	vld [tilespmem:s25+$0x40];
	_ =	sdelay $0x3  }
0xca: {  	vm4 =	vmmov vm1;
	v5 =	vadd.f32 v5, v4  }
0xcb: {  	vm5 =	vmmov vm2;
	vm4 =	vmmov @p2 vm2;
	s22 =	sshll.u32 s26, $0x4;
	v4 =	vadd.f32 v6, v4  }
0xcc: {  	s26 =	sor.u32 $0x11A40, s22;
	vm5 =	vmmov @p3 vm1;
	[tilespmem:s29+$0x9D40] =	vst.msk vm4, v5  }
0xcd: {  	[tilespmem:s26+$0x0] =	vst.msk vm5, v4  }
0xce: {  	v4 =	vld [tilespmem:s29+$0x7DF0];
	_ =	sdelay $0x3  }
0xcf: {  	v5 =	vimm.f32 $0.0e+00  }
0xd0: {  	v4 =	vshift.insert v4, v5, s21  }
0xd1: {  	s22 =	sor.u32 $0x40, s2  }
0xd2: {  	[tilespmem:s22+$0x0] =	vst.msk $0x1, v4  }
0xd3: {  	[tilespmem:s29+$0x7DFF] =	vst.msk $0x1, v5  }
0xd4: {  	v4 =	vld [tilespmem:s0+$0x2030];
	_ =	sdelay $0x1  }
0xd5: {  	s22 =	smulhi.u32 $0xAAAAAAAB, s20;
	s0 =	simm.s32 $0x1  }
0xd6: {  	s0 =	simm.s32 @!p0 $0x0  }
0xd7: {  	s22 =	sshrl.u32 s22, $0x1;
	s0 =	smul.u32 $0x7D00, s0  }
0xd8: {  	s22 =	smul.u32 $0xFFFE8900, s22;
	v4 =	vshift.insert v4, v1, s21  }
0xd9: {  	s0 =	sshrl.u32 s0, $0x2  }
0xda: {  	s22 =	sshra.s32 s22, $0x2;
	s30 =	sadd.s32 $0x9D40, s0;
	[tilespmem:s2+$0x10] =	vst.msk $0x1, v4  }
0xdb: {  	s22 =	sadd.s32 s22, s19;
	v6 =	vld [tilespmem:s30+$0x0]  }
0xdc: {  	v7 =	vld [tilespmem:s22+$0x0];
	_ =	sdelay $0x3  }
0xdd: {  	v5 =	vadd.f32 v6, v5  }
0xde: {  	vm4 =	vne.s32 v7, $0xFFFFFFFF  }
0xdf: {  	(xrf2) =	vadd.seg.scan.f32 vm4, v5;
	_ =	sdelay $0x3  }
0xe0: {  	s31 =	sadd.s32 $0x5EC0, s0;
	v5 =	vperm.xlane v4, v1  }
0xe1: {  	v6 =	vld [tilespmem:s31+$0x0]  }
0xe2: {  	vm5 =	veq.s32 v7, v3;
	vm6 =	veq.s32 v7, v5  }
0xe3: {  	vm7 =	vgt.u32 v7, $0xFFFFFFFD;
	vm6 =	vmor vm6, vm5  }
0xe4: {  	vm6 =	vmor vm6, vm7  }
0xe5: {  	v9 =	vld [tilespmem:$0xA0];
	v7 =	vsel vm6, $0xFFFFFFFF, v7  }
0xe6: {  	v10 =	vld [tilespmem:$0x90];
	v6 =	vsel vm5, $0x0, v6;
	v8, _, _ =	vpop (xrf2)  }
0xe7: {  	v6 =	vadd.f32 v8, v6  }
0xe8: {  	s0 =	sadd.s32 $0xDBC0, s0  }
0xe9: {  	vm4 =	vmand vm4, vm3;
	[tilespmem:s0+$0x0] =	vst v6;
	(ifvalue) =	ssetifvalue $0xFFFFFFFF  }
0xea: {  	vm6 =	veq.s32 v9, $0x1;
	[hbm4b:s1+s16] =	stream.indirect_vreg.scatter [tilespmem:s0], [sflag:$0x2], $0x1, v7, vm0, $0x4038;
	v7 =	vsel vm4, $0x0, v8;
	[tilespmem:$0x11A60] =	vst v63  }
0xeb: {  	s2 =	simm.s32 $0x0;
	s22 =	sadd.s32 $0x10, s22;
	vm4 =	vmor vm6, vm5;
	v6 =	vsel vm5, v8, v10;
	v7 =	vshift.insert v7, v0, s21  }
.LBB3_7:
0xec: {  	v8 =	vld [tilespmem:s22+$0x0];
	s30 =	sadd.s32 $0x10, s30  }
0xed: {  	s31 =	sadd.s32 $0x10, s31;
	v9 =	vld [tilespmem:s30+$0x0]  }
0xee: {  	s2 =	sadd.s32 $0x10, s2;
	v10 =	vld [tilespmem:s31+$0x0]  }
0xef: {  	p2 =	slt.u32 s2, $0x1F30;
	_ =	sdelay $0x2  }
0xf0: {  	v7 =	vadd.f32 v9, v7  }
0xf1: {  	vm5 =	vne.s32 v8, $0xFFFFFFFF  }
0xf2: {  	vm6 =	vmand vm5, vm3;
	(xrf2) =	vadd.seg.scan.f32 vm5, v7;
	_ =	sdelay $0x5  }
0xf3: {  	vm7 =	veq.s32 v8, v5;
	vm5 =	veq.s32 v8, v3  }
0xf4: {  	vm8 =	vgt.u32 v8, $0xFFFFFFFD;
	vm4 =	vmor vm4, vm5;
	vm7 =	vmor vm7, vm5  }
0xf5: {  	vm7 =	vmor vm7, vm8  }
0xf6: {  	v8 =	vsel vm7, $0xFFFFFFFF, v8  }
.Ltmp13:
0xf7: {  	v7 =	vsel vm5, $0x0, v10;
	v9, _, _ =	vpop (xrf2);
	(pc) =	sbr.rel @p2 .LBB3_7-.Ltmp13, $4  }
0xf8: {  	v6 =	vsel vm5, v9, v6;
	v10 =	vadd.f32 v9, v7;
	v7 =	vsel vm6, $0x0, v9  }
0xf9: {  	s0 =	sadd.s32 $0x10, s0;
	v7 =	vshift.insert v7, v0, s21  }
0xfa: {  	s22 =	sadd.s32 $0x10, s22;
	[tilespmem:s0+$0x0] =	vst v10;
	(ifvalue) =	ssetifvalue $0xFFFFFFFF  }
0xfb: {  	[hbm4b:s1+s16] =	stream.indirect_vreg.scatter [tilespmem:s0], [sflag:$0x2], $0x1, v8, vm0, $0x4038;
	[tilespmem:$0x11A60] =	vst v63  }
0xfc: {  	v3 =	vld [tilespmem:s29+$0xFAF0];
	_ =	sdelay $0x4  }
0xfd: {  	v3 =	vshift.insert v3, v0, s21  }
0xfe: {  	s0 =	simm.s32 $0x30  }
0xff: {  	[tilespmem:s0+$0x0] =	vst.msk $0x1, v3  }
0x100: {  	v3 =	vsel vm4, $0x1, v1;
	[tilespmem:$0x90] =	vst v6  }
0x101: {  	s0 =	sadd.s32 @!p1 $0xFAFF, s29;
	[tilespmem:$0xA0] =	vst v3  }
0x102: {  	[spmem:s14] =	stream.linear.scatter @!p1 [tilespmem:s0], [sflag:$0x1], $0x1, $0x38;
	[tilespmem:$0x11A60] =	vst v63  }
0x103: {  	s0 =	simm.s32 @!p1 $0x1  }
0x104: {  	v3 =	vmctz.xlane @!p1 vm4;
	_ =	swait.ge @!p1 [sflag:s0], $0x1  }
0x105: {  	(v2sf) =	vpush @!p1 v4, $0x0  }
0x106: {  	(v2sf) =	vpush @!p1 v3, $0x0;
	_ =	sdelay $0xd  }
0x107: {  	s2 =	spop @!p1 (v2sf)  }
0x108: {  	s22 =	spop @!p1 (v2sf)  }
0x109: {  	p2 =	sne.s32 @!p1 s28, s2;
	p3 =	slt.s32 @!p1 s22, $0xF  }
0x10a: {  	[sflag:s0] =	ssyncset.done @!p1 $0x0;
	p2 =	por p2, p1;
	p3 =	por !p3, p1  }
0x10b: {  	[sflag:s0] =	ssyncadd.s32 @!p1 $0xFFFFFFFF;
	v3 =	vimm.s32 @!p2 $0xFFFFFFFF;
	s22 =	simm.s32 @p3 $0xF  }
0x10c: {  	[tilespmem:$0x80] =	vst @!p2 v3;
	s2 =	sadd.s32 @!p1 $0x90, s22  }
0x10d: {  	[spmem:s10] =	stream.linear.scatter @!p1 [tilespmem:s2], [sflag:$0x1], $0x1, $0x38;
	[tilespmem:$0x11A60] =	vst v63  }
0x10e: {  	_ =	swait.ge @!p1 [sflag:s0], $0x1  }
0x10f: {  	[sflag:s0] =	ssyncset.done @!p1 $0x0  }
0x110: {  	s2 =	simm.s32 @!p1 $0x80;
	[sflag:s0] =	ssyncadd.s32 @!p1 $0xFFFFFFFF  }
0x111: {  	[spmem:s15] =	stream.linear.scatter @!p1 [tilespmem:s2], [sflag:$0x1], $0x1, $0x38;
	[tilespmem:$0x11A60] =	vst v63  }
0x112: {  	_ =	swait.ge @!p1 [sflag:s0], $0x1  }
0x113: {  	[sflag:s0] =	ssyncset.done @!p1 $0x0  }
0x114: {  	[sflag:s0] =	ssyncadd.s32 @!p1 $0xFFFFFFFF;
	(ifvalue) =	ssetifvalue $0xFFFFFFFF;
	v3 =	vld [tilespmem:s25+$0x10];
	_ =	sdelay $0x3  }
.Ltmp14:
0x115: {  	_ = 	snop;
	(pc) =	sbr.rel .LBB3_9-.Ltmp14, $3  }
0x116: {  	_ =	sdelay $0x1  }
0x117: {  	(ifvalue) =	ssetifvalue $0xFFFFFFFF  }
0x118: {  	[hbm4b:s1+s16] =	stream.indirect_vreg.scatter [tilespmem:s26], [sflag:$0x9], $0x1, v3, vm0, $0x4038;
	[tilespmem:$0x11A60] =	vst v63  }
.LBB3_10:
0x119: {  	_ =	sfence.sel $0x180000  }
0x11a: {  	s0 =	simm.s32 $0x7;
	[bflag:$0x0] =	sbarrier.arrive $0xFFFF  }
0x11b: {  	s26 =	simm.s32 $0x8;
	[sflag:s0] =	ssyncpa.u1 $0x1  }
0x11c: {  	s28 =	simm.s32 $0x9;
	[sflag:s26] =	ssyncpa.u1 $0x1  }
0x11d: {  	[sflag:s28] =	ssyncpa.u1 $0x1  }
0x11e: {  	_ =	sfence.stream.spmem  }
0x11f: {  	s29 =	simm.s32 $0x3;
	[bflag:$0x0] =	sbarrier.arrive $0xFFFF  }
0x120: {  	s30 =	simm.s32 $0x4;
	[sflag:s29] =	ssyncpa.u1 $0x1  }
0x121: {  	s31 =	simm.s32 $0x3C;
	s2 =	stileid.u32;
	[sflag:s30] =	ssyncpa.u1 $0x1  }
0x122: {  	p0 =	sne.s32 s2, $0x0;
	[sflag:s31] =	ssyncpa.u1 $0x1  }
0x123: {  	s0 =	simm.s32 @p0 $0x1;
	_ =	sfence @p0  }
0x124: {  	[sflag:s0] =	ssyncpa.u1 @p0 $0x1;
	s0 =	simm.s32 @p0 $0x2  }
0x125: {  	[sflag:s0] =	ssyncpa.u1 @p0 $0x1  }
0x126: {  	_ =	strace @p0 $0x9000004D  }
0x127: {  	[bflag:$0x2] =	sbarrier.arrive @p0 $0xFFFF  }
0x128: {  	_ =	shalt @p0  }
.LBB3_11:
0x129: {  	_ =	sfence.stream.spmem;
	s0 =	simm.s32 $0x5  }
0x12a: {  	s2 =	simm.s32 $0x80;
	s3 =	simm.s32 $0xC0;
	[sflag:s0] =	ssyncpa.u1 $0x0  }
0x12b: {  	[tilespmem:s3], [sflag:$0x5] =	stream.linear.gather [spmem:s2], $0x20, $0x38;
	[tilespmem:$0x11A60] =	vst v63  }
0x12c: {  	s2 =	simm.s32 $0x0;
	s3 =	simm.s32 $0xE0  }
0x12d: {  	[tilespmem:s3], [sflag:$0x5] =	stream.linear.gather [spmem:s2], $0x20, $0x38;
	[tilespmem:$0x11A60] =	vst v63  }
.Ltmp15:
0x12e: {  	_ = 	snop;
	(pc) =	sbr.rel .LBB3_12-.Ltmp15, $4  }
0x12f: {  	_ =	swait.ge [sflag:s0], $0x40  }
0x130: {  	[sflag:s0] =	ssyncset.done $0x0  }
0x131: {  	s31 =	simm.s32 $0x6;
	[sflag:s0] =	ssyncadd.s32 $0xFFFFFFC0  }
0x132: {  	s4 =	simm.s32 $0x0;
	[sflag:s31] =	ssyncpa.u1 $0x0  }
.LBB3_17:
0x133: {  	p0 =	sgt.u32 s5, $0x27FF  }
0x134: {  	s0 =	sshrl.u32 @!p0 s5, $0x3  }
0x135: {  	s5 =	sand.u32 @!p0 $0x7, s5;
	s6 =	simm.s32 @!p0 $0xB0;
	s0 =	sadd.s32 @!p0 s1, s0  }
0x136: {  	[tilespmem:s6], [sflag:$0x6] =	stream.linear.gather @!p0 [hbm4b:s0+s5], $0x1, $0x38;
	[tilespmem:$0x11A60] =	vst v63  }
0x137: {  	s0 =	simm.s32 @!p0 $0x6  }
0x138: {  	_ =	swait.ge @!p0 [sflag:s0], $0x1  }
0x139: {  	[sflag:s0] =	ssyncset.done @!p0 $0x0  }
0x13a: {  	[sflag:s0] =	ssyncadd.s32 @!p0 $0xFFFFFFFF  }
0x13b: {  	v2 =	vmov @!p0 s4;
	v1 =	vld.msk @!p0 [tilespmem:$0xB0], $0x1;
	_ =	sdelay $0x3  }
0x13c: {  	s0 =	simm.s32 @!p0 $0xE0  }
0x13d: {  	[tilespmem:v2+s0+$0x0], v1 =	vst.idx.ret.add.f32.msk @!p0 $0x1, v1  }
0x13e: {  	[tilespmem:s2+$0xC0] =	vst.msk $0x1, v0  }
0x13f: {  	v0 =	vld.msk [tilespmem:s4+$0xE0], $0x1;
	_ =	sdelay $0x4  }
0x140: {  	[tilespmem:s2+$0xE0] =	vst.msk $0x1, v0;
	s2 =	sadd.s32 $0x1, s2  }
.LBB3_19:
0x141: {  	s4 =	sadd.s32 $0x1, s4  }
0x142: {  	p0 =	sne.s32 s4, $0x20  }
.Ltmp16:
0x143: {  	_ = 	snop;
	(pc) =	sbr.rel @!p0 .LBB3_20-.Ltmp16, $1  }
0x144: {  	_ =	sdelay $0x3  }
.LBB3_12:
0x145: {  	v0 =	vld.msk [tilespmem:s4+$0xC0], $0x1;
	_ =	sdelay $0x4  }
0x146: {  	(v2sf) =	vpush v0, $0x0;
	_ =	sdelay $0xe  }
0x147: {  	s5 =	spop (v2sf)  }
0x148: {  	p0 =	seq.s32 s5, $0xFFFFFFFF  }
.Ltmp17:
0x149: {  	_ = 	snop;
	(pc) =	sbr.rel @p0 .LBB3_19-.Ltmp17, $1  }
0x14a: {  	_ =	sdelay $0x3  }
0x14b: {  	p0 =	slt.s32 s2, $0x1  }
.Ltmp18:
0x14c: {  	_ = 	snop;
	(pc) =	sbr.rel @p0 .LBB3_17-.Ltmp18, $1  }
0x14d: {  	_ =	sdelay $0x3  }
0x14e: {  	s0 =	simm.s32 $0xC0;
	p0 =	por $0x0, $0x0  }
0x14f: {  	v1 =	vld.msk @!p0 [tilespmem:s0+$0x0], $0x1;
	_ =	sdelay $0x4  }
0x150: {  	(v2sf) =	vpush @!p0 v1, $0x0;
	_ =	sdelay $0xd  }
0x151: {  	p2 =	sne.s32 s2, $0x1  }
.Ltmp19:
0x152: {  	s6 =	spop @!p0 (v2sf);
	(pc) =	sbr.rel @!p2 .LBB3_16-.Ltmp19, $4  }
0x153: {  	p1 =	seq.s32 @!p0 s5, s6  }
0x154: {  	s6 =	simm.s32 $0x0;
	p1 =	por !p1, p0  }
0x155: {  	s8 =	simm.s32 $0xFFFFFFFF;
	s6 =	simm.s32 @p1 $0xFFFFFFFF  }
0x156: {  	s7 =	simm.s32 $0x1;
	s6 =	smov.u32 @p0 s8  }
.LBB3_15:
0x157: {  	s8 =	smov.u32 s6;
	p0 =	sne.s32 s6, $0xFFFFFFFF  }
0x158: {  	s0 =	sadd.s32 $0x1, s0;
	s6 =	smov.u32 s7;
	s7 =	sadd.s32 $0x1, s7  }
0x159: {  	p1 =	sne.s32 s2, s7;
	v1 =	vld.msk @!p0 [tilespmem:s0+$0x0], $0x1;
	_ =	sdelay $0x4  }
0x15a: {  	(v2sf) =	vpush @!p0 v1, $0x0;
	_ =	sdelay $0xe  }
.Ltmp20:
0x15b: {  	s9 =	spop @!p0 (v2sf);
	(pc) =	sbr.rel @p1 .LBB3_15-.Ltmp20, $4  }
0x15c: {  	p2 =	seq.s32 @!p0 s5, s9  }
0x15d: {  	p2 =	por !p2, p0  }
0x15e: {  	s6 =	simm.s32 @p2 $0xFFFFFFFF  }
0x15f: {  	s6 =	smov.u32 @p0 s8  }
.LBB3_16:
0x160: {  	p0 =	sne.s32 s6, $0xFFFFFFFF  }
.Ltmp21:
0x161: {  	_ = 	snop;
	(pc) =	sbr.rel @!p0 .LBB3_17-.Ltmp21, $1  }
0x162: {  	_ =	sdelay $0x3  }
0x163: {  	v0 =	vld.msk [tilespmem:s4+$0xE0], $0x1;
	v1 =	vmov s6  }
.Ltmp22:
0x164: {  	_ = 	snop;
	(pc) =	sbr.rel .LBB3_19-.Ltmp22, $2  }
0x165: {  	_ =	sdelay $0x2  }
0x166: {  	[tilespmem:v1+s3+$0x0], v0 =	vst.idx.ret.add.f32.msk $0x1, v0  }
.LBB3_20:
0x167: {  	p0 =	slt.s32 s2, $0x1  }
.Ltmp23:
0x168: {  	_ = 	snop;
	(pc) =	sbr.rel @p0 .LBB3_24-.Ltmp23, $3  }
0x169: {  	_ =	sdelay $0x1  }
0x16a: {  	s0 =	simm.s32 $0x6  }
0x16b: {  	s3 =	simm.s32 $0x0;
	[sflag:s0] =	ssyncpa.u1 $0x1  }
0x16c: {  	s0 =	simm.s32 $0xC0  }
0x16d: {  	v0 =	vld.msk [tilespmem:s0+$0x0], $0x1;
	_ =	sdelay $0x4  }
0x16e: {  	(v2sf) =	vpush v0, $0x0;
	_ =	sdelay $0xe  }
0x16f: {  	s2 =	sadd.s32 $0xFFFFFFFF, s2;
	s4 =	spop (v2sf)  }
0x170: {  	p1 =	sne.s32 s2, $0x0;
	p0 =	sgt.u32 s4, $0x27FF  }
.Ltmp24:
0x171: {  	s5 =	sshrl.u32 @!p0 s4, $0x3;
	(pc) =	sbr.rel @!p1 .LBB3_23-.Ltmp24, $4  }
0x172: {  	s0 =	simm.s32 $0xE0;
	s4 =	sand.u32 @!p0 $0x7, s4;
	s5 =	sadd.s32 @!p0 s1, s5  }
0x173: {  	[hbm4b:s5+s4] =	stream.linear.scatter @!p0 [tilespmem:s0], [sflag:$0x5], $0x1, $0x38;
	[tilespmem:$0x11A60] =	vst v63  }
0x174: {  	s5 =	simm.s32 $0x0  }
0x175: {  	s4 =	simm.s32 $0xC1;
	s5 =	simm.s32 @!p0 $0x4  }
.LBB3_22:
0x176: {  	v0 =	vld.msk [tilespmem:s4+$0x0], $0x1;
	s2 =	sadd.s32 $0xFFFFFFFF, s2;
	s3 =	sadd.s32 s3, s5  }
0x177: {  	p0 =	sne.s32 s2, $0x0;
	_ =	sdelay $0x3  }
0x178: {  	(v2sf) =	vpush v0, $0x0;
	_ =	sdelay $0xe  }
.Ltmp25:
0x179: {  	s6 =	spop (v2sf);
	(pc) =	sbr.rel @p0 .LBB3_22-.Ltmp25, $4  }
0x17a: {  	s5 =	simm.s32 $0x0;
	p1 =	sgt.u32 s6, $0x27FF  }
0x17b: {  	s0 =	sadd.s32 $0x1, s0;
	s5 =	simm.s32 @!p1 $0x4;
	s7 =	sshrl.u32 @!p1 s6, $0x3  }
0x17c: {  	s4 =	sadd.s32 $0x1, s4;
	s6 =	sand.u32 @!p1 $0x7, s6;
	s7 =	sadd.s32 @!p1 s1, s7  }
0x17d: {  	[hbm4b:s7+s6] =	stream.linear.scatter @!p1 [tilespmem:s0], [sflag:$0x5], $0x1, $0x38;
	[tilespmem:$0x11A60] =	vst v63  }
.LBB3_23:
0x17e: {  	s0 =	sadd.s32 s3, s5  }
0x17f: {  	s3 =	sshrl.u32 s0, $0x2  }
.LBB3_24:
0x180: {  	s0 =	simm.s32 $0x5  }
0x181: {  	_ =	swait.ge [sflag:s0], s3  }
0x182: {  	s1 =	ssub.s32 $0x0, s3;
	[sflag:s0] =	ssyncset.done $0x0  }
0x183: {  	[sflag:s0] =	ssyncadd.s32 s1  }
0x184: {  	[sflag:s0] =	ssyncpa.u1 $0x1  }
0x185: {  	s29 =	simm.s32 $0x1;
	_ =	sfence  }
0x186: {  	s30 =	simm.s32 $0x2;
	[sflag:s29] =	ssyncpa.u1 $0x1  }
0x187: {  	[sflag:s30] =	ssyncpa.u1 $0x1  }
0x188: {  	_ =	strace $0x9000004D  }
0x189: {  	[bflag:$0x2] =	sbarrier.arrive $0xFFFF  }
0x18a: {  	s31 =	rddreg [dreg:$0x1]  }
0x18b: {  	s0 =	sadd.s32 $0x100000, s31  }
0x18c: {  	[sflag:s0] =	ssyncadd.tile.s32 $0x1;
	_ =	shalt  }
.Lfunc_end3:
_tile_overlayer_lowered:
.L_overlay_start_3:
0x18d: {  	(tag) =	ssettag $0x3  }
0x18e: {  	s0 =	rddreg [dreg:$0x0];
	s2 =	stileid.u32  }
0x18f: {  	s1 =	rddreg [dreg:$0x1];
	p0 =	sne.s32 s2, $0x0  }
0x190: {  	s3 =	rddreg [dreg:$0x2];
	[bflag:$0x3] =	sbarrier.arrive $0xFFFF;
	s2 =	simm.s32 @!p0 $0x1C01  }
0x191: {  	[timem:s3], [sflag:s2] =	dma.local @!p0 [hbm:s0], s1  }
0x192: {  	s0 =	simm.s32 @!p0 $0x1  }
0x193: {  	_ =	swait.ge @!p0 [sflag:s0], s1  }
0x194: {  	s1 =	ssub.s32 @!p0 $0x0, s1;
	[sflag:s0] =	ssyncset.done @!p0 $0x0  }
0x195: {  	[sflag:s0] =	ssyncadd.s32 @!p0 s1  }
0x196: {  	[bflag:$0x3] =	sbarrier.arrive $0xFFFF  }
0x197: {  	_ =	shalt  }

// kernel: scatter_offload_async_start.2
scs
__scs_entry_jumppad:
0x0: {  	(pc) =	sbr.rel $0x88, $3  }
0x1: {  	(tag) =	ssettag $0x0;
	lr =	simm.s32 $0x1  }
0x2: {  	[smem:$0x3F98] =	sst lr;
	_ =	strace $0xD0000000  }
0x3: {  	_ = 	snop  }
0x4: {  	_ = 	snop  }
0x5: {  	_ = 	snop  }
0x6: {  	_ = 	snop  }
0x7: {  	_ = 	snop  }
__scs_overlays_trampoline_lowered:
0x8: {  	[smem:$0x3FA7] =	sst s0  }
0x9: {  	[smem:$0x3FA8] =	sst s1  }
0xa: {  	[smem:$0x3FA9] =	sst s2  }
0xb: {  	[smem:$0x3FAA] =	sst s3  }
0xc: {  	[smem:$0x3FAB] =	sst s4  }
0xd: {  	[smem:$0x3FAC] =	sst s5  }
0xe: {  	[smem:$0x3FAD] =	sst s6  }
0xf: {  	[smem:$0x3FAE] =	sst s7  }
0x10: {  	[smem:$0x3FAF] =	sst s8  }
0x11: {  	[smem:$0x3FB0] =	sst s9;
	s0 =	simm.s32 @!p0 $0x0  }
0x12: {  	s1 =	sld [smem:$0x3F96];
	s0 =	simm.s32 @p0 $0x1  }
0x13: {  	[smem:$0x3FB1] =	sst s0;
	s0 =	simm.s32 @!p1 $0x0  }
0x14: {  	s2 =	sld [smem:$0x3F95];
	s0 =	simm.s32 @p1 $0x1  }
0x15: {  	[smem:$0x3FB2] =	sst s0;
	s0 =	simm.s32 @!p2 $0x0  }
0x16: {  	s3 =	sld [smem:$0x3FDB];
	s0 =	simm.s32 @p2 $0x1  }
0x17: {  	s4 =	simm.s32 $0x1BF5;
	[smem:$0x3FB4] =	sst s0  }
0x18: {  	s0 =	sld [smem:$0x3F97];
	_ =	swait.ge [sflag:s4], $0x0  }
0x19: {  	s7 =	sld [smem:$0x3F98]  }
0x1a: {  	s8 =	sadd.s32 $0xFFFFE003, lr  }
0x1b: {  	s9 =	sadd.s32 $0xFFFFFEF7, lr;
	s5 =	simm.s32 $0xFFFFFFFF;
	p2 =	slt.u32 s8, $0xFFFFF086  }
0x1c: {  	p1 =	slt.u32 s9, $0xF7A;
	s5 =	simm.s32 @!p2 $0x0  }
0x1d: {  	s5 =	simm.s32 @p1 $0x1;
	p0 =	seq.s32 s7, s2  }
0x1e: {  	s7 =	smul.u32 @!p0 $0xF7A, s2;
	p2 =	seq.s32 @!p0 s5, $0x0  }
0x1f: {  	s9 =	smul.u32 $0xF7A, s1;
	s8 =	simm.s32 @!p0 $0x1BF5;
	p2 =	por !p2, p0  }
0x20: {  	[sflag:s8] =	ssyncset.s32 @!p0 $0xFFFFF086;
	s6 =	sadd.s32 @!p0 s3, s7;
	s7 =	simm.s32 @!p0 $0x108  }
0x21: {  	s3 =	sadd.s32 s3, s9;
	s6 =	sadd.s32 @!p0 $0x88, s6;
	s7 =	simm.s32 @p2 $0x1082  }
0x22: {  	[simem:s7], [sflag:s8] =	dma.local @!p0 [hbm:s6], $0xF7A  }
0x23: {  	s9 =	sor.u32 $0xD0000000, s2;
	s6 =	simm.s32 $0x108;
	_ =	swait.ge @!p0 [sflag:s8], $0x0  }
0x24: {  	s3 =	sadd.s32 $0x88, s3;
	s6 =	simm.s32 @!p1 $0x1082;
	[sflag:s4] =	ssyncset.s32 $0xFFFFF086  }
0x25: {  	[simem:s6], [sflag:s4] =	dma.local [hbm:s3], $0xF7A  }
0x26: {  	[smem:$0x3F98] =	sst s1;
	(tag) =	ssettag s2;
	_ =	strace s9  }
0x27: {  	s1 =	sld [smem:$0x3FA8]  }
0x28: {  	s2 =	sld [smem:$0x3FA9]  }
0x29: {  	s4 =	sld [smem:$0x3FAB]  }
0x2a: {  	p0 =	seq.s32 s5, $0x0;
	s5 =	sld [smem:$0x3FAC]  }
0x2b: {  	s6 =	sld [smem:$0x3FAD]  }
0x2c: {  	s7 =	sld [smem:$0x3FAE]  }
0x2d: {  	s3 =	simm.s32 $0x108;
	s8 =	sld [smem:$0x3FAF]  }
0x2e: {  	s3 =	simm.s32 @!p0 $0x1082;
	s9 =	sld [smem:$0x3FB0]  }
0x2f: {  	lr =	sadd.s32 s0, s3;
	s0 =	sld [smem:$0x3FA7]  }
0x30: {  	s3 =	sld [smem:$0x3FAA]  }
0x31: {  	[smem:$0x3FB3] =	sst s10  }
0x32: {  	s10 =	sld [smem:$0x3FB1];
	_ =	sdelay $0x3  }
0x33: {  	p0 =	seq.s32 s10, $0x1;
	s10 =	sld [smem:$0x3FB3];
	_ =	sdelay $0x3  }
0x34: {  	[smem:$0x3FB3] =	sst s10  }
0x35: {  	s10 =	sld [smem:$0x3FB2];
	_ =	sdelay $0x3  }
0x36: {  	p1 =	seq.s32 s10, $0x1;
	s10 =	sld [smem:$0x3FB3];
	_ =	sdelay $0x3  }
0x37: {  	[smem:$0x3FB3] =	sst s10  }
0x38: {  	s10 =	sld [smem:$0x3FB4]  }
0x39: {  	_ = 	snop;
	(pc) =	sbr.ind lr, $3  }
0x3a: {  	_ = 	snop  }
0x3b: {  	_ = 	snop  }
0x3c: {  	p2 =	seq.s32 s10, $0x1;
	s10 =	sld [smem:$0x3FB3]  }
0x3d: {  	_ =	shalt  }
0x3e: {  	_ =	shalt  }
0x3f: {  	_ =	shalt  }
0x40: {  	_ =	shalt  }
0x41: {  	_ =	shalt  }
0x42: {  	_ =	shalt  }
0x43: {  	_ =	shalt  }
0x44: {  	_ =	shalt  }
0x45: {  	_ =	shalt  }
0x46: {  	_ =	shalt  }
0x47: {  	_ =	shalt  }
0x48: {  	_ =	shalt  }
0x49: {  	_ =	shalt  }
0x4a: {  	_ =	shalt  }
0x4b: {  	_ =	shalt  }
0x4c: {  	_ =	shalt  }
0x4d: {  	_ =	shalt  }
0x4e: {  	_ =	shalt  }
0x4f: {  	_ =	shalt  }
0x50: {  	_ =	shalt  }
0x51: {  	_ =	shalt  }
0x52: {  	_ =	shalt  }
0x53: {  	_ =	shalt  }
0x54: {  	_ =	shalt  }
0x55: {  	_ =	shalt  }
0x56: {  	_ =	shalt  }
0x57: {  	_ =	shalt  }
0x58: {  	_ =	shalt  }
0x59: {  	_ =	shalt  }
0x5a: {  	_ =	shalt  }
0x5b: {  	_ =	shalt  }
0x5c: {  	_ =	shalt  }
0x5d: {  	_ =	shalt  }
0x5e: {  	_ =	shalt  }
0x5f: {  	_ =	shalt  }
0x60: {  	_ =	shalt  }
0x61: {  	_ =	shalt  }
0x62: {  	_ =	shalt  }
0x63: {  	_ =	shalt  }
0x64: {  	_ =	shalt  }
0x65: {  	_ =	shalt  }
0x66: {  	_ =	shalt  }
0x67: {  	_ =	shalt  }
0x68: {  	_ =	shalt  }
0x69: {  	_ =	shalt  }
0x6a: {  	_ =	shalt  }
0x6b: {  	_ =	shalt  }
0x6c: {  	_ =	shalt  }
0x6d: {  	_ =	shalt  }
0x6e: {  	_ =	shalt  }
0x6f: {  	_ =	shalt  }
0x70: {  	_ =	shalt  }
0x71: {  	_ =	shalt  }
0x72: {  	_ =	shalt  }
0x73: {  	_ =	shalt  }
0x74: {  	_ =	shalt  }
0x75: {  	_ =	shalt  }
0x76: {  	_ =	shalt  }
0x77: {  	_ =	shalt  }
0x78: {  	_ =	shalt  }
0x79: {  	_ =	shalt  }
0x7a: {  	_ =	shalt  }
0x7b: {  	_ =	shalt  }
0x7c: {  	_ =	shalt  }
0x7d: {  	_ =	shalt  }
0x7e: {  	_ =	shalt  }
0x7f: {  	_ =	shalt  }
0x80: {  	_ =	shalt  }
0x81: {  	_ =	shalt  }
0x82: {  	_ =	shalt  }
0x83: {  	_ =	shalt  }
0x84: {  	_ =	shalt  }
0x85: {  	_ =	shalt  }
0x86: {  	_ =	shalt  }
0x87: {  	_ =	shalt  }
.Lfunc_end0:
.L_simem_size_0:
called_computation.2_lowered:
.L_overlay_start_0:
0x88: {  	s2 =	sld [smem:$0x3FD9]  }
0x89: {  	s3 =	sld [smem:$0x3FFE];
	_ =	sdelay $0x1  }
0x8a: {  	s1 =	srdreg.scid  }
0x8b: {  	s0 =	sand.u32 $0x1, s1  }
0x8c: {  	s17 =	sshll.u32 s0, $0xA;
	s2 =	sadd.s32 s3, s2  }
0x8d: {  	s2 =	sadd.s32 s2, s17  }
0x8e: {  	[smem:$0x3FBF] =	sst s2  }
0x8f: {  	_ = 	snop  }
0x90: {  	s18 =	sld [smem:$0x3FD0];
	(tm) =	ssettm $0x1  }
0x91: {  	s19 =	sld [smem:$0x3FFB];
	_ =	sdelay $0x3  }
0x92: {  	_ =	strace s19  }
0x93: {  	s2 =	sld [smem:$0x3FFC];
	_ =	sdelay $0x3  }
0x94: {  	_ =	strace s2  }
0x95: {  	s2 =	sld [smem:$0x3FFD];
	_ =	sdelay $0x3  }
0x96: {  	_ =	strace s2  }
0x97: {  	_ =	strace $0x8FFFFFFF  }
0x98: {  	s20 =	sld [smem:$0x3FDB];
	_ =	sdelay $0x1  }
0x99: {  	s4 =	simm.s32 $_scs_section_size  }
0x9a: {  	s5 =	simm.s32 $_size__tile_overlayer_lowered;
	s6 =	simm.s32 $_tile_overlayer_lowered  }
0x9b: {  	s7 =	simm.s32 $0x1BFF;
	s21 =	sshll.u32 s6, $0x1;
	s4 =	sadd.s32 s4, s20  }
0x9c: {  	s22 =	simm.s32 $0x0;
	s5 =	sshll.u32 s5, $0x1;
	s6 =	sadd.s32 s21, s4  }
0x9d: {  	[timem:s22], [sflag:s7] =	dma.local [hbm:s6], s5  }
0x9e: {  	_ =	swait.ge [sflag:s7], s5  }
0x9f: {  	s5 =	ssub.s32 $0x0, s5;
	[sflag:s7] =	ssyncset.done $0x0  }
0xa0: {  	[sflag:s7] =	ssyncadd.s32 s5;
	_ =	sdelay $0x1  }
0xa1: {  	s23 =	simm.s32 $0x1B8B  }
0xa2: {  	_ =	swait.ge [sflag:s23], $0x1  }
0xa3: {  	[sflag:s23] =	ssyncset.done $0x0  }
0xa4: {  	[sflag:s23] =	ssyncadd.s32 $0xFFFFFFFF  }
0xa5: {  	s5 =	sld [smem:$0x0]  }
0xa6: {  	s6 =	sand.u32 $0xFFFFFFFE, s1  }
0xa7: {  	p0 =	sne.s32 s1, s6  }
0xa8: {  	s6 =	sshll.u32 @p0 s6, $0xE  }
0xa9: {  	s6 =	sadd.s32 @p0 $0x11B8D, s6;
	s7 =	sshll.u32 @p0 s5, $0x11  }
0xaa: {  	s6 =	sor.u32 @p0 s7, s6  }
0xab: {  	[sflag:s6] =	ssyncadd.remote.s32 @p0 $0x1;
	_ =	sdelay $0x1  }
0xac: {  	s6 =	simm.s32 @p0 $0x1B8D  }
0xad: {  	_ =	swait.eq @p0 [sflag:s6], $0x1  }
0xae: {  	[sflag:s6] =	ssyncadd.s32 @p0 $0xFFFFFFFF  }
0xaf: {  	s7 =	sshll.u32 @!p0 s1, $0xE  }
0xb0: {  	s7 =	sor.u32 @!p0 $0x4000, s7;
	s6 =	simm.s32 @!p0 $0x1B8D  }
0xb1: {  	s8 =	sshll.u32 @!p0 s5, $0x11;
	s7 =	sadd.s32 @!p0 $0x11B8D, s7;
	_ =	swait.eq @!p0 [sflag:s6], $0x1  }
0xb2: {  	[sflag:s6] =	ssyncadd.s32 @!p0 $0xFFFFFFFF;
	s6 =	sor.u32 @!p0 s8, s7  }
0xb3: {  	s25 =	simm.s32 $0x1B8E;
	s24 =	sld [smem:$0x3FFE];
	[sflag:s6] =	ssyncadd.remote.s32 @!p0 $0x1  }
0xb4: {  	s26 =	simm.s32 $execute0_lowered;
	[smem:$0x3FD2] =	sst s25  }
0xb5: {  	s7 =	sshll.u32 s26, $0x1;
	_ =	strace $0x8000005B;
	[dreg:$0x1] =	wrdreg $0xFFFFFFFF  }
0xb6: {  	s28 =	simm.s32 $_size_execute0_lowered;
	s4 =	sadd.s32 s4, s7;
	[dreg:$0x0] =	wrdreg $0x0  }
0xb7: {  	s7 =	sshll.u32 s28, $0x1;
	[dreg:$0x2] =	wrdreg s4  }
0xb8: {  	[dreg:$0x3] =	wrdreg s7  }
0xb9: {  	[dreg:$0x4] =	wrdreg $0xC0  }
0xba: {  	_ =	task [dreg:s22], $0x5FFFF  }
0xbb: {  	[dreg:$0x1] =	wrdreg $0xFFFFFFFF  }
0xbc: {  	[dreg:$0x0] =	wrdreg $0x60  }
0xbd: {  	[dreg:$0x2] =	wrdreg s18  }
0xbe: {  	[dreg:$0x3] =	wrdreg s24  }
0xbf: {  	[dreg:$0x4] =	wrdreg s1  }
0xc0: {  	[dreg:$0x5] =	wrdreg s5  }
0xc1: {  	[dreg:$0x6] =	wrdreg $0xA  }
0xc2: {  	_ =	task.clear_ibuf [dreg:s22], $0x7FFFF;
	_ =	strace $0x9000005B  }
0xc3: {  	s29 =	simm.s32 $0xA;
	_ =	strace $0x8000005D  }
0xc4: {  	_ =	swait.ge [sflag:s29], $0x1  }
0xc5: {  	[sflag:s29] =	ssyncadd.s32 $0xFFFFFFFF  }
0xc6: {  	_ =	strace $0x9000005D  }
0xc7: {  	_ =	sfence  }
0xc8: {  	s30 =	sld [smem:$0x0];
	_ =	sdelay $0x2  }
0xc9: {  	s31 =	sshll.u32 s1, $0xD;
	s1 =	sshrl.u32 s1, $0x2  }
0xca: {  	s4 =	sand.u32 $0x4000, s31;
	s1 =	sadd.s32 s1, s30  }
0xcb: {  	s0 =	sor.u32 s4, s0;
	s1 =	sshll.u32 s1, $0x11  }
0xcc: {  	s0 =	sor.u32 s1, s0  }
0xcd: {  	s0 =	sadd.s32 $0x8F2B, s0  }
0xce: {  	[sflag:s0] =	ssyncadd.remote.s32 $0x1  }
0xcf: {  	_ =	sfence.sel $0xFFFF  }
0xd0: {  	[dreg:$0x0] =	wrdreg $0xFFFFFFFF;
	(pc) =	sbr.abs _section_cstart, $3  }
0xd1: {  	[dreg:$0x1] =	wrdreg $0xFFFFFFFF  }
0xd2: {  	_ =	task.clear_ibuf [dreg:s22], $0x2FFFF;
	_ =	strace $0x9FFFFFFF  }
0xd3: {  	(tm) =	ssettm $0x7FFFFFFF  }
tec
execute0_lowered:
.L_overlay_start_1:
0x0: {  	(tag) =	ssettag $0x1  }
0x1: {  	s1 =	rddreg [dreg:$0x0]  }
0x2: {  	s2 =	rddreg [dreg:$0x1]  }
0x3: {  	s3 =	rddreg [dreg:$0x2];
	_ =	strace $0x8000005C;
	s0 =	simm.s32 $0x1  }
0x4: {  	s5 =	simm.s32 $0x208;
	v0 =	vimm.s32 $0x0;
	[sflag:s0] =	ssyncpa.u1 $0x0  }
0x5: {  	[tilespmem:s5+$0x70] =	vst v0  }
0x6: {  	[tilespmem:s5+$0x60] =	vst v0  }
0x7: {  	[tilespmem:s5+$0x50] =	vst v0  }
0x8: {  	[tilespmem:s5+$0x40] =	vst v0  }
0x9: {  	[tilespmem:s5+$0x30] =	vst v0  }
0xa: {  	s0 =	sadd.s32 $0xF000, s2;
	s6 =	sadd.s32 $0x9D8600, s2;
	[tilespmem:s5+$0x20] =	vst v0  }
0xb: {  	s4 =	sadd.s32 $0x14000, s2;
	s10 =	sand.u32 $0x1, s3;
	s2 =	simm.s32 $0x40;
	[tilespmem:s5+$0x10] =	vst v0  }
.LBB2_1:
0xc: {  	s2 =	sadd.s32 $0x40, s2;
	[tilespmem:s5+$0x0] =	vst v0;
	s5 =	sadd.s32 $0x80, s5  }
0xd: {  	p0 =	slt.u32 s2, $0x3880;
	[tilespmem:s5+$0x70] =	vst v0  }
0xe: {  	[tilespmem:s5+$0x60] =	vst v0  }
.Ltmp0:
0xf: {  	[tilespmem:s5+$0x50] =	vst v0;
	(pc) =	sbr.rel @p0 .LBB2_1-.Ltmp0, $4  }
0x10: {  	[tilespmem:s5+$0x40] =	vst v0  }
0x11: {  	[tilespmem:s5+$0x30] =	vst v0  }
0x12: {  	[tilespmem:s5+$0x20] =	vst v0  }
0x13: {  	[tilespmem:s5+$0x10] =	vst v0  }
0x14: {  	s11 =	stileid.u32  }
0x15: {  	s2 =	smul.u32 $0x2C, s11  }
0x16: {  	s3 =	smin.u32 s11, $0xB  }
0x17: {  	s2 =	sadd.s32 s3, s2  }
0x18: {  	p0 =	slt.u32 s11, $0xB;
	s20 =	smul.u32 $0x70, s2;
	s2 =	simm.s32 $0x13B0  }
0x19: {  	s2 =	simm.s32 @!p0 $0x1340  }
0x1a: {  	s2 =	sadd.s32 s2, s20  }
0x1b: {  	s8 =	smin.u32 s2, $0x13880  }
0x1c: {  	s26 =	simm.s32 $0x2;
	s2 =	ssub.s32 s8, s20  }
0x1d: {  	s9 =	simm.s32 $0x9;
	s29 =	simm.s32 $0xA;
	p0 =	sgt.s32 s2, $0x0  }
0x1e: {  	s30 =	simm.s32 $0xB;
	s31 =	smul.u32 $0x2710, s10;
	s2 =	simm.s32 @!p0 $0x0  }
0x1f: {  	[dreg:$0x5] =	wrdreg s10;
	s12 =	simm.s32 $0x1;
	s25 =	smulhi.u32 $0x92492493, s2  }
0x20: {  	s24 =	simm.s32 $0x0;
	p1 =	por $0x0, $0x0;
	s18 =	simm.s32 $0x80  }
0x21: {  	s19 =	simm.s32 $0x400;
	s17 =	simm.s32 $0xC;
	s3 =	sshrl.u32 s25, $0x6  }
0x22: {  	s21 =	simm.s32 $0x0;
	s23 =	simm.s32 $0x0;
	s28 =	smul.u32 $0x70, s3  }
.Ltmp1:
0x23: {  	[tilespmem:s5+$0x0] =	vst v0;
	v0 =	vimm.s32 $0xFFFFFFFF;
	[sflag:s26] =	ssyncpa.u1 $0x0;
	s16 =	sshll.u32 s11, $0x9;
	(pc) =	sbr.rel .LBB2_3-.Ltmp1, $4  }
0x24: {  	[tilespmem:$0xE408] =	vst v0;
	[sflag:s9] =	ssyncpa.u1 $0x0;
	p0 =	sne.s32 s2, s28;
	s2 =	simm.s32 $0x1  }
0x25: {  	s14 =	sadd.s32 s31, s4;
	[sflag:s29] =	ssyncpa.u1 $0x0;
	s2 =	simm.s32 @!p0 $0x0  }
0x26: {  	s15 =	sadd.s32 s31, s0;
	[sflag:s30] =	ssyncpa.u1 $0x0;
	s13 =	sadd.s32 s2, s3  }
0x27: {  	v0 =	vlaneseq.u32;
	s22 =	smov.u32 s20;
	p0 =	por $0x1, $0x1;
	s11 =	sadd.s32 $0x1, s13  }
.LBB2_24:
0x28: {  	s2 =	sshrl.u32 s4, $0x2  }
.LBB2_26:
0x29: {  	_ =	swait.ge [sflag:s17], s2  }
0x2a: {  	s31 =	ssub.s32 $0x0, s2;
	v1 =	vmov s26;
	vm0 =	veq.s32 v0, $0x0;
	[sflag:s17] =	ssyncset.done $0x0  }
0x2b: {  	vm15 =	veq.s32 v0, $0x2;
	v1 =	vsel vm0, s0, v1;
	[sflag:s17] =	ssyncadd.s32 s31  }
0x2c: {  	v1 =	vsel vm15, s24, v1;
	[sflag:s17] =	ssyncpa.u1 $0x1  }
0x2d: {  	[tilespmem:$0xE408] =	vst v1  }
.LBB2_27:
0x2e: {  	s0 =	sadd.s32 $0x70, s22  }
0x2f: {  	s2 =	smov.u32 s20;
	p2 =	slt.s32 s0, s8  }
0x30: {  	s2 =	smov.u32 @p2 s0;
	p2 =	sne.s32 s23, s11  }
.Ltmp2:
0x31: {  	_ = 	snop;
	(pc) =	sbr.rel @!p2 .LBB2_28-.Ltmp2, $4  }
0x32: {  	_ = 	snop  }
0x33: {  	s24 =	smov.u32 s21  }
0x34: {  	s31 =	sadd.s32 $0x1, s23;
	s21 =	smov.u32 s22;
	p0 =	por !p0, !p0  }
0x35: {  	p1 =	por !p1, !p1;
	s23 =	smov.u32 s31;
	s22 =	smov.u32 s2  }
.LBB2_3:
0x36: {  	p2 =	sge.u32 s23, s13  }
0x37: {  	s0 =	smulhi.u32 @!p2 $0xAAAAAAAB, s23  }
0x38: {  	s2 =	smov.u32 s22;
	p3 =	sgt.s32 @!p2 s22, $0x13810  }
0x39: {  	s3 =	sshra.s32 @!p2 s22, $0x1F;
	p3 =	por !p3, p2;
	s0 =	sshrl.u32 @!p2 s0, $0x1  }
0x3a: {  	s3 =	sand.u32 @!p2 s3, s22;
	s2 =	simm.s32 @p3 $0x13810;
	s0 =	smul.u32 @!p2 $0x3, s0  }
0x3b: {  	s2 =	ssub.s32 @!p2 s2, s3  }
0x3c: {  	s2 =	sadd.s32 @!p2 $0xFFFEC7F0, s2;
	s0 =	ssub.s32 @!p2 s23, s0  }
0x3d: {  	s3 =	sshll.u32 @!p2 s2, $0x2;
	p3 =	sgt.s32 @!p2 s2, $0x6F;
	s0 =	smul.u32 @!p2 $0x1C0, s0  }
0x3e: {  	s4 =	sand.u32 @!p2 $0x7, s22;
	s2 =	ssub.s32 @!p2 $0x1C0, s3;
	p3 =	por !p3, p2  }
0x3f: {  	s3 =	sshrl.u32 @!p2 s22, $0x3;
	s2 =	sshrl.u32 @!p2 s2, $0x2;
	s0 =	sshrl.u32 @!p2 s0, $0x2  }
0x40: {  	s3 =	sadd.s32 @!p2 s3, s14;
	s2 =	simm.s32 @!p3 $0x0;
	s0 =	sadd.s32 @!p2 $0x10448, s0  }
0x41: {  	[tilespmem:s0], [sflag:$0xA] =	stream.linear.gather @!p2 [hbm4b:s3+s4], s2, $0x38;
	[tilespmem:$0x1E678] =	vst v63  }
0x42: {  	s2 =	sadd.s32 $0xFFFFFFFF, s23  }
0x43: {  	p2 =	sge.u32 s2, s13  }
0x44: {  	p3 =	sgt.s32 @!p2 s21, $0x13810  }
0x45: {  	s0 =	smov.u32 s21;
	s3 =	sshra.s32 @!p2 s21, $0x1F;
	p3 =	por !p3, p2  }
0x46: {  	s3 =	sand.u32 @!p2 s3, s21;
	s0 =	simm.s32 @p3 $0x13810  }
0x47: {  	s0 =	ssub.s32 @!p2 s0, s3  }
0x48: {  	s0 =	sadd.s32 @!p2 $0xFFFEC7F0, s0  }
0x49: {  	s3 =	sshll.u32 @!p2 s0, $0x2  }
0x4a: {  	p3 =	sgt.s32 @!p2 s0, $0x6F;
	s0 =	ssub.s32 @!p2 $0x1C0, s3  }
0x4b: {  	p3 =	por !p3, p2;
	s0 =	sshrl.u32 @!p2 s0, $0x2  }
0x4c: {  	s4 =	simm.s32 @!p2 $0xA;
	s3 =	sand.u32 @!p2 $0x1, s2;
	s0 =	simm.s32 @!p3 $0x0  }
0x4d: {  	s3 =	smul.u32 @!p2 $0x1C0, s3;
	_ =	swait.ge @!p2 [sflag:s4], s0  }
0x4e: {  	s5 =	ssub.s32 @!p2 $0x0, s0;
	[sflag:s4] =	ssyncset.done @!p2 $0x0  }
0x4f: {  	s3 =	sshrl.u32 @!p2 s3, $0x2;
	[sflag:s4] =	ssyncadd.s32 @!p2 s5;
	s4 =	sshrl.u32 @!p2 s21, $0x3  }
0x50: {  	s3 =	sadd.s32 @!p2 $0x10598, s3;
	s5 =	sand.u32 @!p2 $0x7, s21;
	s4 =	sadd.s32 @!p2 s4, s15  }
0x51: {  	[tilespmem:s3], [sflag:$0xB] =	stream.linear.gather @!p2 [hbm4b:s4+s5], s0, $0x38;
	[tilespmem:$0x1E678] =	vst v63  }
0x52: {  	s0 =	ssub.s32 @!p2 $0x13880, s21  }
0x53: {  	p3 =	slt.s32 @!p2 s0, $0x1  }
0x54: {  	p3 =	por p2, p3  }
.Ltmp3:
0x55: {  	_ = 	snop;
	(pc) =	sbr.rel @p3 .LBB2_9-.Ltmp3, $1  }
0x56: {  	_ =	sdelay $0x3  }
0x57: {  	s3 =	smulhi.u32 $0xAAAAAAAB, s2;
	_ =	sdelay $0x1  }
0x58: {  	s3 =	sshrl.u32 s3, $0x1  }
0x59: {  	s3 =	smul.u32 $0x3, s3;
	_ =	sdelay $0x1  }
0x5a: {  	s30 =	ssub.s32 s2, s3  }
0x5b: {  	s4 =	simm.s32 $0x1;
	s2 =	smul.u32 $0x1C0, s30  }
.Ltmp4:
0x5c: {  	s4 =	simm.s32 @!p0 $0x0;
	(pc) =	sbr.rel .LBB2_6-.Ltmp4, $4  }
0x5d: {  	s31 =	smul.u32 $0x1C000, s4  }
0x5e: {  	p3 =	slt.s32 @!p2 s0, $0x70;
	s2 =	sshrl.u32 s2, $0x2  }
0x5f: {  	p2 =	por !p3, p2;
	s3 =	sshrl.u32 s31, $0x2;
	s5 =	sadd.s32 $0x10448, s2  }
0x60: {  	s0 =	simm.s32 @p2 $0x70;
	s4 =	sor.u32 $0x10678, s3;
	s2 =	simm.s32 $0x0;
	v1 =	vmov s5  }
.LBB2_5:
0x61: {  	p2 =	sge.s32 s2, s0  }
.Ltmp5:
0x62: {  	_ = 	snop;
	(pc) =	sbr.rel @p2 .LBB2_9-.Ltmp5, $2  }
0x63: {  	_ =	sdelay $0x2  }
0x64: {  	s4 =	sadd.s32 $0x1000, s4  }
.LBB2_6:
0x65: {  	p2 =	sle.s32 s0, s2  }
.Ltmp6:
0x66: {  	_ = 	snop;
	(pc) =	sbr.rel @p2 .LBB2_5-.Ltmp6, $2  }
0x67: {  	_ =	sdelay $0x2  }
0x68: {  	s5 =	smov.u32 s2;
	s2 =	sadd.s32 $0x10, s2  }
0x69: {  	s3 =	ssub.s32 s0, s5  }
0x6a: {  	p2 =	slt.s32 s3, $0x10  }
0x6b: {  	s3 =	simm.s32 @!p2 $0x10  }
0x6c: {  	v2 =	vmov s3  }
0x6d: {  	vm0 =	vgt.s32 v2, v0;
	_ =	sdelay $0x5  }
0x6e: {  	v2 =	vld.idx.msk [tilespmem:v1+s5+$0x0 ss:$0x1], vm0;
	_ =	sdelay $0x2  }
0x6f: {  	p2 =	slt.s32 s2, s0;
	s3 =	smov.u32 s0  }
0x70: {  	s9 =	smov.u32 s4;
	s25 =	simm.s32 $0x0;
	s3 =	smov.u32 @p2 s2  }
.LBB2_8:
0x71: {  	(v2sf) =	vpush v2, s25;
	_ =	sdelay $0xe  }
0x72: {  	s25 =	sadd.s32 $0x1, s25;
	s10 =	spop (v2sf)  }
0x73: {  	s31 =	sadd.s32 s25, s5;
	s26 =	sshll.u32 s10, $0x8;
	s10 =	sshll.u32 s10, $0x7  }
0x74: {  	p2 =	slt.s32 s31, s3;
	s26 =	sand.u32 $0xFFFFF800, s26;
	s10 =	sand.u32 $0x380, s10  }
.Ltmp7:
0x75: {  	s10 =	sor.u32 s10, s26;
	(pc) =	sbr.rel @p2 .LBB2_8-.Ltmp7, $4  }
0x76: {  	s10 =	sshrl.u32 s10, $0x3  }
0x77: {  	s10 =	sadd.s32 s6, s10  }
0x78: {  	[tilespmem:s9], [sflag:$0x9] =	stream.strided.gather [hbm4b:s10+s18], $0x100, s19, s18, $0x38;
	[tilespmem:$0x1E678] =	vst v63  }
0x79: {  	s9 =	sadd.s32 $0x100, s9  }
.Ltmp8:
0x7a: {  	_ = 	snop;
	(pc) =	sbr.rel .LBB2_5-.Ltmp8, $1  }
0x7b: {  	_ =	sdelay $0x3  }
.LBB2_9:
0x7c: {  	p2 =	slt.u32 s23, $0x2  }
.Ltmp9:
0x7d: {  	_ = 	snop;
	(pc) =	sbr.rel @p2 .LBB2_27-.Ltmp9, $1  }
0x7e: {  	_ =	sdelay $0x3  }
0x7f: {  	p2 =	sgt.s32 s24, $0x13810  }
0x80: {  	s0 =	smov.u32 s24;
	s2 =	sshra.s32 s24, $0x1F;
	s3 =	ssub.s32 $0x13880, s24  }
0x81: {  	s0 =	simm.s32 @!p2 $0x13810;
	s2 =	sand.u32 s2, s24;
	p2 =	slt.s32 s3, $0x70  }
0x82: {  	s0 =	ssub.s32 s0, s2;
	s3 =	simm.s32 @!p2 $0x70  }
0x83: {  	s0 =	sadd.s32 $0xFFFEC7F0, s0;
	s9 =	sshll.u32 s3, $0x8  }
0x84: {  	s26 =	simm.s32 $0x9;
	s10 =	sshll.u32 s0, $0x2;
	s2 =	sand.u32 $0x3FFFFF00, s9  }
0x85: {  	p2 =	sgt.s32 s0, $0x6F;
	s25 =	ssub.s32 $0x1C0, s10;
	_ =	swait.ge [sflag:s26], s2  }
0x86: {  	s2 =	ssub.s32 $0x0, s2;
	[sflag:s26] =	ssyncset.done $0x0;
	s0 =	sshrl.u32 s25, $0x2  }
0x87: {  	s29 =	simm.s32 $0xB;
	[sflag:s26] =	ssyncadd.s32 s2;
	s0 =	simm.s32 @p2 $0x0  }
0x88: {  	_ =	swait.ge [sflag:s29], s0  }
0x89: {  	s0 =	ssub.s32 $0x0, s0;
	[sflag:s29] =	ssyncset.done $0x0  }
0x8a: {  	[sflag:s29] =	ssyncadd.s32 s0  }
0x8b: {  	v1 =	vld [tilespmem:$0xE408];
	_ =	sdelay $0x4  }
0x8c: {  	(v2sf) =	vpush v1, $0x0  }
0x8d: {  	(v2sf) =	vpush v1, $0x1  }
0x8e: {  	(v2sf) =	vpush v1, $0x2;
	_ =	sdelay $0x3  }
0x8f: {  	s0 =	sadd.s32 $0x70, s24  }
0x90: {  	s2 =	ssub.s32 $0x27100, s24;
	p2 =	slt.s32 s8, s0  }
0x91: {  	s0 =	smov.u32 @p2 s8;
	p2 =	sgt.s32 s2, $0x0  }
0x92: {  	s0 =	ssub.s32 s0, s24;
	s2 =	simm.s32 @!p2 $0x0  }
0x93: {  	p2 =	slt.s32 s2, s0  }
0x94: {  	s0 =	smov.u32 @p2 s2  }
0x95: {  	s4 =	simm.s32 $0x1;
	p2 =	slt.s32 s0, $0x1  }
.Ltmp10:
0x96: {  	s4 =	simm.s32 @!p1 $0x0;
	(pc) =	sbr.rel @p2 .LBB2_14-.Ltmp10, $4  }
0x97: {  	s30 =	smul.u32 $0x1C0, s4  }
0x98: {  	s5 =	spop (v2sf)  }
0x99: {  	s31 =	sshrl.u32 s30, $0x2;
	s28 =	spop (v2sf)  }
0x9a: {  	s25 =	sadd.s32 $0x10598, s31;
	s24 =	spop (v2sf)  }
0x9b: {  	s2 =	smin.u32 s0, $0x10  }
0x9c: {  	v1 =	vmov s2  }
0x9d: {  	vm1 =	vgt.u32 v1, v0  }
0x9e: {  	p3 =	sgt.s32 s0, $0x10  }
.Ltmp11:
0x9f: {  	_ = 	snop;
	(pc) =	sbr.rel @!p3 .LBB2_13-.Ltmp11, $2  }
0xa0: {  	_ =	sdelay $0x2  }
0xa1: {  	s26 =	simm.s32 $0x10;
	s29 =	sadd.s32 $0xFFFFFFF0, s0;
	s2 =	smov.u32 s25;
	vm0 =	vmmov vm1;
	v1 =	vld.msk [tilespmem:s25+$0x0 ss:$0x1], vm1  }
.LBB2_12:
0xa2: {  	s3 =	smin.u32 s29, $0x10;
	s26 =	sadd.s32 $0x10, s26  }
0xa3: {  	v2 =	vmov s3;
	p3 =	slt.s32 s26, s0  }
0xa4: {  	vm1 =	vgt.u32 v2, v0;
	_ =	sdelay $0x1  }
0xa5: {  	v2 =	vshll.u32 v1, $0x5;
	v1 =	vshll.u32 v1, $0x4  }
.Ltmp12:
0xa6: {  	v2 =	vand.u32 $0xFFFFFF00, v2;
	v1 =	vand.u32 $0x70, v1;
	(pc) =	sbr.rel @p3 .LBB2_12-.Ltmp12, $4  }
0xa7: {  	v1 =	vor.u32 v1, v2  }
0xa8: {  	[tilespmem:s2+$0x0] =	vst.msk vm0, v1;
	s2 =	sadd.s32 $0x10, s2;
	vm0 =	vmmov vm1  }
0xa9: {  	v1 =	vld.msk [tilespmem:s2+$0x0 ss:$0x1], vm1  }
0xaa: {  	s29 =	sadd.s32 $0xFFFFFFF0, s29  }
.LBB2_13:
0xab: {  	_ =	sdelay $0x3  }
0xac: {  	v2 =	vshll.u32 v1, $0x5;
	v1 =	vshll.u32 v1, $0x4  }
0xad: {  	v2 =	vand.u32 $0xFFFFFF00, v2;
	v1 =	vand.u32 $0x70, v1  }
0xae: {  	v1 =	vor.u32 v1, v2  }
0xaf: {  	[tilespmem:s2+$0x0] =	vst.msk vm0, v1  }
.LBB2_14:
0xb0: {  	s2 =	sand.u32 $0x1, s23  }
0xb1: {  	s2 =	smul.u32 $0x70, s2  }
0xb2: {  	p3 =	sne.s32 s28, $0xFFFFFFFF  }
0xb3: {  	v1 =	vld.msk @!p3 [tilespmem:s2+$0x10598], $0x1;
	_ =	sdelay $0x4  }
0xb4: {  	(v2sf) =	vpush @!p3 v1, $0x0;
	_ =	sdelay $0xc  }
.Ltmp13:
0xb5: {  	_ = 	snop;
	(pc) =	sbr.rel @p2 .LBB2_25-.Ltmp13, $4  }
0xb6: {  	_ = 	snop  }
0xb7: {  	s31 =	spop @!p3 (v2sf)  }
0xb8: {  	s24 =	simm.s32 @!p3 $0x0;
	s26 =	smov.u32 s31  }
0xb9: {  	[sflag:s17] =	ssyncpa.u1 $0x0;
	s31 =	smov.u32 @p3 s5;
	s26 =	smov.u32 @p3 s28  }
0xba: {  	v1 =	vld.msk [tilespmem:s25+$0x0], $0x1;
	_ =	sdelay $0x4  }
0xbb: {  	(v2sf) =	vpush v1, $0x0;
	_ =	sdelay $0xe  }
0xbc: {  	s7 =	smov.u32 s11;
	s5 =	spop (v2sf)  }
0xbd: {  	s17 =	smov.u32 s15;
	s2 =	smul.u32 $0x1C000, s4;
	p2 =	seq.s32 s31, s5  }
0xbe: {  	s3 =	smov.u32 s31;
	s29 =	ssub.s32 $0x0, s0;
	p3 =	sgt.s32 @!p2 s31, $0x0  }
0xbf: {  	s30 =	simm.s32 $0x0;
	s2 =	sshrl.u32 s2, $0x2;
	p3 =	por !p3, p2  }
0xc0: {  	s0 =	sadd.s32 $0x1, s29;
	s28 =	sor.u32 $0x106F8, s2;
	s3 =	simm.s32 @p3 $0x0  }
0xc1: {  	s2 =	simm.s32 @!p2 $0x1;
	p3 =	seq.s32 s0, $0x0;
	s3 =	smin.u32 @!p2 s3, $0x4E170  }
.Ltmp14:
0xc2: {  	s4 =	simm.s32 @!p2 $0x7308;
	s9 =	sand.u32 @!p2 $0x7FFF8, s3;
	(pc) =	sbr.rel @p3 .LBB2_17-.Ltmp14, $4  }
0xc3: {  	s10 =	sadd.s32 @!p2 $0x80, s3;
	s11 =	sadd.s32 @!p2 s1, s9;
	s9 =	sand.u32 @!p2 $0x7, s3  }
0xc4: {  	[tilespmem:s4], [sflag:$0x2] =	stream.linear.gather @!p2 [hbm4b:s11+s9], $0x80, $0x38;
	[tilespmem:$0x1E678] =	vst v63  }
0xc5: {  	s15 =	smov.u32 s14;
	s2 =	smov.u32 @p2 s30;
	s4 =	sand.u32 @!p2 $0xFFFF8, s10  }
0xc6: {  	s3 =	simm.s32 @!p2 $0x7388;
	s10 =	sadd.s32 @!p2 s1, s4;
	s4 =	sadd.s32 $0x1, s25  }
.LBB2_16:
0xc7: {  	s11 =	smov.u32 s2  }
0xc8: {  	[tilespmem:s3], [sflag:$0x2] =	stream.linear.gather @!p2 [hbm4b:s10+s9], $0x80, $0x38;
	[tilespmem:$0x1E678] =	vst v63  }
0xc9: {  	s0 =	sadd.s32 $0x1, s0;
	s9 =	smov.u32 s5;
	v1 =	vld.msk [tilespmem:s4+$0x0], $0x1  }
0xca: {  	p3 =	seq.s32 s0, $0x0;
	_ =	sdelay $0x3  }
0xcb: {  	(v2sf) =	vpush v1, $0x0;
	_ =	sdelay $0xe  }
0xcc: {  	s5 =	spop (v2sf)  }
0xcd: {  	p2 =	seq.s32 s9, s5  }
0xce: {  	p4 =	sgt.s32 @!p2 s9, $0x0;
	s3 =	sshll.u32 @!p2 s2, $0xA;
	s2 =	sadd.s32 @!p2 $0x1, s2  }
0xcf: {  	p4 =	por !p4, p2;
	s3 =	sshra.s32 @!p2 s3, $0x2;
	s2 =	smov.u32 @p2 s11  }
0xd0: {  	s9 =	simm.s32 @p4 $0x0;
	s10 =	sadd.s32 @!p2 $0x7308, s3;
	s3 =	sadd.s32 @!p2 $0x7388, s3  }
.Ltmp15:
0xd1: {  	s9 =	smin.u32 @!p2 s9, $0x4E170;
	(pc) =	sbr.rel @!p3 .LBB2_16-.Ltmp15, $4  }
0xd2: {  	s11 =	sand.u32 @!p2 $0x7FFF8, s9;
	s14 =	sadd.s32 @!p2 $0x80, s9  }
0xd3: {  	s9 =	sand.u32 @!p2 $0x7, s9;
	s11 =	sadd.s32 @!p2 s1, s11;
	s14 =	sand.u32 @!p2 $0xFFFF8, s14  }
0xd4: {  	[tilespmem:s10], [sflag:$0x2] =	stream.linear.gather @!p2 [hbm4b:s11+s9], $0x80, $0x38;
	[tilespmem:$0x1E678] =	vst v63  }
0xd5: {  	s4 =	sadd.s32 $0x1, s4;
	s10 =	sadd.s32 @!p2 s1, s14  }
.LBB2_17:
0xd6: {  	[tilespmem:s3], [sflag:$0x2] =	stream.linear.gather @!p2 [hbm4b:s10+s9], $0x80, $0x38;
	[tilespmem:$0x1E678] =	vst v63  }
0xd7: {  	s0 =	sshll.u32 s2, $0x8  }
.Ltmp16:
0xd8: {  	s14 =	simm.s32 $0x2;
	s0 =	sand.u32 $0x3FFFFF00, s0;
	(pc) =	sbr.rel .LBB2_18-.Ltmp16, $4  }
0xd9: {  	_ =	swait.ge [sflag:s14], s0  }
0xda: {  	s0 =	ssub.s32 $0x0, s0;
	[sflag:s14] =	ssyncset.done $0x0  }
0xdb: {  	s4 =	simm.s32 $0x0;
	s11 =	smov.u32 s7;
	[sflag:s14] =	ssyncadd.s32 s0  }
0xdc: {  	s14 =	smov.u32 s15;
	s15 =	smov.u32 s17;
	s17 =	simm.s32 $0xC  }
.LBB2_19:
0xdd: {  	v1 =	vld [tilespmem:s28+$0xFFFFFF80];
	_ =	sdelay $0x4  }
0xde: {  	[tilespmem:s5+$0x208] =	vst.add.f32.msk $0xffff, v1  }
0xdf: {  	v1 =	vld [tilespmem:s28+$0xFFFFFF90];
	_ =	sdelay $0x4  }
0xe0: {  	[tilespmem:s5+$0x218] =	vst.add.f32.msk $0xffff, v1  }
0xe1: {  	v1 =	vld [tilespmem:s28+$0xFFFFFFA0];
	_ =	sdelay $0x4  }
0xe2: {  	[tilespmem:s5+$0x228] =	vst.add.f32.msk $0xffff, v1  }
0xe3: {  	v1 =	vld [tilespmem:s28+$0xFFFFFFB0];
	_ =	sdelay $0x4  }
0xe4: {  	[tilespmem:s5+$0x238] =	vst.add.f32.msk $0xffff, v1  }
0xe5: {  	v1 =	vld [tilespmem:s28+$0xFFFFFFC0];
	_ =	sdelay $0x4  }
0xe6: {  	[tilespmem:s5+$0x248] =	vst.add.f32.msk $0xffff, v1  }
0xe7: {  	v1 =	vld [tilespmem:s28+$0xFFFFFFD0];
	_ =	sdelay $0x4  }
0xe8: {  	[tilespmem:s5+$0x258] =	vst.add.f32.msk $0xffff, v1  }
0xe9: {  	v1 =	vld [tilespmem:s28+$0xFFFFFFE0];
	_ =	sdelay $0x4  }
0xea: {  	[tilespmem:s5+$0x268] =	vst.add.f32.msk $0xffff, v1  }
0xeb: {  	v1 =	vld [tilespmem:s28+$0xFFFFFFF0];
	_ =	sdelay $0x4  }
0xec: {  	[tilespmem:s5+$0x278] =	vst.add.f32.msk $0xffff, v1  }
0xed: {  	v1 =	vld [tilespmem:s28+$0x0];
	_ =	sdelay $0x4  }
0xee: {  	[tilespmem:s5+$0x288] =	vst.add.f32.msk $0xffff, v1  }
0xef: {  	v1 =	vld [tilespmem:s28+$0x10];
	_ =	sdelay $0x4  }
0xf0: {  	[tilespmem:s5+$0x298] =	vst.add.f32.msk $0xffff, v1  }
0xf1: {  	v1 =	vld [tilespmem:s28+$0x20];
	_ =	sdelay $0x4  }
0xf2: {  	[tilespmem:s5+$0x2A8] =	vst.add.f32.msk $0xffff, v1  }
0xf3: {  	v1 =	vld [tilespmem:s28+$0x30];
	_ =	sdelay $0x4  }
0xf4: {  	[tilespmem:s5+$0x2B8] =	vst.add.f32.msk $0xffff, v1  }
0xf5: {  	v1 =	vld [tilespmem:s28+$0x40];
	_ =	sdelay $0x4  }
0xf6: {  	[tilespmem:s5+$0x2C8] =	vst.add.f32.msk $0xffff, v1  }
0xf7: {  	v1 =	vld [tilespmem:s28+$0x50];
	_ =	sdelay $0x4  }
0xf8: {  	[tilespmem:s5+$0x2D8] =	vst.add.f32.msk $0xffff, v1  }
0xf9: {  	v1 =	vld [tilespmem:s28+$0x60];
	_ =	sdelay $0x4  }
0xfa: {  	[tilespmem:s5+$0x2E8] =	vst.add.f32.msk $0xffff, v1  }
0xfb: {  	v1 =	vld [tilespmem:s28+$0x70];
	_ =	sdelay $0x4  }
0xfc: {  	[tilespmem:s5+$0x2F8] =	vst.add.f32.msk $0xffff, v1  }
.LBB2_23:
0xfd: {  	s29 =	sadd.s32 $0x1, s29  }
0xfe: {  	p2 =	seq.s32 s29, $0x0  }
.Ltmp17:
0xff: {  	_ = 	snop;
	(pc) =	sbr.rel @p2 .LBB2_24-.Ltmp17, $2  }
0x100: {  	_ =	sdelay $0x2  }
0x101: {  	s25 =	sadd.s32 $0x1, s25;
	s28 =	sadd.s32 $0x100, s28;
	s31 =	smov.u32 s0  }
.LBB2_18:
0x102: {  	v1 =	vld.msk [tilespmem:s25+$0x0], $0x1;
	_ =	sdelay $0x4  }
0x103: {  	(v2sf) =	vpush v1, $0x0;
	_ =	sdelay $0xe  }
0x104: {  	s0 =	spop (v2sf)  }
0x105: {  	p2 =	sne.s32 s31, s0  }
.Ltmp18:
0x106: {  	_ = 	snop;
	(pc) =	sbr.rel @!p2 .LBB2_19-.Ltmp18, $3  }
0x107: {  	_ =	sdelay $0x1  }
0x108: {  	s2 =	sshll.u32 s24, $0xA  }
0x109: {  	s5 =	sshra.s32 s2, $0x2  }
0x10a: {  	p2 =	seq.s32 s31, s26  }
.Ltmp19:
0x10b: {  	_ = 	snop;
	(pc) =	sbr.rel @!p2 .LBB2_21-.Ltmp19, $1  }
0x10c: {  	_ =	sdelay $0x3  }
.Ltmp20:
0x10d: {  	s2 =	sadd.s32 $0x208, s5;
	(pc) =	sbr.rel .LBB2_22-.Ltmp20, $4  }
0x10e: {  	[spmem:s16] =	stream.linear.scatter [tilespmem:s2], [sflag:$0x1], $0x100, $0x38;
	[tilespmem:$0x1E678] =	vst v63  }
0x10f: {  	_ =	swait.ge [sflag:s12], $0x100  }
0x110: {  	[sflag:s12] =	ssyncset.done $0x0  }
0x111: {  	[sflag:s12] =	ssyncadd.s32 $0xFFFFFF00  }
.LBB2_21:
0x112: {  	s2 =	sshll.u32 s30, $0xA  }
0x113: {  	s2 =	sshra.s32 s2, $0x2  }
0x114: {  	v1 =	vld [tilespmem:s2+$0x7308];
	_ =	sdelay $0x4  }
0x115: {  	[tilespmem:s5+$0x208] =	vst.add.f32.msk $0xffff, v1  }
0x116: {  	v1 =	vld [tilespmem:s2+$0x7318];
	_ =	sdelay $0x4  }
0x117: {  	[tilespmem:s5+$0x218] =	vst.add.f32.msk $0xffff, v1  }
0x118: {  	v1 =	vld [tilespmem:s2+$0x7328];
	_ =	sdelay $0x4  }
0x119: {  	[tilespmem:s5+$0x228] =	vst.add.f32.msk $0xffff, v1  }
0x11a: {  	v1 =	vld [tilespmem:s2+$0x7338];
	_ =	sdelay $0x4  }
0x11b: {  	[tilespmem:s5+$0x238] =	vst.add.f32.msk $0xffff, v1  }
0x11c: {  	v1 =	vld [tilespmem:s2+$0x7348];
	_ =	sdelay $0x4  }
0x11d: {  	[tilespmem:s5+$0x248] =	vst.add.f32.msk $0xffff, v1  }
0x11e: {  	v1 =	vld [tilespmem:s2+$0x7358];
	_ =	sdelay $0x4  }
0x11f: {  	[tilespmem:s5+$0x258] =	vst.add.f32.msk $0xffff, v1  }
0x120: {  	v1 =	vld [tilespmem:s2+$0x7368];
	_ =	sdelay $0x4  }
0x121: {  	[tilespmem:s5+$0x268] =	vst.add.f32.msk $0xffff, v1  }
0x122: {  	v1 =	vld [tilespmem:s2+$0x7378];
	_ =	sdelay $0x4  }
0x123: {  	[tilespmem:s5+$0x278] =	vst.add.f32.msk $0xffff, v1  }
0x124: {  	v1 =	vld [tilespmem:s2+$0x7388];
	_ =	sdelay $0x4  }
0x125: {  	[tilespmem:s5+$0x288] =	vst.add.f32.msk $0xffff, v1  }
0x126: {  	v1 =	vld [tilespmem:s2+$0x7398];
	_ =	sdelay $0x4  }
0x127: {  	[tilespmem:s5+$0x298] =	vst.add.f32.msk $0xffff, v1  }
0x128: {  	v1 =	vld [tilespmem:s2+$0x73A8];
	_ =	sdelay $0x4  }
0x129: {  	[tilespmem:s5+$0x2A8] =	vst.add.f32.msk $0xffff, v1  }
0x12a: {  	v1 =	vld [tilespmem:s2+$0x73B8];
	_ =	sdelay $0x4  }
0x12b: {  	[tilespmem:s5+$0x2B8] =	vst.add.f32.msk $0xffff, v1  }
0x12c: {  	v1 =	vld [tilespmem:s2+$0x73C8];
	_ =	sdelay $0x4  }
0x12d: {  	[tilespmem:s5+$0x2C8] =	vst.add.f32.msk $0xffff, v1  }
0x12e: {  	v1 =	vld [tilespmem:s2+$0x73D8];
	_ =	sdelay $0x4  }
0x12f: {  	[tilespmem:s5+$0x2D8] =	vst.add.f32.msk $0xffff, v1  }
0x130: {  	v1 =	vld [tilespmem:s2+$0x73E8];
	_ =	sdelay $0x4  }
0x131: {  	[tilespmem:s5+$0x2E8] =	vst.add.f32.msk $0xffff, v1  }
0x132: {  	v1 =	vld [tilespmem:s2+$0x73F8];
	_ =	sdelay $0x2  }
0x133: {  	p2 =	sgt.u32 s31, $0x4E170  }
0x134: {  	s2 =	sand.u32 @!p2 $0x7FFF8, s31  }
0x135: {  	s3 =	sadd.s32 $0x208, s5;
	s9 =	sand.u32 @!p2 $0x7, s31;
	s2 =	sadd.s32 @!p2 s1, s2;
	[tilespmem:s5+$0x2F8] =	vst.add.f32.msk $0xffff, v1  }
0x136: {  	[hbm4b:s2+s9] =	stream.linear.scatter @!p2 [tilespmem:s3], [sflag:$0xC], $0x80, $0x38;
	[tilespmem:$0x1E678] =	vst v63  }
0x137: {  	s2 =	sadd.s32 @!p2 $0x80, s31  }
0x138: {  	s2 =	sand.u32 @!p2 $0xFFFF8, s2  }
0x139: {  	s3 =	sadd.s32 $0x288, s5;
	s2 =	sadd.s32 @!p2 s1, s2  }
0x13a: {  	[hbm4b:s2+s9] =	stream.linear.scatter @!p2 [tilespmem:s3], [sflag:$0xC], $0x80, $0x38;
	[tilespmem:$0x1E678] =	vst v63  }
0x13b: {  	s2 =	simm.s32 $0x0  }
0x13c: {  	s2 =	simm.s32 @!p2 $0x400  }
0x13d: {  	s4 =	sadd.s32 s2, s4  }
.LBB2_22:
0x13e: {  	s2 =	sadd.s32 $0x1, s24  }
0x13f: {  	s3 =	sshrl.u32 s2, $0x4  }
0x140: {  	s3 =	smulhi.u32 $0x24924925, s3  }
0x141: {  	v1 =	vld [tilespmem:s28+$0xFFFFFF80]  }
0x142: {  	s3 =	smul.u32 $0x70, s3;
	_ =	sdelay $0x1  }
0x143: {  	s24 =	ssub.s32 s2, s3  }
0x144: {  	s2 =	sshll.u32 s24, $0x8  }
0x145: {  	[tilespmem:s2+$0x208] =	vst v1  }
0x146: {  	v1 =	vld [tilespmem:s28+$0xFFFFFF90];
	_ =	sdelay $0x4  }
0x147: {  	[tilespmem:s2+$0x218] =	vst v1  }
0x148: {  	v1 =	vld [tilespmem:s28+$0xFFFFFFA0];
	_ =	sdelay $0x4  }
0x149: {  	[tilespmem:s2+$0x228] =	vst v1  }
0x14a: {  	v1 =	vld [tilespmem:s28+$0xFFFFFFB0];
	_ =	sdelay $0x4  }
0x14b: {  	[tilespmem:s2+$0x238] =	vst v1  }
0x14c: {  	v1 =	vld [tilespmem:s28+$0xFFFFFFC0];
	_ =	sdelay $0x4  }
0x14d: {  	[tilespmem:s2+$0x248] =	vst v1  }
0x14e: {  	v1 =	vld [tilespmem:s28+$0xFFFFFFD0];
	_ =	sdelay $0x4  }
0x14f: {  	[tilespmem:s2+$0x258] =	vst v1  }
0x150: {  	v1 =	vld [tilespmem:s28+$0xFFFFFFE0];
	_ =	sdelay $0x4  }
0x151: {  	[tilespmem:s2+$0x268] =	vst v1  }
0x152: {  	v1 =	vld [tilespmem:s28+$0xFFFFFFF0];
	_ =	sdelay $0x4  }
0x153: {  	[tilespmem:s2+$0x278] =	vst v1  }
0x154: {  	v1 =	vld [tilespmem:s28+$0x0];
	_ =	sdelay $0x4  }
0x155: {  	[tilespmem:s2+$0x288] =	vst v1  }
0x156: {  	v1 =	vld [tilespmem:s28+$0x10];
	_ =	sdelay $0x4  }
0x157: {  	[tilespmem:s2+$0x298] =	vst v1  }
0x158: {  	v1 =	vld [tilespmem:s28+$0x20];
	_ =	sdelay $0x4  }
0x159: {  	[tilespmem:s2+$0x2A8] =	vst v1  }
0x15a: {  	v1 =	vld [tilespmem:s28+$0x30];
	_ =	sdelay $0x4  }
0x15b: {  	[tilespmem:s2+$0x2B8] =	vst v1  }
0x15c: {  	v1 =	vld [tilespmem:s28+$0x40];
	_ =	sdelay $0x4  }
0x15d: {  	[tilespmem:s2+$0x2C8] =	vst v1  }
0x15e: {  	v1 =	vld [tilespmem:s28+$0x50];
	_ =	sdelay $0x4  }
0x15f: {  	[tilespmem:s2+$0x2D8] =	vst v1  }
0x160: {  	v1 =	vld [tilespmem:s28+$0x60];
	_ =	sdelay $0x4  }
0x161: {  	[tilespmem:s2+$0x2E8] =	vst v1  }
0x162: {  	v1 =	vld [tilespmem:s28+$0x70]  }
.Ltmp21:
0x163: {  	_ = 	snop;
	(pc) =	sbr.rel .LBB2_23-.Ltmp21, $2  }
0x164: {  	_ =	sdelay $0x2  }
0x165: {  	s30 =	sadd.s32 $0x1, s30;
	[tilespmem:s2+$0x2F8] =	vst v1  }
.LBB2_25:
.Ltmp22:
0x166: {  	(pc) =	sbr.rel .LBB2_26-.Ltmp22, $4  }
0x167: {  	_ = 	snop  }
0x168: {  	s0 =	simm.s32 $0x2  }
0x169: {  	_ =	swait.ge [sflag:s0], $0x0  }
0x16a: {  	s2 =	simm.s32 $0x0;
	[sflag:s0] =	ssyncset.done $0x0;
	s0 =	smov.u32 s31  }
.LBB2_28:
0x16b: {  	_ =	sfence.sel $0x180000  }
0x16c: {  	s0 =	simm.s32 $0x9;
	[bflag:$0x0] =	sbarrier.arrive $0xFFFF  }
0x16d: {  	s24 =	simm.s32 $0xA;
	[sflag:s0] =	ssyncpa.u1 $0x1  }
0x16e: {  	s25 =	simm.s32 $0xB;
	[sflag:s24] =	ssyncpa.u1 $0x1  }
0x16f: {  	s26 =	simm.s32 $0x2;
	[sflag:s25] =	ssyncpa.u1 $0x1  }
0x170: {  	[sflag:s26] =	ssyncpa.u1 $0x1  }
0x171: {  	v0 =	vld [tilespmem:$0xE408];
	_ =	sdelay $0x4  }
0x172: {  	(v2sf) =	vpush v0, $0x0  }
0x173: {  	(v2sf) =	vpush v0, $0x1;
	_ =	sdelay $0x1  }
0x174: {  	(v2sf) =	vpush v0, $0x2;
	_ =	sdelay $0xb  }
0x175: {  	s0 =	spop (v2sf)  }
0x176: {  	s2 =	spop (v2sf)  }
0x177: {  	s3 =	smov.u32 s0;
	p0 =	sne.s32 s0, s2  }
0x178: {  	s4 =	spop (v2sf);
	s3 =	simm.s32 @!p0 $0xFFFFFFFF  }
0x179: {  	v2 =	vimm.s32 $0x1;
	v3 =	vlaneseq.u32;
	p0 =	seq.s32 s4, $0xFFFFFFFF;
	v1 =	vmov s3  }
0x17a: {  	s15 =	stileid.u32;
	v0 =	vperm.xlane v0, v2;
	p1 =	sne.s32 @!p0 s0, s2;
	v1 =	vperm.xlane v1, v3  }
0x17b: {  	vm0 =	vcmask $0x3F04;
	s6 =	simm.s32 $0xE408;
	s0 =	simm.s32 @!p0 $0x1;
	p1 =	por !p1, p0  }
0x17c: {  	s3 =	sshll.u32 s15, $0x1;
	s2 =	sshll.u32 @!p0 s4, $0xA;
	s0 =	simm.s32 @p1 $0x0;
	v0 =	vsel vm0, v1, v0  }
0x17d: {  	s5 =	sor.u32 $0x2000, s3;
	s2 =	sshra.s32 @!p0 s2, $0x2;
	s0 =	sor.u32 @!p0 s0, s3;
	[tilespmem:$0xE408] =	vst v0  }
0x17e: {  	[spmem:s5] =	stream.linear.scatter [tilespmem:s6], [sflag:$0x1], $0x2, $0x38;
	[tilespmem:$0x1E678] =	vst v63  }
0x17f: {  	s2 =	sadd.s32 @!p0 $0x208, s2;
	s0 =	sshll.u32 @!p0 s0, $0x8  }
0x180: {  	[spmem:s0] =	stream.linear.scatter @!p0 [tilespmem:s2], [sflag:$0x1], $0x100, $0x38;
	[tilespmem:$0x1E678] =	vst v63  }
0x181: {  	s0 =	simm.s32 @!p0 $0x102  }
0x182: {  	s28 =	simm.s32 $0x1;
	s0 =	simm.s32 @p0 $0x2  }
0x183: {  	_ =	swait.ge [sflag:s28], s0  }
0x184: {  	s0 =	ssub.s32 $0x0, s0;
	[sflag:s28] =	ssyncset.done $0x0  }
0x185: {  	p0 =	sne.s32 s15, $0x0;
	[sflag:s28] =	ssyncadd.s32 s0  }
.Ltmp23:
0x186: {  	_ =	sfence.stream.spmem;
	(pc) =	sbr.rel @p0 .LBB2_45-.Ltmp23, $4  }
0x187: {  	s29 =	simm.s32 $0x3;
	[bflag:$0x0] =	sbarrier.arrive $0xFFFF  }
0x188: {  	s30 =	simm.s32 $0x4;
	[sflag:s29] =	ssyncpa.u1 $0x1  }
0x189: {  	s31 =	simm.s32 $0x3C;
	[sflag:s30] =	ssyncpa.u1 $0x1  }
0x18a: {  	s14 =	rddreg [dreg:$0x5];
	[sflag:s31] =	ssyncpa.u1 $0x1  }
0x18b: {  	_ =	sfence.stream.spmem;
	s0 =	simm.s32 $0x5  }
0x18c: {  	s2 =	simm.s32 $0x2000;
	s3 =	simm.s32 $0xE418;
	[sflag:s0] =	ssyncpa.u1 $0x0  }
0x18d: {  	[tilespmem:s3], [sflag:$0x5] =	stream.linear.gather [spmem:s2], $0x20, $0x38;
	[tilespmem:$0x1E678] =	vst v63  }
0x18e: {  	s26 =	simm.s32 $0x0;
	s28 =	simm.s32 $0xE438  }
0x18f: {  	[tilespmem:s28], [sflag:$0x5] =	stream.linear.gather [spmem:s26], $0x2000, $0x38;
	[tilespmem:$0x1E678] =	vst v63  }
0x190: {  	_ =	swait.ge [sflag:s0], $0x2020  }
0x191: {  	[sflag:s0] =	ssyncset.done $0x0  }
0x192: {  	s29 =	simm.s32 $0x0;
	[sflag:s0] =	ssyncadd.s32 $0xFFFFDFE0  }
0x193: {  	v0 =	vld.msk [tilespmem:s29+$0xE418], $0x1;
	_ =	sdelay $0x1  }
0x194: {  	s30 =	simm.s32 $0x1  }
0x195: {  	v1 =	vld.msk [tilespmem:s30+$0xE418], $0x1;
	_ =	sdelay $0x1  }
0x196: {  	(v2sf) =	vpush v0, $0x0;
	_ =	sdelay $0x2  }
0x197: {  	(v2sf) =	vpush v1, $0x0;
	_ =	sdelay $0x2  }
0x198: {  	s31 =	simm.s32 $0x2  }
0x199: {  	v0 =	vld.msk [tilespmem:s31+$0xE418], $0x1;
	_ =	sdelay $0x2  }
0x19a: {  	s2 =	simm.s32 $0xFFFFFFFF;
	s3 =	simm.s32 $0xFFFFFFFF;
	s0 =	simm.s32 $0xC  }
.LBB2_30:
0x19b: {  	s4 =	smov.u32 s3;
	s5 =	smov.u32 s2  }
0x19c: {  	s2 =	sshra.s32 s0, $0x2;
	p1 =	sne.s32 s0, $0x7C;
	s0 =	sadd.s32 $0x4, s0;
	(v2sf) =	vpush v0, $0x0  }
0x19d: {  	v0 =	vld.msk [tilespmem:s2+$0xE418], $0x1  }
.Ltmp24:
0x19e: {  	(pc) =	sbr.rel @p1 .LBB2_30-.Ltmp24, $4  }
0x19f: {  	s3 =	spop (v2sf)  }
0x1a0: {  	p2 =	sne.s32 s5, $0xFFFFFFFF;
	s2 =	smov.u32 s3  }
0x1a1: {  	p3 =	seq.s32 s3, $0xFFFFFFFF;
	s2 =	smov.u32 @p2 s5  }
0x1a2: {  	s3 =	smov.u32 @p3 s4;
	s2 =	smov.u32 @p3 s5  }
0x1a3: {  	(v2sf) =	vpush v0, $0x0;
	_ =	sdelay $0x8  }
0x1a4: {  	s0 =	spop (v2sf)  }
0x1a5: {  	p1 =	sne.s32 s2, $0xFFFFFFFF;
	s9 =	simm.s32 $0x6;
	s4 =	smov.u32 s0  }
0x1a6: {  	s6 =	simm.s32 $0x0;
	p2 =	seq.s32 s0, $0xFFFFFFFF;
	s4 =	smov.u32 @p1 s2  }
0x1a7: {  	s10 =	simm.s32 $0xE308;
	s4 =	smov.u32 @p2 s2;
	s2 =	spop (v2sf)  }
0x1a8: {  	s0 =	smov.u32 @p2 s3;
	p1 =	sne.s32 s4, $0xFFFFFFFF;
	s5 =	smov.u32 s2  }
.Ltmp25:
0x1a9: {  	p2 =	seq.s32 s2, $0xFFFFFFFF;
	s5 =	smov.u32 @p1 s4;
	(pc) =	sbr.rel .LBB2_32-.Ltmp25, $4  }
0x1aa: {  	s11 =	simm.s32 $0xE388;
	s5 =	smov.u32 @p2 s4;
	s7 =	spop (v2sf)  }
0x1ab: {  	s12 =	simm.s32 $0x0;
	p1 =	sne.s32 s5, $0xFFFFFFFF;
	s8 =	smov.u32 s7  }
0x1ac: {  	s2 =	smov.u32 @p2 s0;
	p2 =	seq.s32 s7, $0xFFFFFFFF;
	s8 =	smov.u32 @p1 s5  }
0x1ad: {  	[sflag:s9] =	ssyncpa.u1 $0x0;
	s7 =	smov.u32 @p2 s2;
	s8 =	smov.u32 @p2 s5  }
.LBB2_38:
0x1ae: {  	p1 =	sgt.u32 s0, $0x4E170  }
0x1af: {  	p2 =	seq.s32 @!p1 s0, s8  }
0x1b0: {  	p1 =	por p1, p2  }
0x1b1: {  	p2 =	sne.s32 @!p1 s0, s7  }
0x1b2: {  	p1 =	por p1, !p2  }
0x1b3: {  	s0 =	sshll.u32 @p1 s12, $0xA  }
0x1b4: {  	s2 =	sand.u32 @!p1 $0x7FFF8, s0;
	s3 =	sand.u32 @!p1 $0x7, s0;
	s0 =	sadd.s32 @!p1 $0x80, s0  }
0x1b5: {  	s2 =	sadd.s32 @!p1 s1, s2;
	s0 =	sand.u32 @!p1 $0xFFFF8, s0  }
0x1b6: {  	[tilespmem:s10], [sflag:$0x6] =	stream.linear.gather @!p1 [hbm4b:s2+s3], $0x80, $0x38;
	[tilespmem:$0x1E678] =	vst v63  }
0x1b7: {  	s0 =	sadd.s32 @!p1 s1, s0  }
0x1b8: {  	[tilespmem:s11], [sflag:$0x6] =	stream.linear.gather @!p1 [hbm4b:s0+s3], $0x80, $0x38;
	[tilespmem:$0x1E678] =	vst v63  }
0x1b9: {  	_ =	swait.ge @!p1 [sflag:s9], $0x100  }
0x1ba: {  	[sflag:s9] =	ssyncset.done @!p1 $0x0  }
0x1bb: {  	[sflag:s9] =	ssyncadd.s32 @!p1 $0xFFFFFF00  }
0x1bc: {  	v1 =	vld @!p1 [tilespmem:$0xE308];
	_ =	sdelay $0x2  }
0x1bd: {  	s0 =	sshll.u32 @!p1 s12, $0xA  }
0x1be: {  	s2 =	sshrl.u32 @!p1 s0, $0x2  }
0x1bf: {  	[tilespmem:s2+$0xE438] =	vst.add.f32.msk @!p1 $0xffff, v1  }
0x1c0: {  	v1 =	vld @!p1 [tilespmem:$0xE318];
	_ =	sdelay $0x4  }
0x1c1: {  	[tilespmem:s2+$0xE448] =	vst.add.f32.msk @!p1 $0xffff, v1  }
0x1c2: {  	v1 =	vld @!p1 [tilespmem:$0xE328];
	_ =	sdelay $0x4  }
0x1c3: {  	[tilespmem:s2+$0xE458] =	vst.add.f32.msk @!p1 $0xffff, v1  }
0x1c4: {  	v1 =	vld @!p1 [tilespmem:$0xE338];
	_ =	sdelay $0x4  }
0x1c5: {  	[tilespmem:s2+$0xE468] =	vst.add.f32.msk @!p1 $0xffff, v1  }
0x1c6: {  	v1 =	vld @!p1 [tilespmem:$0xE348];
	_ =	sdelay $0x4  }
0x1c7: {  	[tilespmem:s2+$0xE478] =	vst.add.f32.msk @!p1 $0xffff, v1  }
0x1c8: {  	v1 =	vld @!p1 [tilespmem:$0xE358];
	_ =	sdelay $0x4  }
0x1c9: {  	[tilespmem:s2+$0xE488] =	vst.add.f32.msk @!p1 $0xffff, v1  }
0x1ca: {  	v1 =	vld @!p1 [tilespmem:$0xE368];
	_ =	sdelay $0x4  }
0x1cb: {  	[tilespmem:s2+$0xE498] =	vst.add.f32.msk @!p1 $0xffff, v1  }
0x1cc: {  	v1 =	vld @!p1 [tilespmem:$0xE378];
	_ =	sdelay $0x4  }
0x1cd: {  	[tilespmem:s2+$0xE4A8] =	vst.add.f32.msk @!p1 $0xffff, v1  }
0x1ce: {  	v1 =	vld @!p1 [tilespmem:$0xE388];
	_ =	sdelay $0x4  }
0x1cf: {  	[tilespmem:s2+$0xE4B8] =	vst.add.f32.msk @!p1 $0xffff, v1  }
0x1d0: {  	v1 =	vld @!p1 [tilespmem:$0xE398];
	_ =	sdelay $0x4  }
0x1d1: {  	[tilespmem:s2+$0xE4C8] =	vst.add.f32.msk @!p1 $0xffff, v1  }
0x1d2: {  	v1 =	vld @!p1 [tilespmem:$0xE3A8];
	_ =	sdelay $0x4  }
0x1d3: {  	[tilespmem:s2+$0xE4D8] =	vst.add.f32.msk @!p1 $0xffff, v1  }
0x1d4: {  	v1 =	vld @!p1 [tilespmem:$0xE3B8];
	_ =	sdelay $0x4  }
0x1d5: {  	[tilespmem:s2+$0xE4E8] =	vst.add.f32.msk @!p1 $0xffff, v1  }
0x1d6: {  	v1 =	vld @!p1 [tilespmem:$0xE3C8];
	_ =	sdelay $0x4  }
0x1d7: {  	[tilespmem:s2+$0xE4F8] =	vst.add.f32.msk @!p1 $0xffff, v1  }
0x1d8: {  	v1 =	vld @!p1 [tilespmem:$0xE3D8];
	_ =	sdelay $0x4  }
0x1d9: {  	[tilespmem:s2+$0xE508] =	vst.add.f32.msk @!p1 $0xffff, v1  }
0x1da: {  	v1 =	vld @!p1 [tilespmem:$0xE3E8];
	_ =	sdelay $0x4  }
0x1db: {  	[tilespmem:s2+$0xE518] =	vst.add.f32.msk @!p1 $0xffff, v1  }
0x1dc: {  	v1 =	vld @!p1 [tilespmem:$0xE3F8];
	_ =	sdelay $0x4  }
0x1dd: {  	[tilespmem:s2+$0xE528] =	vst.add.f32.msk @!p1 $0xffff, v1  }
0x1de: {  	s0 =	sshrl.u32 s0, $0x2;
	[tilespmem:s6+$0xE418] =	vst.msk $0x1, v0  }
0x1df: {  	v0 =	vld [tilespmem:s0+$0xE438];
	_ =	sdelay $0x2  }
0x1e0: {  	s31 =	sshll.u32 s6, $0xA  }
0x1e1: {  	s2 =	sshra.s32 s31, $0x2  }
0x1e2: {  	[tilespmem:s2+$0xE438] =	vst v0  }
0x1e3: {  	v0 =	vld [tilespmem:s0+$0xE448];
	_ =	sdelay $0x4  }
0x1e4: {  	[tilespmem:s2+$0xE448] =	vst v0  }
0x1e5: {  	v0 =	vld [tilespmem:s0+$0xE458];
	_ =	sdelay $0x4  }
0x1e6: {  	[tilespmem:s2+$0xE458] =	vst v0  }
0x1e7: {  	v0 =	vld [tilespmem:s0+$0xE468];
	_ =	sdelay $0x4  }
0x1e8: {  	[tilespmem:s2+$0xE468] =	vst v0  }
0x1e9: {  	v0 =	vld [tilespmem:s0+$0xE478];
	_ =	sdelay $0x4  }
0x1ea: {  	[tilespmem:s2+$0xE478] =	vst v0  }
0x1eb: {  	v0 =	vld [tilespmem:s0+$0xE488];
	_ =	sdelay $0x4  }
0x1ec: {  	[tilespmem:s2+$0xE488] =	vst v0  }
0x1ed: {  	v0 =	vld [tilespmem:s0+$0xE498];
	_ =	sdelay $0x4  }
0x1ee: {  	[tilespmem:s2+$0xE498] =	vst v0  }
0x1ef: {  	v0 =	vld [tilespmem:s0+$0xE4A8];
	_ =	sdelay $0x4  }
0x1f0: {  	[tilespmem:s2+$0xE4A8] =	vst v0  }
0x1f1: {  	v0 =	vld [tilespmem:s0+$0xE4B8];
	_ =	sdelay $0x4  }
0x1f2: {  	[tilespmem:s2+$0xE4B8] =	vst v0  }
0x1f3: {  	v0 =	vld [tilespmem:s0+$0xE4C8];
	_ =	sdelay $0x4  }
0x1f4: {  	[tilespmem:s2+$0xE4C8] =	vst v0  }
0x1f5: {  	v0 =	vld [tilespmem:s0+$0xE4D8];
	_ =	sdelay $0x4  }
0x1f6: {  	[tilespmem:s2+$0xE4D8] =	vst v0  }
0x1f7: {  	v0 =	vld [tilespmem:s0+$0xE4E8];
	_ =	sdelay $0x4  }
0x1f8: {  	[tilespmem:s2+$0xE4E8] =	vst v0  }
0x1f9: {  	v0 =	vld [tilespmem:s0+$0xE4F8];
	_ =	sdelay $0x4  }
0x1fa: {  	[tilespmem:s2+$0xE4F8] =	vst v0  }
0x1fb: {  	v0 =	vld [tilespmem:s0+$0xE508];
	_ =	sdelay $0x4  }
0x1fc: {  	[tilespmem:s2+$0xE508] =	vst v0  }
0x1fd: {  	v0 =	vld [tilespmem:s0+$0xE518];
	_ =	sdelay $0x4  }
0x1fe: {  	[tilespmem:s2+$0xE518] =	vst v0  }
0x1ff: {  	v0 =	vld [tilespmem:s0+$0xE528];
	_ =	sdelay $0x4  }
0x200: {  	s6 =	sadd.s32 $0x1, s6;
	[tilespmem:s2+$0xE528] =	vst v0  }
.LBB2_39:
0x201: {  	s12 =	sadd.s32 $0x1, s12  }
0x202: {  	p1 =	sne.s32 s12, $0x20  }
.Ltmp26:
0x203: {  	_ = 	snop;
	(pc) =	sbr.rel @!p1 .LBB2_40-.Ltmp26, $1  }
0x204: {  	_ =	sdelay $0x3  }
.LBB2_32:
0x205: {  	v0 =	vld.msk [tilespmem:s12+$0xE418], $0x1;
	_ =	sdelay $0x4  }
0x206: {  	(v2sf) =	vpush v0, $0x0;
	_ =	sdelay $0xe  }
0x207: {  	s0 =	spop (v2sf)  }
0x208: {  	p1 =	seq.s32 s0, $0xFFFFFFFF  }
.Ltmp27:
0x209: {  	_ = 	snop;
	(pc) =	sbr.rel @p1 .LBB2_39-.Ltmp27, $1  }
0x20a: {  	_ =	sdelay $0x3  }
0x20b: {  	p1 =	slt.s32 s6, $0x1  }
.Ltmp28:
0x20c: {  	_ = 	snop;
	(pc) =	sbr.rel @p1 .LBB2_38-.Ltmp28, $1  }
0x20d: {  	_ =	sdelay $0x3  }
0x20e: {  	s4 =	simm.s32 $0xE418;
	p1 =	por $0x0, $0x0  }
0x20f: {  	v1 =	vld.msk @!p1 [tilespmem:s4+$0x0], $0x1;
	_ =	sdelay $0x4  }
0x210: {  	(v2sf) =	vpush @!p1 v1, $0x0;
	_ =	sdelay $0xd  }
0x211: {  	p3 =	sne.s32 s6, $0x1  }
.Ltmp29:
0x212: {  	s2 =	spop @!p1 (v2sf);
	(pc) =	sbr.rel @!p3 .LBB2_36-.Ltmp29, $4  }
0x213: {  	p2 =	seq.s32 @!p1 s0, s2  }
0x214: {  	s5 =	simm.s32 $0x0;
	p2 =	por !p2, p1  }
0x215: {  	s2 =	simm.s32 $0xFFFFFFFF;
	s5 =	simm.s32 @p2 $0xFFFFFFFF  }
0x216: {  	s13 =	simm.s32 $0x1;
	s5 =	smov.u32 @p1 s2  }
.LBB2_35:
0x217: {  	s2 =	smov.u32 s5;
	p1 =	sne.s32 s5, $0xFFFFFFFF  }
0x218: {  	s4 =	sadd.s32 $0x1, s4;
	s5 =	smov.u32 s13;
	s13 =	sadd.s32 $0x1, s13  }
0x219: {  	p2 =	sne.s32 s6, s13;
	v1 =	vld.msk @!p1 [tilespmem:s4+$0x0], $0x1;
	_ =	sdelay $0x4  }
0x21a: {  	(v2sf) =	vpush @!p1 v1, $0x0;
	_ =	sdelay $0xe  }
.Ltmp30:
0x21b: {  	s3 =	spop @!p1 (v2sf);
	(pc) =	sbr.rel @p2 .LBB2_35-.Ltmp30, $4  }
0x21c: {  	p3 =	seq.s32 @!p1 s0, s3  }
0x21d: {  	p3 =	por !p3, p1  }
0x21e: {  	s5 =	simm.s32 @p3 $0xFFFFFFFF  }
0x21f: {  	s5 =	smov.u32 @p1 s2  }
.LBB2_36:
0x220: {  	p1 =	seq.s32 s5, $0xFFFFFFFF  }
.Ltmp31:
0x221: {  	_ = 	snop;
	(pc) =	sbr.rel @p1 .LBB2_38-.Ltmp31, $1  }
0x222: {  	_ =	sdelay $0x3  }
0x223: {  	s0 =	sshll.u32 s12, $0x8  }
0x224: {  	s0 =	sand.u32 $0x3FFFFF00, s0  }
0x225: {  	v0 =	vld [tilespmem:s0+$0xE438];
	_ =	sdelay $0x2  }
0x226: {  	s2 =	sshll.u32 s5, $0xA  }
0x227: {  	s2 =	sshra.s32 s2, $0x2  }
0x228: {  	[tilespmem:s2+$0xE438] =	vst.add.f32.msk $0xffff, v0  }
0x229: {  	v0 =	vld [tilespmem:s0+$0xE448];
	_ =	sdelay $0x4  }
0x22a: {  	[tilespmem:s2+$0xE448] =	vst.add.f32.msk $0xffff, v0  }
0x22b: {  	v0 =	vld [tilespmem:s0+$0xE458];
	_ =	sdelay $0x4  }
0x22c: {  	[tilespmem:s2+$0xE458] =	vst.add.f32.msk $0xffff, v0  }
0x22d: {  	v0 =	vld [tilespmem:s0+$0xE468];
	_ =	sdelay $0x4  }
0x22e: {  	[tilespmem:s2+$0xE468] =	vst.add.f32.msk $0xffff, v0  }
0x22f: {  	v0 =	vld [tilespmem:s0+$0xE478];
	_ =	sdelay $0x4  }
0x230: {  	[tilespmem:s2+$0xE478] =	vst.add.f32.msk $0xffff, v0  }
0x231: {  	v0 =	vld [tilespmem:s0+$0xE488];
	_ =	sdelay $0x4  }
0x232: {  	[tilespmem:s2+$0xE488] =	vst.add.f32.msk $0xffff, v0  }
0x233: {  	v0 =	vld [tilespmem:s0+$0xE498];
	_ =	sdelay $0x4  }
0x234: {  	[tilespmem:s2+$0xE498] =	vst.add.f32.msk $0xffff, v0  }
0x235: {  	v0 =	vld [tilespmem:s0+$0xE4A8];
	_ =	sdelay $0x4  }
0x236: {  	[tilespmem:s2+$0xE4A8] =	vst.add.f32.msk $0xffff, v0  }
0x237: {  	v0 =	vld [tilespmem:s0+$0xE4B8];
	_ =	sdelay $0x4  }
0x238: {  	[tilespmem:s2+$0xE4B8] =	vst.add.f32.msk $0xffff, v0  }
0x239: {  	v0 =	vld [tilespmem:s0+$0xE4C8];
	_ =	sdelay $0x4  }
0x23a: {  	[tilespmem:s2+$0xE4C8] =	vst.add.f32.msk $0xffff, v0  }
0x23b: {  	v0 =	vld [tilespmem:s0+$0xE4D8];
	_ =	sdelay $0x4  }
0x23c: {  	[tilespmem:s2+$0xE4D8] =	vst.add.f32.msk $0xffff, v0  }
0x23d: {  	v0 =	vld [tilespmem:s0+$0xE4E8];
	_ =	sdelay $0x4  }
0x23e: {  	[tilespmem:s2+$0xE4E8] =	vst.add.f32.msk $0xffff, v0  }
0x23f: {  	v0 =	vld [tilespmem:s0+$0xE4F8];
	_ =	sdelay $0x4  }
0x240: {  	[tilespmem:s2+$0xE4F8] =	vst.add.f32.msk $0xffff, v0  }
0x241: {  	v0 =	vld [tilespmem:s0+$0xE508];
	_ =	sdelay $0x4  }
0x242: {  	[tilespmem:s2+$0xE508] =	vst.add.f32.msk $0xffff, v0  }
0x243: {  	v0 =	vld [tilespmem:s0+$0xE518];
	_ =	sdelay $0x4  }
0x244: {  	[tilespmem:s2+$0xE518] =	vst.add.f32.msk $0xffff, v0  }
0x245: {  	v0 =	vld [tilespmem:s0+$0xE528]  }
.Ltmp32:
0x246: {  	_ = 	snop;
	(pc) =	sbr.rel .LBB2_39-.Ltmp32, $2  }
0x247: {  	_ =	sdelay $0x2  }
0x248: {  	[tilespmem:s2+$0xE528] =	vst.add.f32.msk $0xffff, v0  }
.LBB2_40:
0x249: {  	s0 =	simm.s32 $0x6;
	p1 =	seq.s32 s6, $0x0  }
0x24a: {  	[sflag:s0] =	ssyncpa.u1 $0x1;
	v0 =	vimm.s32 @p1 $0xFFFFFFFF  }
0x24b: {  	s0 =	sadd.s32 $0xFFFFFFFF, s6;
	[tilespmem:$0x10438] =	vst @p1 v0  }
0x24c: {  	v0 =	vld.msk @!p1 [tilespmem:s0+$0xE418], $0x1;
	_ =	sdelay $0x1  }
0x24d: {  	v1 =	vld.msk @!p1 [tilespmem:$0xE418], $0x1;
	_ =	sdelay $0x2  }
0x24e: {  	p2 =	seq.s32 @!p1 s0, $0x0;
	v0 =	vbroadcast @!p1 v0, $0x0  }
0x24f: {  	vm0 =	vmmov @!p1 $0x1;
	p2 =	por !p2, p1  }
0x250: {  	v1 =	vnsel @!p1 vm0, $0xFFFFFFFF, v1;
	vm0 =	vcmask @!p1 $0x308;
	v0 =	vpsel !p2, $0xFFFFFFFF, v0  }
0x251: {  	p2 =	sne.s32 @!p1 s8, s7;
	v0 =	vsel @!p1 vm0, v1, v0  }
0x252: {  	s2 =	simm.s32 @!p1 $0xE438;
	s3 =	simm.s32 @!p1 $0x0;
	p3 =	por !p2, p1;
	[tilespmem:$0x10438] =	vst @!p1 v0  }
0x253: {  	[spmem:s3] =	stream.linear.scatter @!p1 [tilespmem:s2], [sflag:$0x1], $0x100, $0x38;
	[tilespmem:$0x1E678] =	vst v63  }
0x254: {  	s2 =	sshll.u32 @!p3 s0, $0xA  }
0x255: {  	s2 =	sshra.s32 @!p3 s2, $0x2  }
0x256: {  	s3 =	simm.s32 @!p3 $0x100;
	s2 =	sadd.s32 @!p3 $0xE438, s2  }
0x257: {  	[spmem:s3] =	stream.linear.scatter @!p3 [tilespmem:s2], [sflag:$0x1], $0x100, $0x38;
	[tilespmem:$0x1E678] =	vst v63  }
0x258: {  	s2 =	simm.s32 @!p3 $0x1  }
0x259: {  	_ =	swait.ge @!p3 [sflag:s2], $0x200  }
0x25a: {  	p1 =	por p2, p1;
	[sflag:s2] =	ssyncset.done @!p3 $0x0  }
0x25b: {  	[sflag:s2] =	ssyncadd.s32 @!p3 $0xFFFFFE00;
	s2 =	simm.s32 @!p1 $0x1  }
0x25c: {  	_ =	swait.ge @!p1 [sflag:s2], $0x100  }
0x25d: {  	s29 =	simm.s32 $0x10438;
	[sflag:s2] =	ssyncset.done @!p1 $0x0  }
0x25e: {  	s30 =	simm.s32 $0x2000;
	s31 =	simm.s32 $0x1;
	[sflag:s2] =	ssyncadd.s32 @!p1 $0xFFFFFF00  }
0x25f: {  	[spmem:s30] =	stream.linear.scatter [tilespmem:s29], [sflag:$0x1], $0x10, $0x38;
	[tilespmem:$0x1E678] =	vst v63  }
0x260: {  	_ =	swait.ge [sflag:s31], $0x10  }
0x261: {  	[sflag:s31] =	ssyncset.done $0x0  }
0x262: {  	p1 =	seq.s32 s14, $0x0;
	s9 =	rddreg [dreg:$0x2];
	[sflag:s31] =	ssyncadd.s32 $0xFFFFFFF0  }
0x263: {  	s3 =	sshll.u32 @p1 s9, $0xE;
	s8 =	rddreg [dreg:$0x3]  }
0x264: {  	s2 =	sadd.s32 @p1 $0x15C3C, s3;
	s3 =	sshll.u32 @p1 s8, $0x11  }
0x265: {  	_ =	sfence.stream.spmem;
	s2 =	sor.u32 @p1 s3, s2  }
0x266: {  	[sflag:s2] =	ssyncadd.remote.s32 @p1 $0x1;
	s2 =	simm.s32 @p1 $0x4  }
0x267: {  	s4 =	simm.s32 @!p1 $0x3C;
	s3 =	sand.u32 $0xFFFFFFFE, s9;
	_ =	swait.ge @p1 [sflag:s2], $0x42  }
0x268: {  	s5 =	simm.s32 @!p1 $0x0;
	s3 =	sadd.s32 @!p1 $0x4, s3;
	[sflag:s2] =	ssyncset.done @p1 $0x0  }
0x269: {  	s7 =	simm.s32 @!p1 $0x200;
	[sflag:s2] =	ssyncadd.s32 @p1 $0xFFFFFFBE;
	s2 =	sshll.u32 @!p1 s3, $0x1A  }
0x26a: {  	s3 =	sshll.u32 @!p1 s3, $0xD;
	s2 =	sor.u32 @!p1 s2, s8;
	_ =	swait.eq @!p1 [sflag:s4], $0x1  }
0x26b: {  	s3 =	sor.u32 @!p1 $0x1C04, s3;
	s4 =	simm.s32 @!p1 $0x1C03;
	s2 =	sor.u32 @!p1 $0x80004000, s2  }
0x26c: {  	[spmem:s7], [sflag:s3] =	dma.general @!p1 [spmem:s5], [sflag:s4], length:$0x40, [dreg:$0x0], stride_count:$0x0, ici_dest:s2, dma_misc:DstOpCode:WRITE  }
0x26d: {  	p2 =	slt.s32 s0, $0x2;
	s5 =	simm.s32 @!p1 $0x400;
	s7 =	simm.s32 @!p1 $0x402  }
0x26e: {  	[spmem:s7], [sflag:s3] =	dma.general @!p1 [spmem:s5], [sflag:s4], length:$0x2, [dreg:$0x0], stride_count:$0x0, ici_dest:s2, dma_misc:DstOpCode:WRITE  }
.Ltmp33:
0x26f: {  	s2 =	simm.s32 @!p1 $0x3;
	(pc) =	sbr.rel @p2 .LBB2_44-.Ltmp33, $4  }
0x270: {  	s3 =	sshll.u32 @!p1 s9, $0xE;
	_ =	swait.ge @!p1 [sflag:s2], $0x42  }
0x271: {  	s4 =	sshll.u32 @!p1 s8, $0x11;
	s3 =	sadd.s32 @!p1 $0x11C3C, s3;
	[sflag:s2] =	ssyncset.done @!p1 $0x0  }
0x272: {  	[sflag:s2] =	ssyncadd.s32 @!p1 $0xFFFFFFBE;
	s2 =	sor.u32 @!p1 s4, s3  }
0x273: {  	s0 =	simm.s32 $0x0;
	[sflag:s2] =	ssyncadd.remote.s32 @!p1 $0xFFFFFFFF  }
0x274: {  	s0 =	simm.s32 $0xE419  }
0x275: {  	v0 =	vld.msk [tilespmem:s0+$0x0], $0x1;
	_ =	sdelay $0x4  }
0x276: {  	(v2sf) =	vpush v0, $0x0;
	_ =	sdelay $0xd  }
0x277: {  	s31 =	sadd.s32 $0xFFFFFFFE, s6  }
0x278: {  	s6 =	simm.s32 $0x0;
	s0 =	sadd.s32 $0xFFFFFFFF, s31;
	s2 =	spop (v2sf)  }
0x279: {  	s3 =	simm.s32 $0xE538;
	p1 =	sne.s32 s0, $0x0;
	p2 =	sgt.u32 s2, $0x4E170  }
.Ltmp34:
0x27a: {  	s4 =	simm.s32 $0xE638;
	s5 =	sand.u32 @!p2 $0x7FFF8, s2;
	(pc) =	sbr.rel @!p1 .LBB2_43-.Ltmp34, $4  }
0x27b: {  	s7 =	sadd.s32 @!p2 $0x80, s2;
	s2 =	sand.u32 @!p2 $0x7, s2;
	s6 =	simm.s32 @!p2 $0x400  }
0x27c: {  	s5 =	sadd.s32 @!p2 s1, s5;
	s7 =	sand.u32 @!p2 $0xFFFF8, s7;
	s6 =	sadd.s32 $0x0, s6  }
0x27d: {  	[hbm4b:s5+s2] =	stream.linear.scatter @!p2 [tilespmem:s3], [sflag:$0x5], $0x80, $0x38;
	[tilespmem:$0x1E678] =	vst v63  }
0x27e: {  	s5 =	simm.s32 $0xE41A;
	s3 =	simm.s32 @!p2 $0xE5B8;
	s7 =	sadd.s32 @!p2 s1, s7  }
.LBB2_42:
0x27f: {  	[hbm4b:s7+s2] =	stream.linear.scatter @!p2 [tilespmem:s3], [sflag:$0x5], $0x80, $0x38;
	[tilespmem:$0x1E678] =	vst v63  }
0x280: {  	s0 =	sadd.s32 $0xFFFFFFFF, s0;
	s3 =	smov.u32 s4;
	v0 =	vld.msk [tilespmem:s5+$0x0], $0x1  }
0x281: {  	p1 =	sne.s32 s0, $0x0;
	_ =	sdelay $0x3  }
0x282: {  	(v2sf) =	vpush v0, $0x0;
	_ =	sdelay $0xe  }
0x283: {  	s4 =	sadd.s32 $0x100, s4;
	s8 =	simm.s32 $0x0;
	s2 =	spop (v2sf)  }
.Ltmp35:
0x284: {  	s5 =	sadd.s32 $0x1, s5;
	p2 =	sgt.u32 s2, $0x4E170;
	(pc) =	sbr.rel @p1 .LBB2_42-.Ltmp35, $4  }
0x285: {  	s8 =	simm.s32 @!p2 $0x400;
	s7 =	sand.u32 @!p2 $0x7FFF8, s2;
	s9 =	sadd.s32 @!p2 $0x80, s2  }
0x286: {  	s2 =	sand.u32 @!p2 $0x7, s2;
	s7 =	sadd.s32 @!p2 s1, s7;
	s9 =	sand.u32 @!p2 $0xFFFF8, s9  }
0x287: {  	[hbm4b:s7+s2] =	stream.linear.scatter @!p2 [tilespmem:s3], [sflag:$0x5], $0x80, $0x38;
	[tilespmem:$0x1E678] =	vst v63  }
0x288: {  	s6 =	sadd.s32 s6, s8;
	s3 =	sadd.s32 @!p2 $0x80, s3;
	s7 =	sadd.s32 @!p2 s1, s9  }
.LBB2_43:
0x289: {  	[hbm4b:s7+s2] =	stream.linear.scatter @!p2 [tilespmem:s3], [sflag:$0x5], $0x80, $0x38;
	[tilespmem:$0x1E678] =	vst v63  }
0x28a: {  	s0 =	sshrl.u32 s6, $0x2  }
.LBB2_44:
0x28b: {  	s2 =	simm.s32 $0x5  }
0x28c: {  	_ =	swait.ge [sflag:s2], s0  }
0x28d: {  	s31 =	ssub.s32 $0x0, s0;
	[sflag:s2] =	ssyncset.done $0x0  }
0x28e: {  	[sflag:s2] =	ssyncadd.s32 s31  }
0x28f: {  	[sflag:s2] =	ssyncpa.u1 $0x1  }
.LBB2_45:
0x290: {  	s0 =	sor.u32 s14, s15  }
0x291: {  	p1 =	sne.s32 s0, $0x0  }
.Ltmp36:
0x292: {  	_ = 	snop;
	(pc) =	sbr.rel @p1 .LBB2_60-.Ltmp36, $3  }
0x293: {  	_ =	sdelay $0x1  }
0x294: {  	[bflag:$0x0] =	sbarrier.arrive $0xFFFF  }
0x295: {  	_ =	sfence  }
0x296: {  	s0 =	simm.s32 $0x7  }
0x297: {  	s2 =	simm.s32 $0x2000;
	s3 =	simm.s32 $0xE418;
	[sflag:s0] =	ssyncpa.u1 $0x0  }
0x298: {  	[tilespmem:s3], [sflag:$0x7] =	stream.linear.gather [spmem:s2], $0x20, $0x38;
	[tilespmem:$0x1E678] =	vst v63  }
0x299: {  	s30 =	simm.s32 $0xE438;
	s2 =	simm.s32 $0x0  }
0x29a: {  	[tilespmem:s30], [sflag:$0x7] =	stream.linear.gather [spmem:s2], $0x2000, $0x38;
	[tilespmem:$0x1E678] =	vst v63  }
.Ltmp37:
0x29b: {  	_ = 	snop;
	(pc) =	sbr.rel .LBB2_47-.Ltmp37, $4  }
0x29c: {  	_ =	swait.ge [sflag:s0], $0x2020  }
0x29d: {  	[sflag:s0] =	ssyncset.done $0x0  }
0x29e: {  	s31 =	simm.s32 $0x8;
	[sflag:s0] =	ssyncadd.s32 $0xFFFFDFE0  }
0x29f: {  	s3 =	simm.s32 $0x0;
	[sflag:s31] =	ssyncpa.u1 $0x0  }
.LBB2_53:
0x2a0: {  	p1 =	slt.u32 s0, $0x4E171  }
0x2a1: {  	s4 =	sand.u32 @p1 $0x7FFF8, s0;
	s5 =	sand.u32 @p1 $0x7, s0;
	s0 =	sadd.s32 @p1 $0x80, s0  }
0x2a2: {  	s6 =	simm.s32 @p1 $0xE308;
	s4 =	sadd.s32 @p1 s1, s4;
	s0 =	sand.u32 @p1 $0xFFFF8, s0  }
0x2a3: {  	[tilespmem:s6], [sflag:$0x8] =	stream.linear.gather @p1 [hbm4b:s4+s5], $0x80, $0x38;
	[tilespmem:$0x1E678] =	vst v63  }
0x2a4: {  	s0 =	sadd.s32 @p1 s1, s0;
	s4 =	simm.s32 @p1 $0xE388  }
0x2a5: {  	[tilespmem:s4], [sflag:$0x8] =	stream.linear.gather @p1 [hbm4b:s0+s5], $0x80, $0x38;
	[tilespmem:$0x1E678] =	vst v63  }
0x2a6: {  	s0 =	simm.s32 @p1 $0x8  }
0x2a7: {  	_ =	swait.ge @p1 [sflag:s0], $0x100  }
0x2a8: {  	[sflag:s0] =	ssyncset.done @p1 $0x0  }
0x2a9: {  	[sflag:s0] =	ssyncadd.s32 @p1 $0xFFFFFF00  }
0x2aa: {  	v1 =	vld @p1 [tilespmem:$0xE308];
	_ =	sdelay $0x2  }
0x2ab: {  	s0 =	sshll.u32 @p1 s3, $0xA  }
0x2ac: {  	s4 =	sshrl.u32 @p1 s0, $0x2  }
0x2ad: {  	[tilespmem:s4+$0xE438] =	vst.add.f32.msk @p1 $0xffff, v1  }
0x2ae: {  	v1 =	vld @p1 [tilespmem:$0xE318];
	_ =	sdelay $0x4  }
0x2af: {  	[tilespmem:s4+$0xE448] =	vst.add.f32.msk @p1 $0xffff, v1  }
0x2b0: {  	v1 =	vld @p1 [tilespmem:$0xE328];
	_ =	sdelay $0x4  }
0x2b1: {  	[tilespmem:s4+$0xE458] =	vst.add.f32.msk @p1 $0xffff, v1  }
0x2b2: {  	v1 =	vld @p1 [tilespmem:$0xE338];
	_ =	sdelay $0x4  }
0x2b3: {  	[tilespmem:s4+$0xE468] =	vst.add.f32.msk @p1 $0xffff, v1  }
0x2b4: {  	v1 =	vld @p1 [tilespmem:$0xE348];
	_ =	sdelay $0x4  }
0x2b5: {  	[tilespmem:s4+$0xE478] =	vst.add.f32.msk @p1 $0xffff, v1  }
0x2b6: {  	v1 =	vld @p1 [tilespmem:$0xE358];
	_ =	sdelay $0x4  }
0x2b7: {  	[tilespmem:s4+$0xE488] =	vst.add.f32.msk @p1 $0xffff, v1  }
0x2b8: {  	v1 =	vld @p1 [tilespmem:$0xE368];
	_ =	sdelay $0x4  }
0x2b9: {  	[tilespmem:s4+$0xE498] =	vst.add.f32.msk @p1 $0xffff, v1  }
0x2ba: {  	v1 =	vld @p1 [tilespmem:$0xE378];
	_ =	sdelay $0x4  }
0x2bb: {  	[tilespmem:s4+$0xE4A8] =	vst.add.f32.msk @p1 $0xffff, v1  }
0x2bc: {  	v1 =	vld @p1 [tilespmem:$0xE388];
	_ =	sdelay $0x4  }
0x2bd: {  	[tilespmem:s4+$0xE4B8] =	vst.add.f32.msk @p1 $0xffff, v1  }
0x2be: {  	v1 =	vld @p1 [tilespmem:$0xE398];
	_ =	sdelay $0x4  }
0x2bf: {  	[tilespmem:s4+$0xE4C8] =	vst.add.f32.msk @p1 $0xffff, v1  }
0x2c0: {  	v1 =	vld @p1 [tilespmem:$0xE3A8];
	_ =	sdelay $0x4  }
0x2c1: {  	[tilespmem:s4+$0xE4D8] =	vst.add.f32.msk @p1 $0xffff, v1  }
0x2c2: {  	v1 =	vld @p1 [tilespmem:$0xE3B8];
	_ =	sdelay $0x4  }
0x2c3: {  	[tilespmem:s4+$0xE4E8] =	vst.add.f32.msk @p1 $0xffff, v1  }
0x2c4: {  	v1 =	vld @p1 [tilespmem:$0xE3C8];
	_ =	sdelay $0x4  }
0x2c5: {  	[tilespmem:s4+$0xE4F8] =	vst.add.f32.msk @p1 $0xffff, v1  }
0x2c6: {  	v1 =	vld @p1 [tilespmem:$0xE3D8];
	_ =	sdelay $0x4  }
0x2c7: {  	[tilespmem:s4+$0xE508] =	vst.add.f32.msk @p1 $0xffff, v1  }
0x2c8: {  	v1 =	vld @p1 [tilespmem:$0xE3E8];
	_ =	sdelay $0x4  }
0x2c9: {  	[tilespmem:s4+$0xE518] =	vst.add.f32.msk @p1 $0xffff, v1  }
0x2ca: {  	v1 =	vld @p1 [tilespmem:$0xE3F8];
	_ =	sdelay $0x3  }
0x2cb: {  	s5 =	sshll.u32 @!p1 s3, $0xA  }
0x2cc: {  	s5 =	smov.u32 @p1 s0;
	[tilespmem:s4+$0xE528] =	vst.add.f32.msk @p1 $0xffff, v1  }
0x2cd: {  	s0 =	sshrl.u32 s5, $0x2;
	[tilespmem:s2+$0xE418] =	vst.msk $0x1, v0  }
0x2ce: {  	v0 =	vld [tilespmem:s0+$0xE438];
	_ =	sdelay $0x2  }
0x2cf: {  	s31 =	sshll.u32 s2, $0xA  }
0x2d0: {  	s4 =	sshra.s32 s31, $0x2  }
0x2d1: {  	[tilespmem:s4+$0xE438] =	vst v0  }
0x2d2: {  	v0 =	vld [tilespmem:s0+$0xE448];
	_ =	sdelay $0x4  }
0x2d3: {  	[tilespmem:s4+$0xE448] =	vst v0  }
0x2d4: {  	v0 =	vld [tilespmem:s0+$0xE458];
	_ =	sdelay $0x4  }
0x2d5: {  	[tilespmem:s4+$0xE458] =	vst v0  }
0x2d6: {  	v0 =	vld [tilespmem:s0+$0xE468];
	_ =	sdelay $0x4  }
0x2d7: {  	[tilespmem:s4+$0xE468] =	vst v0  }
0x2d8: {  	v0 =	vld [tilespmem:s0+$0xE478];
	_ =	sdelay $0x4  }
0x2d9: {  	[tilespmem:s4+$0xE478] =	vst v0  }
0x2da: {  	v0 =	vld [tilespmem:s0+$0xE488];
	_ =	sdelay $0x4  }
0x2db: {  	[tilespmem:s4+$0xE488] =	vst v0  }
0x2dc: {  	v0 =	vld [tilespmem:s0+$0xE498];
	_ =	sdelay $0x4  }
0x2dd: {  	[tilespmem:s4+$0xE498] =	vst v0  }
0x2de: {  	v0 =	vld [tilespmem:s0+$0xE4A8];
	_ =	sdelay $0x4  }
0x2df: {  	[tilespmem:s4+$0xE4A8] =	vst v0  }
0x2e0: {  	v0 =	vld [tilespmem:s0+$0xE4B8];
	_ =	sdelay $0x4  }
0x2e1: {  	[tilespmem:s4+$0xE4B8] =	vst v0  }
0x2e2: {  	v0 =	vld [tilespmem:s0+$0xE4C8];
	_ =	sdelay $0x4  }
0x2e3: {  	[tilespmem:s4+$0xE4C8] =	vst v0  }
0x2e4: {  	v0 =	vld [tilespmem:s0+$0xE4D8];
	_ =	sdelay $0x4  }
0x2e5: {  	[tilespmem:s4+$0xE4D8] =	vst v0  }
0x2e6: {  	v0 =	vld [tilespmem:s0+$0xE4E8];
	_ =	sdelay $0x4  }
0x2e7: {  	[tilespmem:s4+$0xE4E8] =	vst v0  }
0x2e8: {  	v0 =	vld [tilespmem:s0+$0xE4F8];
	_ =	sdelay $0x4  }
0x2e9: {  	[tilespmem:s4+$0xE4F8] =	vst v0  }
0x2ea: {  	v0 =	vld [tilespmem:s0+$0xE508];
	_ =	sdelay $0x4  }
0x2eb: {  	[tilespmem:s4+$0xE508] =	vst v0  }
0x2ec: {  	v0 =	vld [tilespmem:s0+$0xE518];
	_ =	sdelay $0x4  }
0x2ed: {  	[tilespmem:s4+$0xE518] =	vst v0  }
0x2ee: {  	v0 =	vld [tilespmem:s0+$0xE528];
	_ =	sdelay $0x4  }
0x2ef: {  	s2 =	sadd.s32 $0x1, s2;
	[tilespmem:s4+$0xE528] =	vst v0  }
.LBB2_54:
0x2f0: {  	s3 =	sadd.s32 $0x1, s3  }
0x2f1: {  	p1 =	sne.s32 s3, $0x20  }
.Ltmp38:
0x2f2: {  	_ = 	snop;
	(pc) =	sbr.rel @!p1 .LBB2_55-.Ltmp38, $1  }
0x2f3: {  	_ =	sdelay $0x3  }
.LBB2_47:
0x2f4: {  	v0 =	vld.msk [tilespmem:s3+$0xE418], $0x1;
	_ =	sdelay $0x4  }
0x2f5: {  	(v2sf) =	vpush v0, $0x0;
	_ =	sdelay $0xe  }
0x2f6: {  	s0 =	spop (v2sf)  }
0x2f7: {  	p1 =	seq.s32 s0, $0xFFFFFFFF  }
.Ltmp39:
0x2f8: {  	_ = 	snop;
	(pc) =	sbr.rel @p1 .LBB2_54-.Ltmp39, $1  }
0x2f9: {  	_ =	sdelay $0x3  }
0x2fa: {  	p1 =	slt.s32 s2, $0x1  }
.Ltmp40:
0x2fb: {  	_ = 	snop;
	(pc) =	sbr.rel @p1 .LBB2_53-.Ltmp40, $1  }
0x2fc: {  	_ =	sdelay $0x3  }
0x2fd: {  	s4 =	simm.s32 $0xE418;
	p1 =	por $0x0, $0x0  }
0x2fe: {  	v1 =	vld.msk @!p1 [tilespmem:s4+$0x0], $0x1;
	_ =	sdelay $0x4  }
0x2ff: {  	(v2sf) =	vpush @!p1 v1, $0x0;
	_ =	sdelay $0xd  }
0x300: {  	p3 =	sne.s32 s2, $0x1  }
.Ltmp41:
0x301: {  	s5 =	spop @!p1 (v2sf);
	(pc) =	sbr.rel @!p3 .LBB2_51-.Ltmp41, $4  }
0x302: {  	p2 =	seq.s32 @!p1 s0, s5  }
0x303: {  	s5 =	simm.s32 $0x0;
	p2 =	por !p2, p1  }
0x304: {  	s7 =	simm.s32 $0xFFFFFFFF;
	s5 =	simm.s32 @p2 $0xFFFFFFFF  }
0x305: {  	s6 =	simm.s32 $0x1;
	s5 =	smov.u32 @p1 s7  }
.LBB2_50:
0x306: {  	s7 =	smov.u32 s5;
	p1 =	sne.s32 s5, $0xFFFFFFFF  }
0x307: {  	s4 =	sadd.s32 $0x1, s4;
	s5 =	smov.u32 s6;
	s6 =	sadd.s32 $0x1, s6  }
0x308: {  	p2 =	sne.s32 s2, s6;
	v1 =	vld.msk @!p1 [tilespmem:s4+$0x0], $0x1;
	_ =	sdelay $0x4  }
0x309: {  	(v2sf) =	vpush @!p1 v1, $0x0;
	_ =	sdelay $0xe  }
.Ltmp42:
0x30a: {  	s8 =	spop @!p1 (v2sf);
	(pc) =	sbr.rel @p2 .LBB2_50-.Ltmp42, $4  }
0x30b: {  	p3 =	seq.s32 @!p1 s0, s8  }
0x30c: {  	p3 =	por !p3, p1  }
0x30d: {  	s5 =	simm.s32 @p3 $0xFFFFFFFF  }
0x30e: {  	s5 =	smov.u32 @p1 s7  }
.LBB2_51:
0x30f: {  	p1 =	seq.s32 s5, $0xFFFFFFFF  }
.Ltmp43:
0x310: {  	_ = 	snop;
	(pc) =	sbr.rel @p1 .LBB2_53-.Ltmp43, $1  }
0x311: {  	_ =	sdelay $0x3  }
0x312: {  	s0 =	sshll.u32 s3, $0x8  }
0x313: {  	s0 =	sand.u32 $0x3FFFFF00, s0  }
0x314: {  	v0 =	vld [tilespmem:s0+$0xE438];
	_ =	sdelay $0x2  }
0x315: {  	s4 =	sshll.u32 s5, $0xA  }
0x316: {  	s4 =	sshra.s32 s4, $0x2  }
0x317: {  	[tilespmem:s4+$0xE438] =	vst.add.f32.msk $0xffff, v0  }
0x318: {  	v0 =	vld [tilespmem:s0+$0xE448];
	_ =	sdelay $0x4  }
0x319: {  	[tilespmem:s4+$0xE448] =	vst.add.f32.msk $0xffff, v0  }
0x31a: {  	v0 =	vld [tilespmem:s0+$0xE458];
	_ =	sdelay $0x4  }
0x31b: {  	[tilespmem:s4+$0xE458] =	vst.add.f32.msk $0xffff, v0  }
0x31c: {  	v0 =	vld [tilespmem:s0+$0xE468];
	_ =	sdelay $0x4  }
0x31d: {  	[tilespmem:s4+$0xE468] =	vst.add.f32.msk $0xffff, v0  }
0x31e: {  	v0 =	vld [tilespmem:s0+$0xE478];
	_ =	sdelay $0x4  }
0x31f: {  	[tilespmem:s4+$0xE478] =	vst.add.f32.msk $0xffff, v0  }
0x320: {  	v0 =	vld [tilespmem:s0+$0xE488];
	_ =	sdelay $0x4  }
0x321: {  	[tilespmem:s4+$0xE488] =	vst.add.f32.msk $0xffff, v0  }
0x322: {  	v0 =	vld [tilespmem:s0+$0xE498];
	_ =	sdelay $0x4  }
0x323: {  	[tilespmem:s4+$0xE498] =	vst.add.f32.msk $0xffff, v0  }
0x324: {  	v0 =	vld [tilespmem:s0+$0xE4A8];
	_ =	sdelay $0x4  }
0x325: {  	[tilespmem:s4+$0xE4A8] =	vst.add.f32.msk $0xffff, v0  }
0x326: {  	v0 =	vld [tilespmem:s0+$0xE4B8];
	_ =	sdelay $0x4  }
0x327: {  	[tilespmem:s4+$0xE4B8] =	vst.add.f32.msk $0xffff, v0  }
0x328: {  	v0 =	vld [tilespmem:s0+$0xE4C8];
	_ =	sdelay $0x4  }
0x329: {  	[tilespmem:s4+$0xE4C8] =	vst.add.f32.msk $0xffff, v0  }
0x32a: {  	v0 =	vld [tilespmem:s0+$0xE4D8];
	_ =	sdelay $0x4  }
0x32b: {  	[tilespmem:s4+$0xE4D8] =	vst.add.f32.msk $0xffff, v0  }
0x32c: {  	v0 =	vld [tilespmem:s0+$0xE4E8];
	_ =	sdelay $0x4  }
0x32d: {  	[tilespmem:s4+$0xE4E8] =	vst.add.f32.msk $0xffff, v0  }
0x32e: {  	v0 =	vld [tilespmem:s0+$0xE4F8];
	_ =	sdelay $0x4  }
0x32f: {  	[tilespmem:s4+$0xE4F8] =	vst.add.f32.msk $0xffff, v0  }
0x330: {  	v0 =	vld [tilespmem:s0+$0xE508];
	_ =	sdelay $0x4  }
0x331: {  	[tilespmem:s4+$0xE508] =	vst.add.f32.msk $0xffff, v0  }
0x332: {  	v0 =	vld [tilespmem:s0+$0xE518];
	_ =	sdelay $0x4  }
0x333: {  	[tilespmem:s4+$0xE518] =	vst.add.f32.msk $0xffff, v0  }
0x334: {  	v0 =	vld [tilespmem:s0+$0xE528]  }
.Ltmp44:
0x335: {  	_ = 	snop;
	(pc) =	sbr.rel .LBB2_54-.Ltmp44, $2  }
0x336: {  	_ =	sdelay $0x2  }
0x337: {  	[tilespmem:s4+$0xE528] =	vst.add.f32.msk $0xffff, v0  }
.LBB2_55:
0x338: {  	p1 =	slt.s32 s2, $0x1  }
.Ltmp45:
0x339: {  	_ = 	snop;
	(pc) =	sbr.rel @p1 .LBB2_59-.Ltmp45, $3  }
0x33a: {  	_ =	sdelay $0x1  }
0x33b: {  	s0 =	simm.s32 $0x8  }
0x33c: {  	s4 =	simm.s32 $0x0;
	[sflag:s0] =	ssyncpa.u1 $0x1  }
0x33d: {  	s0 =	simm.s32 $0xE418  }
0x33e: {  	v0 =	vld.msk [tilespmem:s0+$0x0], $0x1;
	_ =	sdelay $0x4  }
0x33f: {  	(v2sf) =	vpush v0, $0x0;
	_ =	sdelay $0xe  }
0x340: {  	s0 =	sadd.s32 $0xFFFFFFFF, s2;
	s3 =	spop (v2sf)  }
0x341: {  	s6 =	simm.s32 $0xE438;
	p1 =	sne.s32 s0, $0x0;
	p2 =	sgt.u32 s3, $0x4E170  }
.Ltmp46:
0x342: {  	s2 =	simm.s32 $0xE538;
	s5 =	sand.u32 @!p2 $0x7FFF8, s3;
	(pc) =	sbr.rel @!p1 .LBB2_58-.Ltmp46, $4  }
0x343: {  	s7 =	sadd.s32 @!p2 $0x80, s3;
	s4 =	simm.s32 @!p2 $0x400;
	s8 =	sadd.s32 @!p2 s1, s5  }
0x344: {  	s5 =	sand.u32 @!p2 $0x7, s3;
	s3 =	simm.s32 $0xE419;
	s7 =	sand.u32 @!p2 $0xFFFF8, s7  }
0x345: {  	[hbm4b:s8+s5] =	stream.linear.scatter @!p2 [tilespmem:s6], [sflag:$0x7], $0x80, $0x38;
	[tilespmem:$0x1E678] =	vst v63  }
0x346: {  	s4 =	sadd.s32 $0x0, s4;
	s6 =	simm.s32 @!p2 $0xE4B8;
	s7 =	sadd.s32 @!p2 s1, s7  }
.LBB2_57:
0x347: {  	[hbm4b:s7+s5] =	stream.linear.scatter @!p2 [tilespmem:s6], [sflag:$0x7], $0x80, $0x38;
	[tilespmem:$0x1E678] =	vst v63  }
0x348: {  	s0 =	sadd.s32 $0xFFFFFFFF, s0;
	s6 =	smov.u32 s2;
	v0 =	vld.msk [tilespmem:s3+$0x0], $0x1  }
0x349: {  	p1 =	sne.s32 s0, $0x0;
	_ =	sdelay $0x3  }
0x34a: {  	(v2sf) =	vpush v0, $0x0;
	_ =	sdelay $0xe  }
0x34b: {  	s2 =	sadd.s32 $0x100, s2;
	s8 =	simm.s32 $0x0;
	s5 =	spop (v2sf)  }
.Ltmp47:
0x34c: {  	s3 =	sadd.s32 $0x1, s3;
	p2 =	sgt.u32 s5, $0x4E170;
	(pc) =	sbr.rel @p1 .LBB2_57-.Ltmp47, $4  }
0x34d: {  	s8 =	simm.s32 @!p2 $0x400;
	s7 =	sand.u32 @!p2 $0x7FFF8, s5;
	s9 =	sadd.s32 @!p2 $0x80, s5  }
0x34e: {  	s5 =	sand.u32 @!p2 $0x7, s5;
	s7 =	sadd.s32 @!p2 s1, s7;
	s9 =	sand.u32 @!p2 $0xFFFF8, s9  }
0x34f: {  	[hbm4b:s7+s5] =	stream.linear.scatter @!p2 [tilespmem:s6], [sflag:$0x7], $0x80, $0x38;
	[tilespmem:$0x1E678] =	vst v63  }
0x350: {  	s4 =	sadd.s32 s4, s8;
	s6 =	sadd.s32 @!p2 $0x80, s6;
	s7 =	sadd.s32 @!p2 s1, s9  }
.LBB2_58:
0x351: {  	[hbm4b:s7+s5] =	stream.linear.scatter @!p2 [tilespmem:s6], [sflag:$0x7], $0x80, $0x38;
	[tilespmem:$0x1E678] =	vst v63  }
0x352: {  	s4 =	sshrl.u32 s4, $0x2  }
.LBB2_59:
0x353: {  	s0 =	simm.s32 $0x7  }
0x354: {  	_ =	swait.ge [sflag:s0], s4  }
0x355: {  	s1 =	ssub.s32 $0x0, s4;
	[sflag:s0] =	ssyncset.done $0x0  }
0x356: {  	[sflag:s0] =	ssyncadd.s32 s1  }
0x357: {  	[sflag:s0] =	ssyncpa.u1 $0x1  }
.LBB2_60:
0x358: {  	_ =	sfence;
	s0 =	simm.s32 $0x1  }
0x359: {  	[sflag:s0] =	ssyncpa.u1 $0x1  }
0x35a: {  	_ =	strace $0x9000005C  }
0x35b: {  	[bflag:$0x2] =	sbarrier.arrive $0xFFFF  }
0x35c: {  	s0 =	rddreg [dreg:$0x4]  }
0x35d: {  	s0 =	sadd.s32 @!p0 $0x100000, s0  }
0x35e: {  	[sflag:s0] =	ssyncadd.tile.s32 @!p0 $0x1;
	_ =	shalt  }
.Lfunc_end2:
_tile_overlayer_lowered:
.L_overlay_start_2:
0x35f: {  	(tag) =	ssettag $0x2  }
0x360: {  	s0 =	rddreg [dreg:$0x0];
	s2 =	stileid.u32  }
0x361: {  	s1 =	rddreg [dreg:$0x1];
	p0 =	sne.s32 s2, $0x0  }
0x362: {  	s3 =	rddreg [dreg:$0x2];
	[bflag:$0x3] =	sbarrier.arrive $0xFFFF;
	s2 =	simm.s32 @!p0 $0x1C01  }
0x363: {  	[timem:s3], [sflag:s2] =	dma.local @!p0 [hbm:s0], s1  }
0x364: {  	s0 =	simm.s32 @!p0 $0x1  }
0x365: {  	_ =	swait.ge @!p0 [sflag:s0], s1  }
0x366: {  	s1 =	ssub.s32 @!p0 $0x0, s1;
	[sflag:s0] =	ssyncset.done @!p0 $0x0  }
0x367: {  	[sflag:s0] =	ssyncadd.s32 @!p0 s1  }
0x368: {  	[bflag:$0x3] =	sbarrier.arrive $0xFFFF  }
0x369: {  	_ =	shalt  }

// kernel: scatter_offload_async_start.3
scs
__scs_entry_jumppad:
0x0: {  	(pc) =	sbr.rel $0x88, $3  }
0x1: {  	(tag) =	ssettag $0x0;
	lr =	simm.s32 $0x1  }
0x2: {  	[smem:$0x3F98] =	sst lr;
	_ =	strace $0xD0000000  }
0x3: {  	_ = 	snop  }
0x4: {  	_ = 	snop  }
0x5: {  	_ = 	snop  }
0x6: {  	_ = 	snop  }
0x7: {  	_ = 	snop  }
__scs_overlays_trampoline_lowered:
0x8: {  	[smem:$0x3FA7] =	sst s0  }
0x9: {  	[smem:$0x3FA8] =	sst s1  }
0xa: {  	[smem:$0x3FA9] =	sst s2  }
0xb: {  	[smem:$0x3FAA] =	sst s3  }
0xc: {  	[smem:$0x3FAB] =	sst s4  }
0xd: {  	[smem:$0x3FAC] =	sst s5  }
0xe: {  	[smem:$0x3FAD] =	sst s6  }
0xf: {  	[smem:$0x3FAE] =	sst s7  }
0x10: {  	[smem:$0x3FAF] =	sst s8  }
0x11: {  	[smem:$0x3FB0] =	sst s9;
	s0 =	simm.s32 @!p0 $0x0  }
0x12: {  	s1 =	sld [smem:$0x3F96];
	s0 =	simm.s32 @p0 $0x1  }
0x13: {  	[smem:$0x3FB1] =	sst s0;
	s0 =	simm.s32 @!p1 $0x0  }
0x14: {  	s2 =	sld [smem:$0x3F95];
	s0 =	simm.s32 @p1 $0x1  }
0x15: {  	[smem:$0x3FB2] =	sst s0;
	s0 =	simm.s32 @!p2 $0x0  }
0x16: {  	s3 =	sld [smem:$0x3FDB];
	s0 =	simm.s32 @p2 $0x1  }
0x17: {  	s4 =	simm.s32 $0x1BF5;
	[smem:$0x3FB4] =	sst s0  }
0x18: {  	s0 =	sld [smem:$0x3F97];
	_ =	swait.ge [sflag:s4], $0x0  }
0x19: {  	s7 =	sld [smem:$0x3F98]  }
0x1a: {  	s8 =	sadd.s32 $0xFFFFE003, lr  }
0x1b: {  	s9 =	sadd.s32 $0xFFFFFEF7, lr;
	s5 =	simm.s32 $0xFFFFFFFF;
	p2 =	slt.u32 s8, $0xFFFFF086  }
0x1c: {  	p1 =	slt.u32 s9, $0xF7A;
	s5 =	simm.s32 @!p2 $0x0  }
0x1d: {  	s5 =	simm.s32 @p1 $0x1;
	p0 =	seq.s32 s7, s2  }
0x1e: {  	s7 =	smul.u32 @!p0 $0xF7A, s2;
	p2 =	seq.s32 @!p0 s5, $0x0  }
0x1f: {  	s9 =	smul.u32 $0xF7A, s1;
	s8 =	simm.s32 @!p0 $0x1BF5;
	p2 =	por !p2, p0  }
0x20: {  	[sflag:s8] =	ssyncset.s32 @!p0 $0xFFFFF086;
	s6 =	sadd.s32 @!p0 s3, s7;
	s7 =	simm.s32 @!p0 $0x108  }
0x21: {  	s3 =	sadd.s32 s3, s9;
	s6 =	sadd.s32 @!p0 $0x88, s6;
	s7 =	simm.s32 @p2 $0x1082  }
0x22: {  	[simem:s7], [sflag:s8] =	dma.local @!p0 [hbm:s6], $0xF7A  }
0x23: {  	s9 =	sor.u32 $0xD0000000, s2;
	s6 =	simm.s32 $0x108;
	_ =	swait.ge @!p0 [sflag:s8], $0x0  }
0x24: {  	s3 =	sadd.s32 $0x88, s3;
	s6 =	simm.s32 @!p1 $0x1082;
	[sflag:s4] =	ssyncset.s32 $0xFFFFF086  }
0x25: {  	[simem:s6], [sflag:s4] =	dma.local [hbm:s3], $0xF7A  }
0x26: {  	[smem:$0x3F98] =	sst s1;
	(tag) =	ssettag s2;
	_ =	strace s9  }
0x27: {  	s1 =	sld [smem:$0x3FA8]  }
0x28: {  	s2 =	sld [smem:$0x3FA9]  }
0x29: {  	s4 =	sld [smem:$0x3FAB]  }
0x2a: {  	p0 =	seq.s32 s5, $0x0;
	s5 =	sld [smem:$0x3FAC]  }
0x2b: {  	s6 =	sld [smem:$0x3FAD]  }
0x2c: {  	s7 =	sld [smem:$0x3FAE]  }
0x2d: {  	s3 =	simm.s32 $0x108;
	s8 =	sld [smem:$0x3FAF]  }
0x2e: {  	s3 =	simm.s32 @!p0 $0x1082;
	s9 =	sld [smem:$0x3FB0]  }
0x2f: {  	lr =	sadd.s32 s0, s3;
	s0 =	sld [smem:$0x3FA7]  }
0x30: {  	s3 =	sld [smem:$0x3FAA]  }
0x31: {  	[smem:$0x3FB3] =	sst s10  }
0x32: {  	s10 =	sld [smem:$0x3FB1];
	_ =	sdelay $0x3  }
0x33: {  	p0 =	seq.s32 s10, $0x1;
	s10 =	sld [smem:$0x3FB3];
	_ =	sdelay $0x3  }
0x34: {  	[smem:$0x3FB3] =	sst s10  }
0x35: {  	s10 =	sld [smem:$0x3FB2];
	_ =	sdelay $0x3  }
0x36: {  	p1 =	seq.s32 s10, $0x1;
	s10 =	sld [smem:$0x3FB3];
	_ =	sdelay $0x3  }
0x37: {  	[smem:$0x3FB3] =	sst s10  }
0x38: {  	s10 =	sld [smem:$0x3FB4]  }
0x39: {  	_ = 	snop;
	(pc) =	sbr.ind lr, $3  }
0x3a: {  	_ = 	snop  }
0x3b: {  	_ = 	snop  }
0x3c: {  	p2 =	seq.s32 s10, $0x1;
	s10 =	sld [smem:$0x3FB3]  }
0x3d: {  	_ =	shalt  }
0x3e: {  	_ =	shalt  }
0x3f: {  	_ =	shalt  }
0x40: {  	_ =	shalt  }
0x41: {  	_ =	shalt  }
0x42: {  	_ =	shalt  }
0x43: {  	_ =	shalt  }
0x44: {  	_ =	shalt  }
0x45: {  	_ =	shalt  }
0x46: {  	_ =	shalt  }
0x47: {  	_ =	shalt  }
0x48: {  	_ =	shalt  }
0x49: {  	_ =	shalt  }
0x4a: {  	_ =	shalt  }
0x4b: {  	_ =	shalt  }
0x4c: {  	_ =	shalt  }
0x4d: {  	_ =	shalt  }
0x4e: {  	_ =	shalt  }
0x4f: {  	_ =	shalt  }
0x50: {  	_ =	shalt  }
0x51: {  	_ =	shalt  }
0x52: {  	_ =	shalt  }
0x53: {  	_ =	shalt  }
0x54: {  	_ =	shalt  }
0x55: {  	_ =	shalt  }
0x56: {  	_ =	shalt  }
0x57: {  	_ =	shalt  }
0x58: {  	_ =	shalt  }
0x59: {  	_ =	shalt  }
0x5a: {  	_ =	shalt  }
0x5b: {  	_ =	shalt  }
0x5c: {  	_ =	shalt  }
0x5d: {  	_ =	shalt  }
0x5e: {  	_ =	shalt  }
0x5f: {  	_ =	shalt  }
0x60: {  	_ =	shalt  }
0x61: {  	_ =	shalt  }
0x62: {  	_ =	shalt  }
0x63: {  	_ =	shalt  }
0x64: {  	_ =	shalt  }
0x65: {  	_ =	shalt  }
0x66: {  	_ =	shalt  }
0x67: {  	_ =	shalt  }
0x68: {  	_ =	shalt  }
0x69: {  	_ =	shalt  }
0x6a: {  	_ =	shalt  }
0x6b: {  	_ =	shalt  }
0x6c: {  	_ =	shalt  }
0x6d: {  	_ =	shalt  }
0x6e: {  	_ =	shalt  }
0x6f: {  	_ =	shalt  }
0x70: {  	_ =	shalt  }
0x71: {  	_ =	shalt  }
0x72: {  	_ =	shalt  }
0x73: {  	_ =	shalt  }
0x74: {  	_ =	shalt  }
0x75: {  	_ =	shalt  }
0x76: {  	_ =	shalt  }
0x77: {  	_ =	shalt  }
0x78: {  	_ =	shalt  }
0x79: {  	_ =	shalt  }
0x7a: {  	_ =	shalt  }
0x7b: {  	_ =	shalt  }
0x7c: {  	_ =	shalt  }
0x7d: {  	_ =	shalt  }
0x7e: {  	_ =	shalt  }
0x7f: {  	_ =	shalt  }
0x80: {  	_ =	shalt  }
0x81: {  	_ =	shalt  }
0x82: {  	_ =	shalt  }
0x83: {  	_ =	shalt  }
0x84: {  	_ =	shalt  }
0x85: {  	_ =	shalt  }
0x86: {  	_ =	shalt  }
0x87: {  	_ =	shalt  }
.Lfunc_end0:
.L_simem_size_0:
called_computation.3_lowered:
.L_overlay_start_0:
0x88: {  	s0 =	sld [smem:$0x3FD9]  }
0x89: {  	s1 =	sld [smem:$0x3FFE];
	_ =	sdelay $0x3  }
0x8a: {  	s0 =	sadd.s32 s1, s0  }
0x8b: {  	[smem:$0x3FBF] =	sst s0  }
0x8c: {  	_ = 	snop  }
0x8d: {  	(tm) =	ssettm $0x1  }
0x8e: {  	s15 =	sld [smem:$0x3FFB];
	_ =	sdelay $0x3  }
0x8f: {  	_ =	strace s15  }
0x90: {  	s0 =	sld [smem:$0x3FFC];
	_ =	sdelay $0x3  }
0x91: {  	_ =	strace s0  }
0x92: {  	s0 =	sld [smem:$0x3FFD];
	_ =	sdelay $0x3  }
0x93: {  	_ =	strace s0  }
0x94: {  	_ =	strace $0x8FFFFFFF  }
0x95: {  	s16 =	sld [smem:$0x3FDB];
	_ =	sdelay $0x1  }
0x96: {  	s17 =	simm.s32 $_scs_section_size  }
0x97: {  	s2 =	simm.s32 $_size__tile_overlayer_lowered;
	s3 =	simm.s32 $_tile_overlayer_lowered  }
0x98: {  	s20 =	simm.s32 $0x1BFF;
	s19 =	sshll.u32 s3, $0x1;
	s0 =	sadd.s32 s17, s16  }
0x99: {  	s4 =	simm.s32 $0x0;
	s18 =	sshll.u32 s2, $0x1;
	s2 =	sadd.s32 s19, s0  }
0x9a: {  	[timem:s4], [sflag:s20] =	dma.local [hbm:s2], s18  }
0x9b: {  	_ =	swait.ge [sflag:s20], s18  }
0x9c: {  	s1 =	ssub.s32 $0x0, s18;
	[sflag:s20] =	ssyncset.done $0x0  }
0x9d: {  	[sflag:s20] =	ssyncadd.s32 s1;
	_ =	sdelay $0x1  }
0x9e: {  	s21 =	simm.s32 $0x1B8B  }
0x9f: {  	_ =	swait.ge [sflag:s21], $0x1  }
0xa0: {  	[sflag:s21] =	ssyncset.done $0x0  }
0xa1: {  	s23 =	simm.s32 $0x1B8E;
	s22 =	sld [smem:$0x3FFE];
	[sflag:s21] =	ssyncadd.s32 $0xFFFFFFFF  }
0xa2: {  	s24 =	simm.s32 $execute0_lowered;
	[smem:$0x3FD2] =	sst s23  }
0xa3: {  	s2 =	sshll.u32 s24, $0x1;
	_ =	strace $0x80000058;
	[dreg:$0x1] =	wrdreg $0xFFFFFFFF  }
0xa4: {  	s25 =	simm.s32 $_size_execute0_lowered;
	s0 =	sadd.s32 s0, s2;
	[dreg:$0x0] =	wrdreg $0x0  }
0xa5: {  	s2 =	sshll.u32 s25, $0x1;
	[dreg:$0x2] =	wrdreg s0  }
0xa6: {  	[dreg:$0x3] =	wrdreg s2  }
0xa7: {  	[dreg:$0x4] =	wrdreg $0xC0  }
0xa8: {  	_ =	task [dreg:s4], $0x5FFFF  }
0xa9: {  	[dreg:$0x1] =	wrdreg $0xFFFFFFFF  }
0xaa: {  	[dreg:$0x0] =	wrdreg $0x60  }
0xab: {  	[dreg:$0x2] =	wrdreg s22  }
0xac: {  	[dreg:$0x3] =	wrdreg $0x9  }
0xad: {  	_ =	task.clear_ibuf [dreg:s4], $0x4FFFF;
	_ =	strace $0x90000058  }
0xae: {  	s26 =	simm.s32 $0x9;
	_ =	strace $0x8000005A  }
0xaf: {  	_ =	swait.ge [sflag:s26], $0x1  }
0xb0: {  	[sflag:s26] =	ssyncadd.s32 $0xFFFFFFFF  }
0xb1: {  	_ =	strace $0x9000005A  }
0xb2: {  	_ =	sfence  }
0xb3: {  	s28 =	sld [smem:$0x0];
	_ =	sdelay $0x1  }
0xb4: {  	s29 =	srdreg.scid  }
0xb5: {  	s30 =	sshll.u32 s29, $0xD;
	s31 =	sshrl.u32 s29, $0x2  }
0xb6: {  	s1 =	sand.u32 $0x1, s29;
	s2 =	sand.u32 $0x4000, s30;
	s0 =	sadd.s32 s31, s28  }
0xb7: {  	s1 =	sor.u32 s2, s1;
	s0 =	sshll.u32 s0, $0x11  }
0xb8: {  	s0 =	sor.u32 s0, s1  }
0xb9: {  	s0 =	sadd.s32 $0x8F2B, s0  }
0xba: {  	[sflag:s0] =	ssyncadd.remote.s32 $0x1  }
0xbb: {  	_ =	sfence.sel $0xFFFF  }
0xbc: {  	[dreg:$0x0] =	wrdreg $0xFFFFFFFF;
	(pc) =	sbr.abs _section_cstart, $3  }
0xbd: {  	[dreg:$0x1] =	wrdreg $0xFFFFFFFF  }
0xbe: {  	_ =	task.clear_ibuf [dreg:s4], $0x2FFFF;
	_ =	strace $0x9FFFFFFF  }
0xbf: {  	(tm) =	ssettm $0x7FFFFFFF  }
tec
execute0_lowered:
.L_overlay_start_1:
0x0: {  	(tag) =	ssettag $0x1  }
0x1: {  	s0 =	rddreg [dreg:$0x0]  }
0x2: {  	s14 =	stileid.u32;
	_ =	strace $0x80000059;
	s2 =	simm.s32 $0x1  }
0x3: {  	v1 =	vimm.s32 $0xFFFFFFFF;
	s1 =	smin.u32 s14, $0x4;
	[sflag:s2] =	ssyncpa.u1 $0x0  }
0x4: {  	s1 =	sadd.s32 s14, s1;
	[tilespmem:$0x10] =	vst v1  }
0x5: {  	v0 =	vimm.f32 $0.0e+00;
	p0 =	slt.u32 s14, $0x4;
	[tilespmem:$0x20] =	vst v1;
	s3 =	smul.u32 $0x1F40, s1;
	s1 =	simm.s32 $0x3E80  }
0x6: {  	[tilespmem:$0x30] =	vst v0;
	s1 =	simm.s32 @!p0 $0x1F40  }
0x7: {  	[tilespmem:$0x40] =	vst v0;
	s1 =	sadd.s32 s1, s3  }
0x8: {  	[tilespmem:$0x50] =	vst v0;
	s4 =	smin.u32 s1, $0x27100  }
0x9: {  	[tilespmem:$0x60] =	vst v1;
	s9 =	ssub.s32 s4, s3  }
0xa: {  	s7 =	simm.s32 $0x2;
	s8 =	simm.s32 $0x8;
	[tilespmem:$0x70] =	vst v1;
	p0 =	sgt.s32 s9, $0x0  }
0xb: {  	s31 =	simm.s32 $0x9;
	s16 =	simm.s32 $0x0;
	[tilespmem:$0x80] =	vst v1;
	s9 =	simm.s32 @!p0 $0x0  }
0xc: {  	s17 =	simm.s32 $0xF0;
	s18 =	simm.s32 $0xFFFFFFFF;
	v1 =	vimm.s32 $0x0;
	[tilespmem:$0xB0] =	vst v0;
	s5 =	smulhi.u32 $0x10624DD3, s9  }
0xd: {  	s19 =	simm.s32 $0xFFFFC280;
	s20 =	simm.s32 $0xFFFFFFFE;
	s21 =	simm.s32 $0xF;
	[tilespmem:$0x90] =	vst v1  }
0xe: {  	[tilespmem:$0xA0] =	vst v1;
	[sflag:s7] =	ssyncpa.u1 $0x0;
	s7 =	simm.s32 $0x7;
	s10 =	sshrl.u32 s5, $0x9  }
0xf: {  	s25 =	simm.s32 $0x0;
	[sflag:s7] =	ssyncpa.u1 $0x0;
	s11 =	smul.u32 $0x1F40, s10  }
0x10: {  	s24 =	simm.s32 $0x0;
	s6 =	sadd.s32 $0xA000, s0;
	[sflag:s8] =	ssyncpa.u1 $0x0  }
.Ltmp0:
0x11: {  	s23 =	smov.u32 s3;
	p0 =	sne.s32 s9, s11;
	(pc) =	sbr.rel .LBB2_1-.Ltmp0, $4  }
0x12: {  	s1 =	sadd.s32 $0x9D8000, s0;
	[sflag:s31] =	ssyncpa.u1 $0x0;
	s2 =	simm.s32 @!p0 $0x0  }
0x13: {  	s5 =	sadd.s32 $0x5000, s0;
	p0 =	por $0x0, $0x0;
	s9 =	sadd.s32 s2, s10  }
0x14: {  	vm0 =	vmmov $0xffff;
	v2 =	vlaneseq.u32;
	s10 =	sshll.u32 s14, $0x1;
	s14 =	sshllo.u32 s14, $0x1;
	s11 =	sadd.s32 $0x1, s9  }
0x15: {  	vm1 =	vmxor vm1, vm1;
	vm2 =	vmmov $0x1;
	vm3 =	vcmask $0x3F3C;
	s12 =	sadd.s32 $0x2, s9;
	s13 =	sor.u32 $0x81, s10;
	s15 =	sor.u32 $0x80, s10  }
.LBB2_9:
0x16: {  	p1 =	slt.u32 s24, $0x3  }
0x17: {  	s0 =	simm.s32 @!p1 $0x2  }
0x18: {  	_ =	swait.ge @!p1 [sflag:s0], $0x1F40  }
0x19: {  	[sflag:s0] =	ssyncset.done @!p1 $0x0  }
0x1a: {  	[sflag:s0] =	ssyncadd.s32 @!p1 $0xFFFFE0C0;
	s0 =	simm.s32 @!p1 $0x9  }
0x1b: {  	_ =	swait.ge @!p1 [sflag:s0], $0x10  }
0x1c: {  	[sflag:s0] =	ssyncset.done @!p1 $0x0  }
0x1d: {  	[sflag:s0] =	ssyncadd.s32 @!p1 $0xFFFFFFF0;
	p1 =	sne.s32 s24, s12  }
.Ltmp1:
0x1e: {  	s2 =	sadd.s32 $0x1F40, s23;
	(pc) =	sbr.rel @!p1 .LBB2_10-.Ltmp1, $4  }
0x1f: {  	s22 =	smov.u32 s3;
	s31 =	sadd.s32 $0x1, s24;
	s17 =	sadd.s32 $0x1F40, s17  }
0x20: {  	s18 =	sadd.s32 $0x1, s18;
	s25 =	smov.u32 s23;
	p2 =	slt.s32 s2, s4  }
0x21: {  	p0 =	por !p0, !p0;
	s19 =	sadd.s32 $0x1F40, s19;
	s22 =	smov.u32 @p2 s2  }
0x22: {  	s20 =	sadd.s32 $0x1, s20;
	s23 =	smov.u32 s22;
	s24 =	smov.u32 s31  }
.LBB2_1:
0x23: {  	p1 =	sge.u32 s24, s9  }
0x24: {  	s0 =	smulhi.u32 @!p1 $0xAAAAAAAB, s24;
	_ =	sdelay $0x1  }
0x25: {  	s0 =	sshrl.u32 @!p1 s0, $0x1  }
0x26: {  	s0 =	smul.u32 @!p1 $0x3, s0;
	_ =	sdelay $0x1  }
0x27: {  	s0 =	ssub.s32 @!p1 s24, s0  }
0x28: {  	s0 =	smul.u32 @!p1 $0x7D00, s0;
	_ =	sdelay $0x1  }
0x29: {  	s2 =	sshrl.u32 @!p1 s23, $0x3;
	s0 =	sshrl.u32 @!p1 s0, $0x2  }
0x2a: {  	s22 =	sand.u32 @!p1 $0x7, s23;
	s2 =	sadd.s32 @!p1 s5, s2;
	s0 =	sadd.s32 @!p1 $0x100, s0  }
0x2b: {  	[tilespmem:s0], [sflag:$0x7] =	stream.linear.gather @!p1 [hbm4b:s2+s22], $0x1F40, $0x38;
	[tilespmem:$0x11A60] =	vst v63  }
0x2c: {  	s0 =	sadd.s32 $0xFFFFFFFF, s24  }
0x2d: {  	p1 =	sge.u32 s0, s9  }
.Ltmp2:
0x2e: {  	_ = 	snop;
	(pc) =	sbr.rel @p1 .LBB2_5-.Ltmp2, $1  }
0x2f: {  	_ =	sdelay $0x3  }
0x30: {  	s2 =	smulhi.u32 $0xAAAAAAAB, s0;
	_ =	sdelay $0x1  }
0x31: {  	s2 =	sshrl.u32 s2, $0x1  }
0x32: {  	s2 =	smul.u32 $0x3, s2;
	_ =	sdelay $0x1  }
0x33: {  	s2 =	ssub.s32 s0, s2  }
0x34: {  	s2 =	smul.u32 $0x7D00, s2  }
0x35: {  	_ =	swait.ge [sflag:s7], $0x1F40  }
0x36: {  	[sflag:s7] =	ssyncset.done $0x0;
	s2 =	sshrl.u32 s2, $0x2  }
0x37: {  	[sflag:s7] =	ssyncadd.s32 $0xFFFFE0C0;
	(ifvalue) =	ssetifvalue $0xFFFFFFFF;
	v3 =	vld.msk [tilespmem:s2+$0x100 ss:$0x1], $0xffff;
	_ =	sdelay $0x2  }
0x38: {  	s30 =	smulhi.u32 $0xAAAAAAAB, s18;
	p1 =	sne.s32 s24, $0x1  }
0x39: {  	v4 =	vimm.s32 @!p1 $0x0  }
0x3a: {  	s2 =	sshrl.u32 s30, $0x1;
	v4 =	vperm.xlane @!p1 v3, v4  }
0x3b: {  	s22 =	sshll.u32 s24, $0x4;
	s2 =	smul.u32 $0xFFFE8900, s2;
	vm4 =	vlt.u32 v3, $0x2800  }
0x3c: {  	s22 =	sand.u32 $0x10, s22;
	v3 =	vnsel vm4, $0xFFFFFFFE, v3;
	vm4 =	vlt.u32 @!p1 v4, $0x2800  }
0x3d: {  	s2 =	sshra.s32 s2, $0x2;
	[tilespmem:s22+$0x60] =	vst v3;
	v3 =	vnsel @!p1 vm4, $0xFFFFFFFE, v4  }
0x3e: {  	s28 =	sadd.s32 s2, s17;
	[tilespmem:$0x80] =	vst @!p1 v3  }
0x3f: {  	v3 =	vld.msk [tilespmem:s28+$0x0 ss:$0x1], $0xffff;
	_ =	sdelay $0x4  }
0x40: {  	(xrf1) =	vunique.msk.u32 $0xffff, v3;
	_ =	sdelay $0xd  }
0x41: {  	v4 =	vimm.s32 $0xFFFFFFFF;
	v5, _, _ =	vpop (xrf1)  }
0x42: {  	vm5 =	vne.s32 v3, v4;
	vm4 =	veq.s32 v5, v2  }
0x43: {  	vm6 =	vlt.u32 v3, $0x2800;
	vm4 =	vmand vm5, vm4  }
0x44: {  	vm4 =	vmand vm6, vm4  }
0x45: {  	v4 =	vnsel vm4, $0xFFFFFFFF, v3  }
0x46: {  	s31 =	sand.u32 $0x1, s0  }
0x47: {  	s0 =	simm.s32 $0x1F40;
	p1 =	seq.s32 s31, $0x1  }
0x48: {  	s0 =	simm.s32 @!p1 $0x0  }
0x49: {  	s26 =	sadd.s32 $0x7DF0, s0;
	(ifvalue) =	ssetifvalue $0xFFFFFFFF  }
0x4a: {  	v3 =	vperm.xlane v3, v1;
	[tilespmem:s26], [sflag:$0x8] =	stream.indirect_vreg.gather [hbm4b:s1+s16], $0x1, v4, vm0, $0x4038;
	v4 =	vnsel vm6, $0xFFFFFFFE, v4;
	[tilespmem:$0x11A60] =	vst v63  }
0x4b: {  	s2 =	simm.s32 $0x0;
	s22 =	sadd.s32 $0xFFFFFFF0, s28;
	[tilespmem:s28+$0x0] =	vst v4  }
.LBB2_3:
0x4c: {  	v4 =	vld.msk [tilespmem:s22+$0x0 ss:$0x1], $0xffff;
	s2 =	sadd.s32 $0x10, s2;
	v5 =	vmov v3;
	s28 =	smov.u32 s22  }
0x4d: {  	p1 =	slt.u32 s2, $0x1F30;
	_ =	sdelay $0x4  }
0x4e: {  	v3 =	vperm.xlane v4, v1;
	(xrf1) =	vunique.msk.u32 $0xffff, v4;
	_ =	sdelay $0xd  }
0x4f: {  	v6, _, _ =	vpop (xrf1)  }
0x50: {  	vm5 =	vne.s32 v4, v5;
	vm4 =	veq.s32 v6, v2  }
0x51: {  	vm6 =	vlt.u32 v4, $0x2800;
	vm4 =	vmand vm5, vm4  }
0x52: {  	vm4 =	vmand vm6, vm4  }
0x53: {  	v4 =	vnsel vm4, $0xFFFFFFFF, v4  }
.Ltmp3:
0x54: {  	v5 =	vnsel vm6, $0xFFFFFFFE, v4;
	(pc) =	sbr.rel @p1 .LBB2_3-.Ltmp3, $3  }
0x55: {  	_ =	sdelay $0x1  }
0x56: {  	s22 =	sadd.s32 $0xFFFFFFF0, s22;
	s26 =	sadd.s32 $0xFFFFFFF0, s26;
	(ifvalue) =	ssetifvalue $0xFFFFFFFF  }
0x57: {  	[tilespmem:s26], [sflag:$0x8] =	stream.indirect_vreg.gather [hbm4b:s1+s16], $0x1, v4, vm0, $0x4038;
	[tilespmem:s28+$0x0] =	vst v5  }
0x58: {  	s2 =	sshrl.u32 s25, $0x3  }
0x59: {  	s0 =	sadd.s32 $0x9D40, s0;
	s2 =	sadd.s32 s6, s2  }
0x5a: {  	[tilespmem:s0], [sflag:$0x8] =	stream.linear.gather [hbm:s2], $0x1F40, $0x38;
	[tilespmem:$0x11A60] =	vst v63  }
.LBB2_5:
0x5b: {  	p1 =	slt.u32 s24, $0x2  }
0x5c: {  	p2 =	sge.u32 @!p1 s24, s12  }
0x5d: {  	p1 =	por p1, p2  }
.Ltmp4:
0x5e: {  	_ = 	snop;
	(pc) =	sbr.rel @p1 .LBB2_9-.Ltmp4, $1  }
0x5f: {  	_ =	sdelay $0x3  }
0x60: {  	s0 =	sadd.s32 $0xFFFFFFFE, s24  }
0x61: {  	s2 =	smulhi.u32 $0xAAAAAAAB, s0;
	_ =	sdelay $0x1  }
0x62: {  	s2 =	sshrl.u32 s2, $0x1  }
0x63: {  	s2 =	smul.u32 $0x3, s2;
	_ =	sdelay $0x1  }
0x64: {  	s0 =	ssub.s32 s0, s2  }
0x65: {  	_ =	swait.ge [sflag:s8], $0x3E80;
	s0 =	smul.u32 $0x1F40, s0  }
0x66: {  	p1 =	sne.s32 s24, s11;
	[sflag:s8] =	ssyncset.done $0x0  }
0x67: {  	[sflag:s8] =	ssyncadd.s32 $0xFFFFC180;
	s2 =	sadd.s32 @!p1 $0x203F, s0  }
0x68: {  	[spmem:s13] =	stream.linear.scatter @!p1 [tilespmem:s2], [sflag:$0x1], $0x1, $0x38;
	[tilespmem:$0x11A60] =	vst v63  }
0x69: {  	s2 =	simm.s32 @!p1 $0x1  }
0x6a: {  	_ =	swait.ge @!p1 [sflag:s2], $0x1  }
0x6b: {  	s22 =	sshll.u32 s24, $0x4;
	[sflag:s2] =	ssyncset.done @!p1 $0x0  }
0x6c: {  	s25 =	sand.u32 $0x10, s22;
	[sflag:s2] =	ssyncadd.s32 @!p1 $0xFFFFFFFF  }
0x6d: {  	s2 =	sxor.u32 $0x10, s25;
	v4 =	vld [tilespmem:s25+$0x10]  }
0x6e: {  	v5 =	vld [tilespmem:s2+$0x60]  }
0x6f: {  	v3 =	vld [tilespmem:$0x80];
	_ =	sdelay $0x2  }
0x70: {  	(v2sf) =	vpush v4, $0x0  }
0x71: {  	(v2sf) =	vpush v5, $0x0  }
0x72: {  	(v2sf) =	vpush v3, $0x0;
	_ =	sdelay $0xc  }
0x73: {  	s22 =	spop (v2sf)  }
0x74: {  	s26 =	spop (v2sf)  }
0x75: {  	s28 =	spop (v2sf)  }
0x76: {  	p2 =	seq.s32 s22, s26;
	p3 =	seq.s32 s28, s22  }
0x77: {  	p3 =	por p2, p3  }
0x78: {  	s26 =	sand.u32 $0x1, s24;
	v4 =	vpsel p3, $0xFFFFFFFF, v4  }
0x79: {  	s29 =	smul.u32 $0x1F40, s26;
	[tilespmem:s25+$0x10] =	vst.msk $0x1, v4  }
0x7a: {  	v4 =	vld [tilespmem:$0x30]  }
0x7b: {  	v5 =	vld [tilespmem:s29+$0x9D40]  }
0x7c: {  	v6 =	vld [tilespmem:s25+$0x40];
	_ =	sdelay $0x3  }
0x7d: {  	vm4 =	vmmov vm1;
	v5 =	vadd.f32 v5, v4  }
0x7e: {  	vm5 =	vmmov vm2;
	vm4 =	vmmov @p2 vm2;
	s22 =	sshll.u32 s26, $0x4;
	v4 =	vadd.f32 v6, v4  }
0x7f: {  	s26 =	sor.u32 $0x11A40, s22;
	vm5 =	vmmov @p3 vm1;
	[tilespmem:s29+$0x9D40] =	vst.msk vm4, v5  }
0x80: {  	[tilespmem:s26+$0x0] =	vst.msk vm5, v4  }
0x81: {  	v4 =	vld [tilespmem:s29+$0x7DF0];
	_ =	sdelay $0x3  }
0x82: {  	v5 =	vimm.f32 $0.0e+00  }
0x83: {  	v4 =	vshift.insert v4, v5, s21  }
0x84: {  	s22 =	sor.u32 $0x40, s2  }
0x85: {  	[tilespmem:s22+$0x0] =	vst.msk $0x1, v4  }
0x86: {  	[tilespmem:s29+$0x7DFF] =	vst.msk $0x1, v5  }
0x87: {  	v4 =	vld [tilespmem:s0+$0x2030];
	_ =	sdelay $0x1  }
0x88: {  	s22 =	smulhi.u32 $0xAAAAAAAB, s20;
	s0 =	simm.s32 $0x1  }
0x89: {  	s0 =	simm.s32 @!p0 $0x0  }
0x8a: {  	s22 =	sshrl.u32 s22, $0x1;
	s0 =	smul.u32 $0x7D00, s0  }
0x8b: {  	s22 =	smul.u32 $0xFFFE8900, s22;
	v4 =	vshift.insert v4, v1, s21  }
0x8c: {  	s0 =	sshrl.u32 s0, $0x2  }
0x8d: {  	s22 =	sshra.s32 s22, $0x2;
	s30 =	sadd.s32 $0x9D40, s0;
	[tilespmem:s2+$0x10] =	vst.msk $0x1, v4  }
0x8e: {  	s22 =	sadd.s32 s22, s19;
	v6 =	vld [tilespmem:s30+$0x0]  }
0x8f: {  	v7 =	vld [tilespmem:s22+$0x0];
	_ =	sdelay $0x3  }
0x90: {  	v5 =	vadd.f32 v6, v5  }
0x91: {  	vm4 =	vne.s32 v7, $0xFFFFFFFF  }
0x92: {  	(xrf2) =	vadd.seg.scan.f32 vm4, v5;
	_ =	sdelay $0x3  }
0x93: {  	s31 =	sadd.s32 $0x5EC0, s0;
	v5 =	vperm.xlane v4, v1  }
0x94: {  	v6 =	vld [tilespmem:s31+$0x0]  }
0x95: {  	vm5 =	veq.s32 v7, v3;
	vm6 =	veq.s32 v7, v5  }
0x96: {  	vm7 =	vgt.u32 v7, $0xFFFFFFFD;
	vm6 =	vmor vm6, vm5  }
0x97: {  	vm6 =	vmor vm6, vm7  }
0x98: {  	v9 =	vld [tilespmem:$0xA0];
	v7 =	vsel vm6, $0xFFFFFFFF, v7  }
0x99: {  	v10 =	vld [tilespmem:$0x90];
	v6 =	vsel vm5, $0x0, v6;
	v8, _, _ =	vpop (xrf2)  }
0x9a: {  	v6 =	vadd.f32 v8, v6  }
0x9b: {  	s0 =	sadd.s32 $0xDBC0, s0  }
0x9c: {  	vm4 =	vmand vm4, vm3;
	[tilespmem:s0+$0x0] =	vst v6;
	(ifvalue) =	ssetifvalue $0xFFFFFFFF  }
0x9d: {  	vm6 =	veq.s32 v9, $0x1;
	[hbm4b:s1+s16] =	stream.indirect_vreg.scatter [tilespmem:s0], [sflag:$0x2], $0x1, v7, vm0, $0x4038;
	v7 =	vsel vm4, $0x0, v8;
	[tilespmem:$0x11A60] =	vst v63  }
0x9e: {  	s2 =	simm.s32 $0x0;
	s22 =	sadd.s32 $0x10, s22;
	vm4 =	vmor vm6, vm5;
	v6 =	vsel vm5, v8, v10;
	v7 =	vshift.insert v7, v0, s21  }
.LBB2_7:
0x9f: {  	v8 =	vld [tilespmem:s22+$0x0];
	s30 =	sadd.s32 $0x10, s30  }
0xa0: {  	s31 =	sadd.s32 $0x10, s31;
	v9 =	vld [tilespmem:s30+$0x0]  }
0xa1: {  	s2 =	sadd.s32 $0x10, s2;
	v10 =	vld [tilespmem:s31+$0x0]  }
0xa2: {  	p2 =	slt.u32 s2, $0x1F30;
	_ =	sdelay $0x2  }
0xa3: {  	v7 =	vadd.f32 v9, v7  }
0xa4: {  	vm5 =	vne.s32 v8, $0xFFFFFFFF  }
0xa5: {  	vm6 =	vmand vm5, vm3;
	(xrf2) =	vadd.seg.scan.f32 vm5, v7;
	_ =	sdelay $0x5  }
0xa6: {  	vm7 =	veq.s32 v8, v5;
	vm5 =	veq.s32 v8, v3  }
0xa7: {  	vm8 =	vgt.u32 v8, $0xFFFFFFFD;
	vm4 =	vmor vm4, vm5;
	vm7 =	vmor vm7, vm5  }
0xa8: {  	vm7 =	vmor vm7, vm8  }
0xa9: {  	v8 =	vsel vm7, $0xFFFFFFFF, v8  }
.Ltmp5:
0xaa: {  	v7 =	vsel vm5, $0x0, v10;
	v9, _, _ =	vpop (xrf2);
	(pc) =	sbr.rel @p2 .LBB2_7-.Ltmp5, $4  }
0xab: {  	v6 =	vsel vm5, v9, v6;
	v10 =	vadd.f32 v9, v7;
	v7 =	vsel vm6, $0x0, v9  }
0xac: {  	s0 =	sadd.s32 $0x10, s0;
	v7 =	vshift.insert v7, v0, s21  }
0xad: {  	s22 =	sadd.s32 $0x10, s22;
	[tilespmem:s0+$0x0] =	vst v10;
	(ifvalue) =	ssetifvalue $0xFFFFFFFF  }
0xae: {  	[hbm4b:s1+s16] =	stream.indirect_vreg.scatter [tilespmem:s0], [sflag:$0x2], $0x1, v8, vm0, $0x4038;
	[tilespmem:$0x11A60] =	vst v63  }
0xaf: {  	v3 =	vld [tilespmem:s29+$0xFAF0];
	_ =	sdelay $0x4  }
0xb0: {  	v3 =	vshift.insert v3, v0, s21  }
0xb1: {  	s0 =	simm.s32 $0x30  }
0xb2: {  	[tilespmem:s0+$0x0] =	vst.msk $0x1, v3  }
0xb3: {  	v3 =	vsel vm4, $0x1, v1;
	[tilespmem:$0x90] =	vst v6  }
0xb4: {  	s0 =	sadd.s32 @!p1 $0xFAFF, s29;
	[tilespmem:$0xA0] =	vst v3  }
0xb5: {  	[spmem:s14] =	stream.linear.scatter @!p1 [tilespmem:s0], [sflag:$0x1], $0x1, $0x38;
	[tilespmem:$0x11A60] =	vst v63  }
0xb6: {  	s0 =	simm.s32 @!p1 $0x1  }
0xb7: {  	v3 =	vmctz.xlane @!p1 vm4;
	_ =	swait.ge @!p1 [sflag:s0], $0x1  }
0xb8: {  	(v2sf) =	vpush @!p1 v4, $0x0  }
0xb9: {  	(v2sf) =	vpush @!p1 v3, $0x0;
	_ =	sdelay $0xd  }
0xba: {  	s2 =	spop @!p1 (v2sf)  }
0xbb: {  	s22 =	spop @!p1 (v2sf)  }
0xbc: {  	p2 =	sne.s32 @!p1 s28, s2;
	p3 =	slt.s32 @!p1 s22, $0xF  }
0xbd: {  	[sflag:s0] =	ssyncset.done @!p1 $0x0;
	p2 =	por p2, p1;
	p3 =	por !p3, p1  }
0xbe: {  	[sflag:s0] =	ssyncadd.s32 @!p1 $0xFFFFFFFF;
	v3 =	vimm.s32 @!p2 $0xFFFFFFFF;
	s22 =	simm.s32 @p3 $0xF  }
0xbf: {  	[tilespmem:$0x80] =	vst @!p2 v3;
	s2 =	sadd.s32 @!p1 $0x90, s22  }
0xc0: {  	[spmem:s10] =	stream.linear.scatter @!p1 [tilespmem:s2], [sflag:$0x1], $0x1, $0x38;
	[tilespmem:$0x11A60] =	vst v63  }
0xc1: {  	_ =	swait.ge @!p1 [sflag:s0], $0x1  }
0xc2: {  	[sflag:s0] =	ssyncset.done @!p1 $0x0  }
0xc3: {  	s2 =	simm.s32 @!p1 $0x80;
	[sflag:s0] =	ssyncadd.s32 @!p1 $0xFFFFFFFF  }
0xc4: {  	[spmem:s15] =	stream.linear.scatter @!p1 [tilespmem:s2], [sflag:$0x1], $0x1, $0x38;
	[tilespmem:$0x11A60] =	vst v63  }
0xc5: {  	_ =	swait.ge @!p1 [sflag:s0], $0x1  }
0xc6: {  	[sflag:s0] =	ssyncset.done @!p1 $0x0  }
0xc7: {  	[sflag:s0] =	ssyncadd.s32 @!p1 $0xFFFFFFFF;
	(ifvalue) =	ssetifvalue $0xFFFFFFFF;
	v3 =	vld [tilespmem:s25+$0x10];
	_ =	sdelay $0x3  }
.Ltmp6:
0xc8: {  	_ = 	snop;
	(pc) =	sbr.rel .LBB2_9-.Ltmp6, $3  }
0xc9: {  	_ =	sdelay $0x1  }
0xca: {  	(ifvalue) =	ssetifvalue $0xFFFFFFFF  }
0xcb: {  	[hbm4b:s1+s16] =	stream.indirect_vreg.scatter [tilespmem:s26], [sflag:$0x9], $0x1, v3, vm0, $0x4038;
	[tilespmem:$0x11A60] =	vst v63  }
.LBB2_10:
0xcc: {  	_ =	sfence.sel $0x180000  }
0xcd: {  	s0 =	simm.s32 $0x7;
	[bflag:$0x0] =	sbarrier.arrive $0xFFFF  }
0xce: {  	s26 =	simm.s32 $0x8;
	[sflag:s0] =	ssyncpa.u1 $0x1  }
0xcf: {  	s28 =	simm.s32 $0x9;
	[sflag:s26] =	ssyncpa.u1 $0x1  }
0xd0: {  	[sflag:s28] =	ssyncpa.u1 $0x1  }
0xd1: {  	_ =	sfence.stream.spmem  }
0xd2: {  	s29 =	simm.s32 $0x3;
	[bflag:$0x0] =	sbarrier.arrive $0xFFFF  }
0xd3: {  	s30 =	simm.s32 $0x4;
	[sflag:s29] =	ssyncpa.u1 $0x1  }
0xd4: {  	s31 =	simm.s32 $0x3C;
	s2 =	stileid.u32;
	[sflag:s30] =	ssyncpa.u1 $0x1  }
0xd5: {  	p0 =	sne.s32 s2, $0x0;
	[sflag:s31] =	ssyncpa.u1 $0x1  }
0xd6: {  	s0 =	simm.s32 @p0 $0x1;
	_ =	sfence @p0  }
0xd7: {  	[sflag:s0] =	ssyncpa.u1 @p0 $0x1;
	s0 =	simm.s32 @p0 $0x2  }
0xd8: {  	[sflag:s0] =	ssyncpa.u1 @p0 $0x1  }
0xd9: {  	_ =	strace @p0 $0x90000059  }
0xda: {  	[bflag:$0x2] =	sbarrier.arrive @p0 $0xFFFF  }
0xdb: {  	_ =	shalt @p0  }
.LBB2_11:
0xdc: {  	_ =	sfence.stream.spmem;
	s0 =	simm.s32 $0x5  }
0xdd: {  	s2 =	simm.s32 $0x80;
	s3 =	simm.s32 $0xC0;
	[sflag:s0] =	ssyncpa.u1 $0x0  }
0xde: {  	[tilespmem:s3], [sflag:$0x5] =	stream.linear.gather [spmem:s2], $0x20, $0x38;
	[tilespmem:$0x11A60] =	vst v63  }
0xdf: {  	s2 =	simm.s32 $0x0;
	s3 =	simm.s32 $0xE0  }
0xe0: {  	[tilespmem:s3], [sflag:$0x5] =	stream.linear.gather [spmem:s2], $0x20, $0x38;
	[tilespmem:$0x11A60] =	vst v63  }
.Ltmp7:
0xe1: {  	_ = 	snop;
	(pc) =	sbr.rel .LBB2_12-.Ltmp7, $4  }
0xe2: {  	_ =	swait.ge [sflag:s0], $0x40  }
0xe3: {  	[sflag:s0] =	ssyncset.done $0x0  }
0xe4: {  	s31 =	simm.s32 $0x6;
	[sflag:s0] =	ssyncadd.s32 $0xFFFFFFC0  }
0xe5: {  	s4 =	simm.s32 $0x0;
	[sflag:s31] =	ssyncpa.u1 $0x0  }
.LBB2_17:
0xe6: {  	p0 =	sgt.u32 s5, $0x27FF  }
0xe7: {  	s0 =	sshrl.u32 @!p0 s5, $0x3  }
0xe8: {  	s5 =	sand.u32 @!p0 $0x7, s5;
	s6 =	simm.s32 @!p0 $0xB0;
	s0 =	sadd.s32 @!p0 s1, s0  }
0xe9: {  	[tilespmem:s6], [sflag:$0x6] =	stream.linear.gather @!p0 [hbm4b:s0+s5], $0x1, $0x38;
	[tilespmem:$0x11A60] =	vst v63  }
0xea: {  	s0 =	simm.s32 @!p0 $0x6  }
0xeb: {  	_ =	swait.ge @!p0 [sflag:s0], $0x1  }
0xec: {  	[sflag:s0] =	ssyncset.done @!p0 $0x0  }
0xed: {  	[sflag:s0] =	ssyncadd.s32 @!p0 $0xFFFFFFFF  }
0xee: {  	v2 =	vmov @!p0 s4;
	v1 =	vld.msk @!p0 [tilespmem:$0xB0], $0x1;
	_ =	sdelay $0x3  }
0xef: {  	s0 =	simm.s32 @!p0 $0xE0  }
0xf0: {  	[tilespmem:v2+s0+$0x0], v1 =	vst.idx.ret.add.f32.msk @!p0 $0x1, v1  }
0xf1: {  	[tilespmem:s2+$0xC0] =	vst.msk $0x1, v0  }
0xf2: {  	v0 =	vld.msk [tilespmem:s4+$0xE0], $0x1;
	_ =	sdelay $0x4  }
0xf3: {  	[tilespmem:s2+$0xE0] =	vst.msk $0x1, v0;
	s2 =	sadd.s32 $0x1, s2  }
.LBB2_19:
0xf4: {  	s4 =	sadd.s32 $0x1, s4  }
0xf5: {  	p0 =	sne.s32 s4, $0x20  }
.Ltmp8:
0xf6: {  	_ = 	snop;
	(pc) =	sbr.rel @!p0 .LBB2_20-.Ltmp8, $1  }
0xf7: {  	_ =	sdelay $0x3  }
.LBB2_12:
0xf8: {  	v0 =	vld.msk [tilespmem:s4+$0xC0], $0x1;
	_ =	sdelay $0x4  }
0xf9: {  	(v2sf) =	vpush v0, $0x0;
	_ =	sdelay $0xe  }
0xfa: {  	s5 =	spop (v2sf)  }
0xfb: {  	p0 =	seq.s32 s5, $0xFFFFFFFF  }
.Ltmp9:
0xfc: {  	_ = 	snop;
	(pc) =	sbr.rel @p0 .LBB2_19-.Ltmp9, $1  }
0xfd: {  	_ =	sdelay $0x3  }
0xfe: {  	p0 =	slt.s32 s2, $0x1  }
.Ltmp10:
0xff: {  	_ = 	snop;
	(pc) =	sbr.rel @p0 .LBB2_17-.Ltmp10, $1  }
0x100: {  	_ =	sdelay $0x3  }
0x101: {  	s0 =	simm.s32 $0xC0;
	p0 =	por $0x0, $0x0  }
0x102: {  	v1 =	vld.msk @!p0 [tilespmem:s0+$0x0], $0x1;
	_ =	sdelay $0x4  }
0x103: {  	(v2sf) =	vpush @!p0 v1, $0x0;
	_ =	sdelay $0xd  }
0x104: {  	p2 =	sne.s32 s2, $0x1  }
.Ltmp11:
0x105: {  	s6 =	spop @!p0 (v2sf);
	(pc) =	sbr.rel @!p2 .LBB2_16-.Ltmp11, $4  }
0x106: {  	p1 =	seq.s32 @!p0 s5, s6  }
0x107: {  	s6 =	simm.s32 $0x0;
	p1 =	por !p1, p0  }
0x108: {  	s8 =	simm.s32 $0xFFFFFFFF;
	s6 =	simm.s32 @p1 $0xFFFFFFFF  }
0x109: {  	s7 =	simm.s32 $0x1;
	s6 =	smov.u32 @p0 s8  }
.LBB2_15:
0x10a: {  	s8 =	smov.u32 s6;
	p0 =	sne.s32 s6, $0xFFFFFFFF  }
0x10b: {  	s0 =	sadd.s32 $0x1, s0;
	s6 =	smov.u32 s7;
	s7 =	sadd.s32 $0x1, s7  }
0x10c: {  	p1 =	sne.s32 s2, s7;
	v1 =	vld.msk @!p0 [tilespmem:s0+$0x0], $0x1;
	_ =	sdelay $0x4  }
0x10d: {  	(v2sf) =	vpush @!p0 v1, $0x0;
	_ =	sdelay $0xe  }
.Ltmp12:
0x10e: {  	s9 =	spop @!p0 (v2sf);
	(pc) =	sbr.rel @p1 .LBB2_15-.Ltmp12, $4  }
0x10f: {  	p2 =	seq.s32 @!p0 s5, s9  }
0x110: {  	p2 =	por !p2, p0  }
0x111: {  	s6 =	simm.s32 @p2 $0xFFFFFFFF  }
0x112: {  	s6 =	smov.u32 @p0 s8  }
.LBB2_16:
0x113: {  	p0 =	sne.s32 s6, $0xFFFFFFFF  }
.Ltmp13:
0x114: {  	_ = 	snop;
	(pc) =	sbr.rel @!p0 .LBB2_17-.Ltmp13, $1  }
0x115: {  	_ =	sdelay $0x3  }
0x116: {  	v0 =	vld.msk [tilespmem:s4+$0xE0], $0x1;
	v1 =	vmov s6  }
.Ltmp14:
0x117: {  	_ = 	snop;
	(pc) =	sbr.rel .LBB2_19-.Ltmp14, $2  }
0x118: {  	_ =	sdelay $0x2  }
0x119: {  	[tilespmem:v1+s3+$0x0], v0 =	vst.idx.ret.add.f32.msk $0x1, v0  }
.LBB2_20:
0x11a: {  	p0 =	slt.s32 s2, $0x1  }
.Ltmp15:
0x11b: {  	_ = 	snop;
	(pc) =	sbr.rel @p0 .LBB2_24-.Ltmp15, $3  }
0x11c: {  	_ =	sdelay $0x1  }
0x11d: {  	s0 =	simm.s32 $0x6  }
0x11e: {  	s3 =	simm.s32 $0x0;
	[sflag:s0] =	ssyncpa.u1 $0x1  }
0x11f: {  	s0 =	simm.s32 $0xC0  }
0x120: {  	v0 =	vld.msk [tilespmem:s0+$0x0], $0x1;
	_ =	sdelay $0x4  }
0x121: {  	(v2sf) =	vpush v0, $0x0;
	_ =	sdelay $0xe  }
0x122: {  	s2 =	sadd.s32 $0xFFFFFFFF, s2;
	s4 =	spop (v2sf)  }
0x123: {  	p1 =	sne.s32 s2, $0x0;
	p0 =	sgt.u32 s4, $0x27FF  }
.Ltmp16:
0x124: {  	s5 =	sshrl.u32 @!p0 s4, $0x3;
	(pc) =	sbr.rel @!p1 .LBB2_23-.Ltmp16, $4  }
0x125: {  	s0 =	simm.s32 $0xE0;
	s4 =	sand.u32 @!p0 $0x7, s4;
	s5 =	sadd.s32 @!p0 s1, s5  }
0x126: {  	[hbm4b:s5+s4] =	stream.linear.scatter @!p0 [tilespmem:s0], [sflag:$0x5], $0x1, $0x38;
	[tilespmem:$0x11A60] =	vst v63  }
0x127: {  	s5 =	simm.s32 $0x0  }
0x128: {  	s4 =	simm.s32 $0xC1;
	s5 =	simm.s32 @!p0 $0x4  }
.LBB2_22:
0x129: {  	v0 =	vld.msk [tilespmem:s4+$0x0], $0x1;
	s2 =	sadd.s32 $0xFFFFFFFF, s2;
	s3 =	sadd.s32 s3, s5  }
0x12a: {  	p0 =	sne.s32 s2, $0x0;
	_ =	sdelay $0x3  }
0x12b: {  	(v2sf) =	vpush v0, $0x0;
	_ =	sdelay $0xe  }
.Ltmp17:
0x12c: {  	s6 =	spop (v2sf);
	(pc) =	sbr.rel @p0 .LBB2_22-.Ltmp17, $4  }
0x12d: {  	s5 =	simm.s32 $0x0;
	p1 =	sgt.u32 s6, $0x27FF  }
0x12e: {  	s0 =	sadd.s32 $0x1, s0;
	s5 =	simm.s32 @!p1 $0x4;
	s7 =	sshrl.u32 @!p1 s6, $0x3  }
0x12f: {  	s4 =	sadd.s32 $0x1, s4;
	s6 =	sand.u32 @!p1 $0x7, s6;
	s7 =	sadd.s32 @!p1 s1, s7  }
0x130: {  	[hbm4b:s7+s6] =	stream.linear.scatter @!p1 [tilespmem:s0], [sflag:$0x5], $0x1, $0x38;
	[tilespmem:$0x11A60] =	vst v63  }
.LBB2_23:
0x131: {  	s0 =	sadd.s32 s3, s5  }
0x132: {  	s3 =	sshrl.u32 s0, $0x2  }
.LBB2_24:
0x133: {  	s0 =	simm.s32 $0x5  }
0x134: {  	_ =	swait.ge [sflag:s0], s3  }
0x135: {  	s1 =	ssub.s32 $0x0, s3;
	[sflag:s0] =	ssyncset.done $0x0  }
0x136: {  	[sflag:s0] =	ssyncadd.s32 s1  }
0x137: {  	[sflag:s0] =	ssyncpa.u1 $0x1  }
0x138: {  	s29 =	simm.s32 $0x1;
	_ =	sfence  }
0x139: {  	s30 =	simm.s32 $0x2;
	[sflag:s29] =	ssyncpa.u1 $0x1  }
0x13a: {  	[sflag:s30] =	ssyncpa.u1 $0x1  }
0x13b: {  	_ =	strace $0x90000059  }
0x13c: {  	[bflag:$0x2] =	sbarrier.arrive $0xFFFF  }
0x13d: {  	s31 =	rddreg [dreg:$0x1]  }
0x13e: {  	s0 =	sadd.s32 $0x100000, s31  }
0x13f: {  	[sflag:s0] =	ssyncadd.tile.s32 $0x1;
	_ =	shalt  }
.Lfunc_end2:
_tile_overlayer_lowered:
.L_overlay_start_2:
0x140: {  	(tag) =	ssettag $0x2  }
0x141: {  	s0 =	rddreg [dreg:$0x0];
	s2 =	stileid.u32  }
0x142: {  	s1 =	rddreg [dreg:$0x1];
	p0 =	sne.s32 s2, $0x0  }
0x143: {  	s3 =	rddreg [dreg:$0x2];
	[bflag:$0x3] =	sbarrier.arrive $0xFFFF;
	s2 =	simm.s32 @!p0 $0x1C01  }
0x144: {  	[timem:s3], [sflag:s2] =	dma.local @!p0 [hbm:s0], s1  }
0x145: {  	s0 =	simm.s32 @!p0 $0x1  }
0x146: {  	_ =	swait.ge @!p0 [sflag:s0], s1  }
0x147: {  	s1 =	ssub.s32 @!p0 $0x0, s1;
	[sflag:s0] =	ssyncset.done @!p0 $0x0  }
0x148: {  	[sflag:s0] =	ssyncadd.s32 @!p0 s1  }
0x149: {  	[bflag:$0x3] =	sbarrier.arrive $0xFFFF  }
0x14a: {  	_ =	shalt  }

// kernel: scatter_offload_async_start
scs
__scs_entry_jumppad:
0x0: {  	(pc) =	sbr.rel $0x88, $3  }
0x1: {  	(tag) =	ssettag $0x0;
	lr =	simm.s32 $0x1  }
0x2: {  	[smem:$0x3F98] =	sst lr;
	_ =	strace $0xD0000000  }
0x3: {  	_ = 	snop  }
0x4: {  	_ = 	snop  }
0x5: {  	_ = 	snop  }
0x6: {  	_ = 	snop  }
0x7: {  	_ = 	snop  }
__scs_overlays_trampoline_lowered:
0x8: {  	[smem:$0x3FA7] =	sst s0  }
0x9: {  	[smem:$0x3FA8] =	sst s1  }
0xa: {  	[smem:$0x3FA9] =	sst s2  }
0xb: {  	[smem:$0x3FAA] =	sst s3  }
0xc: {  	[smem:$0x3FAB] =	sst s4  }
0xd: {  	[smem:$0x3FAC] =	sst s5  }
0xe: {  	[smem:$0x3FAD] =	sst s6  }
0xf: {  	[smem:$0x3FAE] =	sst s7  }
0x10: {  	[smem:$0x3FAF] =	sst s8  }
0x11: {  	[smem:$0x3FB0] =	sst s9;
	s0 =	simm.s32 @!p0 $0x0  }
0x12: {  	s1 =	sld [smem:$0x3F96];
	s0 =	simm.s32 @p0 $0x1  }
0x13: {  	[smem:$0x3FB1] =	sst s0;
	s0 =	simm.s32 @!p1 $0x0  }
0x14: {  	s2 =	sld [smem:$0x3F95];
	s0 =	simm.s32 @p1 $0x1  }
0x15: {  	[smem:$0x3FB2] =	sst s0;
	s0 =	simm.s32 @!p2 $0x0  }
0x16: {  	s3 =	sld [smem:$0x3FDB];
	s0 =	simm.s32 @p2 $0x1  }
0x17: {  	s4 =	simm.s32 $0x1BF5;
	[smem:$0x3FB4] =	sst s0  }
0x18: {  	s0 =	sld [smem:$0x3F97];
	_ =	swait.ge [sflag:s4], $0x0  }
0x19: {  	s7 =	sld [smem:$0x3F98]  }
0x1a: {  	s8 =	sadd.s32 $0xFFFFE003, lr  }
0x1b: {  	s9 =	sadd.s32 $0xFFFFFEF7, lr;
	s5 =	simm.s32 $0xFFFFFFFF;
	p2 =	slt.u32 s8, $0xFFFFF086  }
0x1c: {  	p1 =	slt.u32 s9, $0xF7A;
	s5 =	simm.s32 @!p2 $0x0  }
0x1d: {  	s5 =	simm.s32 @p1 $0x1;
	p0 =	seq.s32 s7, s2  }
0x1e: {  	s7 =	smul.u32 @!p0 $0xF7A, s2;
	p2 =	seq.s32 @!p0 s5, $0x0  }
0x1f: {  	s9 =	smul.u32 $0xF7A, s1;
	s8 =	simm.s32 @!p0 $0x1BF5;
	p2 =	por !p2, p0  }
0x20: {  	[sflag:s8] =	ssyncset.s32 @!p0 $0xFFFFF086;
	s6 =	sadd.s32 @!p0 s3, s7;
	s7 =	simm.s32 @!p0 $0x108  }
0x21: {  	s3 =	sadd.s32 s3, s9;
	s6 =	sadd.s32 @!p0 $0x88, s6;
	s7 =	simm.s32 @p2 $0x1082  }
0x22: {  	[simem:s7], [sflag:s8] =	dma.local @!p0 [hbm:s6], $0xF7A  }
0x23: {  	s9 =	sor.u32 $0xD0000000, s2;
	s6 =	simm.s32 $0x108;
	_ =	swait.ge @!p0 [sflag:s8], $0x0  }
0x24: {  	s3 =	sadd.s32 $0x88, s3;
	s6 =	simm.s32 @!p1 $0x1082;
	[sflag:s4] =	ssyncset.s32 $0xFFFFF086  }
0x25: {  	[simem:s6], [sflag:s4] =	dma.local [hbm:s3], $0xF7A  }
0x26: {  	[smem:$0x3F98] =	sst s1;
	(tag) =	ssettag s2;
	_ =	strace s9  }
0x27: {  	s1 =	sld [smem:$0x3FA8]  }
0x28: {  	s2 =	sld [smem:$0x3FA9]  }
0x29: {  	s4 =	sld [smem:$0x3FAB]  }
0x2a: {  	p0 =	seq.s32 s5, $0x0;
	s5 =	sld [smem:$0x3FAC]  }
0x2b: {  	s6 =	sld [smem:$0x3FAD]  }
0x2c: {  	s7 =	sld [smem:$0x3FAE]  }
0x2d: {  	s3 =	simm.s32 $0x108;
	s8 =	sld [smem:$0x3FAF]  }
0x2e: {  	s3 =	simm.s32 @!p0 $0x1082;
	s9 =	sld [smem:$0x3FB0]  }
0x2f: {  	lr =	sadd.s32 s0, s3;
	s0 =	sld [smem:$0x3FA7]  }
0x30: {  	s3 =	sld [smem:$0x3FAA]  }
0x31: {  	[smem:$0x3FB3] =	sst s10  }
0x32: {  	s10 =	sld [smem:$0x3FB1];
	_ =	sdelay $0x3  }
0x33: {  	p0 =	seq.s32 s10, $0x1;
	s10 =	sld [smem:$0x3FB3];
	_ =	sdelay $0x3  }
0x34: {  	[smem:$0x3FB3] =	sst s10  }
0x35: {  	s10 =	sld [smem:$0x3FB2];
	_ =	sdelay $0x3  }
0x36: {  	p1 =	seq.s32 s10, $0x1;
	s10 =	sld [smem:$0x3FB3];
	_ =	sdelay $0x3  }
0x37: {  	[smem:$0x3FB3] =	sst s10  }
0x38: {  	s10 =	sld [smem:$0x3FB4]  }
0x39: {  	_ = 	snop;
	(pc) =	sbr.ind lr, $3  }
0x3a: {  	_ = 	snop  }
0x3b: {  	_ = 	snop  }
0x3c: {  	p2 =	seq.s32 s10, $0x1;
	s10 =	sld [smem:$0x3FB3]  }
0x3d: {  	_ =	shalt  }
0x3e: {  	_ =	shalt  }
0x3f: {  	_ =	shalt  }
0x40: {  	_ =	shalt  }
0x41: {  	_ =	shalt  }
0x42: {  	_ =	shalt  }
0x43: {  	_ =	shalt  }
0x44: {  	_ =	shalt  }
0x45: {  	_ =	shalt  }
0x46: {  	_ =	shalt  }
0x47: {  	_ =	shalt  }
0x48: {  	_ =	shalt  }
0x49: {  	_ =	shalt  }
0x4a: {  	_ =	shalt  }
0x4b: {  	_ =	shalt  }
0x4c: {  	_ =	shalt  }
0x4d: {  	_ =	shalt  }
0x4e: {  	_ =	shalt  }
0x4f: {  	_ =	shalt  }
0x50: {  	_ =	shalt  }
0x51: {  	_ =	shalt  }
0x52: {  	_ =	shalt  }
0x53: {  	_ =	shalt  }
0x54: {  	_ =	shalt  }
0x55: {  	_ =	shalt  }
0x56: {  	_ =	shalt  }
0x57: {  	_ =	shalt  }
0x58: {  	_ =	shalt  }
0x59: {  	_ =	shalt  }
0x5a: {  	_ =	shalt  }
0x5b: {  	_ =	shalt  }
0x5c: {  	_ =	shalt  }
0x5d: {  	_ =	shalt  }
0x5e: {  	_ =	shalt  }
0x5f: {  	_ =	shalt  }
0x60: {  	_ =	shalt  }
0x61: {  	_ =	shalt  }
0x62: {  	_ =	shalt  }
0x63: {  	_ =	shalt  }
0x64: {  	_ =	shalt  }
0x65: {  	_ =	shalt  }
0x66: {  	_ =	shalt  }
0x67: {  	_ =	shalt  }
0x68: {  	_ =	shalt  }
0x69: {  	_ =	shalt  }
0x6a: {  	_ =	shalt  }
0x6b: {  	_ =	shalt  }
0x6c: {  	_ =	shalt  }
0x6d: {  	_ =	shalt  }
0x6e: {  	_ =	shalt  }
0x6f: {  	_ =	shalt  }
0x70: {  	_ =	shalt  }
0x71: {  	_ =	shalt  }
0x72: {  	_ =	shalt  }
0x73: {  	_ =	shalt  }
0x74: {  	_ =	shalt  }
0x75: {  	_ =	shalt  }
0x76: {  	_ =	shalt  }
0x77: {  	_ =	shalt  }
0x78: {  	_ =	shalt  }
0x79: {  	_ =	shalt  }
0x7a: {  	_ =	shalt  }
0x7b: {  	_ =	shalt  }
0x7c: {  	_ =	shalt  }
0x7d: {  	_ =	shalt  }
0x7e: {  	_ =	shalt  }
0x7f: {  	_ =	shalt  }
0x80: {  	_ =	shalt  }
0x81: {  	_ =	shalt  }
0x82: {  	_ =	shalt  }
0x83: {  	_ =	shalt  }
0x84: {  	_ =	shalt  }
0x85: {  	_ =	shalt  }
0x86: {  	_ =	shalt  }
0x87: {  	_ =	shalt  }
.Lfunc_end0:
.L_simem_size_0:
called_computation_lowered:
.L_overlay_start_0:
0x88: {  	s2 =	sld [smem:$0x3FD9]  }
0x89: {  	s3 =	sld [smem:$0x3FFE];
	_ =	sdelay $0x1  }
0x8a: {  	s1 =	srdreg.scid  }
0x8b: {  	s0 =	sand.u32 $0x1, s1  }
0x8c: {  	s12 =	sshll.u32 s0, $0xA;
	s2 =	sadd.s32 s3, s2  }
0x8d: {  	s2 =	sadd.s32 s2, s12  }
0x8e: {  	[smem:$0x3FBF] =	sst s2  }
0x8f: {  	_ = 	snop  }
0x90: {  	s4 =	sld [smem:$0x3FD0];
	(tm) =	ssettm $0x1  }
0x91: {  	s13 =	sld [smem:$0x3FFB];
	_ =	sdelay $0x3  }
0x92: {  	_ =	strace s13  }
0x93: {  	s2 =	sld [smem:$0x3FFC];
	_ =	sdelay $0x3  }
0x94: {  	_ =	strace s2  }
0x95: {  	s2 =	sld [smem:$0x3FFD];
	_ =	sdelay $0x3  }
0x96: {  	_ =	strace s2  }
0x97: {  	_ =	strace $0x8FFFFFFF  }
0x98: {  	s14 =	sld [smem:$0x3FDB];
	_ =	sdelay $0x1  }
0x99: {  	s15 =	simm.s32 $_scs_section_size  }
0x9a: {  	s5 =	simm.s32 $_size__tile_overlayer_lowered;
	s6 =	simm.s32 $_tile_overlayer_lowered  }
0x9b: {  	s19 =	simm.s32 $0x1BFF;
	s17 =	sshll.u32 s6, $0x1;
	s7 =	sadd.s32 s15, s14  }
0x9c: {  	s20 =	simm.s32 $0x0;
	s16 =	sshll.u32 s5, $0x1;
	s18 =	sadd.s32 s17, s7  }
0x9d: {  	[timem:s20], [sflag:s19] =	dma.local [hbm:s18], s16  }
0x9e: {  	_ =	swait.ge [sflag:s19], s16  }
0x9f: {  	s3 =	ssub.s32 $0x0, s16;
	[sflag:s19] =	ssyncset.done $0x0  }
0xa0: {  	[sflag:s19] =	ssyncadd.s32 s3;
	_ =	sdelay $0x1  }
0xa1: {  	s21 =	simm.s32 $0x1B8B  }
0xa2: {  	_ =	swait.ge [sflag:s21], $0x1  }
0xa3: {  	[sflag:s21] =	ssyncset.done $0x0  }
0xa4: {  	[sflag:s21] =	ssyncadd.s32 $0xFFFFFFFF  }
0xa5: {  	s3 =	sld [smem:$0x0]  }
0xa6: {  	s5 =	sand.u32 $0xFFFFFFFE, s1  }
0xa7: {  	p0 =	sne.s32 s1, s5  }
0xa8: {  	s5 =	sshll.u32 @p0 s5, $0xE  }
0xa9: {  	s6 =	sadd.s32 @p0 $0x11B8D, s5;
	s8 =	sshll.u32 @p0 s3, $0x11  }
0xaa: {  	s6 =	sor.u32 @p0 s8, s6  }
0xab: {  	[sflag:s6] =	ssyncadd.remote.s32 @p0 $0x1;
	_ =	sdelay $0x1  }
0xac: {  	s6 =	simm.s32 @p0 $0x1B8D  }
0xad: {  	_ =	swait.eq @p0 [sflag:s6], $0x1  }
0xae: {  	[sflag:s6] =	ssyncadd.s32 @p0 $0xFFFFFFFF  }
0xaf: {  	s8 =	sshll.u32 @!p0 s1, $0xE  }
0xb0: {  	s8 =	sor.u32 @!p0 $0x4000, s8;
	s6 =	simm.s32 @!p0 $0x1B8D  }
0xb1: {  	s10 =	sshll.u32 @!p0 s3, $0x11;
	s9 =	sadd.s32 @!p0 $0x11B8D, s8;
	_ =	swait.eq @!p0 [sflag:s6], $0x1  }
0xb2: {  	[sflag:s6] =	ssyncadd.s32 @!p0 $0xFFFFFFFF;
	s6 =	sor.u32 @!p0 s10, s9  }
0xb3: {  	s23 =	simm.s32 $0x1B8E;
	s22 =	sld [smem:$0x3FFE];
	[sflag:s6] =	ssyncadd.remote.s32 @!p0 $0x1  }
0xb4: {  	s24 =	simm.s32 $execute0_lowered;
	[smem:$0x3FD2] =	sst s23  }
0xb5: {  	s9 =	sshll.u32 s24, $0x1;
	_ =	strace $0x8000004F;
	[dreg:$0x1] =	wrdreg $0xFFFFFFFF  }
0xb6: {  	s25 =	simm.s32 $_size_execute0_lowered;
	s9 =	sadd.s32 s7, s9;
	[dreg:$0x0] =	wrdreg $0x0  }
0xb7: {  	s10 =	sshll.u32 s25, $0x1;
	[dreg:$0x2] =	wrdreg s9  }
0xb8: {  	[dreg:$0x3] =	wrdreg s10  }
0xb9: {  	[dreg:$0x4] =	wrdreg $0xC0  }
0xba: {  	s26 =	simm.s32 $execute1_lowered;
	_ =	task [dreg:s20], $0x5FFFF  }
0xbb: {  	s9 =	sshll.u32 s26, $0x1;
	[dreg:$0x1] =	wrdreg $0xFFFFFFFF  }
0xbc: {  	s7 =	sadd.s32 s7, s9;
	[dreg:$0x0] =	wrdreg $0x60  }
0xbd: {  	[dreg:$0x2] =	wrdreg s7  }
0xbe: {  	[dreg:$0x3] =	wrdreg s4  }
0xbf: {  	[dreg:$0x4] =	wrdreg s22  }
0xc0: {  	[dreg:$0x5] =	wrdreg $0xB  }
0xc1: {  	_ =	task.clear_ibuf [dreg:s20], $0x6FFFF;
	_ =	strace $0x9000004F  }
0xc2: {  	s28 =	simm.s32 $0xB;
	_ =	strace $0x80000051  }
0xc3: {  	_ =	swait.ge [sflag:s28], $0x1  }
0xc4: {  	[sflag:s28] =	ssyncadd.s32 $0xFFFFFFFF  }
0xc5: {  	_ =	strace $0x90000051  }
0xc6: {  	s4 =	sld [smem:$0x0];
	_ =	sdelay $0x3  }
0xc7: {  	s5 =	sadd.s32 @p0 $0x11BF3, s5;
	s7 =	sshll.u32 @p0 s4, $0x11  }
0xc8: {  	s5 =	sor.u32 @p0 s7, s5  }
0xc9: {  	[sflag:s5] =	ssyncadd.remote.s32 @p0 $0x1;
	_ =	sdelay $0x1  }
0xca: {  	s5 =	simm.s32 @p0 $0x1BF3  }
0xcb: {  	_ =	swait.eq @p0 [sflag:s5], $0x1  }
0xcc: {  	[sflag:s5] =	ssyncadd.s32 @p0 $0xFFFFFFFF;
	_ =	sdelay $0x1  }
0xcd: {  	s5 =	simm.s32 @!p0 $0x1BF3  }
0xce: {  	s4 =	sshll.u32 @!p0 s4, $0x11;
	s7 =	sadd.s32 @!p0 $0x11BF3, s8;
	_ =	swait.eq @!p0 [sflag:s5], $0x1  }
0xcf: {  	s4 =	sor.u32 @!p0 s4, s7;
	[sflag:s5] =	ssyncadd.s32 @!p0 $0xFFFFFFFF  }
0xd0: {  	[sflag:s4] =	ssyncadd.remote.s32 @!p0 $0x1  }
0xd1: {  	_ =	strace $0x80000052;
	[dreg:$0x1] =	wrdreg $0xFFFFFFFF  }
0xd2: {  	[dreg:$0x0] =	wrdreg $0x2030  }
0xd3: {  	[dreg:$0x2] =	wrdreg s22  }
0xd4: {  	[dreg:$0x3] =	wrdreg s1  }
0xd5: {  	[dreg:$0x4] =	wrdreg s3  }
0xd6: {  	[dreg:$0x5] =	wrdreg $0xC  }
0xd7: {  	_ =	task.clear_ibuf [dreg:s20], $0x6FFFF;
	_ =	strace $0x90000052  }
0xd8: {  	s29 =	simm.s32 $0xC;
	_ =	strace $0x80000054  }
0xd9: {  	_ =	swait.ge [sflag:s29], $0x1  }
0xda: {  	[sflag:s29] =	ssyncadd.s32 $0xFFFFFFFF  }
0xdb: {  	_ =	strace $0x90000054  }
0xdc: {  	_ =	sfence  }
0xdd: {  	s30 =	sld [smem:$0x0];
	_ =	sdelay $0x2  }
0xde: {  	s31 =	sshll.u32 s1, $0xD;
	s1 =	sshrl.u32 s1, $0x2  }
0xdf: {  	s4 =	sand.u32 $0x4000, s31;
	s1 =	sadd.s32 s1, s30  }
0xe0: {  	s0 =	sor.u32 s4, s0;
	s1 =	sshll.u32 s1, $0x11  }
0xe1: {  	s0 =	sor.u32 s1, s0  }
0xe2: {  	s0 =	sadd.s32 $0x8F2B, s0  }
0xe3: {  	[sflag:s0] =	ssyncadd.remote.s32 $0x1  }
0xe4: {  	_ =	sfence.sel $0xFFFF  }
0xe5: {  	[dreg:$0x0] =	wrdreg $0xFFFFFFFF;
	(pc) =	sbr.abs _section_cstart, $3  }
0xe6: {  	[dreg:$0x1] =	wrdreg $0xFFFFFFFF  }
0xe7: {  	_ =	task.clear_ibuf [dreg:s20], $0x2FFFF;
	_ =	strace $0x9FFFFFFF  }
0xe8: {  	(tm) =	ssettm $0x7FFFFFFF  }
0xe9: {  	_ =	shalt  }
tec
execute0_lowered:
.L_overlay_start_1:
0x0: {  	(tag) =	ssettag $0x1  }
0x1: {  	s4 =	rddreg [dreg:$0x0]  }
0x2: {  	s25 =	rddreg [dreg:$0x1]  }
0x3: {  	s5 =	stileid.u32;
	[bflag:$0x3] =	sbarrier.arrive $0xFFFF;
	s1 =	simm.s32 $_size_execute1_lowered  }
0x4: {  	s28 =	srdreg.scid;
	p0 =	sne.s32 s5, $0x0;
	s0 =	sshll.u32 s1, $0x1  }
0x5: {  	s6 =	simm.s32 @!p0 $0x1C3F;
	s7 =	simm.s32 @!p0 $0x4060;
	[dreg:$0x4] =	wrdreg s0  }
0x6: {  	[timem:s7], [sflag:s6] =	dma.local @!p0 [hbm:s4], s0  }
0x7: {  	s29 =	simm.s32 $0x1;
	s31 =	simm.s32 $0x2;
	s4 =	sshll.u32 s28, $0x6  }
.Ltmp0:
0x8: {  	s5 =	sshll.u32 s5, $0x7;
	s4 =	sand.u32 $0x40, s4;
	(pc) =	sbr.rel .LBB2_1-.Ltmp0, $4  }
0x9: {  	s12 =	simm.s32 $0x0;
	_ =	strace $0x80000050;
	s4 =	sor.u32 s5, s4  }
0xa: {  	s10 =	simm.s32 $0x0;
	[sflag:s29] =	ssyncpa.u1 $0x0;
	s30 =	ssub.s32 $0x2700, s4  }
0xb: {  	s11 =	simm.s32 $0x0;
	[sflag:s31] =	ssyncpa.u1 $0x0;
	s6 =	sshrl.u32 s30, $0xB  }
0xc: {  	s9 =	smov.u32 s4;
	[dreg:$0x5] =	wrdreg s4;
	s7 =	sadd.s32 $0x2, s6  }
.LBB2_4:
0xd: {  	_ = 	snop  }
.LBB2_9:
0xe: {  	_ =	sdelay $0x3  }
0xf: {  	[tilespmem:v0+s23+$0x0 ss:$0x1] =	vst.idx.msk @p1 $0xffff, v2  }
0x10: {  	s0 =	sor.u32 s29, s28;
	v2 =	vld.idx.msk @p1 [tilespmem:v1+s15+$0x0 ss:$0x1], $0xffff;
	[tilespmem:v0+s22+$0x0 ss:$0x1] =	vst.idx.msk @p1 $0xffff, v3  }
0x11: {  	s1 =	sand.u32 $0x80, s18;
	v3 =	vld.idx.msk @p1 [tilespmem:v1+s16+$0x0 ss:$0x1], $0xffff;
	[tilespmem:v0+s19+$0x0 ss:$0x1] =	vst.idx.msk @p1 $0xffff, v6;
	s2 =	sand.u32 $0x3B00, s0  }
0x12: {  	v6 =	vld.idx.msk @p1 [tilespmem:v1+s17+$0x0 ss:$0x1], $0xffff;
	[tilespmem:v0+s24+$0x0 ss:$0x1] =	vst.idx.msk @p1 $0xffff, v4;
	s0 =	sand.u32 $0x3B80, s0;
	s1 =	sor.u32 s1, s2  }
0x13: {  	[tilespmem:v0+s21+$0x0 ss:$0x1] =	vst.idx.msk @p1 $0xffff, v5;
	s24 =	sor.u32 $0x410, s0;
	v48 =	vld.idx.msk [tilespmem:v1+s1+$0x0 ss:$0x1], $0xffff  }
0x14: {  	s26 =	sor.u32 $0x420, s0;
	[tilespmem:v0+s20+$0x0 ss:$0x1] =	vst.idx.msk @p1 $0xffff, v7;
	v57 =	vld.idx.msk [tilespmem:v1+s24+$0x0 ss:$0x1], $0xffff  }
0x15: {  	s28 =	sor.u32 $0x430, s0;
	v58 =	vld.idx.msk [tilespmem:v1+s26+$0x0 ss:$0x1], $0xffff;
	[tilespmem:v0+s15+$0x0 ss:$0x1] =	vst.idx.msk @p1 $0xffff, v2  }
0x16: {  	s29 =	sor.u32 $0x440, s0;
	v59 =	vld.idx.msk [tilespmem:v1+s28+$0x0 ss:$0x1], $0xffff;
	[tilespmem:v0+s16+$0x0 ss:$0x1] =	vst.idx.msk @p1 $0xffff, v3  }
0x17: {  	s30 =	sor.u32 $0x450, s0;
	v60 =	vld.idx.msk [tilespmem:v1+s29+$0x0 ss:$0x1], $0xffff;
	[tilespmem:v0+s17+$0x0 ss:$0x1] =	vst.idx.msk @p1 $0xffff, v6  }
0x18: {  	s31 =	sor.u32 $0x460, s0;
	v61 =	vld.idx.msk [tilespmem:v1+s30+$0x0 ss:$0x1], $0xffff;
	[tilespmem:v0+s1+$0x0 ss:$0x1] =	vst.idx.msk $0xffff, v48  }
0x19: {  	s0 =	sor.u32 $0x470, s0;
	v62 =	vld.idx.msk [tilespmem:v1+s31+$0x0 ss:$0x1], $0xffff;
	[tilespmem:v0+s24+$0x0 ss:$0x1] =	vst.idx.msk $0xffff, v57  }
0x1a: {  	s2 =	sor.u32 $0x400, s1;
	v63 =	vld.idx.msk [tilespmem:v1+s0+$0x0 ss:$0x1], $0xffff;
	[tilespmem:v0+s26+$0x0 ss:$0x1] =	vst.idx.msk $0xffff, v58  }
0x1b: {  	s3 =	sor.u32 $0x10, s1;
	v49 =	vld.idx.msk [tilespmem:v1+s2+$0x0 ss:$0x1], $0xffff;
	[tilespmem:v0+s28+$0x0 ss:$0x1] =	vst.idx.msk $0xffff, v59  }
0x1c: {  	s5 =	sor.u32 $0x20, s1;
	v50 =	vld.idx.msk [tilespmem:v1+s3+$0x0 ss:$0x1], $0xffff;
	[tilespmem:v0+s29+$0x0 ss:$0x1] =	vst.idx.msk $0xffff, v60  }
0x1d: {  	s8 =	sor.u32 $0x30, s1;
	v51 =	vld.idx.msk [tilespmem:v1+s5+$0x0 ss:$0x1], $0xffff;
	[tilespmem:v0+s30+$0x0 ss:$0x1] =	vst.idx.msk $0xffff, v61  }
0x1e: {  	s21 =	sor.u32 $0x40, s1;
	v52 =	vld.idx.msk [tilespmem:v1+s8+$0x0 ss:$0x1], $0xffff;
	[tilespmem:v0+s31+$0x0 ss:$0x1] =	vst.idx.msk $0xffff, v62  }
0x1f: {  	s22 =	sor.u32 $0x50, s1;
	v53 =	vld.idx.msk [tilespmem:v1+s21+$0x0 ss:$0x1], $0xffff;
	[tilespmem:v0+s0+$0x0 ss:$0x1] =	vst.idx.msk $0xffff, v63  }
0x20: {  	s23 =	sor.u32 $0x60, s1;
	v54 =	vld.idx.msk [tilespmem:v1+s22+$0x0 ss:$0x1], $0xffff;
	[tilespmem:v0+s2+$0x0 ss:$0x1] =	vst.idx.msk $0xffff, v49  }
0x21: {  	v55 =	vld.idx.msk [tilespmem:v1+s23+$0x0 ss:$0x1], $0xffff;
	s1 =	sor.u32 $0x70, s1;
	[tilespmem:v0+s3+$0x0 ss:$0x1] =	vst.idx.msk $0xffff, v50  }
0x22: {  	v56 =	vld.idx.msk [tilespmem:v1+s1+$0x0 ss:$0x1], $0xffff;
	[tilespmem:v0+s5+$0x0 ss:$0x1] =	vst.idx.msk $0xffff, v51  }
0x23: {  	[tilespmem:v0+s8+$0x0 ss:$0x1] =	vst.idx.msk $0xffff, v52  }
0x24: {  	[tilespmem:v0+s21+$0x0 ss:$0x1] =	vst.idx.msk $0xffff, v53  }
0x25: {  	[tilespmem:v0+s22+$0x0 ss:$0x1] =	vst.idx.msk $0xffff, v54  }
0x26: {  	[tilespmem:v0+s23+$0x0 ss:$0x1] =	vst.idx.msk $0xffff, v55  }
0x27: {  	[tilespmem:v0+s1+$0x0 ss:$0x1] =	vst.idx.msk $0xffff, v56  }
.LBB2_10:
0x28: {  	s0 =	sshll.u32 s10, $0x8;
	s1 =	sshll.u32 s10, $0x7  }
0x29: {  	s0 =	sand.u32 $0xFFFFF800, s0;
	s1 =	sand.u32 $0x300, s1  }
0x2a: {  	s0 =	sor.u32 s1, s0  }
0x2b: {  	s0 =	sshrl.u32 s0, $0x8  }
0x2c: {  	s28 =	smulhi.u32 $0x1A36E3, s0;
	_ =	sdelay $0x1  }
0x2d: {  	s1 =	sshrl.u32 s28, $0x2  }
0x2e: {  	s1 =	smul.u32 $0x2710, s1  }
0x2f: {  	s2 =	sshll.u32 s10, $0x4  }
0x30: {  	s30 =	rddreg [dreg:$0x2];
	s29 =	sand.u32 $0x10, s2;
	s0 =	ssub.s32 s0, s1  }
0x31: {  	s1 =	sadd.s32 s30, s29;
	s0 =	sshll.u32 s0, $0x5  }
0x32: {  	s31 =	simm.s32 $0x0;
	s0 =	sadd.s32 s0, s1  }
0x33: {  	[hbm4b:s0+s31] =	stream.linear.scatter [tilespmem:s14], [sflag:$0x2], s13, $0x38;
	[tilespmem:$0x10000] =	vst v63  }
.LBB2_11:
0x34: {  	p1 =	slt.u32 s11, $0x2  }
0x35: {  	p2 =	sgt.s32 @!p1 s12, $0x26D0  }
0x36: {  	s0 =	smov.u32 s12;
	s1 =	sshra.s32 @!p1 s12, $0x1F;
	p2 =	por !p2, p1  }
0x37: {  	s1 =	sand.u32 @!p1 s1, s12;
	s0 =	simm.s32 @p2 $0x26D0  }
0x38: {  	s0 =	ssub.s32 @!p1 s0, s1  }
0x39: {  	s0 =	sadd.s32 @!p1 $0xFFFFD930, s0  }
0x3a: {  	s1 =	sshll.u32 @!p1 s0, $0xA  }
0x3b: {  	p2 =	sgt.s32 @!p1 s0, $0x3F;
	s0 =	ssub.s32 @!p1 $0x10000, s1  }
0x3c: {  	s2 =	sadd.s32 $0x800, s9;
	p2 =	por !p2, p1;
	s0 =	sshrl.u32 @!p1 s0, $0x2  }
0x3d: {  	s0 =	simm.s32 @!p2 $0x0;
	p2 =	sgt.s32 s2, $0x270F  }
0x3e: {  	s2 =	smov.u32 @p2 s4;
	p2 =	sne.s32 s11, s7  }
.Ltmp1:
0x3f: {  	_ = 	snop;
	(pc) =	sbr.rel @!p2 .LBB2_12-.Ltmp1, $4  }
0x40: {  	s1 =	simm.s32 @!p1 $0x2  }
0x41: {  	s12 =	smov.u32 s10;
	_ =	swait.ge @!p1 [sflag:s1], s0  }
0x42: {  	s10 =	smov.u32 s9;
	s0 =	ssub.s32 @!p1 $0x0, s0;
	[sflag:s1] =	ssyncset.done @!p1 $0x0  }
0x43: {  	s11 =	sadd.s32 $0x1, s11;
	s9 =	smov.u32 s2;
	[sflag:s1] =	ssyncadd.s32 @!p1 s0  }
.LBB2_1:
0x44: {  	p1 =	sgt.u32 s11, s6  }
0x45: {  	s13 =	sshll.u32 @!p1 s9, $0x8;
	s14 =	sshll.u32 @!p1 s9, $0x7  }
0x46: {  	s13 =	sand.u32 @!p1 $0xFFFFF800, s13;
	s14 =	sand.u32 @!p1 $0x300, s14  }
0x47: {  	s13 =	sor.u32 @!p1 s14, s13  }
0x48: {  	s15 =	smov.u32 s9;
	p2 =	sgt.s32 @!p1 s9, $0x26D0;
	s13 =	sshrl.u32 @!p1 s13, $0x8  }
0x49: {  	s16 =	sshra.s32 @!p1 s9, $0x1F;
	p2 =	por !p2, p1;
	s14 =	smulhi.u32 @!p1 $0x1A36E3, s13  }
0x4a: {  	s16 =	sand.u32 @!p1 s16, s9;
	s15 =	simm.s32 @p2 $0x26D0  }
0x4b: {  	s15 =	ssub.s32 @!p1 s15, s16;
	s16 =	sxor.u32 @!p1 $0xFFFFFFFF, s11;
	s14 =	sshrl.u32 @!p1 s14, $0x2  }
0x4c: {  	s15 =	sadd.s32 @!p1 $0xFFFFD930, s15;
	s16 =	sshll.u32 @!p1 s16, $0xE;
	s14 =	smul.u32 @!p1 $0x2710, s14  }
0x4d: {  	p2 =	sgt.s32 @!p1 s15, $0x3F;
	s16 =	sand.u32 @!p1 $0x4000, s16  }
0x4e: {  	s13 =	ssub.s32 @!p1 s13, s14;
	s14 =	sshll.u32 @!p1 s15, $0xA;
	s15 =	sshll.u32 @!p1 s9, $0x4  }
0x4f: {  	p2 =	por !p2, p1;
	s14 =	ssub.s32 @!p1 $0x10000, s14;
	s15 =	sand.u32 @!p1 $0x10, s15  }
0x50: {  	s13 =	sshll.u32 @!p1 s13, $0x5;
	s14 =	sshrl.u32 @!p1 s14, $0x2;
	s15 =	sadd.s32 @!p1 s25, s15  }
0x51: {  	s14 =	simm.s32 @!p2 $0x0;
	s13 =	sadd.s32 @!p1 s13, s15;
	s15 =	simm.s32 @!p1 $0x0  }
0x52: {  	[tilespmem:s16], [sflag:$0x1] =	stream.linear.gather @!p1 [hbm4b:s13+s15], s14, $0x38;
	[tilespmem:$0x10000] =	vst v63  }
0x53: {  	p1 =	seq.s32 s11, $0x0  }
0x54: {  	p2 =	sge.u32 @!p1 s11, s7  }
0x55: {  	p1 =	por p1, p2  }
.Ltmp2:
0x56: {  	_ = 	snop;
	(pc) =	sbr.rel @p1 .LBB2_11-.Ltmp2, $1  }
0x57: {  	_ =	sdelay $0x3  }
0x58: {  	p1 =	sgt.s32 s10, $0x26D0;
	s13 =	smov.u32 s10;
	s14 =	sshra.s32 s10, $0x1F  }
0x59: {  	s13 =	simm.s32 @!p1 $0x26D0;
	s14 =	sand.u32 s14, s10  }
0x5a: {  	s13 =	ssub.s32 s13, s14  }
0x5b: {  	s13 =	sadd.s32 $0xFFFFD930, s13  }
0x5c: {  	s31 =	sshll.u32 s13, $0xA  }
0x5d: {  	s14 =	ssub.s32 $0x10000, s31  }
0x5e: {  	p1 =	sgt.s32 s13, $0x3F;
	s13 =	sshrl.u32 s14, $0x2;
	s14 =	sadd.s32 $0x40, s10  }
0x5f: {  	s13 =	simm.s32 @p1 $0x0;
	p1 =	slt.s32 s14, $0x2710  }
0x60: {  	s14 =	simm.s32 @!p1 $0x2710  }
0x61: {  	s15 =	ssub.s32 s14, s10  }
0x62: {  	p1 =	slt.s32 s15, $0x1  }
.Ltmp3:
0x63: {  	_ = 	snop;
	(pc) =	sbr.rel @p1 .LBB2_10-.Ltmp3, $4  }
0x64: {  	s0 =	simm.s32 $0x1  }
0x65: {  	s16 =	sshll.u32 s11, $0xE;
	_ =	swait.ge [sflag:s0], s13  }
0x66: {  	s16 =	sand.u32 $0x4000, s16;
	s17 =	ssub.s32 $0x0, s13;
	[sflag:s0] =	ssyncset.done $0x0  }
0x67: {  	s14 =	sor.u32 $0x8000, s16;
	[sflag:s0] =	ssyncadd.s32 s17  }
0x68: {  	p2 =	sne.s32 s15, $0x1  }
.Ltmp4:
0x69: {  	v1 =	vmov s16;
	v0 =	vmov s14;
	(pc) =	sbr.rel @!p2 .LBB2_4-.Ltmp4, $3  }
0x6a: {  	_ =	sdelay $0x1  }
0x6b: {  	s18 =	simm.s32 $0x0;
	s26 =	sadd.s32 $0xFFFFFFFF, s15  }
0x6c: {  	p1 =	por $0x0, $0x0;
	s28 =	sand.u32 $0xFFFFF800, s18;
	s29 =	sand.u32 $0x380, s18  }
0x6d: {  	_ = 	snop  }
0x6e: {  	s15 =	sor.u32 s29, s28  }
0x6f: {  	s16 =	sand.u32 $0x80, s18;
	s17 =	sand.u32 $0x3B00, s15  }
0x70: {  	s31 =	sand.u32 $0x3B80, s15;
	s16 =	sor.u32 s16, s17  }
0x71: {  	s19 =	sor.u32 $0x410, s31;
	v2 =	vld.idx.msk [tilespmem:v1+s16+$0x0 ss:$0x1], $0xffff  }
0x72: {  	s17 =	sor.u32 $0x400, s16;
	v6 =	vld.idx.msk [tilespmem:v1+s19+$0x0 ss:$0x1], $0xffff  }
0x73: {  	s5 =	sor.u32 $0x10, s16;
	v3 =	vld.idx.msk [tilespmem:v1+s17+$0x0 ss:$0x1], $0xffff  }
0x74: {  	s8 =	sor.u32 $0x20, s16;
	v4 =	vld.idx.msk [tilespmem:v1+s5+$0x0 ss:$0x1], $0xffff  }
0x75: {  	s28 =	sor.u32 $0x30, s16;
	v5 =	vld.idx.msk [tilespmem:v1+s8+$0x0 ss:$0x1], $0xffff  }
0x76: {  	s29 =	sor.u32 $0x40, s16;
	v7 =	vld.idx.msk [tilespmem:v1+s28+$0x0 ss:$0x1], $0xffff  }
0x77: {  	s30 =	sor.u32 $0x50, s16;
	v8 =	vld.idx.msk [tilespmem:v1+s29+$0x0 ss:$0x1], $0xffff;
	[tilespmem:v0+s16+$0x0 ss:$0x1] =	vst.idx.msk $0xffff, v2  }
0x78: {  	s4 =	smov.u32 s6;
	p2 =	sne.s32 s26, $0x1;
	s23 =	sor.u32 $0x60, s16;
	v9 =	vld.idx.msk [tilespmem:v1+s30+$0x0 ss:$0x1], $0xffff;
	[tilespmem:v0+s17+$0x0 ss:$0x1] =	vst.idx.msk $0xffff, v3  }
.Ltmp5:
0x79: {  	s6 =	smov.u32 s25;
	s22 =	sor.u32 $0x70, s16;
	v2 =	vld.idx.msk [tilespmem:v1+s23+$0x0 ss:$0x1], $0xffff;
	[tilespmem:v0+s5+$0x0 ss:$0x1] =	vst.idx.msk $0xffff, v4;
	(pc) =	sbr.rel @!p2 .LBB2_6-.Ltmp5, $4  }
0x7a: {  	s25 =	simm.s32 $0x100;
	s18 =	simm.s32 $0x80;
	s24 =	sor.u32 $0x420, s31;
	v3 =	vld.idx.msk [tilespmem:v1+s22+$0x0 ss:$0x1], $0xffff;
	[tilespmem:v0+s8+$0x0 ss:$0x1] =	vst.idx.msk $0xffff, v5  }
0x7b: {  	s26 =	sadd.s32 $0xFFFFFFFF, s26;
	p1 =	por $0x1, $0x1;
	s21 =	sor.u32 $0x430, s31;
	[tilespmem:v0+s28+$0x0 ss:$0x1] =	vst.idx.msk $0xffff, v7;
	v4 =	vld.idx.msk [tilespmem:v1+s24+$0x0 ss:$0x1], $0xffff  }
0x7c: {  	s20 =	sor.u32 $0x440, s31;
	s15 =	sor.u32 $0x450, s31;
	s16 =	sor.u32 $0x460, s31;
	[tilespmem:v0+s29+$0x0 ss:$0x1] =	vst.idx.msk $0xffff, v8;
	v5 =	vld.idx.msk [tilespmem:v1+s21+$0x0 ss:$0x1], $0xffff  }
0x7d: {  	s17 =	sor.u32 $0x470, s31;
	s28 =	sand.u32 $0xFFFFF800, s25;
	s29 =	sand.u32 $0x380, s18;
	[tilespmem:v0+s30+$0x0 ss:$0x1] =	vst.idx.msk $0xffff, v9;
	v7 =	vld.idx.msk [tilespmem:v1+s20+$0x0 ss:$0x1], $0xffff  }
.LBB2_7:
0x7e: {  	p2 =	sne.s32 s26, $0x1;
	s28 =	sor.u32 s29, s28;
	[tilespmem:v0+s23+$0x0 ss:$0x1] =	vst.idx.msk $0xffff, v2;
	v2 =	vld.idx.msk [tilespmem:v1+s15+$0x0 ss:$0x1], $0xffff  }
0x7f: {  	s23 =	sand.u32 $0x80, s18;
	s29 =	sand.u32 $0x3B00, s28;
	s28 =	sand.u32 $0x3B80, s28;
	[tilespmem:v0+s22+$0x0 ss:$0x1] =	vst.idx.msk $0xffff, v3;
	v3 =	vld.idx.msk [tilespmem:v1+s16+$0x0 ss:$0x1], $0xffff  }
0x80: {  	s29 =	sor.u32 s23, s29;
	s30 =	sor.u32 $0x420, s28;
	[tilespmem:v0+s19+$0x0 ss:$0x1] =	vst.idx.msk $0xffff, v6;
	s19 =	sor.u32 $0x410, s28;
	v6 =	vld.idx.msk [tilespmem:v1+s17+$0x0 ss:$0x1], $0xffff  }
0x81: {  	v8 =	vld.idx.msk [tilespmem:v1+s29+$0x0 ss:$0x1], $0xffff;
	s31 =	sor.u32 $0x10, s29;
	s0 =	sor.u32 $0x20, s29;
	s1 =	sor.u32 $0x400, s29;
	[tilespmem:v0+s24+$0x0 ss:$0x1] =	vst.idx.msk $0xffff, v4  }
0x82: {  	s3 =	sor.u32 $0x30, s29;
	s8 =	sor.u32 $0x40, s29;
	s2 =	sor.u32 $0x50, s29;
	v4 =	vld.idx.msk [tilespmem:v1+s1+$0x0 ss:$0x1], $0xffff;
	[tilespmem:v0+s21+$0x0 ss:$0x1] =	vst.idx.msk $0xffff, v5  }
0x83: {  	s23 =	sor.u32 $0x60, s29;
	s22 =	sor.u32 $0x70, s29;
	s21 =	sor.u32 $0x430, s28;
	v5 =	vld.idx.msk [tilespmem:v1+s31+$0x0 ss:$0x1], $0xffff;
	[tilespmem:v0+s20+$0x0 ss:$0x1] =	vst.idx.msk $0xffff, v7  }
0x84: {  	s5 =	sor.u32 $0x460, s28;
	s20 =	sor.u32 $0x440, s28;
	v7 =	vld.idx.msk [tilespmem:v1+s0+$0x0 ss:$0x1], $0xffff;
	[tilespmem:v0+s15+$0x0 ss:$0x1] =	vst.idx.msk $0xffff, v2;
	s15 =	sor.u32 $0x450, s28  }
0x85: {  	s24 =	smov.u32 s30;
	s28 =	sor.u32 $0x470, s28;
	v9 =	vld.idx.msk [tilespmem:v1+s3+$0x0 ss:$0x1], $0xffff;
	[tilespmem:v0+s16+$0x0 ss:$0x1] =	vst.idx.msk $0xffff, v3;
	s16 =	smov.u32 s5  }
0x86: {  	v10 =	vld.idx.msk [tilespmem:v1+s8+$0x0 ss:$0x1], $0xffff;
	[tilespmem:v0+s17+$0x0 ss:$0x1] =	vst.idx.msk $0xffff, v6;
	s17 =	smov.u32 s28  }
0x87: {  	[tilespmem:v0+s29+$0x0 ss:$0x1] =	vst.idx.msk $0xffff, v8;
	v8 =	vld.idx.msk [tilespmem:v1+s2+$0x0 ss:$0x1], $0xffff  }
0x88: {  	v2 =	vld.idx.msk [tilespmem:v1+s23+$0x0 ss:$0x1], $0xffff;
	[tilespmem:v0+s1+$0x0 ss:$0x1] =	vst.idx.msk $0xffff, v4  }
.Ltmp6:
0x89: {  	[tilespmem:v0+s31+$0x0 ss:$0x1] =	vst.idx.msk $0xffff, v5;
	v3 =	vld.idx.msk [tilespmem:v1+s22+$0x0 ss:$0x1], $0xffff;
	(pc) =	sbr.rel @p2 .LBB2_7-.Ltmp6, $4  }
0x8a: {  	[tilespmem:v0+s0+$0x0 ss:$0x1] =	vst.idx.msk $0xffff, v7;
	v6 =	vld.idx.msk [tilespmem:v1+s19+$0x0 ss:$0x1], $0xffff  }
0x8b: {  	[tilespmem:v0+s3+$0x0 ss:$0x1] =	vst.idx.msk $0xffff, v9;
	v4 =	vld.idx.msk [tilespmem:v1+s24+$0x0 ss:$0x1], $0xffff  }
0x8c: {  	s18 =	sadd.s32 $0x80, s18;
	s25 =	sadd.s32 $0x100, s25;
	[tilespmem:v0+s8+$0x0 ss:$0x1] =	vst.idx.msk $0xffff, v10;
	v5 =	vld.idx.msk [tilespmem:v1+s21+$0x0 ss:$0x1], $0xffff  }
0x8d: {  	s26 =	sadd.s32 $0xFFFFFFFF, s26;
	s28 =	sand.u32 $0xFFFFF800, s25;
	s29 =	sand.u32 $0x380, s18;
	[tilespmem:v0+s2+$0x0 ss:$0x1] =	vst.idx.msk $0xffff, v8;
	v7 =	vld.idx.msk [tilespmem:v1+s20+$0x0 ss:$0x1], $0xffff  }
.Ltmp7:
0x8e: {  	(pc) =	sbr.rel .LBB2_9-.Ltmp7, $2  }
0x8f: {  	_ =	sdelay $0x2  }
0x90: {  	s25 =	smov.u32 s6;
	s6 =	smov.u32 s4;
	s4 =	rddreg [dreg:$0x5]  }
.LBB2_6:
.Ltmp8:
0x91: {  	(pc) =	sbr.rel .LBB2_9-.Ltmp8, $2  }
0x92: {  	_ =	sdelay $0x2  }
0x93: {  	s25 =	smov.u32 s6;
	s6 =	smov.u32 s4;
	s4 =	rddreg [dreg:$0x5]  }
.LBB2_12:
0x94: {  	_ =	sfence.sel $0x180000  }
0x95: {  	s0 =	simm.s32 $0x1;
	[bflag:$0x0] =	sbarrier.arrive $0xFFFF  }
0x96: {  	s31 =	simm.s32 $0x2;
	[sflag:s0] =	ssyncpa.u1 $0x1  }
0x97: {  	[sflag:s31] =	ssyncpa.u1 $0x1  }
0x98: {  	_ =	strace $0x90000050  }
0x99: {  	[bflag:$0x2] =	sbarrier.arrive $0xFFFF  }
0x9a: {  	s0 =	rddreg [dreg:$0x3]  }
0x9b: {  	s0 =	sadd.s32 @!p0 $0x100000, s0  }
0x9c: {  	s1 =	rddreg [dreg:$0x4];
	[sflag:s0] =	ssyncadd.tile.s32 @!p0 $0x1;
	s0 =	simm.s32 @!p0 $0x3F  }
0x9d: {  	_ =	swait.ge @!p0 [sflag:s0], s1  }
0x9e: {  	s1 =	ssub.s32 @!p0 $0x0, s1;
	[sflag:s0] =	ssyncset.done @!p0 $0x0  }
0x9f: {  	[sflag:s0] =	ssyncadd.s32 @!p0 s1  }
0xa0: {  	[bflag:$0x3] =	sbarrier.arrive $0xFFFF  }
0xa1: {  	_ =	shalt  }
.Lfunc_end2:
execute1_lowered:
.L_overlay_start_2:
0xa2: {  	(tag) =	ssettag $0x2  }
0xa3: {  	s1 =	rddreg [dreg:$0x0]  }
0xa4: {  	s2 =	rddreg [dreg:$0x1];
	_ =	strace $0x80000053;
	s0 =	simm.s32 $0x1  }
0xa5: {  	s5 =	simm.s32 $0x208;
	v0 =	vimm.s32 $0x0;
	[sflag:s0] =	ssyncpa.u1 $0x0  }
0xa6: {  	[tilespmem:s5+$0x70] =	vst v0  }
0xa7: {  	[tilespmem:s5+$0x60] =	vst v0  }
0xa8: {  	[tilespmem:s5+$0x50] =	vst v0  }
0xa9: {  	[tilespmem:s5+$0x40] =	vst v0  }
0xaa: {  	[tilespmem:s5+$0x30] =	vst v0  }
0xab: {  	s0 =	sadd.s32 $0x9D8C00, s1;
	s6 =	sadd.s32 $0x4E7000, s1;
	[tilespmem:s5+$0x20] =	vst v0  }
0xac: {  	s4 =	sadd.s32 $0x9DDC00, s1;
	s10 =	sand.u32 $0x1, s2;
	s2 =	simm.s32 $0x40;
	[tilespmem:s5+$0x10] =	vst v0  }
.LBB3_1:
0xad: {  	s2 =	sadd.s32 $0x40, s2;
	[tilespmem:s5+$0x0] =	vst v0;
	s5 =	sadd.s32 $0x80, s5  }
0xae: {  	p0 =	slt.u32 s2, $0x3880;
	[tilespmem:s5+$0x70] =	vst v0  }
0xaf: {  	[tilespmem:s5+$0x60] =	vst v0  }
.Ltmp9:
0xb0: {  	[tilespmem:s5+$0x50] =	vst v0;
	(pc) =	sbr.rel @p0 .LBB3_1-.Ltmp9, $4  }
0xb1: {  	[tilespmem:s5+$0x40] =	vst v0  }
0xb2: {  	[tilespmem:s5+$0x30] =	vst v0  }
0xb3: {  	[tilespmem:s5+$0x20] =	vst v0  }
0xb4: {  	[tilespmem:s5+$0x10] =	vst v0  }
0xb5: {  	s11 =	stileid.u32  }
0xb6: {  	s2 =	smul.u32 $0x2C, s11  }
0xb7: {  	s3 =	smin.u32 s11, $0xB  }
0xb8: {  	s2 =	sadd.s32 s3, s2  }
0xb9: {  	p0 =	slt.u32 s11, $0xB;
	s20 =	smul.u32 $0x70, s2;
	s2 =	simm.s32 $0x13B0  }
0xba: {  	s2 =	simm.s32 @!p0 $0x1340  }
0xbb: {  	s2 =	sadd.s32 s2, s20  }
0xbc: {  	s8 =	smin.u32 s2, $0x13880  }
0xbd: {  	s26 =	simm.s32 $0x2;
	s2 =	ssub.s32 s8, s20  }
0xbe: {  	s9 =	simm.s32 $0x9;
	s29 =	simm.s32 $0xA;
	p0 =	sgt.s32 s2, $0x0  }
0xbf: {  	s30 =	simm.s32 $0xB;
	s31 =	smul.u32 $0x2710, s10;
	s2 =	simm.s32 @!p0 $0x0  }
0xc0: {  	[dreg:$0x4] =	wrdreg s10;
	s12 =	simm.s32 $0x1;
	s25 =	smulhi.u32 $0x92492493, s2  }
0xc1: {  	s24 =	simm.s32 $0x0;
	p1 =	por $0x0, $0x0;
	s18 =	simm.s32 $0x80  }
0xc2: {  	s19 =	simm.s32 $0x400;
	s17 =	simm.s32 $0xC;
	s3 =	sshrl.u32 s25, $0x6  }
0xc3: {  	s21 =	simm.s32 $0x0;
	s23 =	simm.s32 $0x0;
	s28 =	smul.u32 $0x70, s3  }
.Ltmp10:
0xc4: {  	[tilespmem:s5+$0x0] =	vst v0;
	v0 =	vimm.s32 $0xFFFFFFFF;
	[sflag:s26] =	ssyncpa.u1 $0x0;
	s16 =	sshll.u32 s11, $0x9;
	(pc) =	sbr.rel .LBB3_3-.Ltmp10, $4  }
0xc5: {  	[tilespmem:$0xE408] =	vst v0;
	[sflag:s9] =	ssyncpa.u1 $0x0;
	p0 =	sne.s32 s2, s28;
	s2 =	simm.s32 $0x1  }
0xc6: {  	s14 =	sadd.s32 s31, s4;
	[sflag:s29] =	ssyncpa.u1 $0x0;
	s2 =	simm.s32 @!p0 $0x0  }
0xc7: {  	s15 =	sadd.s32 s31, s0;
	[sflag:s30] =	ssyncpa.u1 $0x0;
	s13 =	sadd.s32 s2, s3  }
0xc8: {  	v0 =	vlaneseq.u32;
	s22 =	smov.u32 s20;
	p0 =	por $0x1, $0x1;
	s11 =	sadd.s32 $0x1, s13  }
.LBB3_24:
0xc9: {  	s2 =	sshrl.u32 s4, $0x2  }
.LBB3_26:
0xca: {  	_ =	swait.ge [sflag:s17], s2  }
0xcb: {  	s31 =	ssub.s32 $0x0, s2;
	v1 =	vmov s26;
	vm0 =	veq.s32 v0, $0x0;
	[sflag:s17] =	ssyncset.done $0x0  }
0xcc: {  	vm15 =	veq.s32 v0, $0x2;
	v1 =	vsel vm0, s0, v1;
	[sflag:s17] =	ssyncadd.s32 s31  }
0xcd: {  	v1 =	vsel vm15, s24, v1;
	[sflag:s17] =	ssyncpa.u1 $0x1  }
0xce: {  	[tilespmem:$0xE408] =	vst v1  }
.LBB3_27:
0xcf: {  	s0 =	sadd.s32 $0x70, s22  }
0xd0: {  	s2 =	smov.u32 s20;
	p2 =	slt.s32 s0, s8  }
0xd1: {  	s2 =	smov.u32 @p2 s0;
	p2 =	sne.s32 s23, s11  }
.Ltmp11:
0xd2: {  	_ = 	snop;
	(pc) =	sbr.rel @!p2 .LBB3_28-.Ltmp11, $4  }
0xd3: {  	_ = 	snop  }
0xd4: {  	s24 =	smov.u32 s21  }
0xd5: {  	s31 =	sadd.s32 $0x1, s23;
	s21 =	smov.u32 s22;
	p0 =	por !p0, !p0  }
0xd6: {  	p1 =	por !p1, !p1;
	s23 =	smov.u32 s31;
	s22 =	smov.u32 s2  }
.LBB3_3:
0xd7: {  	p2 =	sge.u32 s23, s13  }
0xd8: {  	s0 =	smulhi.u32 @!p2 $0xAAAAAAAB, s23  }
0xd9: {  	s2 =	smov.u32 s22;
	p3 =	sgt.s32 @!p2 s22, $0x13810  }
0xda: {  	s3 =	sshra.s32 @!p2 s22, $0x1F;
	p3 =	por !p3, p2;
	s0 =	sshrl.u32 @!p2 s0, $0x1  }
0xdb: {  	s3 =	sand.u32 @!p2 s3, s22;
	s2 =	simm.s32 @p3 $0x13810;
	s0 =	smul.u32 @!p2 $0x3, s0  }
0xdc: {  	s2 =	ssub.s32 @!p2 s2, s3  }
0xdd: {  	s2 =	sadd.s32 @!p2 $0xFFFEC7F0, s2;
	s0 =	ssub.s32 @!p2 s23, s0  }
0xde: {  	s3 =	sshll.u32 @!p2 s2, $0x2;
	p3 =	sgt.s32 @!p2 s2, $0x6F;
	s0 =	smul.u32 @!p2 $0x1C0, s0  }
0xdf: {  	s4 =	sand.u32 @!p2 $0x7, s22;
	s2 =	ssub.s32 @!p2 $0x1C0, s3;
	p3 =	por !p3, p2  }
0xe0: {  	s3 =	sshrl.u32 @!p2 s22, $0x3;
	s2 =	sshrl.u32 @!p2 s2, $0x2;
	s0 =	sshrl.u32 @!p2 s0, $0x2  }
0xe1: {  	s3 =	sadd.s32 @!p2 s3, s14;
	s2 =	simm.s32 @!p3 $0x0;
	s0 =	sadd.s32 @!p2 $0x10448, s0  }
0xe2: {  	[tilespmem:s0], [sflag:$0xA] =	stream.linear.gather @!p2 [hbm4b:s3+s4], s2, $0x38;
	[tilespmem:$0x1E678] =	vst v63  }
0xe3: {  	s2 =	sadd.s32 $0xFFFFFFFF, s23  }
0xe4: {  	p2 =	sge.u32 s2, s13  }
0xe5: {  	p3 =	sgt.s32 @!p2 s21, $0x13810  }
0xe6: {  	s0 =	smov.u32 s21;
	s3 =	sshra.s32 @!p2 s21, $0x1F;
	p3 =	por !p3, p2  }
0xe7: {  	s3 =	sand.u32 @!p2 s3, s21;
	s0 =	simm.s32 @p3 $0x13810  }
0xe8: {  	s0 =	ssub.s32 @!p2 s0, s3  }
0xe9: {  	s0 =	sadd.s32 @!p2 $0xFFFEC7F0, s0  }
0xea: {  	s3 =	sshll.u32 @!p2 s0, $0x2  }
0xeb: {  	p3 =	sgt.s32 @!p2 s0, $0x6F;
	s0 =	ssub.s32 @!p2 $0x1C0, s3  }
0xec: {  	p3 =	por !p3, p2;
	s0 =	sshrl.u32 @!p2 s0, $0x2  }
0xed: {  	s4 =	simm.s32 @!p2 $0xA;
	s3 =	sand.u32 @!p2 $0x1, s2;
	s0 =	simm.s32 @!p3 $0x0  }
0xee: {  	s3 =	smul.u32 @!p2 $0x1C0, s3;
	_ =	swait.ge @!p2 [sflag:s4], s0  }
0xef: {  	s5 =	ssub.s32 @!p2 $0x0, s0;
	[sflag:s4] =	ssyncset.done @!p2 $0x0  }
0xf0: {  	s3 =	sshrl.u32 @!p2 s3, $0x2;
	[sflag:s4] =	ssyncadd.s32 @!p2 s5;
	s4 =	sshrl.u32 @!p2 s21, $0x3  }
0xf1: {  	s3 =	sadd.s32 @!p2 $0x10598, s3;
	s5 =	sand.u32 @!p2 $0x7, s21;
	s4 =	sadd.s32 @!p2 s4, s15  }
0xf2: {  	[tilespmem:s3], [sflag:$0xB] =	stream.linear.gather @!p2 [hbm4b:s4+s5], s0, $0x38;
	[tilespmem:$0x1E678] =	vst v63  }
0xf3: {  	s0 =	ssub.s32 @!p2 $0x13880, s21  }
0xf4: {  	p3 =	slt.s32 @!p2 s0, $0x1  }
0xf5: {  	p3 =	por p2, p3  }
.Ltmp12:
0xf6: {  	_ = 	snop;
	(pc) =	sbr.rel @p3 .LBB3_9-.Ltmp12, $1  }
0xf7: {  	_ =	sdelay $0x3  }
0xf8: {  	s3 =	smulhi.u32 $0xAAAAAAAB, s2;
	_ =	sdelay $0x1  }
0xf9: {  	s3 =	sshrl.u32 s3, $0x1  }
0xfa: {  	s3 =	smul.u32 $0x3, s3;
	_ =	sdelay $0x1  }
0xfb: {  	s30 =	ssub.s32 s2, s3  }
0xfc: {  	s4 =	simm.s32 $0x1;
	s2 =	smul.u32 $0x1C0, s30  }
.Ltmp13:
0xfd: {  	s4 =	simm.s32 @!p0 $0x0;
	(pc) =	sbr.rel .LBB3_6-.Ltmp13, $4  }
0xfe: {  	s31 =	smul.u32 $0x1C000, s4  }
0xff: {  	p3 =	slt.s32 @!p2 s0, $0x70;
	s2 =	sshrl.u32 s2, $0x2  }
0x100: {  	p2 =	por !p3, p2;
	s3 =	sshrl.u32 s31, $0x2;
	s5 =	sadd.s32 $0x10448, s2  }
0x101: {  	s0 =	simm.s32 @p2 $0x70;
	s4 =	sor.u32 $0x10678, s3;
	s2 =	simm.s32 $0x0;
	v1 =	vmov s5  }
.LBB3_5:
0x102: {  	p2 =	sge.s32 s2, s0  }
.Ltmp14:
0x103: {  	_ = 	snop;
	(pc) =	sbr.rel @p2 .LBB3_9-.Ltmp14, $2  }
0x104: {  	_ =	sdelay $0x2  }
0x105: {  	s4 =	sadd.s32 $0x1000, s4  }
.LBB3_6:
0x106: {  	p2 =	sle.s32 s0, s2  }
.Ltmp15:
0x107: {  	_ = 	snop;
	(pc) =	sbr.rel @p2 .LBB3_5-.Ltmp15, $2  }
0x108: {  	_ =	sdelay $0x2  }
0x109: {  	s5 =	smov.u32 s2;
	s2 =	sadd.s32 $0x10, s2  }
0x10a: {  	s3 =	ssub.s32 s0, s5  }
0x10b: {  	p2 =	slt.s32 s3, $0x10  }
0x10c: {  	s3 =	simm.s32 @!p2 $0x10  }
0x10d: {  	v2 =	vmov s3  }
0x10e: {  	vm0 =	vgt.s32 v2, v0;
	_ =	sdelay $0x5  }
0x10f: {  	v2 =	vld.idx.msk [tilespmem:v1+s5+$0x0 ss:$0x1], vm0;
	_ =	sdelay $0x2  }
0x110: {  	p2 =	slt.s32 s2, s0;
	s3 =	smov.u32 s0  }
0x111: {  	s9 =	smov.u32 s4;
	s25 =	simm.s32 $0x0;
	s3 =	smov.u32 @p2 s2  }
.LBB3_8:
0x112: {  	(v2sf) =	vpush v2, s25;
	_ =	sdelay $0xe  }
0x113: {  	s25 =	sadd.s32 $0x1, s25;
	s10 =	spop (v2sf)  }
0x114: {  	s31 =	sadd.s32 s25, s5;
	s26 =	sshll.u32 s10, $0x8;
	s10 =	sshll.u32 s10, $0x7  }
0x115: {  	p2 =	slt.s32 s31, s3;
	s26 =	sand.u32 $0xFFFFF800, s26;
	s10 =	sand.u32 $0x380, s10  }
.Ltmp16:
0x116: {  	s10 =	sor.u32 s10, s26;
	(pc) =	sbr.rel @p2 .LBB3_8-.Ltmp16, $4  }
0x117: {  	s10 =	sshrl.u32 s10, $0x3  }
0x118: {  	s10 =	sadd.s32 s6, s10  }
0x119: {  	[tilespmem:s9], [sflag:$0x9] =	stream.strided.gather [hbm4b:s10+s18], $0x100, s19, s18, $0x38;
	[tilespmem:$0x1E678] =	vst v63  }
0x11a: {  	s9 =	sadd.s32 $0x100, s9  }
.Ltmp17:
0x11b: {  	_ = 	snop;
	(pc) =	sbr.rel .LBB3_5-.Ltmp17, $1  }
0x11c: {  	_ =	sdelay $0x3  }
.LBB3_9:
0x11d: {  	p2 =	slt.u32 s23, $0x2  }
.Ltmp18:
0x11e: {  	_ = 	snop;
	(pc) =	sbr.rel @p2 .LBB3_27-.Ltmp18, $1  }
0x11f: {  	_ =	sdelay $0x3  }
0x120: {  	p2 =	sgt.s32 s24, $0x13810  }
0x121: {  	s0 =	smov.u32 s24;
	s2 =	sshra.s32 s24, $0x1F;
	s3 =	ssub.s32 $0x13880, s24  }
0x122: {  	s0 =	simm.s32 @!p2 $0x13810;
	s2 =	sand.u32 s2, s24;
	p2 =	slt.s32 s3, $0x70  }
0x123: {  	s0 =	ssub.s32 s0, s2;
	s3 =	simm.s32 @!p2 $0x70  }
0x124: {  	s0 =	sadd.s32 $0xFFFEC7F0, s0;
	s9 =	sshll.u32 s3, $0x8  }
0x125: {  	s26 =	simm.s32 $0x9;
	s10 =	sshll.u32 s0, $0x2;
	s2 =	sand.u32 $0x3FFFFF00, s9  }
0x126: {  	p2 =	sgt.s32 s0, $0x6F;
	s25 =	ssub.s32 $0x1C0, s10;
	_ =	swait.ge [sflag:s26], s2  }
0x127: {  	s2 =	ssub.s32 $0x0, s2;
	[sflag:s26] =	ssyncset.done $0x0;
	s0 =	sshrl.u32 s25, $0x2  }
0x128: {  	s29 =	simm.s32 $0xB;
	[sflag:s26] =	ssyncadd.s32 s2;
	s0 =	simm.s32 @p2 $0x0  }
0x129: {  	_ =	swait.ge [sflag:s29], s0  }
0x12a: {  	s0 =	ssub.s32 $0x0, s0;
	[sflag:s29] =	ssyncset.done $0x0  }
0x12b: {  	[sflag:s29] =	ssyncadd.s32 s0  }
0x12c: {  	v1 =	vld [tilespmem:$0xE408];
	_ =	sdelay $0x4  }
0x12d: {  	(v2sf) =	vpush v1, $0x0  }
0x12e: {  	(v2sf) =	vpush v1, $0x1  }
0x12f: {  	(v2sf) =	vpush v1, $0x2;
	_ =	sdelay $0x3  }
0x130: {  	s0 =	sadd.s32 $0x70, s24  }
0x131: {  	s2 =	ssub.s32 $0x27100, s24;
	p2 =	slt.s32 s8, s0  }
0x132: {  	s0 =	smov.u32 @p2 s8;
	p2 =	sgt.s32 s2, $0x0  }
0x133: {  	s0 =	ssub.s32 s0, s24;
	s2 =	simm.s32 @!p2 $0x0  }
0x134: {  	p2 =	slt.s32 s2, s0  }
0x135: {  	s0 =	smov.u32 @p2 s2  }
0x136: {  	s4 =	simm.s32 $0x1;
	p2 =	slt.s32 s0, $0x1  }
.Ltmp19:
0x137: {  	s4 =	simm.s32 @!p1 $0x0;
	(pc) =	sbr.rel @p2 .LBB3_14-.Ltmp19, $4  }
0x138: {  	s30 =	smul.u32 $0x1C0, s4  }
0x139: {  	s5 =	spop (v2sf)  }
0x13a: {  	s31 =	sshrl.u32 s30, $0x2;
	s28 =	spop (v2sf)  }
0x13b: {  	s25 =	sadd.s32 $0x10598, s31;
	s24 =	spop (v2sf)  }
0x13c: {  	s2 =	smin.u32 s0, $0x10  }
0x13d: {  	v1 =	vmov s2  }
0x13e: {  	vm1 =	vgt.u32 v1, v0  }
0x13f: {  	p3 =	sgt.s32 s0, $0x10  }
.Ltmp20:
0x140: {  	_ = 	snop;
	(pc) =	sbr.rel @!p3 .LBB3_13-.Ltmp20, $2  }
0x141: {  	_ =	sdelay $0x2  }
0x142: {  	s26 =	simm.s32 $0x10;
	s29 =	sadd.s32 $0xFFFFFFF0, s0;
	s2 =	smov.u32 s25;
	vm0 =	vmmov vm1;
	v1 =	vld.msk [tilespmem:s25+$0x0 ss:$0x1], vm1  }
.LBB3_12:
0x143: {  	s3 =	smin.u32 s29, $0x10;
	s26 =	sadd.s32 $0x10, s26  }
0x144: {  	v2 =	vmov s3;
	p3 =	slt.s32 s26, s0  }
0x145: {  	vm1 =	vgt.u32 v2, v0;
	_ =	sdelay $0x1  }
0x146: {  	v2 =	vshll.u32 v1, $0x5;
	v1 =	vshll.u32 v1, $0x4  }
.Ltmp21:
0x147: {  	v2 =	vand.u32 $0xFFFFFF00, v2;
	v1 =	vand.u32 $0x70, v1;
	(pc) =	sbr.rel @p3 .LBB3_12-.Ltmp21, $4  }
0x148: {  	v1 =	vor.u32 v1, v2  }
0x149: {  	[tilespmem:s2+$0x0] =	vst.msk vm0, v1;
	s2 =	sadd.s32 $0x10, s2;
	vm0 =	vmmov vm1  }
0x14a: {  	v1 =	vld.msk [tilespmem:s2+$0x0 ss:$0x1], vm1  }
0x14b: {  	s29 =	sadd.s32 $0xFFFFFFF0, s29  }
.LBB3_13:
0x14c: {  	_ =	sdelay $0x3  }
0x14d: {  	v2 =	vshll.u32 v1, $0x5;
	v1 =	vshll.u32 v1, $0x4  }
0x14e: {  	v2 =	vand.u32 $0xFFFFFF00, v2;
	v1 =	vand.u32 $0x70, v1  }
0x14f: {  	v1 =	vor.u32 v1, v2  }
0x150: {  	[tilespmem:s2+$0x0] =	vst.msk vm0, v1  }
.LBB3_14:
0x151: {  	s2 =	sand.u32 $0x1, s23  }
0x152: {  	s2 =	smul.u32 $0x70, s2  }
0x153: {  	p3 =	sne.s32 s28, $0xFFFFFFFF  }
0x154: {  	v1 =	vld.msk @!p3 [tilespmem:s2+$0x10598], $0x1;
	_ =	sdelay $0x4  }
0x155: {  	(v2sf) =	vpush @!p3 v1, $0x0;
	_ =	sdelay $0xc  }
.Ltmp22:
0x156: {  	_ = 	snop;
	(pc) =	sbr.rel @p2 .LBB3_25-.Ltmp22, $4  }
0x157: {  	_ = 	snop  }
0x158: {  	s31 =	spop @!p3 (v2sf)  }
0x159: {  	s24 =	simm.s32 @!p3 $0x0;
	s26 =	smov.u32 s31  }
0x15a: {  	[sflag:s17] =	ssyncpa.u1 $0x0;
	s31 =	smov.u32 @p3 s5;
	s26 =	smov.u32 @p3 s28  }
0x15b: {  	v1 =	vld.msk [tilespmem:s25+$0x0], $0x1;
	_ =	sdelay $0x4  }
0x15c: {  	(v2sf) =	vpush v1, $0x0;
	_ =	sdelay $0xe  }
0x15d: {  	s7 =	smov.u32 s11;
	s5 =	spop (v2sf)  }
0x15e: {  	s17 =	smov.u32 s15;
	s2 =	smul.u32 $0x1C000, s4;
	p2 =	seq.s32 s31, s5  }
0x15f: {  	s3 =	smov.u32 s31;
	s29 =	ssub.s32 $0x0, s0;
	p3 =	sgt.s32 @!p2 s31, $0x0  }
0x160: {  	s30 =	simm.s32 $0x0;
	s2 =	sshrl.u32 s2, $0x2;
	p3 =	por !p3, p2  }
0x161: {  	s0 =	sadd.s32 $0x1, s29;
	s28 =	sor.u32 $0x106F8, s2;
	s3 =	simm.s32 @p3 $0x0  }
0x162: {  	s2 =	simm.s32 @!p2 $0x1;
	p3 =	seq.s32 s0, $0x0;
	s3 =	smin.u32 @!p2 s3, $0x4E170  }
.Ltmp23:
0x163: {  	s4 =	simm.s32 @!p2 $0x7308;
	s9 =	sand.u32 @!p2 $0x7FFF8, s3;
	(pc) =	sbr.rel @p3 .LBB3_17-.Ltmp23, $4  }
0x164: {  	s10 =	sadd.s32 @!p2 $0x80, s3;
	s11 =	sadd.s32 @!p2 s1, s9;
	s9 =	sand.u32 @!p2 $0x7, s3  }
0x165: {  	[tilespmem:s4], [sflag:$0x2] =	stream.linear.gather @!p2 [hbm4b:s11+s9], $0x80, $0x38;
	[tilespmem:$0x1E678] =	vst v63  }
0x166: {  	s15 =	smov.u32 s14;
	s2 =	smov.u32 @p2 s30;
	s4 =	sand.u32 @!p2 $0xFFFF8, s10  }
0x167: {  	s3 =	simm.s32 @!p2 $0x7388;
	s10 =	sadd.s32 @!p2 s1, s4;
	s4 =	sadd.s32 $0x1, s25  }
.LBB3_16:
0x168: {  	s11 =	smov.u32 s2  }
0x169: {  	[tilespmem:s3], [sflag:$0x2] =	stream.linear.gather @!p2 [hbm4b:s10+s9], $0x80, $0x38;
	[tilespmem:$0x1E678] =	vst v63  }
0x16a: {  	s0 =	sadd.s32 $0x1, s0;
	s9 =	smov.u32 s5;
	v1 =	vld.msk [tilespmem:s4+$0x0], $0x1  }
0x16b: {  	p3 =	seq.s32 s0, $0x0;
	_ =	sdelay $0x3  }
0x16c: {  	(v2sf) =	vpush v1, $0x0;
	_ =	sdelay $0xe  }
0x16d: {  	s5 =	spop (v2sf)  }
0x16e: {  	p2 =	seq.s32 s9, s5  }
0x16f: {  	p4 =	sgt.s32 @!p2 s9, $0x0;
	s3 =	sshll.u32 @!p2 s2, $0xA;
	s2 =	sadd.s32 @!p2 $0x1, s2  }
0x170: {  	p4 =	por !p4, p2;
	s3 =	sshra.s32 @!p2 s3, $0x2;
	s2 =	smov.u32 @p2 s11  }
0x171: {  	s9 =	simm.s32 @p4 $0x0;
	s10 =	sadd.s32 @!p2 $0x7308, s3;
	s3 =	sadd.s32 @!p2 $0x7388, s3  }
.Ltmp24:
0x172: {  	s9 =	smin.u32 @!p2 s9, $0x4E170;
	(pc) =	sbr.rel @!p3 .LBB3_16-.Ltmp24, $4  }
0x173: {  	s11 =	sand.u32 @!p2 $0x7FFF8, s9;
	s14 =	sadd.s32 @!p2 $0x80, s9  }
0x174: {  	s9 =	sand.u32 @!p2 $0x7, s9;
	s11 =	sadd.s32 @!p2 s1, s11;
	s14 =	sand.u32 @!p2 $0xFFFF8, s14  }
0x175: {  	[tilespmem:s10], [sflag:$0x2] =	stream.linear.gather @!p2 [hbm4b:s11+s9], $0x80, $0x38;
	[tilespmem:$0x1E678] =	vst v63  }
0x176: {  	s4 =	sadd.s32 $0x1, s4;
	s10 =	sadd.s32 @!p2 s1, s14  }
.LBB3_17:
0x177: {  	[tilespmem:s3], [sflag:$0x2] =	stream.linear.gather @!p2 [hbm4b:s10+s9], $0x80, $0x38;
	[tilespmem:$0x1E678] =	vst v63  }
0x178: {  	s0 =	sshll.u32 s2, $0x8  }
.Ltmp25:
0x179: {  	s14 =	simm.s32 $0x2;
	s0 =	sand.u32 $0x3FFFFF00, s0;
	(pc) =	sbr.rel .LBB3_18-.Ltmp25, $4  }
0x17a: {  	_ =	swait.ge [sflag:s14], s0  }
0x17b: {  	s0 =	ssub.s32 $0x0, s0;
	[sflag:s14] =	ssyncset.done $0x0  }
0x17c: {  	s4 =	simm.s32 $0x0;
	s11 =	smov.u32 s7;
	[sflag:s14] =	ssyncadd.s32 s0  }
0x17d: {  	s14 =	smov.u32 s15;
	s15 =	smov.u32 s17;
	s17 =	simm.s32 $0xC  }
.LBB3_19:
0x17e: {  	v1 =	vld [tilespmem:s28+$0xFFFFFF80];
	_ =	sdelay $0x4  }
0x17f: {  	[tilespmem:s5+$0x208] =	vst.add.f32.msk $0xffff, v1  }
0x180: {  	v1 =	vld [tilespmem:s28+$0xFFFFFF90];
	_ =	sdelay $0x4  }
0x181: {  	[tilespmem:s5+$0x218] =	vst.add.f32.msk $0xffff, v1  }
0x182: {  	v1 =	vld [tilespmem:s28+$0xFFFFFFA0];
	_ =	sdelay $0x4  }
0x183: {  	[tilespmem:s5+$0x228] =	vst.add.f32.msk $0xffff, v1  }
0x184: {  	v1 =	vld [tilespmem:s28+$0xFFFFFFB0];
	_ =	sdelay $0x4  }
0x185: {  	[tilespmem:s5+$0x238] =	vst.add.f32.msk $0xffff, v1  }
0x186: {  	v1 =	vld [tilespmem:s28+$0xFFFFFFC0];
	_ =	sdelay $0x4  }
0x187: {  	[tilespmem:s5+$0x248] =	vst.add.f32.msk $0xffff, v1  }
0x188: {  	v1 =	vld [tilespmem:s28+$0xFFFFFFD0];
	_ =	sdelay $0x4  }
0x189: {  	[tilespmem:s5+$0x258] =	vst.add.f32.msk $0xffff, v1  }
0x18a: {  	v1 =	vld [tilespmem:s28+$0xFFFFFFE0];
	_ =	sdelay $0x4  }
0x18b: {  	[tilespmem:s5+$0x268] =	vst.add.f32.msk $0xffff, v1  }
0x18c: {  	v1 =	vld [tilespmem:s28+$0xFFFFFFF0];
	_ =	sdelay $0x4  }
0x18d: {  	[tilespmem:s5+$0x278] =	vst.add.f32.msk $0xffff, v1  }
0x18e: {  	v1 =	vld [tilespmem:s28+$0x0];
	_ =	sdelay $0x4  }
0x18f: {  	[tilespmem:s5+$0x288] =	vst.add.f32.msk $0xffff, v1  }
0x190: {  	v1 =	vld [tilespmem:s28+$0x10];
	_ =	sdelay $0x4  }
0x191: {  	[tilespmem:s5+$0x298] =	vst.add.f32.msk $0xffff, v1  }
0x192: {  	v1 =	vld [tilespmem:s28+$0x20];
	_ =	sdelay $0x4  }
0x193: {  	[tilespmem:s5+$0x2A8] =	vst.add.f32.msk $0xffff, v1  }
0x194: {  	v1 =	vld [tilespmem:s28+$0x30];
	_ =	sdelay $0x4  }
0x195: {  	[tilespmem:s5+$0x2B8] =	vst.add.f32.msk $0xffff, v1  }
0x196: {  	v1 =	vld [tilespmem:s28+$0x40];
	_ =	sdelay $0x4  }
0x197: {  	[tilespmem:s5+$0x2C8] =	vst.add.f32.msk $0xffff, v1  }
0x198: {  	v1 =	vld [tilespmem:s28+$0x50];
	_ =	sdelay $0x4  }
0x199: {  	[tilespmem:s5+$0x2D8] =	vst.add.f32.msk $0xffff, v1  }
0x19a: {  	v1 =	vld [tilespmem:s28+$0x60];
	_ =	sdelay $0x4  }
0x19b: {  	[tilespmem:s5+$0x2E8] =	vst.add.f32.msk $0xffff, v1  }
0x19c: {  	v1 =	vld [tilespmem:s28+$0x70];
	_ =	sdelay $0x4  }
0x19d: {  	[tilespmem:s5+$0x2F8] =	vst.add.f32.msk $0xffff, v1  }
.LBB3_23:
0x19e: {  	s29 =	sadd.s32 $0x1, s29  }
0x19f: {  	p2 =	seq.s32 s29, $0x0  }
.Ltmp26:
0x1a0: {  	_ = 	snop;
	(pc) =	sbr.rel @p2 .LBB3_24-.Ltmp26, $2  }
0x1a1: {  	_ =	sdelay $0x2  }
0x1a2: {  	s25 =	sadd.s32 $0x1, s25;
	s28 =	sadd.s32 $0x100, s28;
	s31 =	smov.u32 s0  }
.LBB3_18:
0x1a3: {  	v1 =	vld.msk [tilespmem:s25+$0x0], $0x1;
	_ =	sdelay $0x4  }
0x1a4: {  	(v2sf) =	vpush v1, $0x0;
	_ =	sdelay $0xe  }
0x1a5: {  	s0 =	spop (v2sf)  }
0x1a6: {  	p2 =	sne.s32 s31, s0  }
.Ltmp27:
0x1a7: {  	_ = 	snop;
	(pc) =	sbr.rel @!p2 .LBB3_19-.Ltmp27, $3  }
0x1a8: {  	_ =	sdelay $0x1  }
0x1a9: {  	s2 =	sshll.u32 s24, $0xA  }
0x1aa: {  	s5 =	sshra.s32 s2, $0x2  }
0x1ab: {  	p2 =	seq.s32 s31, s26  }
.Ltmp28:
0x1ac: {  	_ = 	snop;
	(pc) =	sbr.rel @!p2 .LBB3_21-.Ltmp28, $1  }
0x1ad: {  	_ =	sdelay $0x3  }
.Ltmp29:
0x1ae: {  	s2 =	sadd.s32 $0x208, s5;
	(pc) =	sbr.rel .LBB3_22-.Ltmp29, $4  }
0x1af: {  	[spmem:s16] =	stream.linear.scatter [tilespmem:s2], [sflag:$0x1], $0x100, $0x38;
	[tilespmem:$0x1E678] =	vst v63  }
0x1b0: {  	_ =	swait.ge [sflag:s12], $0x100  }
0x1b1: {  	[sflag:s12] =	ssyncset.done $0x0  }
0x1b2: {  	[sflag:s12] =	ssyncadd.s32 $0xFFFFFF00  }
.LBB3_21:
0x1b3: {  	s2 =	sshll.u32 s30, $0xA  }
0x1b4: {  	s2 =	sshra.s32 s2, $0x2  }
0x1b5: {  	v1 =	vld [tilespmem:s2+$0x7308];
	_ =	sdelay $0x4  }
0x1b6: {  	[tilespmem:s5+$0x208] =	vst.add.f32.msk $0xffff, v1  }
0x1b7: {  	v1 =	vld [tilespmem:s2+$0x7318];
	_ =	sdelay $0x4  }
0x1b8: {  	[tilespmem:s5+$0x218] =	vst.add.f32.msk $0xffff, v1  }
0x1b9: {  	v1 =	vld [tilespmem:s2+$0x7328];
	_ =	sdelay $0x4  }
0x1ba: {  	[tilespmem:s5+$0x228] =	vst.add.f32.msk $0xffff, v1  }
0x1bb: {  	v1 =	vld [tilespmem:s2+$0x7338];
	_ =	sdelay $0x4  }
0x1bc: {  	[tilespmem:s5+$0x238] =	vst.add.f32.msk $0xffff, v1  }
0x1bd: {  	v1 =	vld [tilespmem:s2+$0x7348];
	_ =	sdelay $0x4  }
0x1be: {  	[tilespmem:s5+$0x248] =	vst.add.f32.msk $0xffff, v1  }
0x1bf: {  	v1 =	vld [tilespmem:s2+$0x7358];
	_ =	sdelay $0x4  }
0x1c0: {  	[tilespmem:s5+$0x258] =	vst.add.f32.msk $0xffff, v1  }
0x1c1: {  	v1 =	vld [tilespmem:s2+$0x7368];
	_ =	sdelay $0x4  }
0x1c2: {  	[tilespmem:s5+$0x268] =	vst.add.f32.msk $0xffff, v1  }
0x1c3: {  	v1 =	vld [tilespmem:s2+$0x7378];
	_ =	sdelay $0x4  }
0x1c4: {  	[tilespmem:s5+$0x278] =	vst.add.f32.msk $0xffff, v1  }
0x1c5: {  	v1 =	vld [tilespmem:s2+$0x7388];
	_ =	sdelay $0x4  }
0x1c6: {  	[tilespmem:s5+$0x288] =	vst.add.f32.msk $0xffff, v1  }
0x1c7: {  	v1 =	vld [tilespmem:s2+$0x7398];
	_ =	sdelay $0x4  }
0x1c8: {  	[tilespmem:s5+$0x298] =	vst.add.f32.msk $0xffff, v1  }
0x1c9: {  	v1 =	vld [tilespmem:s2+$0x73A8];
	_ =	sdelay $0x4  }
0x1ca: {  	[tilespmem:s5+$0x2A8] =	vst.add.f32.msk $0xffff, v1  }
0x1cb: {  	v1 =	vld [tilespmem:s2+$0x73B8];
	_ =	sdelay $0x4  }
0x1cc: {  	[tilespmem:s5+$0x2B8] =	vst.add.f32.msk $0xffff, v1  }
0x1cd: {  	v1 =	vld [tilespmem:s2+$0x73C8];
	_ =	sdelay $0x4  }
0x1ce: {  	[tilespmem:s5+$0x2C8] =	vst.add.f32.msk $0xffff, v1  }
0x1cf: {  	v1 =	vld [tilespmem:s2+$0x73D8];
	_ =	sdelay $0x4  }
0x1d0: {  	[tilespmem:s5+$0x2D8] =	vst.add.f32.msk $0xffff, v1  }
0x1d1: {  	v1 =	vld [tilespmem:s2+$0x73E8];
	_ =	sdelay $0x4  }
0x1d2: {  	[tilespmem:s5+$0x2E8] =	vst.add.f32.msk $0xffff, v1  }
0x1d3: {  	v1 =	vld [tilespmem:s2+$0x73F8];
	_ =	sdelay $0x2  }
0x1d4: {  	p2 =	sgt.u32 s31, $0x4E170  }
0x1d5: {  	s2 =	sand.u32 @!p2 $0x7FFF8, s31  }
0x1d6: {  	s3 =	sadd.s32 $0x208, s5;
	s9 =	sand.u32 @!p2 $0x7, s31;
	s2 =	sadd.s32 @!p2 s1, s2;
	[tilespmem:s5+$0x2F8] =	vst.add.f32.msk $0xffff, v1  }
0x1d7: {  	[hbm4b:s2+s9] =	stream.linear.scatter @!p2 [tilespmem:s3], [sflag:$0xC], $0x80, $0x38;
	[tilespmem:$0x1E678] =	vst v63  }
0x1d8: {  	s2 =	sadd.s32 @!p2 $0x80, s31  }
0x1d9: {  	s2 =	sand.u32 @!p2 $0xFFFF8, s2  }
0x1da: {  	s3 =	sadd.s32 $0x288, s5;
	s2 =	sadd.s32 @!p2 s1, s2  }
0x1db: {  	[hbm4b:s2+s9] =	stream.linear.scatter @!p2 [tilespmem:s3], [sflag:$0xC], $0x80, $0x38;
	[tilespmem:$0x1E678] =	vst v63  }
0x1dc: {  	s2 =	simm.s32 $0x0  }
0x1dd: {  	s2 =	simm.s32 @!p2 $0x400  }
0x1de: {  	s4 =	sadd.s32 s2, s4  }
.LBB3_22:
0x1df: {  	s2 =	sadd.s32 $0x1, s24  }
0x1e0: {  	s3 =	sshrl.u32 s2, $0x4  }
0x1e1: {  	s3 =	smulhi.u32 $0x24924925, s3  }
0x1e2: {  	v1 =	vld [tilespmem:s28+$0xFFFFFF80]  }
0x1e3: {  	s3 =	smul.u32 $0x70, s3;
	_ =	sdelay $0x1  }
0x1e4: {  	s24 =	ssub.s32 s2, s3  }
0x1e5: {  	s2 =	sshll.u32 s24, $0x8  }
0x1e6: {  	[tilespmem:s2+$0x208] =	vst v1  }
0x1e7: {  	v1 =	vld [tilespmem:s28+$0xFFFFFF90];
	_ =	sdelay $0x4  }
0x1e8: {  	[tilespmem:s2+$0x218] =	vst v1  }
0x1e9: {  	v1 =	vld [tilespmem:s28+$0xFFFFFFA0];
	_ =	sdelay $0x4  }
0x1ea: {  	[tilespmem:s2+$0x228] =	vst v1  }
0x1eb: {  	v1 =	vld [tilespmem:s28+$0xFFFFFFB0];
	_ =	sdelay $0x4  }
0x1ec: {  	[tilespmem:s2+$0x238] =	vst v1  }
0x1ed: {  	v1 =	vld [tilespmem:s28+$0xFFFFFFC0];
	_ =	sdelay $0x4  }
0x1ee: {  	[tilespmem:s2+$0x248] =	vst v1  }
0x1ef: {  	v1 =	vld [tilespmem:s28+$0xFFFFFFD0];
	_ =	sdelay $0x4  }
0x1f0: {  	[tilespmem:s2+$0x258] =	vst v1  }
0x1f1: {  	v1 =	vld [tilespmem:s28+$0xFFFFFFE0];
	_ =	sdelay $0x4  }
0x1f2: {  	[tilespmem:s2+$0x268] =	vst v1  }
0x1f3: {  	v1 =	vld [tilespmem:s28+$0xFFFFFFF0];
	_ =	sdelay $0x4  }
0x1f4: {  	[tilespmem:s2+$0x278] =	vst v1  }
0x1f5: {  	v1 =	vld [tilespmem:s28+$0x0];
	_ =	sdelay $0x4  }
0x1f6: {  	[tilespmem:s2+$0x288] =	vst v1  }
0x1f7: {  	v1 =	vld [tilespmem:s28+$0x10];
	_ =	sdelay $0x4  }
0x1f8: {  	[tilespmem:s2+$0x298] =	vst v1  }
0x1f9: {  	v1 =	vld [tilespmem:s28+$0x20];
	_ =	sdelay $0x4  }
0x1fa: {  	[tilespmem:s2+$0x2A8] =	vst v1  }
0x1fb: {  	v1 =	vld [tilespmem:s28+$0x30];
	_ =	sdelay $0x4  }
0x1fc: {  	[tilespmem:s2+$0x2B8] =	vst v1  }
0x1fd: {  	v1 =	vld [tilespmem:s28+$0x40];
	_ =	sdelay $0x4  }
0x1fe: {  	[tilespmem:s2+$0x2C8] =	vst v1  }
0x1ff: {  	v1 =	vld [tilespmem:s28+$0x50];
	_ =	sdelay $0x4  }
0x200: {  	[tilespmem:s2+$0x2D8] =	vst v1  }
0x201: {  	v1 =	vld [tilespmem:s28+$0x60];
	_ =	sdelay $0x4  }
0x202: {  	[tilespmem:s2+$0x2E8] =	vst v1  }
0x203: {  	v1 =	vld [tilespmem:s28+$0x70]  }
.Ltmp30:
0x204: {  	_ = 	snop;
	(pc) =	sbr.rel .LBB3_23-.Ltmp30, $2  }
0x205: {  	_ =	sdelay $0x2  }
0x206: {  	s30 =	sadd.s32 $0x1, s30;
	[tilespmem:s2+$0x2F8] =	vst v1  }
.LBB3_25:
.Ltmp31:
0x207: {  	(pc) =	sbr.rel .LBB3_26-.Ltmp31, $4  }
0x208: {  	_ = 	snop  }
0x209: {  	s0 =	simm.s32 $0x2  }
0x20a: {  	_ =	swait.ge [sflag:s0], $0x0  }
0x20b: {  	s2 =	simm.s32 $0x0;
	[sflag:s0] =	ssyncset.done $0x0;
	s0 =	smov.u32 s31  }
.LBB3_28:
0x20c: {  	_ =	sfence.sel $0x180000  }
0x20d: {  	s0 =	simm.s32 $0x9;
	[bflag:$0x0] =	sbarrier.arrive $0xFFFF  }
0x20e: {  	s24 =	simm.s32 $0xA;
	[sflag:s0] =	ssyncpa.u1 $0x1  }
0x20f: {  	s25 =	simm.s32 $0xB;
	[sflag:s24] =	ssyncpa.u1 $0x1  }
0x210: {  	s26 =	simm.s32 $0x2;
	[sflag:s25] =	ssyncpa.u1 $0x1  }
0x211: {  	[sflag:s26] =	ssyncpa.u1 $0x1  }
0x212: {  	v0 =	vld [tilespmem:$0xE408];
	_ =	sdelay $0x4  }
0x213: {  	(v2sf) =	vpush v0, $0x0  }
0x214: {  	(v2sf) =	vpush v0, $0x1;
	_ =	sdelay $0x1  }
0x215: {  	(v2sf) =	vpush v0, $0x2;
	_ =	sdelay $0xb  }
0x216: {  	s0 =	spop (v2sf)  }
0x217: {  	s2 =	spop (v2sf)  }
0x218: {  	s3 =	smov.u32 s0;
	p0 =	sne.s32 s0, s2  }
0x219: {  	s4 =	spop (v2sf);
	s3 =	simm.s32 @!p0 $0xFFFFFFFF  }
0x21a: {  	v2 =	vimm.s32 $0x1;
	v3 =	vlaneseq.u32;
	p0 =	seq.s32 s4, $0xFFFFFFFF;
	v1 =	vmov s3  }
0x21b: {  	s15 =	stileid.u32;
	v0 =	vperm.xlane v0, v2;
	p1 =	sne.s32 @!p0 s0, s2;
	v1 =	vperm.xlane v1, v3  }
0x21c: {  	vm0 =	vcmask $0x3F04;
	s6 =	simm.s32 $0xE408;
	s0 =	simm.s32 @!p0 $0x1;
	p1 =	por !p1, p0  }
0x21d: {  	s3 =	sshll.u32 s15, $0x1;
	s2 =	sshll.u32 @!p0 s4, $0xA;
	s0 =	simm.s32 @p1 $0x0;
	v0 =	vsel vm0, v1, v0  }
0x21e: {  	s5 =	sor.u32 $0x2000, s3;
	s2 =	sshra.s32 @!p0 s2, $0x2;
	s0 =	sor.u32 @!p0 s0, s3;
	[tilespmem:$0xE408] =	vst v0  }
0x21f: {  	[spmem:s5] =	stream.linear.scatter [tilespmem:s6], [sflag:$0x1], $0x2, $0x38;
	[tilespmem:$0x1E678] =	vst v63  }
0x220: {  	s2 =	sadd.s32 @!p0 $0x208, s2;
	s0 =	sshll.u32 @!p0 s0, $0x8  }
0x221: {  	[spmem:s0] =	stream.linear.scatter @!p0 [tilespmem:s2], [sflag:$0x1], $0x100, $0x38;
	[tilespmem:$0x1E678] =	vst v63  }
0x222: {  	s0 =	simm.s32 @!p0 $0x102  }
0x223: {  	s28 =	simm.s32 $0x1;
	s0 =	simm.s32 @p0 $0x2  }
0x224: {  	_ =	swait.ge [sflag:s28], s0  }
0x225: {  	s0 =	ssub.s32 $0x0, s0;
	[sflag:s28] =	ssyncset.done $0x0  }
0x226: {  	p0 =	sne.s32 s15, $0x0;
	[sflag:s28] =	ssyncadd.s32 s0  }
.Ltmp32:
0x227: {  	_ =	sfence.stream.spmem;
	(pc) =	sbr.rel @p0 .LBB3_45-.Ltmp32, $4  }
0x228: {  	s29 =	simm.s32 $0x3;
	[bflag:$0x0] =	sbarrier.arrive $0xFFFF  }
0x229: {  	s30 =	simm.s32 $0x4;
	[sflag:s29] =	ssyncpa.u1 $0x1  }
0x22a: {  	s31 =	simm.s32 $0x3C;
	[sflag:s30] =	ssyncpa.u1 $0x1  }
0x22b: {  	s14 =	rddreg [dreg:$0x4];
	[sflag:s31] =	ssyncpa.u1 $0x1  }
0x22c: {  	_ =	sfence.stream.spmem;
	s0 =	simm.s32 $0x5  }
0x22d: {  	s2 =	simm.s32 $0x2000;
	s3 =	simm.s32 $0xE418;
	[sflag:s0] =	ssyncpa.u1 $0x0  }
0x22e: {  	[tilespmem:s3], [sflag:$0x5] =	stream.linear.gather [spmem:s2], $0x20, $0x38;
	[tilespmem:$0x1E678] =	vst v63  }
0x22f: {  	s26 =	simm.s32 $0x0;
	s28 =	simm.s32 $0xE438  }
0x230: {  	[tilespmem:s28], [sflag:$0x5] =	stream.linear.gather [spmem:s26], $0x2000, $0x38;
	[tilespmem:$0x1E678] =	vst v63  }
0x231: {  	_ =	swait.ge [sflag:s0], $0x2020  }
0x232: {  	[sflag:s0] =	ssyncset.done $0x0  }
0x233: {  	s29 =	simm.s32 $0x0;
	[sflag:s0] =	ssyncadd.s32 $0xFFFFDFE0  }
0x234: {  	v0 =	vld.msk [tilespmem:s29+$0xE418], $0x1;
	_ =	sdelay $0x1  }
0x235: {  	s30 =	simm.s32 $0x1  }
0x236: {  	v1 =	vld.msk [tilespmem:s30+$0xE418], $0x1;
	_ =	sdelay $0x1  }
0x237: {  	(v2sf) =	vpush v0, $0x0;
	_ =	sdelay $0x2  }
0x238: {  	(v2sf) =	vpush v1, $0x0;
	_ =	sdelay $0x2  }
0x239: {  	s31 =	simm.s32 $0x2  }
0x23a: {  	v0 =	vld.msk [tilespmem:s31+$0xE418], $0x1;
	_ =	sdelay $0x2  }
0x23b: {  	s2 =	simm.s32 $0xFFFFFFFF;
	s3 =	simm.s32 $0xFFFFFFFF;
	s0 =	simm.s32 $0xC  }
.LBB3_30:
0x23c: {  	s4 =	smov.u32 s3;
	s5 =	smov.u32 s2  }
0x23d: {  	s2 =	sshra.s32 s0, $0x2;
	p1 =	sne.s32 s0, $0x7C;
	s0 =	sadd.s32 $0x4, s0;
	(v2sf) =	vpush v0, $0x0  }
0x23e: {  	v0 =	vld.msk [tilespmem:s2+$0xE418], $0x1  }
.Ltmp33:
0x23f: {  	(pc) =	sbr.rel @p1 .LBB3_30-.Ltmp33, $4  }
0x240: {  	s3 =	spop (v2sf)  }
0x241: {  	p2 =	sne.s32 s5, $0xFFFFFFFF;
	s2 =	smov.u32 s3  }
0x242: {  	p3 =	seq.s32 s3, $0xFFFFFFFF;
	s2 =	smov.u32 @p2 s5  }
0x243: {  	s3 =	smov.u32 @p3 s4;
	s2 =	smov.u32 @p3 s5  }
0x244: {  	(v2sf) =	vpush v0, $0x0;
	_ =	sdelay $0x8  }
0x245: {  	s0 =	spop (v2sf)  }
0x246: {  	p1 =	sne.s32 s2, $0xFFFFFFFF;
	s9 =	simm.s32 $0x6;
	s4 =	smov.u32 s0  }
0x247: {  	s6 =	simm.s32 $0x0;
	p2 =	seq.s32 s0, $0xFFFFFFFF;
	s4 =	smov.u32 @p1 s2  }
0x248: {  	s10 =	simm.s32 $0xE308;
	s4 =	smov.u32 @p2 s2;
	s2 =	spop (v2sf)  }
0x249: {  	s0 =	smov.u32 @p2 s3;
	p1 =	sne.s32 s4, $0xFFFFFFFF;
	s5 =	smov.u32 s2  }
.Ltmp34:
0x24a: {  	p2 =	seq.s32 s2, $0xFFFFFFFF;
	s5 =	smov.u32 @p1 s4;
	(pc) =	sbr.rel .LBB3_32-.Ltmp34, $4  }
0x24b: {  	s11 =	simm.s32 $0xE388;
	s5 =	smov.u32 @p2 s4;
	s7 =	spop (v2sf)  }
0x24c: {  	s12 =	simm.s32 $0x0;
	p1 =	sne.s32 s5, $0xFFFFFFFF;
	s8 =	smov.u32 s7  }
0x24d: {  	s2 =	smov.u32 @p2 s0;
	p2 =	seq.s32 s7, $0xFFFFFFFF;
	s8 =	smov.u32 @p1 s5  }
0x24e: {  	[sflag:s9] =	ssyncpa.u1 $0x0;
	s7 =	smov.u32 @p2 s2;
	s8 =	smov.u32 @p2 s5  }
.LBB3_38:
0x24f: {  	p1 =	sgt.u32 s0, $0x4E170  }
0x250: {  	p2 =	seq.s32 @!p1 s0, s8  }
0x251: {  	p1 =	por p1, p2  }
0x252: {  	p2 =	sne.s32 @!p1 s0, s7  }
0x253: {  	p1 =	por p1, !p2  }
0x254: {  	s0 =	sshll.u32 @p1 s12, $0xA  }
0x255: {  	s2 =	sand.u32 @!p1 $0x7FFF8, s0;
	s3 =	sand.u32 @!p1 $0x7, s0;
	s0 =	sadd.s32 @!p1 $0x80, s0  }
0x256: {  	s2 =	sadd.s32 @!p1 s1, s2;
	s0 =	sand.u32 @!p1 $0xFFFF8, s0  }
0x257: {  	[tilespmem:s10], [sflag:$0x6] =	stream.linear.gather @!p1 [hbm4b:s2+s3], $0x80, $0x38;
	[tilespmem:$0x1E678] =	vst v63  }
0x258: {  	s0 =	sadd.s32 @!p1 s1, s0  }
0x259: {  	[tilespmem:s11], [sflag:$0x6] =	stream.linear.gather @!p1 [hbm4b:s0+s3], $0x80, $0x38;
	[tilespmem:$0x1E678] =	vst v63  }
0x25a: {  	_ =	swait.ge @!p1 [sflag:s9], $0x100  }
0x25b: {  	[sflag:s9] =	ssyncset.done @!p1 $0x0  }
0x25c: {  	[sflag:s9] =	ssyncadd.s32 @!p1 $0xFFFFFF00  }
0x25d: {  	v1 =	vld @!p1 [tilespmem:$0xE308];
	_ =	sdelay $0x2  }
0x25e: {  	s0 =	sshll.u32 @!p1 s12, $0xA  }
0x25f: {  	s2 =	sshrl.u32 @!p1 s0, $0x2  }
0x260: {  	[tilespmem:s2+$0xE438] =	vst.add.f32.msk @!p1 $0xffff, v1  }
0x261: {  	v1 =	vld @!p1 [tilespmem:$0xE318];
	_ =	sdelay $0x4  }
0x262: {  	[tilespmem:s2+$0xE448] =	vst.add.f32.msk @!p1 $0xffff, v1  }
0x263: {  	v1 =	vld @!p1 [tilespmem:$0xE328];
	_ =	sdelay $0x4  }
0x264: {  	[tilespmem:s2+$0xE458] =	vst.add.f32.msk @!p1 $0xffff, v1  }
0x265: {  	v1 =	vld @!p1 [tilespmem:$0xE338];
	_ =	sdelay $0x4  }
0x266: {  	[tilespmem:s2+$0xE468] =	vst.add.f32.msk @!p1 $0xffff, v1  }
0x267: {  	v1 =	vld @!p1 [tilespmem:$0xE348];
	_ =	sdelay $0x4  }
0x268: {  	[tilespmem:s2+$0xE478] =	vst.add.f32.msk @!p1 $0xffff, v1  }
0x269: {  	v1 =	vld @!p1 [tilespmem:$0xE358];
	_ =	sdelay $0x4  }
0x26a: {  	[tilespmem:s2+$0xE488] =	vst.add.f32.msk @!p1 $0xffff, v1  }
0x26b: {  	v1 =	vld @!p1 [tilespmem:$0xE368];
	_ =	sdelay $0x4  }
0x26c: {  	[tilespmem:s2+$0xE498] =	vst.add.f32.msk @!p1 $0xffff, v1  }
0x26d: {  	v1 =	vld @!p1 [tilespmem:$0xE378];
	_ =	sdelay $0x4  }
0x26e: {  	[tilespmem:s2+$0xE4A8] =	vst.add.f32.msk @!p1 $0xffff, v1  }
0x26f: {  	v1 =	vld @!p1 [tilespmem:$0xE388];
	_ =	sdelay $0x4  }
0x270: {  	[tilespmem:s2+$0xE4B8] =	vst.add.f32.msk @!p1 $0xffff, v1  }
0x271: {  	v1 =	vld @!p1 [tilespmem:$0xE398];
	_ =	sdelay $0x4  }
0x272: {  	[tilespmem:s2+$0xE4C8] =	vst.add.f32.msk @!p1 $0xffff, v1  }
0x273: {  	v1 =	vld @!p1 [tilespmem:$0xE3A8];
	_ =	sdelay $0x4  }
0x274: {  	[tilespmem:s2+$0xE4D8] =	vst.add.f32.msk @!p1 $0xffff, v1  }
0x275: {  	v1 =	vld @!p1 [tilespmem:$0xE3B8];
	_ =	sdelay $0x4  }
0x276: {  	[tilespmem:s2+$0xE4E8] =	vst.add.f32.msk @!p1 $0xffff, v1  }
0x277: {  	v1 =	vld @!p1 [tilespmem:$0xE3C8];
	_ =	sdelay $0x4  }
0x278: {  	[tilespmem:s2+$0xE4F8] =	vst.add.f32.msk @!p1 $0xffff, v1  }
0x279: {  	v1 =	vld @!p1 [tilespmem:$0xE3D8];
	_ =	sdelay $0x4  }
0x27a: {  	[tilespmem:s2+$0xE508] =	vst.add.f32.msk @!p1 $0xffff, v1  }
0x27b: {  	v1 =	vld @!p1 [tilespmem:$0xE3E8];
	_ =	sdelay $0x4  }
0x27c: {  	[tilespmem:s2+$0xE518] =	vst.add.f32.msk @!p1 $0xffff, v1  }
0x27d: {  	v1 =	vld @!p1 [tilespmem:$0xE3F8];
	_ =	sdelay $0x4  }
0x27e: {  	[tilespmem:s2+$0xE528] =	vst.add.f32.msk @!p1 $0xffff, v1  }
0x27f: {  	s0 =	sshrl.u32 s0, $0x2;
	[tilespmem:s6+$0xE418] =	vst.msk $0x1, v0  }
0x280: {  	v0 =	vld [tilespmem:s0+$0xE438];
	_ =	sdelay $0x2  }
0x281: {  	s31 =	sshll.u32 s6, $0xA  }
0x282: {  	s2 =	sshra.s32 s31, $0x2  }
0x283: {  	[tilespmem:s2+$0xE438] =	vst v0  }
0x284: {  	v0 =	vld [tilespmem:s0+$0xE448];
	_ =	sdelay $0x4  }
0x285: {  	[tilespmem:s2+$0xE448] =	vst v0  }
0x286: {  	v0 =	vld [tilespmem:s0+$0xE458];
	_ =	sdelay $0x4  }
0x287: {  	[tilespmem:s2+$0xE458] =	vst v0  }
0x288: {  	v0 =	vld [tilespmem:s0+$0xE468];
	_ =	sdelay $0x4  }
0x289: {  	[tilespmem:s2+$0xE468] =	vst v0  }
0x28a: {  	v0 =	vld [tilespmem:s0+$0xE478];
	_ =	sdelay $0x4  }
0x28b: {  	[tilespmem:s2+$0xE478] =	vst v0  }
0x28c: {  	v0 =	vld [tilespmem:s0+$0xE488];
	_ =	sdelay $0x4  }
0x28d: {  	[tilespmem:s2+$0xE488] =	vst v0  }
0x28e: {  	v0 =	vld [tilespmem:s0+$0xE498];
	_ =	sdelay $0x4  }
0x28f: {  	[tilespmem:s2+$0xE498] =	vst v0  }
0x290: {  	v0 =	vld [tilespmem:s0+$0xE4A8];
	_ =	sdelay $0x4  }
0x291: {  	[tilespmem:s2+$0xE4A8] =	vst v0  }
0x292: {  	v0 =	vld [tilespmem:s0+$0xE4B8];
	_ =	sdelay $0x4  }
0x293: {  	[tilespmem:s2+$0xE4B8] =	vst v0  }
0x294: {  	v0 =	vld [tilespmem:s0+$0xE4C8];
	_ =	sdelay $0x4  }
0x295: {  	[tilespmem:s2+$0xE4C8] =	vst v0  }
0x296: {  	v0 =	vld [tilespmem:s0+$0xE4D8];
	_ =	sdelay $0x4  }
0x297: {  	[tilespmem:s2+$0xE4D8] =	vst v0  }
0x298: {  	v0 =	vld [tilespmem:s0+$0xE4E8];
	_ =	sdelay $0x4  }
0x299: {  	[tilespmem:s2+$0xE4E8] =	vst v0  }
0x29a: {  	v0 =	vld [tilespmem:s0+$0xE4F8];
	_ =	sdelay $0x4  }
0x29b: {  	[tilespmem:s2+$0xE4F8] =	vst v0  }
0x29c: {  	v0 =	vld [tilespmem:s0+$0xE508];
	_ =	sdelay $0x4  }
0x29d: {  	[tilespmem:s2+$0xE508] =	vst v0  }
0x29e: {  	v0 =	vld [tilespmem:s0+$0xE518];
	_ =	sdelay $0x4  }
0x29f: {  	[tilespmem:s2+$0xE518] =	vst v0  }
0x2a0: {  	v0 =	vld [tilespmem:s0+$0xE528];
	_ =	sdelay $0x4  }
0x2a1: {  	s6 =	sadd.s32 $0x1, s6;
	[tilespmem:s2+$0xE528] =	vst v0  }
.LBB3_39:
0x2a2: {  	s12 =	sadd.s32 $0x1, s12  }
0x2a3: {  	p1 =	sne.s32 s12, $0x20  }
.Ltmp35:
0x2a4: {  	_ = 	snop;
	(pc) =	sbr.rel @!p1 .LBB3_40-.Ltmp35, $1  }
0x2a5: {  	_ =	sdelay $0x3  }
.LBB3_32:
0x2a6: {  	v0 =	vld.msk [tilespmem:s12+$0xE418], $0x1;
	_ =	sdelay $0x4  }
0x2a7: {  	(v2sf) =	vpush v0, $0x0;
	_ =	sdelay $0xe  }
0x2a8: {  	s0 =	spop (v2sf)  }
0x2a9: {  	p1 =	seq.s32 s0, $0xFFFFFFFF  }
.Ltmp36:
0x2aa: {  	_ = 	snop;
	(pc) =	sbr.rel @p1 .LBB3_39-.Ltmp36, $1  }
0x2ab: {  	_ =	sdelay $0x3  }
0x2ac: {  	p1 =	slt.s32 s6, $0x1  }
.Ltmp37:
0x2ad: {  	_ = 	snop;
	(pc) =	sbr.rel @p1 .LBB3_38-.Ltmp37, $1  }
0x2ae: {  	_ =	sdelay $0x3  }
0x2af: {  	s4 =	simm.s32 $0xE418;
	p1 =	por $0x0, $0x0  }
0x2b0: {  	v1 =	vld.msk @!p1 [tilespmem:s4+$0x0], $0x1;
	_ =	sdelay $0x4  }
0x2b1: {  	(v2sf) =	vpush @!p1 v1, $0x0;
	_ =	sdelay $0xd  }
0x2b2: {  	p3 =	sne.s32 s6, $0x1  }
.Ltmp38:
0x2b3: {  	s2 =	spop @!p1 (v2sf);
	(pc) =	sbr.rel @!p3 .LBB3_36-.Ltmp38, $4  }
0x2b4: {  	p2 =	seq.s32 @!p1 s0, s2  }
0x2b5: {  	s5 =	simm.s32 $0x0;
	p2 =	por !p2, p1  }
0x2b6: {  	s2 =	simm.s32 $0xFFFFFFFF;
	s5 =	simm.s32 @p2 $0xFFFFFFFF  }
0x2b7: {  	s13 =	simm.s32 $0x1;
	s5 =	smov.u32 @p1 s2  }
.LBB3_35:
0x2b8: {  	s2 =	smov.u32 s5;
	p1 =	sne.s32 s5, $0xFFFFFFFF  }
0x2b9: {  	s4 =	sadd.s32 $0x1, s4;
	s5 =	smov.u32 s13;
	s13 =	sadd.s32 $0x1, s13  }
0x2ba: {  	p2 =	sne.s32 s6, s13;
	v1 =	vld.msk @!p1 [tilespmem:s4+$0x0], $0x1;
	_ =	sdelay $0x4  }
0x2bb: {  	(v2sf) =	vpush @!p1 v1, $0x0;
	_ =	sdelay $0xe  }
.Ltmp39:
0x2bc: {  	s3 =	spop @!p1 (v2sf);
	(pc) =	sbr.rel @p2 .LBB3_35-.Ltmp39, $4  }
0x2bd: {  	p3 =	seq.s32 @!p1 s0, s3  }
0x2be: {  	p3 =	por !p3, p1  }
0x2bf: {  	s5 =	simm.s32 @p3 $0xFFFFFFFF  }
0x2c0: {  	s5 =	smov.u32 @p1 s2  }
.LBB3_36:
0x2c1: {  	p1 =	seq.s32 s5, $0xFFFFFFFF  }
.Ltmp40:
0x2c2: {  	_ = 	snop;
	(pc) =	sbr.rel @p1 .LBB3_38-.Ltmp40, $1  }
0x2c3: {  	_ =	sdelay $0x3  }
0x2c4: {  	s0 =	sshll.u32 s12, $0x8  }
0x2c5: {  	s0 =	sand.u32 $0x3FFFFF00, s0  }
0x2c6: {  	v0 =	vld [tilespmem:s0+$0xE438];
	_ =	sdelay $0x2  }
0x2c7: {  	s2 =	sshll.u32 s5, $0xA  }
0x2c8: {  	s2 =	sshra.s32 s2, $0x2  }
0x2c9: {  	[tilespmem:s2+$0xE438] =	vst.add.f32.msk $0xffff, v0  }
0x2ca: {  	v0 =	vld [tilespmem:s0+$0xE448];
	_ =	sdelay $0x4  }
0x2cb: {  	[tilespmem:s2+$0xE448] =	vst.add.f32.msk $0xffff, v0  }
0x2cc: {  	v0 =	vld [tilespmem:s0+$0xE458];
	_ =	sdelay $0x4  }
0x2cd: {  	[tilespmem:s2+$0xE458] =	vst.add.f32.msk $0xffff, v0  }
0x2ce: {  	v0 =	vld [tilespmem:s0+$0xE468];
	_ =	sdelay $0x4  }
0x2cf: {  	[tilespmem:s2+$0xE468] =	vst.add.f32.msk $0xffff, v0  }
0x2d0: {  	v0 =	vld [tilespmem:s0+$0xE478];
	_ =	sdelay $0x4  }
0x2d1: {  	[tilespmem:s2+$0xE478] =	vst.add.f32.msk $0xffff, v0  }
0x2d2: {  	v0 =	vld [tilespmem:s0+$0xE488];
	_ =	sdelay $0x4  }
0x2d3: {  	[tilespmem:s2+$0xE488] =	vst.add.f32.msk $0xffff, v0  }
0x2d4: {  	v0 =	vld [tilespmem:s0+$0xE498];
	_ =	sdelay $0x4  }
0x2d5: {  	[tilespmem:s2+$0xE498] =	vst.add.f32.msk $0xffff, v0  }
0x2d6: {  	v0 =	vld [tilespmem:s0+$0xE4A8];
	_ =	sdelay $0x4  }
0x2d7: {  	[tilespmem:s2+$0xE4A8] =	vst.add.f32.msk $0xffff, v0  }
0x2d8: {  	v0 =	vld [tilespmem:s0+$0xE4B8];
	_ =	sdelay $0x4  }
0x2d9: {  	[tilespmem:s2+$0xE4B8] =	vst.add.f32.msk $0xffff, v0  }
0x2da: {  	v0 =	vld [tilespmem:s0+$0xE4C8];
	_ =	sdelay $0x4  }
0x2db: {  	[tilespmem:s2+$0xE4C8] =	vst.add.f32.msk $0xffff, v0  }
0x2dc: {  	v0 =	vld [tilespmem:s0+$0xE4D8];
	_ =	sdelay $0x4  }
0x2dd: {  	[tilespmem:s2+$0xE4D8] =	vst.add.f32.msk $0xffff, v0  }
0x2de: {  	v0 =	vld [tilespmem:s0+$0xE4E8];
	_ =	sdelay $0x4  }
0x2df: {  	[tilespmem:s2+$0xE4E8] =	vst.add.f32.msk $0xffff, v0  }
0x2e0: {  	v0 =	vld [tilespmem:s0+$0xE4F8];
	_ =	sdelay $0x4  }
0x2e1: {  	[tilespmem:s2+$0xE4F8] =	vst.add.f32.msk $0xffff, v0  }
0x2e2: {  	v0 =	vld [tilespmem:s0+$0xE508];
	_ =	sdelay $0x4  }
0x2e3: {  	[tilespmem:s2+$0xE508] =	vst.add.f32.msk $0xffff, v0  }
0x2e4: {  	v0 =	vld [tilespmem:s0+$0xE518];
	_ =	sdelay $0x4  }
0x2e5: {  	[tilespmem:s2+$0xE518] =	vst.add.f32.msk $0xffff, v0  }
0x2e6: {  	v0 =	vld [tilespmem:s0+$0xE528]  }
.Ltmp41:
0x2e7: {  	_ = 	snop;
	(pc) =	sbr.rel .LBB3_39-.Ltmp41, $2  }
0x2e8: {  	_ =	sdelay $0x2  }
0x2e9: {  	[tilespmem:s2+$0xE528] =	vst.add.f32.msk $0xffff, v0  }
.LBB3_40:
0x2ea: {  	s0 =	simm.s32 $0x6;
	p1 =	seq.s32 s6, $0x0  }
0x2eb: {  	[sflag:s0] =	ssyncpa.u1 $0x1;
	v0 =	vimm.s32 @p1 $0xFFFFFFFF  }
0x2ec: {  	s0 =	sadd.s32 $0xFFFFFFFF, s6;
	[tilespmem:$0x10438] =	vst @p1 v0  }
0x2ed: {  	v0 =	vld.msk @!p1 [tilespmem:s0+$0xE418], $0x1;
	_ =	sdelay $0x1  }
0x2ee: {  	v1 =	vld.msk @!p1 [tilespmem:$0xE418], $0x1;
	_ =	sdelay $0x2  }
0x2ef: {  	p2 =	seq.s32 @!p1 s0, $0x0;
	v0 =	vbroadcast @!p1 v0, $0x0  }
0x2f0: {  	vm0 =	vmmov @!p1 $0x1;
	p2 =	por !p2, p1  }
0x2f1: {  	v1 =	vnsel @!p1 vm0, $0xFFFFFFFF, v1;
	vm0 =	vcmask @!p1 $0x308;
	v0 =	vpsel !p2, $0xFFFFFFFF, v0  }
0x2f2: {  	p2 =	sne.s32 @!p1 s8, s7;
	v0 =	vsel @!p1 vm0, v1, v0  }
0x2f3: {  	s2 =	simm.s32 @!p1 $0xE438;
	s3 =	simm.s32 @!p1 $0x0;
	p3 =	por !p2, p1;
	[tilespmem:$0x10438] =	vst @!p1 v0  }
0x2f4: {  	[spmem:s3] =	stream.linear.scatter @!p1 [tilespmem:s2], [sflag:$0x1], $0x100, $0x38;
	[tilespmem:$0x1E678] =	vst v63  }
0x2f5: {  	s2 =	sshll.u32 @!p3 s0, $0xA  }
0x2f6: {  	s2 =	sshra.s32 @!p3 s2, $0x2  }
0x2f7: {  	s3 =	simm.s32 @!p3 $0x100;
	s2 =	sadd.s32 @!p3 $0xE438, s2  }
0x2f8: {  	[spmem:s3] =	stream.linear.scatter @!p3 [tilespmem:s2], [sflag:$0x1], $0x100, $0x38;
	[tilespmem:$0x1E678] =	vst v63  }
0x2f9: {  	s2 =	simm.s32 @!p3 $0x1  }
0x2fa: {  	_ =	swait.ge @!p3 [sflag:s2], $0x200  }
0x2fb: {  	p1 =	por p2, p1;
	[sflag:s2] =	ssyncset.done @!p3 $0x0  }
0x2fc: {  	[sflag:s2] =	ssyncadd.s32 @!p3 $0xFFFFFE00;
	s2 =	simm.s32 @!p1 $0x1  }
0x2fd: {  	_ =	swait.ge @!p1 [sflag:s2], $0x100  }
0x2fe: {  	s29 =	simm.s32 $0x10438;
	[sflag:s2] =	ssyncset.done @!p1 $0x0  }
0x2ff: {  	s30 =	simm.s32 $0x2000;
	s31 =	simm.s32 $0x1;
	[sflag:s2] =	ssyncadd.s32 @!p1 $0xFFFFFF00  }
0x300: {  	[spmem:s30] =	stream.linear.scatter [tilespmem:s29], [sflag:$0x1], $0x10, $0x38;
	[tilespmem:$0x1E678] =	vst v63  }
0x301: {  	_ =	swait.ge [sflag:s31], $0x10  }
0x302: {  	[sflag:s31] =	ssyncset.done $0x0  }
0x303: {  	p1 =	seq.s32 s14, $0x0;
	s9 =	rddreg [dreg:$0x1];
	[sflag:s31] =	ssyncadd.s32 $0xFFFFFFF0  }
0x304: {  	s3 =	sshll.u32 @p1 s9, $0xE;
	s8 =	rddreg [dreg:$0x2]  }
0x305: {  	s2 =	sadd.s32 @p1 $0x15C3C, s3;
	s3 =	sshll.u32 @p1 s8, $0x11  }
0x306: {  	_ =	sfence.stream.spmem;
	s2 =	sor.u32 @p1 s3, s2  }
0x307: {  	[sflag:s2] =	ssyncadd.remote.s32 @p1 $0x1;
	s2 =	simm.s32 @p1 $0x4  }
0x308: {  	s4 =	simm.s32 @!p1 $0x3C;
	s3 =	sand.u32 $0xFFFFFFFE, s9;
	_ =	swait.ge @p1 [sflag:s2], $0x42  }
0x309: {  	s5 =	simm.s32 @!p1 $0x0;
	s3 =	sadd.s32 @!p1 $0x4, s3;
	[sflag:s2] =	ssyncset.done @p1 $0x0  }
0x30a: {  	s7 =	simm.s32 @!p1 $0x200;
	[sflag:s2] =	ssyncadd.s32 @p1 $0xFFFFFFBE;
	s2 =	sshll.u32 @!p1 s3, $0x1A  }
0x30b: {  	s3 =	sshll.u32 @!p1 s3, $0xD;
	s2 =	sor.u32 @!p1 s2, s8;
	_ =	swait.eq @!p1 [sflag:s4], $0x1  }
0x30c: {  	s3 =	sor.u32 @!p1 $0x1C04, s3;
	s4 =	simm.s32 @!p1 $0x1C03;
	s2 =	sor.u32 @!p1 $0x80004000, s2  }
0x30d: {  	[spmem:s7], [sflag:s3] =	dma.general @!p1 [spmem:s5], [sflag:s4], length:$0x40, [dreg:$0x0], stride_count:$0x0, ici_dest:s2, dma_misc:DstOpCode:WRITE  }
0x30e: {  	p2 =	slt.s32 s0, $0x2;
	s5 =	simm.s32 @!p1 $0x400;
	s7 =	simm.s32 @!p1 $0x402  }
0x30f: {  	[spmem:s7], [sflag:s3] =	dma.general @!p1 [spmem:s5], [sflag:s4], length:$0x2, [dreg:$0x0], stride_count:$0x0, ici_dest:s2, dma_misc:DstOpCode:WRITE  }
.Ltmp42:
0x310: {  	s2 =	simm.s32 @!p1 $0x3;
	(pc) =	sbr.rel @p2 .LBB3_44-.Ltmp42, $4  }
0x311: {  	s3 =	sshll.u32 @!p1 s9, $0xE;
	_ =	swait.ge @!p1 [sflag:s2], $0x42  }
0x312: {  	s4 =	sshll.u32 @!p1 s8, $0x11;
	s3 =	sadd.s32 @!p1 $0x11C3C, s3;
	[sflag:s2] =	ssyncset.done @!p1 $0x0  }
0x313: {  	[sflag:s2] =	ssyncadd.s32 @!p1 $0xFFFFFFBE;
	s2 =	sor.u32 @!p1 s4, s3  }
0x314: {  	s0 =	simm.s32 $0x0;
	[sflag:s2] =	ssyncadd.remote.s32 @!p1 $0xFFFFFFFF  }
0x315: {  	s0 =	simm.s32 $0xE419  }
0x316: {  	v0 =	vld.msk [tilespmem:s0+$0x0], $0x1;
	_ =	sdelay $0x4  }
0x317: {  	(v2sf) =	vpush v0, $0x0;
	_ =	sdelay $0xd  }
0x318: {  	s31 =	sadd.s32 $0xFFFFFFFE, s6  }
0x319: {  	s6 =	simm.s32 $0x0;
	s0 =	sadd.s32 $0xFFFFFFFF, s31;
	s2 =	spop (v2sf)  }
0x31a: {  	s3 =	simm.s32 $0xE538;
	p1 =	sne.s32 s0, $0x0;
	p2 =	sgt.u32 s2, $0x4E170  }
.Ltmp43:
0x31b: {  	s4 =	simm.s32 $0xE638;
	s5 =	sand.u32 @!p2 $0x7FFF8, s2;
	(pc) =	sbr.rel @!p1 .LBB3_43-.Ltmp43, $4  }
0x31c: {  	s7 =	sadd.s32 @!p2 $0x80, s2;
	s2 =	sand.u32 @!p2 $0x7, s2;
	s6 =	simm.s32 @!p2 $0x400  }
0x31d: {  	s5 =	sadd.s32 @!p2 s1, s5;
	s7 =	sand.u32 @!p2 $0xFFFF8, s7;
	s6 =	sadd.s32 $0x0, s6  }
0x31e: {  	[hbm4b:s5+s2] =	stream.linear.scatter @!p2 [tilespmem:s3], [sflag:$0x5], $0x80, $0x38;
	[tilespmem:$0x1E678] =	vst v63  }
0x31f: {  	s5 =	simm.s32 $0xE41A;
	s3 =	simm.s32 @!p2 $0xE5B8;
	s7 =	sadd.s32 @!p2 s1, s7  }
.LBB3_42:
0x320: {  	[hbm4b:s7+s2] =	stream.linear.scatter @!p2 [tilespmem:s3], [sflag:$0x5], $0x80, $0x38;
	[tilespmem:$0x1E678] =	vst v63  }
0x321: {  	s0 =	sadd.s32 $0xFFFFFFFF, s0;
	s3 =	smov.u32 s4;
	v0 =	vld.msk [tilespmem:s5+$0x0], $0x1  }
0x322: {  	p1 =	sne.s32 s0, $0x0;
	_ =	sdelay $0x3  }
0x323: {  	(v2sf) =	vpush v0, $0x0;
	_ =	sdelay $0xe  }
0x324: {  	s4 =	sadd.s32 $0x100, s4;
	s8 =	simm.s32 $0x0;
	s2 =	spop (v2sf)  }
.Ltmp44:
0x325: {  	s5 =	sadd.s32 $0x1, s5;
	p2 =	sgt.u32 s2, $0x4E170;
	(pc) =	sbr.rel @p1 .LBB3_42-.Ltmp44, $4  }
0x326: {  	s8 =	simm.s32 @!p2 $0x400;
	s7 =	sand.u32 @!p2 $0x7FFF8, s2;
	s9 =	sadd.s32 @!p2 $0x80, s2  }
0x327: {  	s2 =	sand.u32 @!p2 $0x7, s2;
	s7 =	sadd.s32 @!p2 s1, s7;
	s9 =	sand.u32 @!p2 $0xFFFF8, s9  }
0x328: {  	[hbm4b:s7+s2] =	stream.linear.scatter @!p2 [tilespmem:s3], [sflag:$0x5], $0x80, $0x38;
	[tilespmem:$0x1E678] =	vst v63  }
0x329: {  	s6 =	sadd.s32 s6, s8;
	s3 =	sadd.s32 @!p2 $0x80, s3;
	s7 =	sadd.s32 @!p2 s1, s9  }
.LBB3_43:
0x32a: {  	[hbm4b:s7+s2] =	stream.linear.scatter @!p2 [tilespmem:s3], [sflag:$0x5], $0x80, $0x38;
	[tilespmem:$0x1E678] =	vst v63  }
0x32b: {  	s0 =	sshrl.u32 s6, $0x2  }
.LBB3_44:
0x32c: {  	s2 =	simm.s32 $0x5  }
0x32d: {  	_ =	swait.ge [sflag:s2], s0  }
0x32e: {  	s31 =	ssub.s32 $0x0, s0;
	[sflag:s2] =	ssyncset.done $0x0  }
0x32f: {  	[sflag:s2] =	ssyncadd.s32 s31  }
0x330: {  	[sflag:s2] =	ssyncpa.u1 $0x1  }
.LBB3_45:
0x331: {  	s0 =	sor.u32 s14, s15  }
0x332: {  	p1 =	sne.s32 s0, $0x0  }
.Ltmp45:
0x333: {  	_ = 	snop;
	(pc) =	sbr.rel @p1 .LBB3_60-.Ltmp45, $3  }
0x334: {  	_ =	sdelay $0x1  }
0x335: {  	[bflag:$0x0] =	sbarrier.arrive $0xFFFF  }
0x336: {  	_ =	sfence  }
0x337: {  	s0 =	simm.s32 $0x7  }
0x338: {  	s2 =	simm.s32 $0x2000;
	s3 =	simm.s32 $0xE418;
	[sflag:s0] =	ssyncpa.u1 $0x0  }
0x339: {  	[tilespmem:s3], [sflag:$0x7] =	stream.linear.gather [spmem:s2], $0x20, $0x38;
	[tilespmem:$0x1E678] =	vst v63  }
0x33a: {  	s30 =	simm.s32 $0xE438;
	s2 =	simm.s32 $0x0  }
0x33b: {  	[tilespmem:s30], [sflag:$0x7] =	stream.linear.gather [spmem:s2], $0x2000, $0x38;
	[tilespmem:$0x1E678] =	vst v63  }
.Ltmp46:
0x33c: {  	_ = 	snop;
	(pc) =	sbr.rel .LBB3_47-.Ltmp46, $4  }
0x33d: {  	_ =	swait.ge [sflag:s0], $0x2020  }
0x33e: {  	[sflag:s0] =	ssyncset.done $0x0  }
0x33f: {  	s31 =	simm.s32 $0x8;
	[sflag:s0] =	ssyncadd.s32 $0xFFFFDFE0  }
0x340: {  	s3 =	simm.s32 $0x0;
	[sflag:s31] =	ssyncpa.u1 $0x0  }
.LBB3_53:
0x341: {  	p1 =	slt.u32 s0, $0x4E171  }
0x342: {  	s4 =	sand.u32 @p1 $0x7FFF8, s0;
	s5 =	sand.u32 @p1 $0x7, s0;
	s0 =	sadd.s32 @p1 $0x80, s0  }
0x343: {  	s6 =	simm.s32 @p1 $0xE308;
	s4 =	sadd.s32 @p1 s1, s4;
	s0 =	sand.u32 @p1 $0xFFFF8, s0  }
0x344: {  	[tilespmem:s6], [sflag:$0x8] =	stream.linear.gather @p1 [hbm4b:s4+s5], $0x80, $0x38;
	[tilespmem:$0x1E678] =	vst v63  }
0x345: {  	s0 =	sadd.s32 @p1 s1, s0;
	s4 =	simm.s32 @p1 $0xE388  }
0x346: {  	[tilespmem:s4], [sflag:$0x8] =	stream.linear.gather @p1 [hbm4b:s0+s5], $0x80, $0x38;
	[tilespmem:$0x1E678] =	vst v63  }
0x347: {  	s0 =	simm.s32 @p1 $0x8  }
0x348: {  	_ =	swait.ge @p1 [sflag:s0], $0x100  }
0x349: {  	[sflag:s0] =	ssyncset.done @p1 $0x0  }
0x34a: {  	[sflag:s0] =	ssyncadd.s32 @p1 $0xFFFFFF00  }
0x34b: {  	v1 =	vld @p1 [tilespmem:$0xE308];
	_ =	sdelay $0x2  }
0x34c: {  	s0 =	sshll.u32 @p1 s3, $0xA  }
0x34d: {  	s4 =	sshrl.u32 @p1 s0, $0x2  }
0x34e: {  	[tilespmem:s4+$0xE438] =	vst.add.f32.msk @p1 $0xffff, v1  }
0x34f: {  	v1 =	vld @p1 [tilespmem:$0xE318];
	_ =	sdelay $0x4  }
0x350: {  	[tilespmem:s4+$0xE448] =	vst.add.f32.msk @p1 $0xffff, v1  }
0x351: {  	v1 =	vld @p1 [tilespmem:$0xE328];
	_ =	sdelay $0x4  }
0x352: {  	[tilespmem:s4+$0xE458] =	vst.add.f32.msk @p1 $0xffff, v1  }
0x353: {  	v1 =	vld @p1 [tilespmem:$0xE338];
	_ =	sdelay $0x4  }
0x354: {  	[tilespmem:s4+$0xE468] =	vst.add.f32.msk @p1 $0xffff, v1  }
0x355: {  	v1 =	vld @p1 [tilespmem:$0xE348];
	_ =	sdelay $0x4  }
0x356: {  	[tilespmem:s4+$0xE478] =	vst.add.f32.msk @p1 $0xffff, v1  }
0x357: {  	v1 =	vld @p1 [tilespmem:$0xE358];
	_ =	sdelay $0x4  }
0x358: {  	[tilespmem:s4+$0xE488] =	vst.add.f32.msk @p1 $0xffff, v1  }
0x359: {  	v1 =	vld @p1 [tilespmem:$0xE368];
	_ =	sdelay $0x4  }
0x35a: {  	[tilespmem:s4+$0xE498] =	vst.add.f32.msk @p1 $0xffff, v1  }
0x35b: {  	v1 =	vld @p1 [tilespmem:$0xE378];
	_ =	sdelay $0x4  }
0x35c: {  	[tilespmem:s4+$0xE4A8] =	vst.add.f32.msk @p1 $0xffff, v1  }
0x35d: {  	v1 =	vld @p1 [tilespmem:$0xE388];
	_ =	sdelay $0x4  }
0x35e: {  	[tilespmem:s4+$0xE4B8] =	vst.add.f32.msk @p1 $0xffff, v1  }
0x35f: {  	v1 =	vld @p1 [tilespmem:$0xE398];
	_ =	sdelay $0x4  }
0x360: {  	[tilespmem:s4+$0xE4C8] =	vst.add.f32.msk @p1 $0xffff, v1  }
0x361: {  	v1 =	vld @p1 [tilespmem:$0xE3A8];
	_ =	sdelay $0x4  }
0x362: {  	[tilespmem:s4+$0xE4D8] =	vst.add.f32.msk @p1 $0xffff, v1  }
0x363: {  	v1 =	vld @p1 [tilespmem:$0xE3B8];
	_ =	sdelay $0x4  }
0x364: {  	[tilespmem:s4+$0xE4E8] =	vst.add.f32.msk @p1 $0xffff, v1  }
0x365: {  	v1 =	vld @p1 [tilespmem:$0xE3C8];
	_ =	sdelay $0x4  }
0x366: {  	[tilespmem:s4+$0xE4F8] =	vst.add.f32.msk @p1 $0xffff, v1  }
0x367: {  	v1 =	vld @p1 [tilespmem:$0xE3D8];
	_ =	sdelay $0x4  }
0x368: {  	[tilespmem:s4+$0xE508] =	vst.add.f32.msk @p1 $0xffff, v1  }
0x369: {  	v1 =	vld @p1 [tilespmem:$0xE3E8];
	_ =	sdelay $0x4  }
0x36a: {  	[tilespmem:s4+$0xE518] =	vst.add.f32.msk @p1 $0xffff, v1  }
0x36b: {  	v1 =	vld @p1 [tilespmem:$0xE3F8];
	_ =	sdelay $0x3  }
0x36c: {  	s5 =	sshll.u32 @!p1 s3, $0xA  }
0x36d: {  	s5 =	smov.u32 @p1 s0;
	[tilespmem:s4+$0xE528] =	vst.add.f32.msk @p1 $0xffff, v1  }
0x36e: {  	s0 =	sshrl.u32 s5, $0x2;
	[tilespmem:s2+$0xE418] =	vst.msk $0x1, v0  }
0x36f: {  	v0 =	vld [tilespmem:s0+$0xE438];
	_ =	sdelay $0x2  }
0x370: {  	s31 =	sshll.u32 s2, $0xA  }
0x371: {  	s4 =	sshra.s32 s31, $0x2  }
0x372: {  	[tilespmem:s4+$0xE438] =	vst v0  }
0x373: {  	v0 =	vld [tilespmem:s0+$0xE448];
	_ =	sdelay $0x4  }
0x374: {  	[tilespmem:s4+$0xE448] =	vst v0  }
0x375: {  	v0 =	vld [tilespmem:s0+$0xE458];
	_ =	sdelay $0x4  }
0x376: {  	[tilespmem:s4+$0xE458] =	vst v0  }
0x377: {  	v0 =	vld [tilespmem:s0+$0xE468];
	_ =	sdelay $0x4  }
0x378: {  	[tilespmem:s4+$0xE468] =	vst v0  }
0x379: {  	v0 =	vld [tilespmem:s0+$0xE478];
	_ =	sdelay $0x4  }
0x37a: {  	[tilespmem:s4+$0xE478] =	vst v0  }
0x37b: {  	v0 =	vld [tilespmem:s0+$0xE488];
	_ =	sdelay $0x4  }
0x37c: {  	[tilespmem:s4+$0xE488] =	vst v0  }
0x37d: {  	v0 =	vld [tilespmem:s0+$0xE498];
	_ =	sdelay $0x4  }
0x37e: {  	[tilespmem:s4+$0xE498] =	vst v0  }
0x37f: {  	v0 =	vld [tilespmem:s0+$0xE4A8];
	_ =	sdelay $0x4  }
0x380: {  	[tilespmem:s4+$0xE4A8] =	vst v0  }
0x381: {  	v0 =	vld [tilespmem:s0+$0xE4B8];
	_ =	sdelay $0x4  }
0x382: {  	[tilespmem:s4+$0xE4B8] =	vst v0  }
0x383: {  	v0 =	vld [tilespmem:s0+$0xE4C8];
	_ =	sdelay $0x4  }
0x384: {  	[tilespmem:s4+$0xE4C8] =	vst v0  }
0x385: {  	v0 =	vld [tilespmem:s0+$0xE4D8];
	_ =	sdelay $0x4  }
0x386: {  	[tilespmem:s4+$0xE4D8] =	vst v0  }
0x387: {  	v0 =	vld [tilespmem:s0+$0xE4E8];
	_ =	sdelay $0x4  }
0x388: {  	[tilespmem:s4+$0xE4E8] =	vst v0  }
0x389: {  	v0 =	vld [tilespmem:s0+$0xE4F8];
	_ =	sdelay $0x4  }
0x38a: {  	[tilespmem:s4+$0xE4F8] =	vst v0  }
0x38b: {  	v0 =	vld [tilespmem:s0+$0xE508];
	_ =	sdelay $0x4  }
0x38c: {  	[tilespmem:s4+$0xE508] =	vst v0  }
0x38d: {  	v0 =	vld [tilespmem:s0+$0xE518];
	_ =	sdelay $0x4  }
0x38e: {  	[tilespmem:s4+$0xE518] =	vst v0  }
0x38f: {  	v0 =	vld [tilespmem:s0+$0xE528];
	_ =	sdelay $0x4  }
0x390: {  	s2 =	sadd.s32 $0x1, s2;
	[tilespmem:s4+$0xE528] =	vst v0  }
.LBB3_54:
0x391: {  	s3 =	sadd.s32 $0x1, s3  }
0x392: {  	p1 =	sne.s32 s3, $0x20  }
.Ltmp47:
0x393: {  	_ = 	snop;
	(pc) =	sbr.rel @!p1 .LBB3_55-.Ltmp47, $1  }
0x394: {  	_ =	sdelay $0x3  }
.LBB3_47:
0x395: {  	v0 =	vld.msk [tilespmem:s3+$0xE418], $0x1;
	_ =	sdelay $0x4  }
0x396: {  	(v2sf) =	vpush v0, $0x0;
	_ =	sdelay $0xe  }
0x397: {  	s0 =	spop (v2sf)  }
0x398: {  	p1 =	seq.s32 s0, $0xFFFFFFFF  }
.Ltmp48:
0x399: {  	_ = 	snop;
	(pc) =	sbr.rel @p1 .LBB3_54-.Ltmp48, $1  }
0x39a: {  	_ =	sdelay $0x3  }
0x39b: {  	p1 =	slt.s32 s2, $0x1  }
.Ltmp49:
0x39c: {  	_ = 	snop;
	(pc) =	sbr.rel @p1 .LBB3_53-.Ltmp49, $1  }
0x39d: {  	_ =	sdelay $0x3  }
0x39e: {  	s4 =	simm.s32 $0xE418;
	p1 =	por $0x0, $0x0  }
0x39f: {  	v1 =	vld.msk @!p1 [tilespmem:s4+$0x0], $0x1;
	_ =	sdelay $0x4  }
0x3a0: {  	(v2sf) =	vpush @!p1 v1, $0x0;
	_ =	sdelay $0xd  }
0x3a1: {  	p3 =	sne.s32 s2, $0x1  }
.Ltmp50:
0x3a2: {  	s5 =	spop @!p1 (v2sf);
	(pc) =	sbr.rel @!p3 .LBB3_51-.Ltmp50, $4  }
0x3a3: {  	p2 =	seq.s32 @!p1 s0, s5  }
0x3a4: {  	s5 =	simm.s32 $0x0;
	p2 =	por !p2, p1  }
0x3a5: {  	s7 =	simm.s32 $0xFFFFFFFF;
	s5 =	simm.s32 @p2 $0xFFFFFFFF  }
0x3a6: {  	s6 =	simm.s32 $0x1;
	s5 =	smov.u32 @p1 s7  }
.LBB3_50:
0x3a7: {  	s7 =	smov.u32 s5;
	p1 =	sne.s32 s5, $0xFFFFFFFF  }
0x3a8: {  	s4 =	sadd.s32 $0x1, s4;
	s5 =	smov.u32 s6;
	s6 =	sadd.s32 $0x1, s6  }
0x3a9: {  	p2 =	sne.s32 s2, s6;
	v1 =	vld.msk @!p1 [tilespmem:s4+$0x0], $0x1;
	_ =	sdelay $0x4  }
0x3aa: {  	(v2sf) =	vpush @!p1 v1, $0x0;
	_ =	sdelay $0xe  }
.Ltmp51:
0x3ab: {  	s8 =	spop @!p1 (v2sf);
	(pc) =	sbr.rel @p2 .LBB3_50-.Ltmp51, $4  }
0x3ac: {  	p3 =	seq.s32 @!p1 s0, s8  }
0x3ad: {  	p3 =	por !p3, p1  }
0x3ae: {  	s5 =	simm.s32 @p3 $0xFFFFFFFF  }
0x3af: {  	s5 =	smov.u32 @p1 s7  }
.LBB3_51:
0x3b0: {  	p1 =	seq.s32 s5, $0xFFFFFFFF  }
.Ltmp52:
0x3b1: {  	_ = 	snop;
	(pc) =	sbr.rel @p1 .LBB3_53-.Ltmp52, $1  }
0x3b2: {  	_ =	sdelay $0x3  }
0x3b3: {  	s0 =	sshll.u32 s3, $0x8  }
0x3b4: {  	s0 =	sand.u32 $0x3FFFFF00, s0  }
0x3b5: {  	v0 =	vld [tilespmem:s0+$0xE438];
	_ =	sdelay $0x2  }
0x3b6: {  	s4 =	sshll.u32 s5, $0xA  }
0x3b7: {  	s4 =	sshra.s32 s4, $0x2  }
0x3b8: {  	[tilespmem:s4+$0xE438] =	vst.add.f32.msk $0xffff, v0  }
0x3b9: {  	v0 =	vld [tilespmem:s0+$0xE448];
	_ =	sdelay $0x4  }
0x3ba: {  	[tilespmem:s4+$0xE448] =	vst.add.f32.msk $0xffff, v0  }
0x3bb: {  	v0 =	vld [tilespmem:s0+$0xE458];
	_ =	sdelay $0x4  }
0x3bc: {  	[tilespmem:s4+$0xE458] =	vst.add.f32.msk $0xffff, v0  }
0x3bd: {  	v0 =	vld [tilespmem:s0+$0xE468];
	_ =	sdelay $0x4  }
0x3be: {  	[tilespmem:s4+$0xE468] =	vst.add.f32.msk $0xffff, v0  }
0x3bf: {  	v0 =	vld [tilespmem:s0+$0xE478];
	_ =	sdelay $0x4  }
0x3c0: {  	[tilespmem:s4+$0xE478] =	vst.add.f32.msk $0xffff, v0  }
0x3c1: {  	v0 =	vld [tilespmem:s0+$0xE488];
	_ =	sdelay $0x4  }
0x3c2: {  	[tilespmem:s4+$0xE488] =	vst.add.f32.msk $0xffff, v0  }
0x3c3: {  	v0 =	vld [tilespmem:s0+$0xE498];
	_ =	sdelay $0x4  }
0x3c4: {  	[tilespmem:s4+$0xE498] =	vst.add.f32.msk $0xffff, v0  }
0x3c5: {  	v0 =	vld [tilespmem:s0+$0xE4A8];
	_ =	sdelay $0x4  }
0x3c6: {  	[tilespmem:s4+$0xE4A8] =	vst.add.f32.msk $0xffff, v0  }
0x3c7: {  	v0 =	vld [tilespmem:s0+$0xE4B8];
	_ =	sdelay $0x4  }
0x3c8: {  	[tilespmem:s4+$0xE4B8] =	vst.add.f32.msk $0xffff, v0  }
0x3c9: {  	v0 =	vld [tilespmem:s0+$0xE4C8];
	_ =	sdelay $0x4  }
0x3ca: {  	[tilespmem:s4+$0xE4C8] =	vst.add.f32.msk $0xffff, v0  }
0x3cb: {  	v0 =	vld [tilespmem:s0+$0xE4D8];
	_ =	sdelay $0x4  }
0x3cc: {  	[tilespmem:s4+$0xE4D8] =	vst.add.f32.msk $0xffff, v0  }
0x3cd: {  	v0 =	vld [tilespmem:s0+$0xE4E8];
	_ =	sdelay $0x4  }
0x3ce: {  	[tilespmem:s4+$0xE4E8] =	vst.add.f32.msk $0xffff, v0  }
0x3cf: {  	v0 =	vld [tilespmem:s0+$0xE4F8];
	_ =	sdelay $0x4  }
0x3d0: {  	[tilespmem:s4+$0xE4F8] =	vst.add.f32.msk $0xffff, v0  }
0x3d1: {  	v0 =	vld [tilespmem:s0+$0xE508];
	_ =	sdelay $0x4  }
0x3d2: {  	[tilespmem:s4+$0xE508] =	vst.add.f32.msk $0xffff, v0  }
0x3d3: {  	v0 =	vld [tilespmem:s0+$0xE518];
	_ =	sdelay $0x4  }
0x3d4: {  	[tilespmem:s4+$0xE518] =	vst.add.f32.msk $0xffff, v0  }
0x3d5: {  	v0 =	vld [tilespmem:s0+$0xE528]  }
.Ltmp53:
0x3d6: {  	_ = 	snop;
	(pc) =	sbr.rel .LBB3_54-.Ltmp53, $2  }
0x3d7: {  	_ =	sdelay $0x2  }
0x3d8: {  	[tilespmem:s4+$0xE528] =	vst.add.f32.msk $0xffff, v0  }
.LBB3_55:
0x3d9: {  	p1 =	slt.s32 s2, $0x1  }
.Ltmp54:
0x3da: {  	_ = 	snop;
	(pc) =	sbr.rel @p1 .LBB3_59-.Ltmp54, $3  }
0x3db: {  	_ =	sdelay $0x1  }
0x3dc: {  	s0 =	simm.s32 $0x8  }
0x3dd: {  	s4 =	simm.s32 $0x0;
	[sflag:s0] =	ssyncpa.u1 $0x1  }
0x3de: {  	s0 =	simm.s32 $0xE418  }
0x3df: {  	v0 =	vld.msk [tilespmem:s0+$0x0], $0x1;
	_ =	sdelay $0x4  }
0x3e0: {  	(v2sf) =	vpush v0, $0x0;
	_ =	sdelay $0xe  }
0x3e1: {  	s0 =	sadd.s32 $0xFFFFFFFF, s2;
	s3 =	spop (v2sf)  }
0x3e2: {  	s6 =	simm.s32 $0xE438;
	p1 =	sne.s32 s0, $0x0;
	p2 =	sgt.u32 s3, $0x4E170  }
.Ltmp55:
0x3e3: {  	s2 =	simm.s32 $0xE538;
	s5 =	sand.u32 @!p2 $0x7FFF8, s3;
	(pc) =	sbr.rel @!p1 .LBB3_58-.Ltmp55, $4  }
0x3e4: {  	s7 =	sadd.s32 @!p2 $0x80, s3;
	s4 =	simm.s32 @!p2 $0x400;
	s8 =	sadd.s32 @!p2 s1, s5  }
0x3e5: {  	s5 =	sand.u32 @!p2 $0x7, s3;
	s3 =	simm.s32 $0xE419;
	s7 =	sand.u32 @!p2 $0xFFFF8, s7  }
0x3e6: {  	[hbm4b:s8+s5] =	stream.linear.scatter @!p2 [tilespmem:s6], [sflag:$0x7], $0x80, $0x38;
	[tilespmem:$0x1E678] =	vst v63  }
0x3e7: {  	s4 =	sadd.s32 $0x0, s4;
	s6 =	simm.s32 @!p2 $0xE4B8;
	s7 =	sadd.s32 @!p2 s1, s7  }
.LBB3_57:
0x3e8: {  	[hbm4b:s7+s5] =	stream.linear.scatter @!p2 [tilespmem:s6], [sflag:$0x7], $0x80, $0x38;
	[tilespmem:$0x1E678] =	vst v63  }
0x3e9: {  	s0 =	sadd.s32 $0xFFFFFFFF, s0;
	s6 =	smov.u32 s2;
	v0 =	vld.msk [tilespmem:s3+$0x0], $0x1  }
0x3ea: {  	p1 =	sne.s32 s0, $0x0;
	_ =	sdelay $0x3  }
0x3eb: {  	(v2sf) =	vpush v0, $0x0;
	_ =	sdelay $0xe  }
0x3ec: {  	s2 =	sadd.s32 $0x100, s2;
	s8 =	simm.s32 $0x0;
	s5 =	spop (v2sf)  }
.Ltmp56:
0x3ed: {  	s3 =	sadd.s32 $0x1, s3;
	p2 =	sgt.u32 s5, $0x4E170;
	(pc) =	sbr.rel @p1 .LBB3_57-.Ltmp56, $4  }
0x3ee: {  	s8 =	simm.s32 @!p2 $0x400;
	s7 =	sand.u32 @!p2 $0x7FFF8, s5;
	s9 =	sadd.s32 @!p2 $0x80, s5  }
0x3ef: {  	s5 =	sand.u32 @!p2 $0x7, s5;
	s7 =	sadd.s32 @!p2 s1, s7;
	s9 =	sand.u32 @!p2 $0xFFFF8, s9  }
0x3f0: {  	[hbm4b:s7+s5] =	stream.linear.scatter @!p2 [tilespmem:s6], [sflag:$0x7], $0x80, $0x38;
	[tilespmem:$0x1E678] =	vst v63  }
0x3f1: {  	s4 =	sadd.s32 s4, s8;
	s6 =	sadd.s32 @!p2 $0x80, s6;
	s7 =	sadd.s32 @!p2 s1, s9  }
.LBB3_58:
0x3f2: {  	[hbm4b:s7+s5] =	stream.linear.scatter @!p2 [tilespmem:s6], [sflag:$0x7], $0x80, $0x38;
	[tilespmem:$0x1E678] =	vst v63  }
0x3f3: {  	s4 =	sshrl.u32 s4, $0x2  }
.LBB3_59:
0x3f4: {  	s0 =	simm.s32 $0x7  }
0x3f5: {  	_ =	swait.ge [sflag:s0], s4  }
0x3f6: {  	s1 =	ssub.s32 $0x0, s4;
	[sflag:s0] =	ssyncset.done $0x0  }
0x3f7: {  	[sflag:s0] =	ssyncadd.s32 s1  }
0x3f8: {  	[sflag:s0] =	ssyncpa.u1 $0x1  }
.LBB3_60:
0x3f9: {  	_ =	sfence;
	s0 =	simm.s32 $0x1  }
0x3fa: {  	[sflag:s0] =	ssyncpa.u1 $0x1  }
0x3fb: {  	_ =	strace $0x90000053  }
0x3fc: {  	[bflag:$0x2] =	sbarrier.arrive $0xFFFF  }
0x3fd: {  	s0 =	rddreg [dreg:$0x3]  }
0x3fe: {  	s0 =	sadd.s32 @!p0 $0x100000, s0  }
0x3ff: {  	[sflag:s0] =	ssyncadd.tile.s32 @!p0 $0x1;
	_ =	shalt  }
.Lfunc_end3:
_tile_overlayer_lowered:
.L_overlay_start_3:
0x400: {  	(tag) =	ssettag $0x3  }
0x401: {  	s0 =	rddreg [dreg:$0x0];
	s2 =	stileid.u32  }
0x402: {  	s1 =	rddreg [dreg:$0x1];
	p0 =	sne.s32 s2, $0x0  }
0x403: {  	s3 =	rddreg [dreg:$0x2];
	[bflag:$0x3] =	sbarrier.arrive $0xFFFF;
	s2 =	simm.s32 @!p0 $0x1C01  }
0x404: {  	[timem:s3], [sflag:s2] =	dma.local @!p0 [hbm:s0], s1  }
0x405: {  	s0 =	simm.s32 @!p0 $0x1  }
0x406: {  	_ =	swait.ge @!p0 [sflag:s0], s1  }
0x407: {  	s1 =	ssub.s32 @!p0 $0x0, s1;
	[sflag:s0] =	ssyncset.done @!p0 $0x0  }
0x408: {  	[sflag:s0] =	ssyncadd.s32 @!p0 s1  }
0x409: {  	[bflag:$0x3] =	sbarrier.arrive $0xFFFF  }
0x40a: {  	_ =	shalt  }

</sc_bundles>
